<compile_context>
chip_gen: v7x
topology: tpu7x:2x2x1
jax: 0.10.2.dev20260603
libtpu: 0.0.44.dev20260713+nightly
codegen_flags: <defaults>
</compile_context>

<pallas_src>
import functools

import numpy as np
import jax
import jax.numpy as jnp
from jax import lax
from jax.experimental import pallas as pl
from jax.experimental.pallas import tpu as pltpu
from jax.experimental.pallas import tpu_sc as plsc

PATCH = 256
GH = GW = 256
GN = GH * GW
NC = 2
NS = 16
NW = NC * NS
L = 16

ROWS = 1024
RROWS = GH // NS
RCELL = RROWS * GW
CH = 4096
HBASE = 8


def _gauss_weights():
    ax = np.arange(3, dtype=np.float32)
    g = np.exp(-((ax - 1.0) / 0.5) ** 2 / 2.0) / (0.5 * np.sqrt(2.0 * np.pi))
    k = np.outer(g, g)
    return (k / k.sum()).astype(np.float32)


def _mlp_body(h_ref, c_ref, w1_ref, b1_ref, w2a_ref, b2a_ref, w2b_ref,
              b2b_ref, w3_ref, b3_ref, h1_ref, pt_ref, lin_ref):
    h = h_ref[...].astype(jnp.bfloat16)
    h1 = lax.dot_general(h, w1_ref[...], (((1,), (1,)), ((), ())),
                         preferred_element_type=jnp.float32)
    h1 = jnp.maximum(h1 + b1_ref[...], 0.0)
    h1b = h1.astype(jnp.bfloat16)
    za = lax.dot_general(h1b, w2a_ref[...], (((1,), (1,)), ((), ())),
                         preferred_element_type=jnp.float32) + b2a_ref[...]
    zb = lax.dot_general(h1b, w2b_ref[...], (((1,), (1,)), ((), ())),
                         preferred_element_type=jnp.float32) + b2b_ref[...]
    feat = (jax.nn.sigmoid(za) * jnp.tanh(zb)).astype(jnp.bfloat16)
    pt = lax.dot_general(w3_ref[...], feat, (((1,), (1,)), ((), ())),
                         preferred_element_type=jnp.float32) + b3_ref[...]
    c = c_ref[...]
    lin = (lax.shift_right_logical(c[:, 1], 8) * GW
           + lax.shift_right_logical(c[:, 0], 8))
    h1_ref[...] = h1b
    pt_ref[...] = pt
    lin_ref[...] = lin.reshape(1, 1, ROWS)


def _run_mlp(h, coords, W1, b1, W2a, b2a, W2b, b2b, W3, b3):
    n, d_in = h.shape
    d1 = W1.shape[0]
    d2 = W2a.shape[0]
    grid = n // ROWS
    w3p = jnp.zeros((8, d2), jnp.bfloat16).at[:2].set(W3.astype(jnp.bfloat16))
    b3p = jnp.zeros((8, 1), jnp.float32).at[:2, 0].set(b3)
    W1 = W1.astype(jnp.bfloat16)
    W2a = W2a.astype(jnp.bfloat16)
    W2b = W2b.astype(jnp.bfloat16)
    return pl.pallas_call(
        _mlp_body,
        grid=(grid,),
        in_specs=[
            pl.BlockSpec((ROWS, d_in), lambda i: (i, 0)),
            pl.BlockSpec((ROWS, 2), lambda i: (i, 0)),
            pl.BlockSpec((d1, d_in), lambda i: (0, 0)),
            pl.BlockSpec((1, d1), lambda i: (0, 0)),
            pl.BlockSpec((d2, d1), lambda i: (0, 0)),
            pl.BlockSpec((1, d2), lambda i: (0, 0)),
            pl.BlockSpec((d2, d1), lambda i: (0, 0)),
            pl.BlockSpec((1, d2), lambda i: (0, 0)),
            pl.BlockSpec((8, d2), lambda i: (0, 0)),
            pl.BlockSpec((8, 1), lambda i: (0, 0)),
        ],
        out_specs=[
            pl.BlockSpec((ROWS, d1), lambda i: (i, 0)),
            pl.BlockSpec((8, ROWS), lambda i: (0, i)),
            pl.BlockSpec((1, 1, ROWS), lambda i: (i, 0, 0)),
        ],
        out_shape=[
            jax.ShapeDtypeStruct((n, d1), jnp.bfloat16),
            jax.ShapeDtypeStruct((8, n), jnp.float32),
            jax.ShapeDtypeStruct((grid, 1, n // grid), jnp.int32),
        ],
    )(h, coords, W1, b1.reshape(1, d1), W2a, b2a.reshape(1, d2),
      W2b, b2b.reshape(1, d2), w3p, b3p)


def _scgrid_body(lin_hbm, pt_hbm, eps_hbm, pm_hbm, pv_hbm,
                 kl_hbm, pa_hbm, ag_hbm,
                 lin_b, mu_b, lv_b,
                 mu_loc, lv_loc, hal, eps_loc, kl_b, a_loc, a_full,
                 pa_v, ling, pm_b, pv_b, mu_sh):
    n = pa_hbm.shape[0]
    c = lax.axis_index("c")
    s = lax.axis_index("s")
    w = s * NC + c
    sbase = s * RCELL
    gw = _gauss_weights()

    zeros = jnp.zeros((L,), jnp.float32)

    @pl.loop(0, RCELL, step=L)
    def _zero(o):
        mu_loc[pl.ds(o, L)] = zeros
        lv_loc[pl.ds(o, L)] = zeros

    @pl.loop(0, n, step=CH)
    def _chunk(p0):
        pltpu.sync_copy(lin_hbm.at[pl.ds(p0, CH)], lin_b)
        pltpu.sync_copy(pt_hbm.at[0, pl.ds(p0, CH)], mu_b)
        pltpu.sync_copy(pt_hbm.at[1, pl.ds(p0, CH)], lv_b)

        @pl.loop(0, CH, step=L, unroll=4)
        def _scan(i):
            off = lin_b[pl.ds(i, L)] - sbase
            m = (off >= 0) & (off < RCELL)
            off_c = jnp.where(m, off, 0)
            plsc.store_scatter(mu_loc, [off_c], mu_b[pl.ds(i, L)], mask=m)
            plsc.store_scatter(lv_loc, [off_c], lv_b[pl.ds(i, L)], mask=m)

    pltpu.sync_copy(pm_hbm, pm_b)
    pltpu.sync_copy(pv_hbm, pv_b)
    mu_pr = pm_b[...]
    lv_pr = pv_b[...]
    kloc0 = c * (RCELL // NC)

    @pl.loop(0, RCELL // NC, step=L)
    def _kl(i):
        mu = mu_loc[pl.ds(kloc0 + i, L)]
        lv = lv_loc[pl.ds(kloc0 + i, L)]
        d = mu_pr - mu
        kl_b[pl.ds(i, L)] = ((lv_pr - lv) * 0.5
                             + (lv * lv + d * d) / (2.0 * lv_pr * lv_pr)
                             - 0.5)

    pltpu.sync_copy(kl_b, kl_hbm.at[pl.ds(w * (RCELL // NC), RCELL // NC)])

    pltpu.sync_copy(mu_loc, mu_sh.at[pl.ds(sbase, RCELL)])
    plsc.subcore_barrier()

    @pl.loop(0, 272, step=L)
    def _ztop(o):
        hal[pl.ds(o, L)] = zeros

    @pl.loop(HBASE + 17 * GW, HBASE + 17 * GW + 264, step=L)
    def _zbot(o):
        hal[pl.ds(o, L)] = zeros

    @pl.when(s == 0)
    def _htop():
        pltpu.sync_copy(mu_sh.at[pl.ds(0, 17 * GW)],
                        hal.at[pl.ds(HBASE + GW, 17 * GW)])

    @pl.when(s == NS - 1)
    def _hbot():
        pltpu.sync_copy(mu_sh.at[pl.ds((NS * RROWS - RROWS - 1) * GW, 17 * GW)],
                        hal.at[pl.ds(HBASE, 17 * GW)])

    @pl.when((s > 0) & (s < NS - 1))
    def _hmid():
        pltpu.sync_copy(mu_sh.at[pl.ds((s * RROWS - 1) * GW, 18 * GW)],
                        hal.at[pl.ds(HBASE, 18 * GW)])

    pltpu.sync_copy(eps_hbm.at[pl.ds(sbase, RCELL)], eps_loc)
    lane = lax.iota(jnp.int32, L)

    @pl.loop(0, RROWS)
    def _row(r):
        hrow = HBASE + (r + 1) * GW
        for xc in range(GW // L):
            x0 = xc * L
            t = [[hal[pl.ds(hrow + dy * GW + x0 + dx, L)]
                  for dx in (-1, 0, 1)] for dy in (-1, 0, 1)]
            acc = zeros
            for dy in range(3):
                for dx in range(3):
                    acc = acc + gw[dy, dx] * t[dy][dx]
            if xc == 0:
                left = (gw[0, 0] * t[0][0] + gw[1, 0] * t[1][0]
                        + gw[2, 0] * t[2][0])
                acc = jnp.where(lane == 0, acc - left, acc)
            if xc == GW // L - 1:
                right = (gw[0, 2] * t[0][2] + gw[1, 2] * t[1][2]
                         + gw[2, 2] * t[2][2])
                acc = jnp.where(lane == L - 1, acc - right, acc)
            o = r * GW + x0
            std = jnp.exp(0.5 * lv_loc[pl.ds(o, L)])
            z = acc + eps_loc[pl.ds(o, L)] * std
            a_loc[pl.ds(o, L)] = 1.0 / (1.0 + jnp.exp(-z))

    pltpu.sync_copy(a_loc, ag_hbm.at[c, pl.ds(sbase, RCELL)])
    plsc.subcore_barrier()
    pltpu.sync_copy(ag_hbm.at[c], a_full)

    chunk = n // NW
    pbase = w * chunk
    pltpu.sync_copy(lin_hbm.at[pl.ds(pbase, chunk)], ling)

    @pl.loop(0, chunk, step=L)
    def _gather(i):
        pa_v[pl.ds(i, L)] = plsc.load_gather(a_full, [ling[pl.ds(i, L)]])

    pltpu.sync_copy(pa_v, pa_hbm.at[pl.ds(pbase, chunk)])


def _run_scgrid(lin, pt, eps_flat, mu_pr, lv_pr):
    n = lin.shape[0]
    chunk = n // NW
    mesh = plsc.VectorSubcoreMesh(core_axis_name="c", subcore_axis_name="s",
                                  num_cores=NC, num_subcores=NS)
    kl, pa, _ = pl.kernel(
        _scgrid_body,
        out_type=[jax.ShapeDtypeStruct((GN,), jnp.float32),
                  jax.ShapeDtypeStruct((n,), jnp.float32),
                  jax.ShapeDtypeStruct((NC, GN), jnp.float32)],
        mesh=mesh,
        scratch_types=[
            pltpu.VMEM((CH,), jnp.int32),
            pltpu.VMEM((CH,), jnp.float32),
            pltpu.VMEM((CH,), jnp.float32),
            pltpu.VMEM((RCELL,), jnp.float32),
            pltpu.VMEM((RCELL,), jnp.float32),
            pltpu.VMEM((HBASE + 18 * GW + 8,), jnp.float32),
            pltpu.VMEM((RCELL,), jnp.float32),
            pltpu.VMEM((RCELL // NC,), jnp.float32),
            pltpu.VMEM((RCELL,), jnp.float32),
            pltpu.VMEM((GN,), jnp.float32),
            pltpu.VMEM((chunk,), jnp.float32),
            pltpu.VMEM((chunk,), jnp.int32),
            pltpu.VMEM((L,), jnp.float32),
            pltpu.VMEM((L,), jnp.float32),
            pltpu.VMEM_SHARED((GN,), jnp.float32),
        ],
        compiler_params=pltpu.CompilerParams(needs_layout_passes=False),
    )(lin, pt, eps_flat, mu_pr, lv_pr)
    return kl, pa


def _head_body(pa_ref, h1_ref, wc_ref, bc_ref, logit_ref, prob_ref, yhat_ref,
               acc_ref, ssum_ref):
    i = pl.program_id(0)
    nsteps = pl.num_programs(0)

    @pl.when(i == 0)
    def _init():
        acc_ref[...] = jnp.zeros_like(acc_ref)
        ssum_ref[0, 0] = 0.0

    a = pa_ref[...]
    hb = h1_ref[...]
    acc_ref[...] += lax.dot_general(a.astype(jnp.bfloat16), hb,
                                    (((0,), (0,)), ((), ())),
                                    preferred_element_type=jnp.float32)
    ssum_ref[0, 0] += jnp.sum(a)

    @pl.when(i == nsteps - 1)
    def _final():
        m = acc_ref[...] / ssum_ref[0, 0]
        logits = lax.dot_general(m, wc_ref[...], (((1,), (1,)), ((), ())),
                                 preferred_element_type=jnp.float32) + bc_ref[...]
        mx = jnp.max(logits, axis=1, keepdims=True)
        e = jnp.exp(logits - mx)
        probs = e / jnp.sum(e, axis=1, keepdims=True)
        logit_ref[...] = logits
        prob_ref[...] = probs
        yhat_ref[...] = jnp.where(logits[0:1, 1:2] > logits[0:1, 0:1], 1, 0
                                  ).astype(jnp.int32)


def _run_head(pa, h1, Wc, bc):
    n, d1 = h1.shape
    grid = n // ROWS
    pa2 = pa.reshape(n, 1)
    return pl.pallas_call(
        _head_body,
        grid=(grid,),
        in_specs=[
            pl.BlockSpec((ROWS, 1), lambda i: (i, 0)),
            pl.BlockSpec((ROWS, d1), lambda i: (i, 0)),
            pl.BlockSpec((2, d1), lambda i: (0, 0)),
            pl.BlockSpec((1, 2), lambda i: (0, 0)),
        ],
        out_specs=[
            pl.BlockSpec((1, 2), lambda i: (0, 0)),
            pl.BlockSpec((1, 2), lambda i: (0, 0)),
            pl.BlockSpec((1, 1), lambda i: (0, 0)),
        ],
        out_shape=[
            jax.ShapeDtypeStruct((1, 2), jnp.float32),
            jax.ShapeDtypeStruct((1, 2), jnp.float32),
            jax.ShapeDtypeStruct((1, 1), jnp.int32),
        ],
        scratch_shapes=[
            pltpu.VMEM((1, d1), jnp.float32),
            pltpu.SMEM((1, 1), jnp.float32),
        ],
    )(pa2, h1, Wc, bc.reshape(1, 2))


def kernel(h, coords, height, width, slide_label, W1, b1, W2a, b2a, W2b, b2b,
           W3, b3, Wc, bc, eps):
    n = h.shape[0]
    h1, pt, lin3 = _run_mlp(h, coords, W1, b1, W2a, b2a, W2b, b2b, W3, b3)
    lin = lin3.reshape(n)
    lbl = slide_label[0]
    mu_pr = jnp.full((L,), jnp.where(lbl == 0, -5.0, 0.0), jnp.float32)
    lv_pr = jnp.full((L,), jnp.where(lbl == 0, -1.0, 3.0), jnp.float32)
    kl, pa = _run_scgrid(lin, pt, eps.reshape(GN), mu_pr, lv_pr)
    top_instance, y_prob, y_hat = _run_head(pa, h1, Wc, bc)
    return (top_instance, y_prob, y_hat, kl.reshape(1, GH, GW), y_prob,
            pa.reshape(1, n))

# --- scband reference (transcript-rebuilt; emitter-appended) ---
"""Pipeline reference for scband-probabilistic-mil-bayes-spvis-simplify-47012712022229 (READ-ONLY COPY).

The authoritative reference and input builder live on the scoring server;
editing this copy changes nothing except your own understanding.
"""

import jax, jax.numpy as jnp
import numpy as np

PATCH_SIZE = 256

def _gauss_kernel():
    ax = np.arange(3, dtype=np.float32)
    g = np.exp(-((ax - 1.0) / 0.5) ** 2 / 2.0) / (0.5 * np.sqrt(2.0 * np.pi))
    k = np.outer(g, g)
    k = k / k.sum()
    return jnp.asarray(k, dtype=jnp.float32).reshape(1, 1, 3, 3)

def setup_inputs(seed: int = 0):
    key = jax.random.key(seed)
    ks = jax.random.split(key, 12)
    N = 16384
    height = 65536
    width = 65536
    gh = height // PATCH_SIZE
    gw = width // PATCH_SIZE
    h = jax.random.normal(ks[0], (N, 1024), dtype=jnp.float32)
    coords = jax.random.randint(ks[1], (N, 2), 0, 65536, dtype=jnp.int32)
    slide_label = jax.random.randint(ks[2], (1,), 0, 2, dtype=jnp.int32)
    W1 = jax.random.normal(ks[3], (512, 1024), dtype=jnp.float32) * 0.02
    b1 = jnp.zeros((512,), dtype=jnp.float32)
    W2a = jax.random.normal(ks[4], (256, 512), dtype=jnp.float32) * 0.02
    b2a = jnp.zeros((256,), dtype=jnp.float32)
    W2b = jax.random.normal(ks[5], (256, 512), dtype=jnp.float32) * 0.02
    b2b = jnp.zeros((256,), dtype=jnp.float32)
    W3 = jax.random.normal(ks[6], (2, 256), dtype=jnp.float32) * 0.02
    b3 = jnp.zeros((2,), dtype=jnp.float32)
    Wc = jax.random.normal(ks[7], (2, 512), dtype=jnp.float32) * 0.02
    bc = jnp.zeros((2,), dtype=jnp.float32)
    eps = jax.random.normal(ks[8], (1, gh, gw), dtype=jnp.float32)
    return {'h': h, 'coords': coords, 'height': height, 'width': width, 'slide_label': slide_label, 'W1': W1, 'b1': b1, 'W2a': W2a, 'b2a': b2a, 'W2b': W2b, 'b2b': b2b, 'W3': W3, 'b3': b3, 'Wc': Wc, 'bc': bc, 'eps': eps}

def reference(h, coords, height, width, slide_label, W1, b1, W2a, b2a, W2b, b2b, W3, b3, Wc, bc, eps):
    prior_mu = jnp.array([-5.0, 0.0], dtype=jnp.float32)
    prior_logvar = jnp.array([-1.0, 3.0], dtype=jnp.float32)
    h1 = jax.nn.relu(h @ W1.T + b1)
    feat_a = jax.nn.sigmoid(h1 @ W2a.T + b2a)
    feat_b = jnp.tanh(h1 @ W2b.T + b2b)
    feat = feat_a * feat_b
    params = feat @ W3.T + b3
    gh = eps.shape[1]
    gw = eps.shape[2]
    x = (coords[:, 0] % width) // PATCH_SIZE
    y = (coords[:, 1] % height) // PATCH_SIZE
    mu = jnp.zeros((1, gh, gw), dtype=jnp.float32).at[0, y, x].set(params[:, 0])
    logvar = jnp.zeros((1, gh, gw), dtype=jnp.float32).at[0, y, x].set(params[:, 1])
    lbl = slide_label[0]
    mu_pr = prior_mu[lbl]
    logvar_pr = prior_logvar[lbl]
    kl_div = (logvar_pr - logvar) / 2.0 + (logvar ** 2 + (mu_pr - mu) ** 2) / (2.0 * logvar_pr ** 2) - 0.5
    mu_p = jnp.pad(mu, ((0, 0), (1, 1), (1, 1)))[None]
    mu_s = jax.lax.conv_general_dilated(mu_p, _gauss_kernel(), (1, 1), 'VALID')
    std = jnp.exp(0.5 * logvar)
    gaus = mu_s + eps * std
    gaus = gaus[0]
    A = jax.nn.sigmoid(gaus)
    patch_A = A[0, y, x][None, :]
    M = (patch_A @ h1) / patch_A.sum()
    logits = M @ Wc.T + bc
    y_probs = jax.nn.softmax(logits, axis=1)
    _, idx = jax.lax.top_k(y_probs[:, 1], 1)
    top_instance = jnp.take(logits, idx, axis=0)
    Y_hat = jnp.argmax(top_instance, axis=1)[:, None]
    Y_prob = jax.nn.softmax(top_instance, axis=1)
    return (top_instance, Y_prob, Y_hat, kl_div, y_probs, patch_A.reshape(1, -1))

if __name__ == "__main__":
    import jax
    _d = setup_inputs()
    print(jax.jit(kernel)(*tuple(_d.values())))

</pallas_src>

<mosaic_0001>
#map = affine_map<(d0, d1) -> (0)>
#map1 = affine_map<(d0, d1) -> (0, 0)>
module attributes {stable_mosaic.version = 14 : i64} {
  func.func @_scgrid_body(%arg0: i32, %arg1: i32, %arg2: memref<16384xi32, #tpu.memory_space<hbm>>, %arg3: memref<8x16384xf32, #tpu.memory_space<hbm>>, %arg4: memref<65536xf32, #tpu.memory_space<hbm>>, %arg5: memref<16xf32, #tpu.memory_space<hbm>>, %arg6: memref<16xf32, #tpu.memory_space<hbm>>, %arg7: memref<65536xf32, #tpu.memory_space<hbm>>, %arg8: memref<16384xf32, #tpu.memory_space<hbm>>, %arg9: memref<2x65536xf32, #tpu.memory_space<hbm>>, %arg10: memref<4096xi32, #tpu.memory_space<vmem>>, %arg11: memref<4096xf32, #tpu.memory_space<vmem>>, %arg12: memref<4096xf32, #tpu.memory_space<vmem>>, %arg13: memref<4096xf32, #tpu.memory_space<vmem>>, %arg14: memref<4096xf32, #tpu.memory_space<vmem>>, %arg15: memref<4624xf32, #tpu.memory_space<vmem>>, %arg16: memref<4096xf32, #tpu.memory_space<vmem>>, %arg17: memref<2048xf32, #tpu.memory_space<vmem>>, %arg18: memref<4096xf32, #tpu.memory_space<vmem>>, %arg19: memref<65536xf32, #tpu.memory_space<vmem>>, %arg20: memref<512xf32, #tpu.memory_space<vmem>>, %arg21: memref<512xi32, #tpu.memory_space<vmem>>, %arg22: memref<16xf32, #tpu.memory_space<vmem>>, %arg23: memref<16xf32, #tpu.memory_space<vmem>>, %arg24: memref<65536xf32, #tpu.memory_space<vmem_shared>>) attributes {dimension_semantics = [#tpu.dimension_semantics<core_parallel>, #tpu.dimension_semantics<subcore_parallel>], iteration_bounds = array<i64: 2, 16>, scalar_prefetch = 0 : i64, scratch_operands = 15 : i64, tpu.core_type = #tpu.core_type<sc_vector_subcore>, window_params = [{transform_indices = #map}, {transform_indices = #map1}, {transform_indices = #map}, {transform_indices = #map}, {transform_indices = #map}, {transform_indices = #map}, {transform_indices = #map}, {transform_indices = #map1}]} {
    %mul3A = arith.constant 2 : i32
    %mul3A_0 = arith.muli %arg1, %mul3A : i32
    %add3A = arith.addi %mul3A_0, %arg0 : i32
    %mul3A_1 = arith.constant 4096 : i32
    %mul3A_2 = arith.muli %arg1, %mul3A_1 : i32
    %broadcast_in_dim3A = arith.constant 0.000000e+00 : f32
    %broadcast_in_dim3A_3 = vector.broadcast %broadcast_in_dim3A : f32 to vector<16xf32>
    %scan3A = arith.constant 0 : i32
    %scan3A_4 = arith.constant 256 : i32
    %scan3A_5 = arith.addi %scan3A, %scan3A_4 : i32
    %scan3A_6 = arith.constant 1 : i32
    scf.for %scan3A_60 = %scan3A to %scan3A_5 step %scan3A_6  : i32 {
      %mul3A_61 = arith.constant 16 : i32
      %mul3A_62 = arith.muli %scan3A_60, %mul3A_61 : i32
      %add3A_63 = arith.constant 0 : i32
      %add3A_64 = arith.addi %add3A_63, %mul3A_62 : i32
      %swap3A = arith.index_cast %add3A_64 : i32 to index
      %swap3A_65 = tpu.vector_load %arg13[%swap3A] {strides = array<i32>} : memref<4096xf32, #tpu.memory_space<vmem>>, vector<16xf32>,
      tpu.vector_store %arg13[%swap3A], %broadcast_in_dim3A_3 {strides = array<i32>} : memref<4096xf32, #tpu.memory_space<vmem>>, vector<16xf32>,
      %swap3A_66 = arith.index_cast %add3A_64 : i32 to index
      %swap3A_67 = tpu.vector_load %arg14[%swap3A_66] {strides = array<i32>} : memref<4096xf32, #tpu.memory_space<vmem>>, vector<16xf32>,
      tpu.vector_store %arg14[%swap3A_66], %broadcast_in_dim3A_3 {strides = array<i32>} : memref<4096xf32, #tpu.memory_space<vmem>>, vector<16xf32>,
    }
    %scan3A_7 = arith.constant 256 : i32
    %scan3A_8 = arith.constant 0 : i32
    %scan3A_9 = arith.constant 4 : i32
    %scan3A_10 = arith.addi %scan3A_8, %scan3A_9 : i32
    %scan3A_11 = arith.constant 1 : i32
    scf.for %scan3A_60 = %scan3A_8 to %scan3A_10 step %scan3A_11  : i32 {
      %mul3A_61 = arith.constant 4096 : i32
      %mul3A_62 = arith.muli %scan3A_60, %mul3A_61 : i32
      %add3A_63 = arith.constant 0 : i32
      %add3A_64 = arith.addi %add3A_63, %mul3A_62 : i32
      "tpu.region"() ({
        %run_scoped3A_71 = tpu.sem_alloc : memref<!tpu.dma_semaphore, #tpu.memory_space<semaphore_mem>>
        %dma_start3A = tpu.memref_slice %arg2[%add3A_64] : memref<16384xi32, #tpu.memory_space<hbm>> -> memref<4096xi32, #tpu.memory_space<hbm>>
        %dma_start3A_72 = tpu.memref_slice %arg2[%add3A_64] : memref<16384xi32, #tpu.memory_space<hbm>> -> memref<4096xi32, #tpu.memory_space<hbm>>
        tpu.enqueue_dma source(%dma_start3A_72 : memref<4096xi32, #tpu.memory_space<hbm>>) target(%arg10 : memref<4096xi32, #tpu.memory_space<vmem>>) target_semaphore(%run_scoped3A_71 : memref<!tpu.dma_semaphore, #tpu.memory_space<semaphore_mem>>)
        %dma_wait3A = tpu.memref_slice %arg2[%add3A_64] : memref<16384xi32, #tpu.memory_space<hbm>> -> memref<4096xi32, #tpu.memory_space<hbm>>
        %dma_wait3A_73 = tpu.memref_slice %arg2[%add3A_64] : memref<16384xi32, #tpu.memory_space<hbm>> -> memref<4096xi32, #tpu.memory_space<hbm>>
        tpu.wait_dma2 semaphore(%run_scoped3A_71 : memref<!tpu.dma_semaphore, #tpu.memory_space<semaphore_mem>>) src(%dma_wait3A_73 : memref<4096xi32, #tpu.memory_space<hbm>>) dst(%arg10 : memref<4096xi32, #tpu.memory_space<vmem>>)
        tpu.yield
      }) : () -> ()
      %run_scoped3A = arith.constant 0 : i32
      "tpu.region"() ({
        %run_scoped3A_71 = tpu.sem_alloc : memref<!tpu.dma_semaphore, #tpu.memory_space<semaphore_mem>>
        %dma_start3A = tpu.memref_slice %arg3[%run_scoped3A, %add3A_64] : memref<8x16384xf32, #tpu.memory_space<hbm>> -> memref<1x4096xf32, #tpu.memory_space<hbm>>
        %dma_start3A_72 = tpu.memref_squeeze %dma_start3A : memref<1x4096xf32, #tpu.memory_space<hbm>> -> memref<4096xf32, #tpu.memory_space<hbm>>
        %dma_start3A_73 = tpu.memref_slice %arg3[%run_scoped3A, %add3A_64] : memref<8x16384xf32, #tpu.memory_space<hbm>> -> memref<1x4096xf32, #tpu.memory_space<hbm>>
        %dma_start3A_74 = tpu.memref_squeeze %dma_start3A_73 : memref<1x4096xf32, #tpu.memory_space<hbm>> -> memref<4096xf32, #tpu.memory_space<hbm>>
        tpu.enqueue_dma source(%dma_start3A_74 : memref<4096xf32, #tpu.memory_space<hbm>>) target(%arg11 : memref<4096xf32, #tpu.memory_space<vmem>>) target_semaphore(%run_scoped3A_71 : memref<!tpu.dma_semaphore, #tpu.memory_space<semaphore_mem>>)
        %dma_wait3A = tpu.memref_slice %arg3[%run_scoped3A, %add3A_64] : memref<8x16384xf32, #tpu.memory_space<hbm>> -> memref<1x4096xf32, #tpu.memory_space<hbm>>
        %dma_wait3A_75 = tpu.memref_squeeze %dma_wait3A : memref<1x4096xf32, #tpu.memory_space<hbm>> -> memref<4096xf32, #tpu.memory_space<hbm>>
        %dma_wait3A_76 = tpu.memref_slice %arg3[%run_scoped3A, %add3A_64] : memref<8x16384xf32, #tpu.memory_space<hbm>> -> memref<1x4096xf32, #tpu.memory_space<hbm>>
        %dma_wait3A_77 = tpu.memref_squeeze %dma_wait3A_76 : memref<1x4096xf32, #tpu.memory_space<hbm>> -> memref<4096xf32, #tpu.memory_space<hbm>>
        tpu.wait_dma2 semaphore(%run_scoped3A_71 : memref<!tpu.dma_semaphore, #tpu.memory_space<semaphore_mem>>) src(%dma_wait3A_77 : memref<4096xf32, #tpu.memory_space<hbm>>) dst(%arg11 : memref<4096xf32, #tpu.memory_space<vmem>>)
        tpu.yield
      }) : () -> ()
      %run_scoped3A_65 = arith.constant 1 : i32
      "tpu.region"() ({
        %run_scoped3A_71 = tpu.sem_alloc : memref<!tpu.dma_semaphore, #tpu.memory_space<semaphore_mem>>
        %dma_start3A = tpu.memref_slice %arg3[%run_scoped3A_65, %add3A_64] : memref<8x16384xf32, #tpu.memory_space<hbm>> -> memref<1x4096xf32, #tpu.memory_space<hbm>>
        %dma_start3A_72 = tpu.memref_squeeze %dma_start3A : memref<1x4096xf32, #tpu.memory_space<hbm>> -> memref<4096xf32, #tpu.memory_space<hbm>>
        %dma_start3A_73 = tpu.memref_slice %arg3[%run_scoped3A_65, %add3A_64] : memref<8x16384xf32, #tpu.memory_space<hbm>> -> memref<1x4096xf32, #tpu.memory_space<hbm>>
        %dma_start3A_74 = tpu.memref_squeeze %dma_start3A_73 : memref<1x4096xf32, #tpu.memory_space<hbm>> -> memref<4096xf32, #tpu.memory_space<hbm>>
        tpu.enqueue_dma source(%dma_start3A_74 : memref<4096xf32, #tpu.memory_space<hbm>>) target(%arg12 : memref<4096xf32, #tpu.memory_space<vmem>>) target_semaphore(%run_scoped3A_71 : memref<!tpu.dma_semaphore, #tpu.memory_space<semaphore_mem>>)
        %dma_wait3A = tpu.memref_slice %arg3[%run_scoped3A_65, %add3A_64] : memref<8x16384xf32, #tpu.memory_space<hbm>> -> memref<1x4096xf32, #tpu.memory_space<hbm>>
        %dma_wait3A_75 = tpu.memref_squeeze %dma_wait3A : memref<1x4096xf32, #tpu.memory_space<hbm>> -> memref<4096xf32, #tpu.memory_space<hbm>>
        %dma_wait3A_76 = tpu.memref_slice %arg3[%run_scoped3A_65, %add3A_64] : memref<8x16384xf32, #tpu.memory_space<hbm>> -> memref<1x4096xf32, #tpu.memory_space<hbm>>
        %dma_wait3A_77 = tpu.memref_squeeze %dma_wait3A_76 : memref<1x4096xf32, #tpu.memory_space<hbm>> -> memref<4096xf32, #tpu.memory_space<hbm>>
        tpu.wait_dma2 semaphore(%run_scoped3A_71 : memref<!tpu.dma_semaphore, #tpu.memory_space<semaphore_mem>>) src(%dma_wait3A_77 : memref<4096xf32, #tpu.memory_space<hbm>>) dst(%arg12 : memref<4096xf32, #tpu.memory_space<vmem>>)
        tpu.yield
      }) : () -> ()
      %scan3A_66 = arith.constant 0 : i32
      %scan3A_67 = arith.constant 256 : i32
      %scan3A_68 = arith.addi %scan3A_66, %scan3A_67 : i32
      %scan3A_69 = arith.constant 4 : i32
      scf.for %scan3A_71 = %scan3A_66 to %scan3A_68 step %scan3A_69  : i32 {
        %mul3A_72 = arith.constant 16 : i32
        %mul3A_73 = arith.muli %scan3A_71, %mul3A_72 : i32
        %add3A_74 = arith.constant 0 : i32
        %add3A_75 = arith.addi %add3A_74, %mul3A_73 : i32
        %get3A_76 = arith.index_cast %add3A_75 : i32 to index
        %get3A_77 = tpu.vector_load %arg10[%get3A_76] {strides = array<i32>} : memref<4096xi32, #tpu.memory_space<vmem>>, vector<16xi32>,
        %sub3A = vector.broadcast %mul3A_2 : i32 to vector<16xi32>
        %sub3A_78 = arith.subi %get3A_77, %sub3A : vector<16xi32>
        %ge3A = arith.constant 0 : i32
        %ge3A_79 = vector.broadcast %ge3A : i32 to vector<16xi32>
        %ge3A_80 = arith.cmpi sge, %sub3A_78, %ge3A_79 : vector<16xi32>
        %lt3A_81 = arith.constant 4096 : i32
        %lt3A_82 = vector.broadcast %lt3A_81 : i32 to vector<16xi32>
        %lt3A_83 = arith.cmpi slt, %sub3A_78, %lt3A_82 : vector<16xi32>
        %and3A_84 = arith.andi %ge3A_80, %lt3A_83 : vector<16xi1>
        %jit3A = arith.constant 0 : i32
        %broadcast_in_dim3A_85 = vector.broadcast %jit3A : i32 to vector<16xi32>
        %select_n3A = arith.select %and3A_84, %sub3A_78, %broadcast_in_dim3A_85 : vector<16xi1>, vector<16xi32>
        %get3A_86 = arith.index_cast %add3A_75 : i32 to index
        %get3A_87 = tpu.vector_load %arg11[%get3A_86] {strides = array<i32>} : memref<4096xf32, #tpu.memory_space<vmem>>, vector<16xf32>,
        tpu.vector_store_idx %arg13[%select_n3A], %get3A_87 masked %and3A_84 : memref<4096xf32, #tpu.memory_space<vmem>>[vector<16xi32>], vector<16xf32>, vector<16xi1>
        %get3A_88 = arith.index_cast %add3A_75 : i32 to index
        %get3A_89 = tpu.vector_load %arg12[%get3A_88] {strides = array<i32>} : memref<4096xf32, #tpu.memory_space<vmem>>, vector<16xf32>,
        tpu.vector_store_idx %arg14[%select_n3A], %get3A_89 masked %and3A_84 : memref<4096xf32, #tpu.memory_space<vmem>>[vector<16xi32>], vector<16xf32>, vector<16xi1>
        %scan3A_90 = arith.constant 1 : i32
        %scan3A_91 = arith.addi %scan3A_71, %scan3A_90 : i32
        %mul3A_92 = arith.constant 16 : i32
        %mul3A_93 = arith.muli %scan3A_91, %mul3A_92 : i32
        %add3A_94 = arith.constant 0 : i32
        %add3A_95 = arith.addi %add3A_94, %mul3A_93 : i32
        %get3A_96 = arith.index_cast %add3A_95 : i32 to index
        %get3A_97 = tpu.vector_load %arg10[%get3A_96] {strides = array<i32>} : memref<4096xi32, #tpu.memory_space<vmem>>, vector<16xi32>,
        %sub3A_98 = vector.broadcast %mul3A_2 : i32 to vector<16xi32>
        %sub3A_99 = arith.subi %get3A_97, %sub3A_98 : vector<16xi32>
        %ge3A_100 = arith.constant 0 : i32
        %ge3A_101 = vector.broadcast %ge3A_100 : i32 to vector<16xi32>
        %ge3A_102 = arith.cmpi sge, %sub3A_99, %ge3A_101 : vector<16xi32>
        %lt3A_103 = arith.constant 4096 : i32
        %lt3A_104 = vector.broadcast %lt3A_103 : i32 to vector<16xi32>
        %lt3A_105 = arith.cmpi slt, %sub3A_99, %lt3A_104 : vector<16xi32>
        %and3A_106 = arith.andi %ge3A_102, %lt3A_105 : vector<16xi1>
        %jit3A_107 = arith.constant 0 : i32
        %broadcast_in_dim3A_108 = vector.broadcast %jit3A_107 : i32 to vector<16xi32>
        %select_n3A_109 = arith.select %and3A_106, %sub3A_99, %broadcast_in_dim3A_108 : vector<16xi1>, vector<16xi32>
        %get3A_110 = arith.index_cast %add3A_95 : i32 to index
        %get3A_111 = tpu.vector_load %arg11[%get3A_110] {strides = array<i32>} : memref<4096xf32, #tpu.memory_space<vmem>>, vector<16xf32>,
        tpu.vector_store_idx %arg13[%select_n3A_109], %get3A_111 masked %and3A_106 : memref<4096xf32, #tpu.memory_space<vmem>>[vector<16xi32>], vector<16xf32>, vector<16xi1>
        %get3A_112 = arith.index_cast %add3A_95 : i32 to index
        %get3A_113 = tpu.vector_load %arg12[%get3A_112] {strides = array<i32>} : memref<4096xf32, #tpu.memory_space<vmem>>, vector<16xf32>,
        tpu.vector_store_idx %arg14[%select_n3A_109], %get3A_113 masked %and3A_106 : memref<4096xf32, #tpu.memory_space<vmem>>[vector<16xi32>], vector<16xf32>, vector<16xi1>
        %scan3A_114 = arith.constant 2 : i32
        %scan3A_115 = arith.addi %scan3A_71, %scan3A_114 : i32
        %mul3A_116 = arith.constant 16 : i32
        %mul3A_117 = arith.muli %scan3A_115, %mul3A_116 : i32
        %add3A_118 = arith.constant 0 : i32
        %add3A_119 = arith.addi %add3A_118, %mul3A_117 : i32
        %get3A_120 = arith.index_cast %add3A_119 : i32 to index
        %get3A_121 = tpu.vector_load %arg10[%get3A_120] {strides = array<i32>} : memref<4096xi32, #tpu.memory_space<vmem>>, vector<16xi32>,
        %sub3A_122 = vector.broadcast %mul3A_2 : i32 to vector<16xi32>
        %sub3A_123 = arith.subi %get3A_121, %sub3A_122 : vector<16xi32>
        %ge3A_124 = arith.constant 0 : i32
        %ge3A_125 = vector.broadcast %ge3A_124 : i32 to vector<16xi32>
        %ge3A_126 = arith.cmpi sge, %sub3A_123, %ge3A_125 : vector<16xi32>
        %lt3A_127 = arith.constant 4096 : i32
        %lt3A_128 = vector.broadcast %lt3A_127 : i32 to vector<16xi32>
        %lt3A_129 = arith.cmpi slt, %sub3A_123, %lt3A_128 : vector<16xi32>
        %and3A_130 = arith.andi %ge3A_126, %lt3A_129 : vector<16xi1>
        %jit3A_131 = arith.constant 0 : i32
        %broadcast_in_dim3A_132 = vector.broadcast %jit3A_131 : i32 to vector<16xi32>
        %select_n3A_133 = arith.select %and3A_130, %sub3A_123, %broadcast_in_dim3A_132 : vector<16xi1>, vector<16xi32>
        %get3A_134 = arith.index_cast %add3A_119 : i32 to index
        %get3A_135 = tpu.vector_load %arg11[%get3A_134] {strides = array<i32>} : memref<4096xf32, #tpu.memory_space<vmem>>, vector<16xf32>,
        tpu.vector_store_idx %arg13[%select_n3A_133], %get3A_135 masked %and3A_130 : memref<4096xf32, #tpu.memory_space<vmem>>[vector<16xi32>], vector<16xf32>, vector<16xi1>
        %get3A_136 = arith.index_cast %add3A_119 : i32 to index
        %get3A_137 = tpu.vector_load %arg12[%get3A_136] {strides = array<i32>} : memref<4096xf32, #tpu.memory_space<vmem>>, vector<16xf32>,
        tpu.vector_store_idx %arg14[%select_n3A_133], %get3A_137 masked %and3A_130 : memref<4096xf32, #tpu.memory_space<vmem>>[vector<16xi32>], vector<16xf32>, vector<16xi1>
        %scan3A_138 = arith.constant 3 : i32
        %scan3A_139 = arith.addi %scan3A_71, %scan3A_138 : i32
        %mul3A_140 = arith.constant 16 : i32
        %mul3A_141 = arith.muli %scan3A_139, %mul3A_140 : i32
        %add3A_142 = arith.constant 0 : i32
        %add3A_143 = arith.addi %add3A_142, %mul3A_141 : i32
        %get3A_144 = arith.index_cast %add3A_143 : i32 to index
        %get3A_145 = tpu.vector_load %arg10[%get3A_144] {strides = array<i32>} : memref<4096xi32, #tpu.memory_space<vmem>>, vector<16xi32>,
        %sub3A_146 = vector.broadcast %mul3A_2 : i32 to vector<16xi32>
        %sub3A_147 = arith.subi %get3A_145, %sub3A_146 : vector<16xi32>
        %ge3A_148 = arith.constant 0 : i32
        %ge3A_149 = vector.broadcast %ge3A_148 : i32 to vector<16xi32>
        %ge3A_150 = arith.cmpi sge, %sub3A_147, %ge3A_149 : vector<16xi32>
        %lt3A_151 = arith.constant 4096 : i32
        %lt3A_152 = vector.broadcast %lt3A_151 : i32 to vector<16xi32>
        %lt3A_153 = arith.cmpi slt, %sub3A_147, %lt3A_152 : vector<16xi32>
        %and3A_154 = arith.andi %ge3A_150, %lt3A_153 : vector<16xi1>
        %jit3A_155 = arith.constant 0 : i32
        %broadcast_in_dim3A_156 = vector.broadcast %jit3A_155 : i32 to vector<16xi32>
        %select_n3A_157 = arith.select %and3A_154, %sub3A_147, %broadcast_in_dim3A_156 : vector<16xi1>, vector<16xi32>
        %get3A_158 = arith.index_cast %add3A_143 : i32 to index
        %get3A_159 = tpu.vector_load %arg11[%get3A_158] {strides = array<i32>} : memref<4096xf32, #tpu.memory_space<vmem>>, vector<16xf32>,
        tpu.vector_store_idx %arg13[%select_n3A_157], %get3A_159 masked %and3A_154 : memref<4096xf32, #tpu.memory_space<vmem>>[vector<16xi32>], vector<16xf32>, vector<16xi1>
        %get3A_160 = arith.index_cast %add3A_143 : i32 to index
        %get3A_161 = tpu.vector_load %arg12[%get3A_160] {strides = array<i32>} : memref<4096xf32, #tpu.memory_space<vmem>>, vector<16xf32>,
        tpu.vector_store_idx %arg14[%select_n3A_157], %get3A_161 masked %and3A_154 : memref<4096xf32, #tpu.memory_space<vmem>>[vector<16xi32>], vector<16xf32>, vector<16xi1>
      }
      %scan3A_70 = arith.constant 256 : i32
    }
    %scan3A_12 = arith.constant 4 : i32
    "tpu.region"() ({
      %run_scoped3A = tpu.sem_alloc : memref<!tpu.dma_semaphore, #tpu.memory_space<semaphore_mem>>
      tpu.enqueue_dma source(%arg5 : memref<16xf32, #tpu.memory_space<hbm>>) target(%arg22 : memref<16xf32, #tpu.memory_space<vmem>>) target_semaphore(%run_scoped3A : memref<!tpu.dma_semaphore, #tpu.memory_space<semaphore_mem>>)
      tpu.wait_dma2 semaphore(%run_scoped3A : memref<!tpu.dma_semaphore, #tpu.memory_space<semaphore_mem>>) src(%arg5 : memref<16xf32, #tpu.memory_space<hbm>>) dst(%arg22 : memref<16xf32, #tpu.memory_space<vmem>>)
      tpu.yield
    }) : () -> ()
    "tpu.region"() ({
      %run_scoped3A = tpu.sem_alloc : memref<!tpu.dma_semaphore, #tpu.memory_space<semaphore_mem>>
      tpu.enqueue_dma source(%arg6 : memref<16xf32, #tpu.memory_space<hbm>>) target(%arg23 : memref<16xf32, #tpu.memory_space<vmem>>) target_semaphore(%run_scoped3A : memref<!tpu.dma_semaphore, #tpu.memory_space<semaphore_mem>>)
      tpu.wait_dma2 semaphore(%run_scoped3A : memref<!tpu.dma_semaphore, #tpu.memory_space<semaphore_mem>>) src(%arg6 : memref<16xf32, #tpu.memory_space<hbm>>) dst(%arg23 : memref<16xf32, #tpu.memory_space<vmem>>)
      tpu.yield
    }) : () -> ()
    %get3A = arith.constant 0 : index
    %get3A_13 = tpu.vector_load %arg22[%get3A] {strides = array<i32>} : memref<16xf32, #tpu.memory_space<vmem>>, vector<16xf32>,
    %get3A_14 = arith.constant 0 : index
    %get3A_15 = tpu.vector_load %arg23[%get3A_14] {strides = array<i32>} : memref<16xf32, #tpu.memory_space<vmem>>, vector<16xf32>,
    %mul3A_16 = arith.constant 2048 : i32
    %mul3A_17 = arith.muli %arg0, %mul3A_16 : i32
    %scan3A_18 = arith.constant 0 : i32
    %scan3A_19 = arith.constant 128 : i32
    %scan3A_20 = arith.addi %scan3A_18, %scan3A_19 : i32
    %scan3A_21 = arith.constant 1 : i32
    scf.for %scan3A_60 = %scan3A_18 to %scan3A_20 step %scan3A_21  : i32 {
      %mul3A_61 = arith.constant 16 : i32
      %mul3A_62 = arith.muli %scan3A_60, %mul3A_61 : i32
      %add3A_63 = arith.constant 0 : i32
      %add3A_64 = arith.addi %add3A_63, %mul3A_62 : i32
      %add3A_65 = arith.addi %mul3A_17, %add3A_64 : i32
      %get3A_66 = arith.index_cast %add3A_65 : i32 to index
      %get3A_67 = tpu.vector_load %arg13[%get3A_66] {strides = array<i32>} : memref<4096xf32, #tpu.memory_space<vmem>>, vector<16xf32>,
      %add3A_68 = arith.addi %mul3A_17, %add3A_64 : i32
      %get3A_69 = arith.index_cast %add3A_68 : i32 to index
      %get3A_70 = tpu.vector_load %arg14[%get3A_69] {strides = array<i32>} : memref<4096xf32, #tpu.memory_space<vmem>>, vector<16xf32>,
      %sub3A = arith.subf %get3A_13, %get3A_67 : vector<16xf32>
      %sub3A_71 = arith.subf %get3A_15, %get3A_70 : vector<16xf32>
      %mul3A_72 = arith.constant 5.000000e-01 : f32
      %mul3A_73 = vector.broadcast %mul3A_72 : f32 to vector<16xf32>
      %mul3A_74 = arith.mulf %sub3A_71, %mul3A_73 : vector<16xf32>
      %mul3A_75 = arith.mulf %get3A_70, %get3A_70 : vector<16xf32>
      %mul3A_76 = arith.mulf %sub3A, %sub3A : vector<16xf32>
      %add3A_77 = arith.addf %mul3A_75, %mul3A_76 : vector<16xf32>
      %mul3A_78 = arith.constant 2.000000e+00 : f32
      %mul3A_79 = vector.broadcast %mul3A_78 : f32 to vector<16xf32>
      %mul3A_80 = arith.mulf %mul3A_79, %get3A_15 : vector<16xf32>
      %mul3A_81 = arith.mulf %mul3A_80, %get3A_15 : vector<16xf32>
      %div3A = arith.divf %add3A_77, %mul3A_81 : vector<16xf32>
      %add3A_82 = arith.addf %mul3A_74, %div3A : vector<16xf32>
      %sub3A_83 = arith.constant 5.000000e-01 : f32
      %sub3A_84 = vector.broadcast %sub3A_83 : f32 to vector<16xf32>
      %sub3A_85 = arith.subf %add3A_82, %sub3A_84 : vector<16xf32>
      %swap3A = arith.index_cast %add3A_64 : i32 to index
      %swap3A_86 = tpu.vector_load %arg17[%swap3A] {strides = array<i32>} : memref<2048xf32, #tpu.memory_space<vmem>>, vector<16xf32>,
      tpu.vector_store %arg17[%swap3A], %sub3A_85 {strides = array<i32>} : memref<2048xf32, #tpu.memory_space<vmem>>, vector<16xf32>,
    }
    %scan3A_22 = arith.constant 128 : i32
    %mul3A_23 = arith.constant 2048 : i32
    %mul3A_24 = arith.muli %add3A, %mul3A_23 : i32
    "tpu.region"() ({
      %run_scoped3A = tpu.sem_alloc : memref<!tpu.dma_semaphore, #tpu.memory_space<semaphore_mem>>
      %dma_start3A = tpu.memref_slice %arg7[%mul3A_24] : memref<65536xf32, #tpu.memory_space<hbm>> -> memref<2048xf32, #tpu.memory_space<hbm>>
      %dma_start3A_60 = tpu.memref_slice %arg7[%mul3A_24] : memref<65536xf32, #tpu.memory_space<hbm>> -> memref<2048xf32, #tpu.memory_space<hbm>>
      tpu.enqueue_dma source(%arg17 : memref<2048xf32, #tpu.memory_space<vmem>>) target(%dma_start3A_60 : memref<2048xf32, #tpu.memory_space<hbm>>) target_semaphore(%run_scoped3A : memref<!tpu.dma_semaphore, #tpu.memory_space<semaphore_mem>>)
      %dma_wait3A = tpu.memref_slice %arg7[%mul3A_24] : memref<65536xf32, #tpu.memory_space<hbm>> -> memref<2048xf32, #tpu.memory_space<hbm>>
      %dma_wait3A_61 = tpu.memref_slice %arg7[%mul3A_24] : memref<65536xf32, #tpu.memory_space<hbm>> -> memref<2048xf32, #tpu.memory_space<hbm>>
      tpu.wait_dma2 semaphore(%run_scoped3A : memref<!tpu.dma_semaphore, #tpu.memory_space<semaphore_mem>>) src(%arg17 : memref<2048xf32, #tpu.memory_space<vmem>>) dst(%dma_wait3A_61 : memref<2048xf32, #tpu.memory_space<hbm>>)
      tpu.yield
    }) : () -> ()
    "tpu.region"() ({
      %run_scoped3A = tpu.sem_alloc : memref<!tpu.dma_semaphore, #tpu.memory_space<semaphore_mem>>
      %dma_start3A = tpu.memref_slice %arg24[%mul3A_2] : memref<65536xf32, #tpu.memory_space<vmem_shared>> -> memref<4096xf32, #tpu.memory_space<vmem_shared>>
      %dma_start3A_60 = tpu.memref_slice %arg24[%mul3A_2] : memref<65536xf32, #tpu.memory_space<vmem_shared>> -> memref<4096xf32, #tpu.memory_space<vmem_shared>>
      tpu.enqueue_dma source(%arg13 : memref<4096xf32, #tpu.memory_space<vmem>>) target(%dma_start3A_60 : memref<4096xf32, #tpu.memory_space<vmem_shared>>) target_semaphore(%run_scoped3A : memref<!tpu.dma_semaphore, #tpu.memory_space<semaphore_mem>>)
      %dma_wait3A = tpu.memref_slice %arg24[%mul3A_2] : memref<65536xf32, #tpu.memory_space<vmem_shared>> -> memref<4096xf32, #tpu.memory_space<vmem_shared>>
      %dma_wait3A_61 = tpu.memref_slice %arg24[%mul3A_2] : memref<65536xf32, #tpu.memory_space<vmem_shared>> -> memref<4096xf32, #tpu.memory_space<vmem_shared>>
      tpu.wait_dma2 semaphore(%run_scoped3A : memref<!tpu.dma_semaphore, #tpu.memory_space<semaphore_mem>>) src(%arg13 : memref<4096xf32, #tpu.memory_space<vmem>>) dst(%dma_wait3A_61 : memref<4096xf32, #tpu.memory_space<vmem_shared>>)
      tpu.yield
    }) : () -> ()
    %barrier3A = arith.constant 0 : index
    tpu.barrier barrier_id(%barrier3A)
    %scan3A_25 = arith.constant 0 : i32
    %scan3A_26 = arith.constant 17 : i32
    %scan3A_27 = arith.addi %scan3A_25, %scan3A_26 : i32
    %scan3A_28 = arith.constant 1 : i32
    scf.for %scan3A_60 = %scan3A_25 to %scan3A_27 step %scan3A_28  : i32 {
      %mul3A_61 = arith.constant 16 : i32
      %mul3A_62 = arith.muli %scan3A_60, %mul3A_61 : i32
      %add3A_63 = arith.constant 0 : i32
      %add3A_64 = arith.addi %add3A_63, %mul3A_62 : i32
      %swap3A = arith.index_cast %add3A_64 : i32 to index
      %swap3A_65 = tpu.vector_load %arg15[%swap3A] {strides = array<i32>} : memref<4624xf32, #tpu.memory_space<vmem>>, vector<16xf32>,
      tpu.vector_store %arg15[%swap3A], %broadcast_in_dim3A_3 {strides = array<i32>} : memref<4624xf32, #tpu.memory_space<vmem>>, vector<16xf32>,
    }
    %scan3A_29 = arith.constant 17 : i32
    %scan3A_30 = arith.constant 0 : i32
    %scan3A_31 = arith.constant 17 : i32
    %scan3A_32 = arith.addi %scan3A_30, %scan3A_31 : i32
    %scan3A_33 = arith.constant 1 : i32
    scf.for %scan3A_60 = %scan3A_30 to %scan3A_32 step %scan3A_33  : i32 {
      %mul3A_61 = arith.constant 16 : i32
      %mul3A_62 = arith.muli %scan3A_60, %mul3A_61 : i32
      %add3A_63 = arith.constant 4360 : i32
      %add3A_64 = arith.addi %add3A_63, %mul3A_62 : i32
      %swap3A = arith.index_cast %add3A_64 : i32 to index
      %swap3A_65 = tpu.vector_load %arg15[%swap3A] {strides = array<i32>} : memref<4624xf32, #tpu.memory_space<vmem>>, vector<16xf32>,
      tpu.vector_store %arg15[%swap3A], %broadcast_in_dim3A_3 {strides = array<i32>} : memref<4624xf32, #tpu.memory_space<vmem>>, vector<16xf32>,
    }
    %scan3A_34 = arith.constant 17 : i32
    %eq3A = arith.constant 0 : i32
    %eq3A_35 = arith.cmpi eq, %arg1, %eq3A : i32
    %convert_element_type3A = arith.extui %eq3A_35 : i1 to i32
    %cond3A = arith.constant 0 : i32
    %cond3A_36 = arith.cmpi ne, %convert_element_type3A, %cond3A : i32
    scf.if %cond3A_36 {
      "tpu.region"() ({
        %run_scoped3A = tpu.sem_alloc : memref<!tpu.dma_semaphore, #tpu.memory_space<semaphore_mem>>
        %dma_start3A = arith.constant 264 : i32
        %dma_start3A_60 = tpu.memref_slice %arg15[%dma_start3A] : memref<4624xf32, #tpu.memory_space<vmem>> -> memref<4352xf32, #tpu.memory_space<vmem>>
        %dma_start3A_61 = arith.constant 0 : i32
        %dma_start3A_62 = tpu.memref_slice %arg24[%dma_start3A_61] : memref<65536xf32, #tpu.memory_space<vmem_shared>> -> memref<4352xf32, #tpu.memory_space<vmem_shared>>
        %dma_start3A_63 = arith.constant 264 : i32
        %dma_start3A_64 = tpu.memref_slice %arg15[%dma_start3A_63] : memref<4624xf32, #tpu.memory_space<vmem>> -> memref<4352xf32, #tpu.memory_space<vmem>>
        %dma_start3A_65 = arith.constant 0 : i32
        %dma_start3A_66 = tpu.memref_slice %arg24[%dma_start3A_65] : memref<65536xf32, #tpu.memory_space<vmem_shared>> -> memref<4352xf32, #tpu.memory_space<vmem_shared>>
        tpu.enqueue_dma source(%dma_start3A_66 : memref<4352xf32, #tpu.memory_space<vmem_shared>>) target(%dma_start3A_64 : memref<4352xf32, #tpu.memory_space<vmem>>) target_semaphore(%run_scoped3A : memref<!tpu.dma_semaphore, #tpu.memory_space<semaphore_mem>>)
        %dma_wait3A = arith.constant 264 : i32
        %dma_wait3A_67 = tpu.memref_slice %arg15[%dma_wait3A] : memref<4624xf32, #tpu.memory_space<vmem>> -> memref<4352xf32, #tpu.memory_space<vmem>>
        %dma_wait3A_68 = arith.constant 0 : i32
        %dma_wait3A_69 = tpu.memref_slice %arg24[%dma_wait3A_68] : memref<65536xf32, #tpu.memory_space<vmem_shared>> -> memref<4352xf32, #tpu.memory_space<vmem_shared>>
        %dma_wait3A_70 = arith.constant 264 : i32
        %dma_wait3A_71 = tpu.memref_slice %arg15[%dma_wait3A_70] : memref<4624xf32, #tpu.memory_space<vmem>> -> memref<4352xf32, #tpu.memory_space<vmem>>
        %dma_wait3A_72 = arith.constant 0 : i32
        %dma_wait3A_73 = tpu.memref_slice %arg24[%dma_wait3A_72] : memref<65536xf32, #tpu.memory_space<vmem_shared>> -> memref<4352xf32, #tpu.memory_space<vmem_shared>>
        tpu.wait_dma2 semaphore(%run_scoped3A : memref<!tpu.dma_semaphore, #tpu.memory_space<semaphore_mem>>) src(%dma_wait3A_73 : memref<4352xf32, #tpu.memory_space<vmem_shared>>) dst(%dma_wait3A_71 : memref<4352xf32, #tpu.memory_space<vmem>>)
        tpu.yield
      }) : () -> ()
    } else {
    }
    %eq3A_37 = arith.constant 15 : i32
    %eq3A_38 = arith.cmpi eq, %arg1, %eq3A_37 : i32
    %convert_element_type3A_39 = arith.extui %eq3A_38 : i1 to i32
    %cond3A_40 = arith.constant 0 : i32
    %cond3A_41 = arith.cmpi ne, %convert_element_type3A_39, %cond3A_40 : i32
    scf.if %cond3A_41 {
      "tpu.region"() ({
        %run_scoped3A = tpu.sem_alloc : memref<!tpu.dma_semaphore, #tpu.memory_space<semaphore_mem>>
        %dma_start3A = arith.constant 8 : i32
        %dma_start3A_60 = tpu.memref_slice %arg15[%dma_start3A] : memref<4624xf32, #tpu.memory_space<vmem>> -> memref<4352xf32, #tpu.memory_space<vmem>>
        %dma_start3A_61 = arith.constant 61184 : i32
        %dma_start3A_62 = tpu.memref_slice %arg24[%dma_start3A_61] : memref<65536xf32, #tpu.memory_space<vmem_shared>> -> memref<4352xf32, #tpu.memory_space<vmem_shared>>
        %dma_start3A_63 = arith.constant 8 : i32
        %dma_start3A_64 = tpu.memref_slice %arg15[%dma_start3A_63] : memref<4624xf32, #tpu.memory_space<vmem>> -> memref<4352xf32, #tpu.memory_space<vmem>>
        %dma_start3A_65 = arith.constant 61184 : i32
        %dma_start3A_66 = tpu.memref_slice %arg24[%dma_start3A_65] : memref<65536xf32, #tpu.memory_space<vmem_shared>> -> memref<4352xf32, #tpu.memory_space<vmem_shared>>
        tpu.enqueue_dma source(%dma_start3A_66 : memref<4352xf32, #tpu.memory_space<vmem_shared>>) target(%dma_start3A_64 : memref<4352xf32, #tpu.memory_space<vmem>>) target_semaphore(%run_scoped3A : memref<!tpu.dma_semaphore, #tpu.memory_space<semaphore_mem>>)
        %dma_wait3A = arith.constant 8 : i32
        %dma_wait3A_67 = tpu.memref_slice %arg15[%dma_wait3A] : memref<4624xf32, #tpu.memory_space<vmem>> -> memref<4352xf32, #tpu.memory_space<vmem>>
        %dma_wait3A_68 = arith.constant 61184 : i32
        %dma_wait3A_69 = tpu.memref_slice %arg24[%dma_wait3A_68] : memref<65536xf32, #tpu.memory_space<vmem_shared>> -> memref<4352xf32, #tpu.memory_space<vmem_shared>>
        %dma_wait3A_70 = arith.constant 8 : i32
        %dma_wait3A_71 = tpu.memref_slice %arg15[%dma_wait3A_70] : memref<4624xf32, #tpu.memory_space<vmem>> -> memref<4352xf32, #tpu.memory_space<vmem>>
        %dma_wait3A_72 = arith.constant 61184 : i32
        %dma_wait3A_73 = tpu.memref_slice %arg24[%dma_wait3A_72] : memref<65536xf32, #tpu.memory_space<vmem_shared>> -> memref<4352xf32, #tpu.memory_space<vmem_shared>>
        tpu.wait_dma2 semaphore(%run_scoped3A : memref<!tpu.dma_semaphore, #tpu.memory_space<semaphore_mem>>) src(%dma_wait3A_73 : memref<4352xf32, #tpu.memory_space<vmem_shared>>) dst(%dma_wait3A_71 : memref<4352xf32, #tpu.memory_space<vmem>>)
        tpu.yield
      }) : () -> ()
    } else {
    }
    %gt3A = arith.constant 0 : i32
    %gt3A_42 = arith.cmpi sgt, %arg1, %gt3A : i32
    %lt3A = arith.constant 15 : i32
    %lt3A_43 = arith.cmpi slt, %arg1, %lt3A : i32
    %and3A = arith.andi %gt3A_42, %lt3A_43 : i1
    %convert_element_type3A_44 = arith.extui %and3A : i1 to i32
    %cond3A_45 = arith.constant 0 : i32
    %cond3A_46 = arith.cmpi ne, %convert_element_type3A_44, %cond3A_45 : i32
    scf.if %cond3A_46 {
      %mul3A_60 = arith.constant 16 : i32
      %mul3A_61 = arith.muli %arg1, %mul3A_60 : i32
      %sub3A = arith.constant 1 : i32
      %sub3A_62 = arith.subi %mul3A_61, %sub3A : i32
      %mul3A_63 = arith.constant 256 : i32
      %mul3A_64 = arith.muli %sub3A_62, %mul3A_63 : i32
      "tpu.region"() ({
        %run_scoped3A = tpu.sem_alloc : memref<!tpu.dma_semaphore, #tpu.memory_space<semaphore_mem>>
        %dma_start3A = arith.constant 8 : i32
        %dma_start3A_65 = tpu.memref_slice %arg15[%dma_start3A] : memref<4624xf32, #tpu.memory_space<vmem>> -> memref<4608xf32, #tpu.memory_space<vmem>>
        %dma_start3A_66 = tpu.memref_slice %arg24[%mul3A_64] : memref<65536xf32, #tpu.memory_space<vmem_shared>> -> memref<4608xf32, #tpu.memory_space<vmem_shared>>
        %dma_start3A_67 = arith.constant 8 : i32
        %dma_start3A_68 = tpu.memref_slice %arg15[%dma_start3A_67] : memref<4624xf32, #tpu.memory_space<vmem>> -> memref<4608xf32, #tpu.memory_space<vmem>>
        %dma_start3A_69 = tpu.memref_slice %arg24[%mul3A_64] : memref<65536xf32, #tpu.memory_space<vmem_shared>> -> memref<4608xf32, #tpu.memory_space<vmem_shared>>
        tpu.enqueue_dma source(%dma_start3A_69 : memref<4608xf32, #tpu.memory_space<vmem_shared>>) target(%dma_start3A_68 : memref<4608xf32, #tpu.memory_space<vmem>>) target_semaphore(%run_scoped3A : memref<!tpu.dma_semaphore, #tpu.memory_space<semaphore_mem>>)
        %dma_wait3A = arith.constant 8 : i32
        %dma_wait3A_70 = tpu.memref_slice %arg15[%dma_wait3A] : memref<4624xf32, #tpu.memory_space<vmem>> -> memref<4608xf32, #tpu.memory_space<vmem>>
        %dma_wait3A_71 = tpu.memref_slice %arg24[%mul3A_64] : memref<65536xf32, #tpu.memory_space<vmem_shared>> -> memref<4608xf32, #tpu.memory_space<vmem_shared>>
        %dma_wait3A_72 = arith.constant 8 : i32
        %dma_wait3A_73 = tpu.memref_slice %arg15[%dma_wait3A_72] : memref<4624xf32, #tpu.memory_space<vmem>> -> memref<4608xf32, #tpu.memory_space<vmem>>
        %dma_wait3A_74 = tpu.memref_slice %arg24[%mul3A_64] : memref<65536xf32, #tpu.memory_space<vmem_shared>> -> memref<4608xf32, #tpu.memory_space<vmem_shared>>
        tpu.wait_dma2 semaphore(%run_scoped3A : memref<!tpu.dma_semaphore, #tpu.memory_space<semaphore_mem>>) src(%dma_wait3A_74 : memref<4608xf32, #tpu.memory_space<vmem_shared>>) dst(%dma_wait3A_73 : memref<4608xf32, #tpu.memory_space<vmem>>)
        tpu.yield
      }) : () -> ()
    } else {
    }
    "tpu.region"() ({
      %run_scoped3A = tpu.sem_alloc : memref<!tpu.dma_semaphore, #tpu.memory_space<semaphore_mem>>
      %dma_start3A = tpu.memref_slice %arg4[%mul3A_2] : memref<65536xf32, #tpu.memory_space<hbm>> -> memref<4096xf32, #tpu.memory_space<hbm>>
      %dma_start3A_60 = tpu.memref_slice %arg4[%mul3A_2] : memref<65536xf32, #tpu.memory_space<hbm>> -> memref<4096xf32, #tpu.memory_space<hbm>>
      tpu.enqueue_dma source(%dma_start3A_60 : memref<4096xf32, #tpu.memory_space<hbm>>) target(%arg16 : memref<4096xf32, #tpu.memory_space<vmem>>) target_semaphore(%run_scoped3A : memref<!tpu.dma_semaphore, #tpu.memory_space<semaphore_mem>>)
      %dma_wait3A = tpu.memref_slice %arg4[%mul3A_2] : memref<65536xf32, #tpu.memory_space<hbm>> -> memref<4096xf32, #tpu.memory_space<hbm>>
      %dma_wait3A_61 = tpu.memref_slice %arg4[%mul3A_2] : memref<65536xf32, #tpu.memory_space<hbm>> -> memref<4096xf32, #tpu.memory_space<hbm>>
      tpu.wait_dma2 semaphore(%run_scoped3A : memref<!tpu.dma_semaphore, #tpu.memory_space<semaphore_mem>>) src(%dma_wait3A_61 : memref<4096xf32, #tpu.memory_space<hbm>>) dst(%arg16 : memref<4096xf32, #tpu.memory_space<vmem>>)
      tpu.yield
    }) : () -> ()
    %iota3A = tpu.iota {dimensions = array<i32: 0>} : vector<16xi32>
    %scan3A_47 = arith.constant 0 : i32
    %scan3A_48 = arith.constant 16 : i32
    %scan3A_49 = arith.addi %scan3A_47, %scan3A_48 : i32
    %scan3A_50 = arith.constant 1 : i32
    scf.for %scan3A_60 = %scan3A_47 to %scan3A_49 step %scan3A_50  : i32 {
      %mul3A_61 = arith.constant 1 : i32
      %mul3A_62 = arith.muli %scan3A_60, %mul3A_61 : i32
      %add3A_63 = arith.constant 0 : i32
      %add3A_64 = arith.addi %add3A_63, %mul3A_62 : i32
      %add3A_65 = arith.constant 1 : i32
      %add3A_66 = arith.addi %add3A_64, %add3A_65 : i32
      %mul3A_67 = arith.constant 256 : i32
      %mul3A_68 = arith.muli %add3A_66, %mul3A_67 : i32
      %add3A_69 = arith.constant 8 : i32
      %add3A_70 = arith.addi %add3A_69, %mul3A_68 : i32
      %add3A_71 = arith.constant -256 : i32
      %add3A_72 = arith.addi %add3A_70, %add3A_71 : i32
      %add3A_73 = arith.constant 0 : i32
      %add3A_74 = arith.addi %add3A_72, %add3A_73 : i32
      %add3A_75 = arith.constant -1 : i32
      %add3A_76 = arith.addi %add3A_74, %add3A_75 : i32
      %get3A_77 = arith.index_cast %add3A_76 : i32 to index
      %get3A_78 = tpu.vector_load %arg15[%get3A_77] {strides = array<i32>} : memref<4624xf32, #tpu.memory_space<vmem>>, vector<16xf32>,
      %add3A_79 = arith.constant -256 : i32
      %add3A_80 = arith.addi %add3A_70, %add3A_79 : i32
      %add3A_81 = arith.constant 0 : i32
      %add3A_82 = arith.addi %add3A_80, %add3A_81 : i32
      %add3A_83 = arith.constant 0 : i32
      %add3A_84 = arith.addi %add3A_82, %add3A_83 : i32
      %get3A_85 = arith.index_cast %add3A_84 : i32 to index
      %get3A_86 = tpu.vector_load %arg15[%get3A_85] {strides = array<i32>} : memref<4624xf32, #tpu.memory_space<vmem>>, vector<16xf32>,
      %add3A_87 = arith.constant -256 : i32
      %add3A_88 = arith.addi %add3A_70, %add3A_87 : i32
      %add3A_89 = arith.constant 0 : i32
      %add3A_90 = arith.addi %add3A_88, %add3A_89 : i32
      %add3A_91 = arith.constant 1 : i32
      %add3A_92 = arith.addi %add3A_90, %add3A_91 : i32
      %get3A_93 = arith.index_cast %add3A_92 : i32 to index
      %get3A_94 = tpu.vector_load %arg15[%get3A_93] {strides = array<i32>} : memref<4624xf32, #tpu.memory_space<vmem>>, vector<16xf32>,
      %add3A_95 = arith.constant 0 : i32
      %add3A_96 = arith.addi %add3A_70, %add3A_95 : i32
      %add3A_97 = arith.constant 0 : i32
      %add3A_98 = arith.addi %add3A_96, %add3A_97 : i32
      %add3A_99 = arith.constant -1 : i32
      %add3A_100 = arith.addi %add3A_98, %add3A_99 : i32
      %get3A_101 = arith.index_cast %add3A_100 : i32 to index
      %get3A_102 = tpu.vector_load %arg15[%get3A_101] {strides = array<i32>} : memref<4624xf32, #tpu.memory_space<vmem>>, vector<16xf32>,
      %add3A_103 = arith.constant 0 : i32
      %add3A_104 = arith.addi %add3A_70, %add3A_103 : i32
      %add3A_105 = arith.constant 0 : i32
      %add3A_106 = arith.addi %add3A_104, %add3A_105 : i32
      %add3A_107 = arith.constant 0 : i32
      %add3A_108 = arith.addi %add3A_106, %add3A_107 : i32
      %get3A_109 = arith.index_cast %add3A_108 : i32 to index
      %get3A_110 = tpu.vector_load %arg15[%get3A_109] {strides = array<i32>} : memref<4624xf32, #tpu.memory_space<vmem>>, vector<16xf32>,
      %add3A_111 = arith.constant 0 : i32
      %add3A_112 = arith.addi %add3A_70, %add3A_111 : i32
      %add3A_113 = arith.constant 0 : i32
      %add3A_114 = arith.addi %add3A_112, %add3A_113 : i32
      %add3A_115 = arith.constant 1 : i32
      %add3A_116 = arith.addi %add3A_114, %add3A_115 : i32
      %get3A_117 = arith.index_cast %add3A_116 : i32 to index
      %get3A_118 = tpu.vector_load %arg15[%get3A_117] {strides = array<i32>} : memref<4624xf32, #tpu.memory_space<vmem>>, vector<16xf32>,
      %add3A_119 = arith.constant 256 : i32
      %add3A_120 = arith.addi %add3A_70, %add3A_119 : i32
      %add3A_121 = arith.constant 0 : i32
      %add3A_122 = arith.addi %add3A_120, %add3A_121 : i32
      %add3A_123 = arith.constant -1 : i32
      %add3A_124 = arith.addi %add3A_122, %add3A_123 : i32
      %get3A_125 = arith.index_cast %add3A_124 : i32 to index
      %get3A_126 = tpu.vector_load %arg15[%get3A_125] {strides = array<i32>} : memref<4624xf32, #tpu.memory_space<vmem>>, vector<16xf32>,
      %add3A_127 = arith.constant 256 : i32
      %add3A_128 = arith.addi %add3A_70, %add3A_127 : i32
      %add3A_129 = arith.constant 0 : i32
      %add3A_130 = arith.addi %add3A_128, %add3A_129 : i32
      %add3A_131 = arith.constant 0 : i32
      %add3A_132 = arith.addi %add3A_130, %add3A_131 : i32
      %get3A_133 = arith.index_cast %add3A_132 : i32 to index
      %get3A_134 = tpu.vector_load %arg15[%get3A_133] {strides = array<i32>} : memref<4624xf32, #tpu.memory_space<vmem>>, vector<16xf32>,
      %add3A_135 = arith.constant 256 : i32
      %add3A_136 = arith.addi %add3A_70, %add3A_135 : i32
      %add3A_137 = arith.constant 0 : i32
      %add3A_138 = arith.addi %add3A_136, %add3A_137 : i32
      %add3A_139 = arith.constant 1 : i32
      %add3A_140 = arith.addi %add3A_138, %add3A_139 : i32
      %get3A_141 = arith.index_cast %add3A_140 : i32 to index
      %get3A_142 = tpu.vector_load %arg15[%get3A_141] {strides = array<i32>} : memref<4624xf32, #tpu.memory_space<vmem>>, vector<16xf32>,
      %mul3A_143 = arith.constant 0.0113437362 : f32
      %mul3A_144 = vector.broadcast %mul3A_143 : f32 to vector<16xf32>
      %mul3A_145 = arith.mulf %mul3A_144, %get3A_78 : vector<16xf32>
      %add3A_146 = arith.addf %broadcast_in_dim3A_3, %mul3A_145 : vector<16xf32>
      %mul3A_147 = arith.constant 0.0838195086 : f32
      %mul3A_148 = vector.broadcast %mul3A_147 : f32 to vector<16xf32>
      %mul3A_149 = arith.mulf %mul3A_148, %get3A_86 : vector<16xf32>
      %add3A_150 = arith.addf %add3A_146, %mul3A_149 : vector<16xf32>
      %mul3A_151 = arith.constant 0.0113437362 : f32
      %mul3A_152 = vector.broadcast %mul3A_151 : f32 to vector<16xf32>
      %mul3A_153 = arith.mulf %mul3A_152, %get3A_94 : vector<16xf32>
      %add3A_154 = arith.addf %add3A_150, %mul3A_153 : vector<16xf32>
      %mul3A_155 = arith.constant 0.0838195086 : f32
      %mul3A_156 = vector.broadcast %mul3A_155 : f32 to vector<16xf32>
      %mul3A_157 = arith.mulf %mul3A_156, %get3A_102 : vector<16xf32>
      %add3A_158 = arith.addf %add3A_154, %mul3A_157 : vector<16xf32>
      %mul3A_159 = arith.constant 0.619347035 : f32
      %mul3A_160 = vector.broadcast %mul3A_159 : f32 to vector<16xf32>
      %mul3A_161 = arith.mulf %mul3A_160, %get3A_110 : vector<16xf32>
      %add3A_162 = arith.addf %add3A_158, %mul3A_161 : vector<16xf32>
      %mul3A_163 = arith.constant 0.0838195086 : f32
      %mul3A_164 = vector.broadcast %mul3A_163 : f32 to vector<16xf32>
      %mul3A_165 = arith.mulf %mul3A_164, %get3A_118 : vector<16xf32>
      %add3A_166 = arith.addf %add3A_162, %mul3A_165 : vector<16xf32>
      %mul3A_167 = arith.constant 0.0113437362 : f32
      %mul3A_168 = vector.broadcast %mul3A_167 : f32 to vector<16xf32>
      %mul3A_169 = arith.mulf %mul3A_168, %get3A_126 : vector<16xf32>
      %add3A_170 = arith.addf %add3A_166, %mul3A_169 : vector<16xf32>
      %mul3A_171 = arith.constant 0.0838195086 : f32
      %mul3A_172 = vector.broadcast %mul3A_171 : f32 to vector<16xf32>
      %mul3A_173 = arith.mulf %mul3A_172, %get3A_134 : vector<16xf32>
      %add3A_174 = arith.addf %add3A_170, %mul3A_173 : vector<16xf32>
      %mul3A_175 = arith.constant 0.0113437362 : f32
      %mul3A_176 = vector.broadcast %mul3A_175 : f32 to vector<16xf32>
      %mul3A_177 = arith.mulf %mul3A_176, %get3A_142 : vector<16xf32>
      %add3A_178 = arith.addf %add3A_174, %mul3A_177 : vector<16xf32>
      %mul3A_179 = arith.constant 0.0113437362 : f32
      %mul3A_180 = vector.broadcast %mul3A_179 : f32 to vector<16xf32>
      %mul3A_181 = arith.mulf %mul3A_180, %get3A_78 : vector<16xf32>
      %mul3A_182 = arith.constant 0.0838195086 : f32
      %mul3A_183 = vector.broadcast %mul3A_182 : f32 to vector<16xf32>
      %mul3A_184 = arith.mulf %mul3A_183, %get3A_102 : vector<16xf32>
      %add3A_185 = arith.addf %mul3A_181, %mul3A_184 : vector<16xf32>
      %mul3A_186 = arith.constant 0.0113437362 : f32
      %mul3A_187 = vector.broadcast %mul3A_186 : f32 to vector<16xf32>
      %mul3A_188 = arith.mulf %mul3A_187, %get3A_126 : vector<16xf32>
      %add3A_189 = arith.addf %add3A_185, %mul3A_188 : vector<16xf32>
      %eq3A_190 = arith.constant 0 : i32
      %eq3A_191 = vector.broadcast %eq3A_190 : i32 to vector<16xi32>
      %eq3A_192 = arith.cmpi eq, %iota3A, %eq3A_191 : vector<16xi32>
      %sub3A = arith.subf %add3A_178, %add3A_189 : vector<16xf32>
      %select_n3A = arith.select %eq3A_192, %sub3A, %add3A_178 : vector<16xi1>, vector<16xf32>
      %mul3A_193 = arith.constant 256 : i32
      %mul3A_194 = arith.muli %add3A_64, %mul3A_193 : i32
      %add3A_195 = arith.constant 0 : i32
      %add3A_196 = arith.addi %mul3A_194, %add3A_195 : i32
      %get3A_197 = arith.index_cast %add3A_196 : i32 to index
      %get3A_198 = tpu.vector_load %arg14[%get3A_197] {strides = array<i32>} : memref<4096xf32, #tpu.memory_space<vmem>>, vector<16xf32>,
      %mul3A_199 = arith.constant 5.000000e-01 : f32
      %mul3A_200 = vector.broadcast %mul3A_199 : f32 to vector<16xf32>
      %mul3A_201 = arith.mulf %mul3A_200, %get3A_198 : vector<16xf32>
      %exp3A = math.exp %mul3A_201 : vector<16xf32>
      %get3A_202 = arith.index_cast %add3A_196 : i32 to index
      %get3A_203 = tpu.vector_load %arg16[%get3A_202] {strides = array<i32>} : memref<4096xf32, #tpu.memory_space<vmem>>, vector<16xf32>,
      %mul3A_204 = arith.mulf %get3A_203, %exp3A : vector<16xf32>
      %add3A_205 = arith.addf %select_n3A, %mul3A_204 : vector<16xf32>
      %neg3A = arith.constant 0.000000e+00 : f32
      %neg3A_206 = vector.broadcast %neg3A : f32 to vector<16xf32>
      %neg3A_207 = arith.subf %neg3A_206, %add3A_205 : vector<16xf32>
      %exp3A_208 = math.exp %neg3A_207 : vector<16xf32>
      %add3A_209 = arith.constant 1.000000e+00 : f32
      %add3A_210 = vector.broadcast %add3A_209 : f32 to vector<16xf32>
      %add3A_211 = arith.addf %add3A_210, %exp3A_208 : vector<16xf32>
      %div3A = arith.constant 1.000000e+00 : f32
      %div3A_212 = vector.broadcast %div3A : f32 to vector<16xf32>
      %div3A_213 = arith.divf %div3A_212, %add3A_211 : vector<16xf32>
      %swap3A = arith.index_cast %add3A_196 : i32 to index
      %swap3A_214 = tpu.vector_load %arg18[%swap3A] {strides = array<i32>} : memref<4096xf32, #tpu.memory_space<vmem>>, vector<16xf32>,
      tpu.vector_store %arg18[%swap3A], %div3A_213 {strides = array<i32>} : memref<4096xf32, #tpu.memory_space<vmem>>, vector<16xf32>,
      %add3A_215 = arith.constant -256 : i32
      %add3A_216 = arith.addi %add3A_70, %add3A_215 : i32
      %add3A_217 = arith.constant 16 : i32
      %add3A_218 = arith.addi %add3A_216, %add3A_217 : i32
      %add3A_219 = arith.constant -1 : i32
      %add3A_220 = arith.addi %add3A_218, %add3A_219 : i32
      %get3A_221 = arith.index_cast %add3A_220 : i32 to index
      %get3A_222 = tpu.vector_load %arg15[%get3A_221] {strides = array<i32>} : memref<4624xf32, #tpu.memory_space<vmem>>, vector<16xf32>,
      %add3A_223 = arith.constant -256 : i32
      %add3A_224 = arith.addi %add3A_70, %add3A_223 : i32
      %add3A_225 = arith.constant 16 : i32
      %add3A_226 = arith.addi %add3A_224, %add3A_225 : i32
      %add3A_227 = arith.constant 0 : i32
      %add3A_228 = arith.addi %add3A_226, %add3A_227 : i32
      %get3A_229 = arith.index_cast %add3A_228 : i32 to index
      %get3A_230 = tpu.vector_load %arg15[%get3A_229] {strides = array<i32>} : memref<4624xf32, #tpu.memory_space<vmem>>, vector<16xf32>,
      %add3A_231 = arith.constant -256 : i32
      %add3A_232 = arith.addi %add3A_70, %add3A_231 : i32
      %add3A_233 = arith.constant 16 : i32
      %add3A_234 = arith.addi %add3A_232, %add3A_233 : i32
      %add3A_235 = arith.constant 1 : i32
      %add3A_236 = arith.addi %add3A_234, %add3A_235 : i32
      %get3A_237 = arith.index_cast %add3A_236 : i32 to index
      %get3A_238 = tpu.vector_load %arg15[%get3A_237] {strides = array<i32>} : memref<4624xf32, #tpu.memory_space<vmem>>, vector<16xf32>,
      %add3A_239 = arith.constant 0 : i32
      %add3A_240 = arith.addi %add3A_70, %add3A_239 : i32
      %add3A_241 = arith.constant 16 : i32
      %add3A_242 = arith.addi %add3A_240, %add3A_241 : i32
      %add3A_243 = arith.constant -1 : i32
      %add3A_244 = arith.addi %add3A_242, %add3A_243 : i32
      %get3A_245 = arith.index_cast %add3A_244 : i32 to index
      %get3A_246 = tpu.vector_load %arg15[%get3A_245] {strides = array<i32>} : memref<4624xf32, #tpu.memory_space<vmem>>, vector<16xf32>,
      %add3A_247 = arith.constant 0 : i32
      %add3A_248 = arith.addi %add3A_70, %add3A_247 : i32
      %add3A_249 = arith.constant 16 : i32
      %add3A_250 = arith.addi %add3A_248, %add3A_249 : i32
      %add3A_251 = arith.constant 0 : i32
      %add3A_252 = arith.addi %add3A_250, %add3A_251 : i32
      %get3A_253 = arith.index_cast %add3A_252 : i32 to index
      %get3A_254 = tpu.vector_load %arg15[%get3A_253] {strides = array<i32>} : memref<4624xf32, #tpu.memory_space<vmem>>, vector<16xf32>,
      %add3A_255 = arith.constant 0 : i32
      %add3A_256 = arith.addi %add3A_70, %add3A_255 : i32
      %add3A_257 = arith.constant 16 : i32
      %add3A_258 = arith.addi %add3A_256, %add3A_257 : i32
      %add3A_259 = arith.constant 1 : i32
      %add3A_260 = arith.addi %add3A_258, %add3A_259 : i32
      %get3A_261 = arith.index_cast %add3A_260 : i32 to index
      %get3A_262 = tpu.vector_load %arg15[%get3A_261] {strides = array<i32>} : memref<4624xf32, #tpu.memory_space<vmem>>, vector<16xf32>,
      %add3A_263 = arith.constant 256 : i32
      %add3A_264 = arith.addi %add3A_70, %add3A_263 : i32
      %add3A_265 = arith.constant 16 : i32
      %add3A_266 = arith.addi %add3A_264, %add3A_265 : i32
      %add3A_267 = arith.constant -1 : i32
      %add3A_268 = arith.addi %add3A_266, %add3A_267 : i32
      %get3A_269 = arith.index_cast %add3A_268 : i32 to index
      %get3A_270 = tpu.vector_load %arg15[%get3A_269] {strides = array<i32>} : memref<4624xf32, #tpu.memory_space<vmem>>, vector<16xf32>,
      %add3A_271 = arith.constant 256 : i32
      %add3A_272 = arith.addi %add3A_70, %add3A_271 : i32
      %add3A_273 = arith.constant 16 : i32
      %add3A_274 = arith.addi %add3A_272, %add3A_273 : i32
      %add3A_275 = arith.constant 0 : i32
      %add3A_276 = arith.addi %add3A_274, %add3A_275 : i32
      %get3A_277 = arith.index_cast %add3A_276 : i32 to index
      %get3A_278 = tpu.vector_load %arg15[%get3A_277] {strides = array<i32>} : memref<4624xf32, #tpu.memory_space<vmem>>, vector<16xf32>,
      %add3A_279 = arith.constant 256 : i32
      %add3A_280 = arith.addi %add3A_70, %add3A_279 : i32
      %add3A_281 = arith.constant 16 : i32
      %add3A_282 = arith.addi %add3A_280, %add3A_281 : i32
      %add3A_283 = arith.constant 1 : i32
      %add3A_284 = arith.addi %add3A_282, %add3A_283 : i32
      %get3A_285 = arith.index_cast %add3A_284 : i32 to index
      %get3A_286 = tpu.vector_load %arg15[%get3A_285] {strides = array<i32>} : memref<4624xf32, #tpu.memory_space<vmem>>, vector<16xf32>,
      %mul3A_287 = arith.constant 0.0113437362 : f32
      %mul3A_288 = vector.broadcast %mul3A_287 : f32 to vector<16xf32>
      %mul3A_289 = arith.mulf %mul3A_288, %get3A_222 : vector<16xf32>
      %add3A_290 = arith.addf %broadcast_in_dim3A_3, %mul3A_289 : vector<16xf32>
      %mul3A_291 = arith.constant 0.0838195086 : f32
      %mul3A_292 = vector.broadcast %mul3A_291 : f32 to vector<16xf32>
      %mul3A_293 = arith.mulf %mul3A_292, %get3A_230 : vector<16xf32>
      %add3A_294 = arith.addf %add3A_290, %mul3A_293 : vector<16xf32>
      %mul3A_295 = arith.constant 0.0113437362 : f32
      %mul3A_296 = vector.broadcast %mul3A_295 : f32 to vector<16xf32>
      %mul3A_297 = arith.mulf %mul3A_296, %get3A_238 : vector<16xf32>
      %add3A_298 = arith.addf %add3A_294, %mul3A_297 : vector<16xf32>
      %mul3A_299 = arith.constant 0.0838195086 : f32
      %mul3A_300 = vector.broadcast %mul3A_299 : f32 to vector<16xf32>
      %mul3A_301 = arith.mulf %mul3A_300, %get3A_246 : vector<16xf32>
      %add3A_302 = arith.addf %add3A_298, %mul3A_301 : vector<16xf32>
      %mul3A_303 = arith.constant 0.619347035 : f32
      %mul3A_304 = vector.broadcast %mul3A_303 : f32 to vector<16xf32>
      %mul3A_305 = arith.mulf %mul3A_304, %get3A_254 : vector<16xf32>
      %add3A_306 = arith.addf %add3A_302, %mul3A_305 : vector<16xf32>
      %mul3A_307 = arith.constant 0.0838195086 : f32
      %mul3A_308 = vector.broadcast %mul3A_307 : f32 to vector<16xf32>
      %mul3A_309 = arith.mulf %mul3A_308, %get3A_262 : vector<16xf32>
      %add3A_310 = arith.addf %add3A_306, %mul3A_309 : vector<16xf32>
      %mul3A_311 = arith.constant 0.0113437362 : f32
      %mul3A_312 = vector.broadcast %mul3A_311 : f32 to vector<16xf32>
      %mul3A_313 = arith.mulf %mul3A_312, %get3A_270 : vector<16xf32>
      %add3A_314 = arith.addf %add3A_310, %mul3A_313 : vector<16xf32>
      %mul3A_315 = arith.constant 0.0838195086 : f32
      %mul3A_316 = vector.broadcast %mul3A_315 : f32 to vector<16xf32>
      %mul3A_317 = arith.mulf %mul3A_316, %get3A_278 : vector<16xf32>
      %add3A_318 = arith.addf %add3A_314, %mul3A_317 : vector<16xf32>
      %mul3A_319 = arith.constant 0.0113437362 : f32
      %mul3A_320 = vector.broadcast %mul3A_319 : f32 to vector<16xf32>
      %mul3A_321 = arith.mulf %mul3A_320, %get3A_286 : vector<16xf32>
      %add3A_322 = arith.addf %add3A_318, %mul3A_321 : vector<16xf32>
      %mul3A_323 = arith.constant 256 : i32
      %mul3A_324 = arith.muli %add3A_64, %mul3A_323 : i32
      %add3A_325 = arith.constant 16 : i32
      %add3A_326 = arith.addi %mul3A_324, %add3A_325 : i32
      %get3A_327 = arith.index_cast %add3A_326 : i32 to index
      %get3A_328 = tpu.vector_load %arg14[%get3A_327] {strides = array<i32>} : memref<4096xf32, #tpu.memory_space<vmem>>, vector<16xf32>,
      %mul3A_329 = arith.constant 5.000000e-01 : f32
      %mul3A_330 = vector.broadcast %mul3A_329 : f32 to vector<16xf32>
      %mul3A_331 = arith.mulf %mul3A_330, %get3A_328 : vector<16xf32>
      %exp3A_332 = math.exp %mul3A_331 : vector<16xf32>
      %get3A_333 = arith.index_cast %add3A_326 : i32 to index
      %get3A_334 = tpu.vector_load %arg16[%get3A_333] {strides = array<i32>} : memref<4096xf32, #tpu.memory_space<vmem>>, vector<16xf32>,
      %mul3A_335 = arith.mulf %get3A_334, %exp3A_332 : vector<16xf32>
      %add3A_336 = arith.addf %add3A_322, %mul3A_335 : vector<16xf32>
      %neg3A_337 = arith.constant 0.000000e+00 : f32
      %neg3A_338 = vector.broadcast %neg3A_337 : f32 to vector<16xf32>
      %neg3A_339 = arith.subf %neg3A_338, %add3A_336 : vector<16xf32>
      %exp3A_340 = math.exp %neg3A_339 : vector<16xf32>
      %add3A_341 = arith.constant 1.000000e+00 : f32
      %add3A_342 = vector.broadcast %add3A_341 : f32 to vector<16xf32>
      %add3A_343 = arith.addf %add3A_342, %exp3A_340 : vector<16xf32>
      %div3A_344 = arith.constant 1.000000e+00 : f32
      %div3A_345 = vector.broadcast %div3A_344 : f32 to vector<16xf32>
      %div3A_346 = arith.divf %div3A_345, %add3A_343 : vector<16xf32>
      %swap3A_347 = arith.index_cast %add3A_326 : i32 to index
      %swap3A_348 = tpu.vector_load %arg18[%swap3A_347] {strides = array<i32>} : memref<4096xf32, #tpu.memory_space<vmem>>, vector<16xf32>,
      tpu.vector_store %arg18[%swap3A_347], %div3A_346 {strides = array<i32>} : memref<4096xf32, #tpu.memory_space<vmem>>, vector<16xf32>,
      %add3A_349 = arith.constant -256 : i32
      %add3A_350 = arith.addi %add3A_70, %add3A_349 : i32
      %add3A_351 = arith.constant 32 : i32
      %add3A_352 = arith.addi %add3A_350, %add3A_351 : i32
      %add3A_353 = arith.constant -1 : i32
      %add3A_354 = arith.addi %add3A_352, %add3A_353 : i32
      %get3A_355 = arith.index_cast %add3A_354 : i32 to index
      %get3A_356 = tpu.vector_load %arg15[%get3A_355] {strides = array<i32>} : memref<4624xf32, #tpu.memory_space<vmem>>, vector<16xf32>,
      %add3A_357 = arith.constant -256 : i32
      %add3A_358 = arith.addi %add3A_70, %add3A_357 : i32
      %add3A_359 = arith.constant 32 : i32
      %add3A_360 = arith.addi %add3A_358, %add3A_359 : i32
      %add3A_361 = arith.constant 0 : i32
      %add3A_362 = arith.addi %add3A_360, %add3A_361 : i32
      %get3A_363 = arith.index_cast %add3A_362 : i32 to index
      %get3A_364 = tpu.vector_load %arg15[%get3A_363] {strides = array<i32>} : memref<4624xf32, #tpu.memory_space<vmem>>, vector<16xf32>,
      %add3A_365 = arith.constant -256 : i32
      %add3A_366 = arith.addi %add3A_70, %add3A_365 : i32
      %add3A_367 = arith.constant 32 : i32
      %add3A_368 = arith.addi %add3A_366, %add3A_367 : i32
      %add3A_369 = arith.constant 1 : i32
      %add3A_370 = arith.addi %add3A_368, %add3A_369 : i32
      %get3A_371 = arith.index_cast %add3A_370 : i32 to index
      %get3A_372 = tpu.vector_load %arg15[%get3A_371] {strides = array<i32>} : memref<4624xf32, #tpu.memory_space<vmem>>, vector<16xf32>,
      %add3A_373 = arith.constant 0 : i32
      %add3A_374 = arith.addi %add3A_70, %add3A_373 : i32
      %add3A_375 = arith.constant 32 : i32
      %add3A_376 = arith.addi %add3A_374, %add3A_375 : i32
      %add3A_377 = arith.constant -1 : i32
      %add3A_378 = arith.addi %add3A_376, %add3A_377 : i32
      %get3A_379 = arith.index_cast %add3A_378 : i32 to index
      %get3A_380 = tpu.vector_load %arg15[%get3A_379] {strides = array<i32>} : memref<4624xf32, #tpu.memory_space<vmem>>, vector<16xf32>,
      %add3A_381 = arith.constant 0 : i32
      %add3A_382 = arith.addi %add3A_70, %add3A_381 : i32
      %add3A_383 = arith.constant 32 : i32
      %add3A_384 = arith.addi %add3A_382, %add3A_383 : i32
      %add3A_385 = arith.constant 0 : i32
      %add3A_386 = arith.addi %add3A_384, %add3A_385 : i32
      %get3A_387 = arith.index_cast %add3A_386 : i32 to index
      %get3A_388 = tpu.vector_load %arg15[%get3A_387] {strides = array<i32>} : memref<4624xf32, #tpu.memory_space<vmem>>, vector<16xf32>,
      %add3A_389 = arith.constant 0 : i32
      %add3A_390 = arith.addi %add3A_70, %add3A_389 : i32
      %add3A_391 = arith.constant 32 : i32
      %add3A_392 = arith.addi %add3A_390, %add3A_391 : i32
      %add3A_393 = arith.constant 1 : i32
      %add3A_394 = arith.addi %add3A_392, %add3A_393 : i32
      %get3A_395 = arith.index_cast %add3A_394 : i32 to index
      %get3A_396 = tpu.vector_load %arg15[%get3A_395] {strides = array<i32>} : memref<4624xf32, #tpu.memory_space<vmem>>, vector<16xf32>,
      %add3A_397 = arith.constant 256 : i32
      %add3A_398 = arith.addi %add3A_70, %add3A_397 : i32
      %add3A_399 = arith.constant 32 : i32
      %add3A_400 = arith.addi %add3A_398, %add3A_399 : i32
      %add3A_401 = arith.constant -1 : i32
      %add3A_402 = arith.addi %add3A_400, %add3A_401 : i32
      %get3A_403 = arith.index_cast %add3A_402 : i32 to index
      %get3A_404 = tpu.vector_load %arg15[%get3A_403] {strides = array<i32>} : memref<4624xf32, #tpu.memory_space<vmem>>, vector<16xf32>,
      %add3A_405 = arith.constant 256 : i32
      %add3A_406 = arith.addi %add3A_70, %add3A_405 : i32
      %add3A_407 = arith.constant 32 : i32
      %add3A_408 = arith.addi %add3A_406, %add3A_407 : i32
      %add3A_409 = arith.constant 0 : i32
      %add3A_410 = arith.addi %add3A_408, %add3A_409 : i32
      %get3A_411 = arith.index_cast %add3A_410 : i32 to index
      %get3A_412 = tpu.vector_load %arg15[%get3A_411] {strides = array<i32>} : memref<4624xf32, #tpu.memory_space<vmem>>, vector<16xf32>,
      %add3A_413 = arith.constant 256 : i32
      %add3A_414 = arith.addi %add3A_70, %add3A_413 : i32
      %add3A_415 = arith.constant 32 : i32
      %add3A_416 = arith.addi %add3A_414, %add3A_415 : i32
      %add3A_417 = arith.constant 1 : i32
      %add3A_418 = arith.addi %add3A_416, %add3A_417 : i32
      %get3A_419 = arith.index_cast %add3A_418 : i32 to index
      %get3A_420 = tpu.vector_load %arg15[%get3A_419] {strides = array<i32>} : memref<4624xf32, #tpu.memory_space<vmem>>, vector<16xf32>,
      %mul3A_421 = arith.constant 0.0113437362 : f32
      %mul3A_422 = vector.broadcast %mul3A_421 : f32 to vector<16xf32>
      %mul3A_423 = arith.mulf %mul3A_422, %get3A_356 : vector<16xf32>
      %add3A_424 = arith.addf %broadcast_in_dim3A_3, %mul3A_423 : vector<16xf32>
      %mul3A_425 = arith.constant 0.0838195086 : f32
      %mul3A_426 = vector.broadcast %mul3A_425 : f32 to vector<16xf32>
      %mul3A_427 = arith.mulf %mul3A_426, %get3A_364 : vector<16xf32>
      %add3A_428 = arith.addf %add3A_424, %mul3A_427 : vector<16xf32>
      %mul3A_429 = arith.constant 0.0113437362 : f32
      %mul3A_430 = vector.broadcast %mul3A_429 : f32 to vector<16xf32>
      %mul3A_431 = arith.mulf %mul3A_430, %get3A_372 : vector<16xf32>
      %add3A_432 = arith.addf %add3A_428, %mul3A_431 : vector<16xf32>
      %mul3A_433 = arith.constant 0.0838195086 : f32
      %mul3A_434 = vector.broadcast %mul3A_433 : f32 to vector<16xf32>
      %mul3A_435 = arith.mulf %mul3A_434, %get3A_380 : vector<16xf32>
      %add3A_436 = arith.addf %add3A_432, %mul3A_435 : vector<16xf32>
      %mul3A_437 = arith.constant 0.619347035 : f32
      %mul3A_438 = vector.broadcast %mul3A_437 : f32 to vector<16xf32>
      %mul3A_439 = arith.mulf %mul3A_438, %get3A_388 : vector<16xf32>
      %add3A_440 = arith.addf %add3A_436, %mul3A_439 : vector<16xf32>
      %mul3A_441 = arith.constant 0.0838195086 : f32
      %mul3A_442 = vector.broadcast %mul3A_441 : f32 to vector<16xf32>
      %mul3A_443 = arith.mulf %mul3A_442, %get3A_396 : vector<16xf32>
      %add3A_444 = arith.addf %add3A_440, %mul3A_443 : vector<16xf32>
      %mul3A_445 = arith.constant 0.0113437362 : f32
      %mul3A_446 = vector.broadcast %mul3A_445 : f32 to vector<16xf32>
      %mul3A_447 = arith.mulf %mul3A_446, %get3A_404 : vector<16xf32>
      %add3A_448 = arith.addf %add3A_444, %mul3A_447 : vector<16xf32>
      %mul3A_449 = arith.constant 0.0838195086 : f32
      %mul3A_450 = vector.broadcast %mul3A_449 : f32 to vector<16xf32>
      %mul3A_451 = arith.mulf %mul3A_450, %get3A_412 : vector<16xf32>
      %add3A_452 = arith.addf %add3A_448, %mul3A_451 : vector<16xf32>
      %mul3A_453 = arith.constant 0.0113437362 : f32
      %mul3A_454 = vector.broadcast %mul3A_453 : f32 to vector<16xf32>
      %mul3A_455 = arith.mulf %mul3A_454, %get3A_420 : vector<16xf32>
      %add3A_456 = arith.addf %add3A_452, %mul3A_455 : vector<16xf32>
      %mul3A_457 = arith.constant 256 : i32
      %mul3A_458 = arith.muli %add3A_64, %mul3A_457 : i32
      %add3A_459 = arith.constant 32 : i32
      %add3A_460 = arith.addi %mul3A_458, %add3A_459 : i32
      %get3A_461 = arith.index_cast %add3A_460 : i32 to index
      %get3A_462 = tpu.vector_load %arg14[%get3A_461] {strides = array<i32>} : memref<4096xf32, #tpu.memory_space<vmem>>, vector<16xf32>,
      %mul3A_463 = arith.constant 5.000000e-01 : f32
      %mul3A_464 = vector.broadcast %mul3A_463 : f32 to vector<16xf32>
      %mul3A_465 = arith.mulf %mul3A_464, %get3A_462 : vector<16xf32>
      %exp3A_466 = math.exp %mul3A_465 : vector<16xf32>
      %get3A_467 = arith.index_cast %add3A_460 : i32 to index
      %get3A_468 = tpu.vector_load %arg16[%get3A_467] {strides = array<i32>} : memref<4096xf32, #tpu.memory_space<vmem>>, vector<16xf32>,
      %mul3A_469 = arith.mulf %get3A_468, %exp3A_466 : vector<16xf32>
      %add3A_470 = arith.addf %add3A_456, %mul3A_469 : vector<16xf32>
      %neg3A_471 = arith.constant 0.000000e+00 : f32
      %neg3A_472 = vector.broadcast %neg3A_471 : f32 to vector<16xf32>
      %neg3A_473 = arith.subf %neg3A_472, %add3A_470 : vector<16xf32>
      %exp3A_474 = math.exp %neg3A_473 : vector<16xf32>
      %add3A_475 = arith.constant 1.000000e+00 : f32
      %add3A_476 = vector.broadcast %add3A_475 : f32 to vector<16xf32>
      %add3A_477 = arith.addf %add3A_476, %exp3A_474 : vector<16xf32>
      %div3A_478 = arith.constant 1.000000e+00 : f32
      %div3A_479 = vector.broadcast %div3A_478 : f32 to vector<16xf32>
      %div3A_480 = arith.divf %div3A_479, %add3A_477 : vector<16xf32>
      %swap3A_481 = arith.index_cast %add3A_460 : i32 to index
      %swap3A_482 = tpu.vector_load %arg18[%swap3A_481] {strides = array<i32>} : memref<4096xf32, #tpu.memory_space<vmem>>, vector<16xf32>,
      tpu.vector_store %arg18[%swap3A_481], %div3A_480 {strides = array<i32>} : memref<4096xf32, #tpu.memory_space<vmem>>, vector<16xf32>,
      %add3A_483 = arith.constant -256 : i32
      %add3A_484 = arith.addi %add3A_70, %add3A_483 : i32
      %add3A_485 = arith.constant 48 : i32
      %add3A_486 = arith.addi %add3A_484, %add3A_485 : i32
      %add3A_487 = arith.constant -1 : i32
      %add3A_488 = arith.addi %add3A_486, %add3A_487 : i32
      %get3A_489 = arith.index_cast %add3A_488 : i32 to index
      %get3A_490 = tpu.vector_load %arg15[%get3A_489] {strides = array<i32>} : memref<4624xf32, #tpu.memory_space<vmem>>, vector<16xf32>,
      %add3A_491 = arith.constant -256 : i32
      %add3A_492 = arith.addi %add3A_70, %add3A_491 : i32
      %add3A_493 = arith.constant 48 : i32
      %add3A_494 = arith.addi %add3A_492, %add3A_493 : i32
      %add3A_495 = arith.constant 0 : i32
      %add3A_496 = arith.addi %add3A_494, %add3A_495 : i32
      %get3A_497 = arith.index_cast %add3A_496 : i32 to index
      %get3A_498 = tpu.vector_load %arg15[%get3A_497] {strides = array<i32>} : memref<4624xf32, #tpu.memory_space<vmem>>, vector<16xf32>,
      %add3A_499 = arith.constant -256 : i32
      %add3A_500 = arith.addi %add3A_70, %add3A_499 : i32
      %add3A_501 = arith.constant 48 : i32
      %add3A_502 = arith.addi %add3A_500, %add3A_501 : i32
      %add3A_503 = arith.constant 1 : i32
      %add3A_504 = arith.addi %add3A_502, %add3A_503 : i32
      %get3A_505 = arith.index_cast %add3A_504 : i32 to index
      %get3A_506 = tpu.vector_load %arg15[%get3A_505] {strides = array<i32>} : memref<4624xf32, #tpu.memory_space<vmem>>, vector<16xf32>,
      %add3A_507 = arith.constant 0 : i32
      %add3A_508 = arith.addi %add3A_70, %add3A_507 : i32
      %add3A_509 = arith.constant 48 : i32
      %add3A_510 = arith.addi %add3A_508, %add3A_509 : i32
      %add3A_511 = arith.constant -1 : i32
      %add3A_512 = arith.addi %add3A_510, %add3A_511 : i32
      %get3A_513 = arith.index_cast %add3A_512 : i32 to index
      %get3A_514 = tpu.vector_load %arg15[%get3A_513] {strides = array<i32>} : memref<4624xf32, #tpu.memory_space<vmem>>, vector<16xf32>,
      %add3A_515 = arith.constant 0 : i32
      %add3A_516 = arith.addi %add3A_70, %add3A_515 : i32
      %add3A_517 = arith.constant 48 : i32
      %add3A_518 = arith.addi %add3A_516, %add3A_517 : i32
      %add3A_519 = arith.constant 0 : i32
      %add3A_520 = arith.addi %add3A_518, %add3A_519 : i32
      %get3A_521 = arith.index_cast %add3A_520 : i32 to index
      %get3A_522 = tpu.vector_load %arg15[%get3A_521] {strides = array<i32>} : memref<4624xf32, #tpu.memory_space<vmem>>, vector<16xf32>,
      %add3A_523 = arith.constant 0 : i32
      %add3A_524 = arith.addi %add3A_70, %add3A_523 : i32
      %add3A_525 = arith.constant 48 : i32
      %add3A_526 = arith.addi %add3A_524, %add3A_525 : i32
      %add3A_527 = arith.constant 1 : i32
      %add3A_528 = arith.addi %add3A_526, %add3A_527 : i32
      %get3A_529 = arith.index_cast %add3A_528 : i32 to index
      %get3A_530 = tpu.vector_load %arg15[%get3A_529] {strides = array<i32>} : memref<4624xf32, #tpu.memory_space<vmem>>, vector<16xf32>,
      %add3A_531 = arith.constant 256 : i32
      %add3A_532 = arith.addi %add3A_70, %add3A_531 : i32
      %add3A_533 = arith.constant 48 : i32
      %add3A_534 = arith.addi %add3A_532, %add3A_533 : i32
      %add3A_535 = arith.constant -1 : i32
      %add3A_536 = arith.addi %add3A_534, %add3A_535 : i32
      %get3A_537 = arith.index_cast %add3A_536 : i32 to index
      %get3A_538 = tpu.vector_load %arg15[%get3A_537] {strides = array<i32>} : memref<4624xf32, #tpu.memory_space<vmem>>, vector<16xf32>,
      %add3A_539 = arith.constant 256 : i32
      %add3A_540 = arith.addi %add3A_70, %add3A_539 : i32
      %add3A_541 = arith.constant 48 : i32
      %add3A_542 = arith.addi %add3A_540, %add3A_541 : i32
      %add3A_543 = arith.constant 0 : i32
      %add3A_544 = arith.addi %add3A_542, %add3A_543 : i32
      %get3A_545 = arith.index_cast %add3A_544 : i32 to index
      %get3A_546 = tpu.vector_load %arg15[%get3A_545] {strides = array<i32>} : memref<4624xf32, #tpu.memory_space<vmem>>, vector<16xf32>,
      %add3A_547 = arith.constant 256 : i32
      %add3A_548 = arith.addi %add3A_70, %add3A_547 : i32
      %add3A_549 = arith.constant 48 : i32
      %add3A_550 = arith.addi %add3A_548, %add3A_549 : i32
      %add3A_551 = arith.constant 1 : i32
      %add3A_552 = arith.addi %add3A_550, %add3A_551 : i32
      %get3A_553 = arith.index_cast %add3A_552 : i32 to index
      %get3A_554 = tpu.vector_load %arg15[%get3A_553] {strides = array<i32>} : memref<4624xf32, #tpu.memory_space<vmem>>, vector<16xf32>,
      %mul3A_555 = arith.constant 0.0113437362 : f32
      %mul3A_556 = vector.broadcast %mul3A_555 : f32 to vector<16xf32>
      %mul3A_557 = arith.mulf %mul3A_556, %get3A_490 : vector<16xf32>
      %add3A_558 = arith.addf %broadcast_in_dim3A_3, %mul3A_557 : vector<16xf32>
      %mul3A_559 = arith.constant 0.0838195086 : f32
      %mul3A_560 = vector.broadcast %mul3A_559 : f32 to vector<16xf32>
      %mul3A_561 = arith.mulf %mul3A_560, %get3A_498 : vector<16xf32>
      %add3A_562 = arith.addf %add3A_558, %mul3A_561 : vector<16xf32>
      %mul3A_563 = arith.constant 0.0113437362 : f32
      %mul3A_564 = vector.broadcast %mul3A_563 : f32 to vector<16xf32>
      %mul3A_565 = arith.mulf %mul3A_564, %get3A_506 : vector<16xf32>
      %add3A_566 = arith.addf %add3A_562, %mul3A_565 : vector<16xf32>
      %mul3A_567 = arith.constant 0.0838195086 : f32
      %mul3A_568 = vector.broadcast %mul3A_567 : f32 to vector<16xf32>
      %mul3A_569 = arith.mulf %mul3A_568, %get3A_514 : vector<16xf32>
      %add3A_570 = arith.addf %add3A_566, %mul3A_569 : vector<16xf32>
      %mul3A_571 = arith.constant 0.619347035 : f32
      %mul3A_572 = vector.broadcast %mul3A_571 : f32 to vector<16xf32>
      %mul3A_573 = arith.mulf %mul3A_572, %get3A_522 : vector<16xf32>
      %add3A_574 = arith.addf %add3A_570, %mul3A_573 : vector<16xf32>
      %mul3A_575 = arith.constant 0.0838195086 : f32
      %mul3A_576 = vector.broadcast %mul3A_575 : f32 to vector<16xf32>
      %mul3A_577 = arith.mulf %mul3A_576, %get3A_530 : vector<16xf32>
      %add3A_578 = arith.addf %add3A_574, %mul3A_577 : vector<16xf32>
      %mul3A_579 = arith.constant 0.0113437362 : f32
      %mul3A_580 = vector.broadcast %mul3A_579 : f32 to vector<16xf32>
      %mul3A_581 = arith.mulf %mul3A_580, %get3A_538 : vector<16xf32>
      %add3A_582 = arith.addf %add3A_578, %mul3A_581 : vector<16xf32>
      %mul3A_583 = arith.constant 0.0838195086 : f32
      %mul3A_584 = vector.broadcast %mul3A_583 : f32 to vector<16xf32>
      %mul3A_585 = arith.mulf %mul3A_584, %get3A_546 : vector<16xf32>
      %add3A_586 = arith.addf %add3A_582, %mul3A_585 : vector<16xf32>
      %mul3A_587 = arith.constant 0.0113437362 : f32
      %mul3A_588 = vector.broadcast %mul3A_587 : f32 to vector<16xf32>
      %mul3A_589 = arith.mulf %mul3A_588, %get3A_554 : vector<16xf32>
      %add3A_590 = arith.addf %add3A_586, %mul3A_589 : vector<16xf32>
      %mul3A_591 = arith.constant 256 : i32
      %mul3A_592 = arith.muli %add3A_64, %mul3A_591 : i32
      %add3A_593 = arith.constant 48 : i32
      %add3A_594 = arith.addi %mul3A_592, %add3A_593 : i32
      %get3A_595 = arith.index_cast %add3A_594 : i32 to index
      %get3A_596 = tpu.vector_load %arg14[%get3A_595] {strides = array<i32>} : memref<4096xf32, #tpu.memory_space<vmem>>, vector<16xf32>,
      %mul3A_597 = arith.constant 5.000000e-01 : f32
      %mul3A_598 = vector.broadcast %mul3A_597 : f32 to vector<16xf32>
      %mul3A_599 = arith.mulf %mul3A_598, %get3A_596 : vector<16xf32>
      %exp3A_600 = math.exp %mul3A_599 : vector<16xf32>
      %get3A_601 = arith.index_cast %add3A_594 : i32 to index
      %get3A_602 = tpu.vector_load %arg16[%get3A_601] {strides = array<i32>} : memref<4096xf32, #tpu.memory_space<vmem>>, vector<16xf32>,
      %mul3A_603 = arith.mulf %get3A_602, %exp3A_600 : vector<16xf32>
      %add3A_604 = arith.addf %add3A_590, %mul3A_603 : vector<16xf32>
      %neg3A_605 = arith.constant 0.000000e+00 : f32
      %neg3A_606 = vector.broadcast %neg3A_605 : f32 to vector<16xf32>
      %neg3A_607 = arith.subf %neg3A_606, %add3A_604 : vector<16xf32>
      %exp3A_608 = math.exp %neg3A_607 : vector<16xf32>
      %add3A_609 = arith.constant 1.000000e+00 : f32
      %add3A_610 = vector.broadcast %add3A_609 : f32 to vector<16xf32>
      %add3A_611 = arith.addf %add3A_610, %exp3A_608 : vector<16xf32>
      %div3A_612 = arith.constant 1.000000e+00 : f32
      %div3A_613 = vector.broadcast %div3A_612 : f32 to vector<16xf32>
      %div3A_614 = arith.divf %div3A_613, %add3A_611 : vector<16xf32>
      %swap3A_615 = arith.index_cast %add3A_594 : i32 to index
      %swap3A_616 = tpu.vector_load %arg18[%swap3A_615] {strides = array<i32>} : memref<4096xf32, #tpu.memory_space<vmem>>, vector<16xf32>,
      tpu.vector_store %arg18[%swap3A_615], %div3A_614 {strides = array<i32>} : memref<4096xf32, #tpu.memory_space<vmem>>, vector<16xf32>,
      %add3A_617 = arith.constant -256 : i32
      %add3A_618 = arith.addi %add3A_70, %add3A_617 : i32
      %add3A_619 = arith.constant 64 : i32
      %add3A_620 = arith.addi %add3A_618, %add3A_619 : i32
      %add3A_621 = arith.constant -1 : i32
      %add3A_622 = arith.addi %add3A_620, %add3A_621 : i32
      %get3A_623 = arith.index_cast %add3A_622 : i32 to index
      %get3A_624 = tpu.vector_load %arg15[%get3A_623] {strides = array<i32>} : memref<4624xf32, #tpu.memory_space<vmem>>, vector<16xf32>,
      %add3A_625 = arith.constant -256 : i32
      %add3A_626 = arith.addi %add3A_70, %add3A_625 : i32
      %add3A_627 = arith.constant 64 : i32
      %add3A_628 = arith.addi %add3A_626, %add3A_627 : i32
      %add3A_629 = arith.constant 0 : i32
      %add3A_630 = arith.addi %add3A_628, %add3A_629 : i32
      %get3A_631 = arith.index_cast %add3A_630 : i32 to index
      %get3A_632 = tpu.vector_load %arg15[%get3A_631] {strides = array<i32>} : memref<4624xf32, #tpu.memory_space<vmem>>, vector<16xf32>,
      %add3A_633 = arith.constant -256 : i32
      %add3A_634 = arith.addi %add3A_70, %add3A_633 : i32
      %add3A_635 = arith.constant 64 : i32
      %add3A_636 = arith.addi %add3A_634, %add3A_635 : i32
      %add3A_637 = arith.constant 1 : i32
      %add3A_638 = arith.addi %add3A_636, %add3A_637 : i32
      %get3A_639 = arith.index_cast %add3A_638 : i32 to index
      %get3A_640 = tpu.vector_load %arg15[%get3A_639] {strides = array<i32>} : memref<4624xf32, #tpu.memory_space<vmem>>, vector<16xf32>,
      %add3A_641 = arith.constant 0 : i32
      %add3A_642 = arith.addi %add3A_70, %add3A_641 : i32
      %add3A_643 = arith.constant 64 : i32
      %add3A_644 = arith.addi %add3A_642, %add3A_643 : i32
      %add3A_645 = arith.constant -1 : i32
      %add3A_646 = arith.addi %add3A_644, %add3A_645 : i32
      %get3A_647 = arith.index_cast %add3A_646 : i32 to index
      %get3A_648 = tpu.vector_load %arg15[%get3A_647] {strides = array<i32>} : memref<4624xf32, #tpu.memory_space<vmem>>, vector<16xf32>,
      %add3A_649 = arith.constant 0 : i32
      %add3A_650 = arith.addi %add3A_70, %add3A_649 : i32
      %add3A_651 = arith.constant 64 : i32
      %add3A_652 = arith.addi %add3A_650, %add3A_651 : i32
      %add3A_653 = arith.constant 0 : i32
      %add3A_654 = arith.addi %add3A_652, %add3A_653 : i32
      %get3A_655 = arith.index_cast %add3A_654 : i32 to index
      %get3A_656 = tpu.vector_load %arg15[%get3A_655] {strides = array<i32>} : memref<4624xf32, #tpu.memory_space<vmem>>, vector<16xf32>,
      %add3A_657 = arith.constant 0 : i32
      %add3A_658 = arith.addi %add3A_70, %add3A_657 : i32
      %add3A_659 = arith.constant 64 : i32
      %add3A_660 = arith.addi %add3A_658, %add3A_659 : i32
      %add3A_661 = arith.constant 1 : i32
      %add3A_662 = arith.addi %add3A_660, %add3A_661 : i32
      %get3A_663 = arith.index_cast %add3A_662 : i32 to index
      %get3A_664 = tpu.vector_load %arg15[%get3A_663] {strides = array<i32>} : memref<4624xf32, #tpu.memory_space<vmem>>, vector<16xf32>,
      %add3A_665 = arith.constant 256 : i32
      %add3A_666 = arith.addi %add3A_70, %add3A_665 : i32
      %add3A_667 = arith.constant 64 : i32
      %add3A_668 = arith.addi %add3A_666, %add3A_667 : i32
      %add3A_669 = arith.constant -1 : i32
      %add3A_670 = arith.addi %add3A_668, %add3A_669 : i32
      %get3A_671 = arith.index_cast %add3A_670 : i32 to index
      %get3A_672 = tpu.vector_load %arg15[%get3A_671] {strides = array<i32>} : memref<4624xf32, #tpu.memory_space<vmem>>, vector<16xf32>,
      %add3A_673 = arith.constant 256 : i32
      %add3A_674 = arith.addi %add3A_70, %add3A_673 : i32
      %add3A_675 = arith.constant 64 : i32
      %add3A_676 = arith.addi %add3A_674, %add3A_675 : i32
      %add3A_677 = arith.constant 0 : i32
      %add3A_678 = arith.addi %add3A_676, %add3A_677 : i32
      %get3A_679 = arith.index_cast %add3A_678 : i32 to index
      %get3A_680 = tpu.vector_load %arg15[%get3A_679] {strides = array<i32>} : memref<4624xf32, #tpu.memory_space<vmem>>, vector<16xf32>,
      %add3A_681 = arith.constant 256 : i32
      %add3A_682 = arith.addi %add3A_70, %add3A_681 : i32
      %add3A_683 = arith.constant 64 : i32
      %add3A_684 = arith.addi %add3A_682, %add3A_683 : i32
      %add3A_685 = arith.constant 1 : i32
      %add3A_686 = arith.addi %add3A_684, %add3A_685 : i32
      %get3A_687 = arith.index_cast %add3A_686 : i32 to index
      %get3A_688 = tpu.vector_load %arg15[%get3A_687] {strides = array<i32>} : memref<4624xf32, #tpu.memory_space<vmem>>, vector<16xf32>,
      %mul3A_689 = arith.constant 0.0113437362 : f32
      %mul3A_690 = vector.broadcast %mul3A_689 : f32 to vector<16xf32>
      %mul3A_691 = arith.mulf %mul3A_690, %get3A_624 : vector<16xf32>
      %add3A_692 = arith.addf %broadcast_in_dim3A_3, %mul3A_691 : vector<16xf32>
      %mul3A_693 = arith.constant 0.0838195086 : f32
      %mul3A_694 = vector.broadcast %mul3A_693 : f32 to vector<16xf32>
      %mul3A_695 = arith.mulf %mul3A_694, %get3A_632 : vector<16xf32>
      %add3A_696 = arith.addf %add3A_692, %mul3A_695 : vector<16xf32>
      %mul3A_697 = arith.constant 0.0113437362 : f32
      %mul3A_698 = vector.broadcast %mul3A_697 : f32 to vector<16xf32>
      %mul3A_699 = arith.mulf %mul3A_698, %get3A_640 : vector<16xf32>
      %add3A_700 = arith.addf %add3A_696, %mul3A_699 : vector<16xf32>
      %mul3A_701 = arith.constant 0.0838195086 : f32
      %mul3A_702 = vector.broadcast %mul3A_701 : f32 to vector<16xf32>
      %mul3A_703 = arith.mulf %mul3A_702, %get3A_648 : vector<16xf32>
      %add3A_704 = arith.addf %add3A_700, %mul3A_703 : vector<16xf32>
      %mul3A_705 = arith.constant 0.619347035 : f32
      %mul3A_706 = vector.broadcast %mul3A_705 : f32 to vector<16xf32>
      %mul3A_707 = arith.mulf %mul3A_706, %get3A_656 : vector<16xf32>
      %add3A_708 = arith.addf %add3A_704, %mul3A_707 : vector<16xf32>
      %mul3A_709 = arith.constant 0.0838195086 : f32
      %mul3A_710 = vector.broadcast %mul3A_709 : f32 to vector<16xf32>
      %mul3A_711 = arith.mulf %mul3A_710, %get3A_664 : vector<16xf32>
      %add3A_712 = arith.addf %add3A_708, %mul3A_711 : vector<16xf32>
      %mul3A_713 = arith.constant 0.0113437362 : f32
      %mul3A_714 = vector.broadcast %mul3A_713 : f32 to vector<16xf32>
      %mul3A_715 = arith.mulf %mul3A_714, %get3A_672 : vector<16xf32>
      %add3A_716 = arith.addf %add3A_712, %mul3A_715 : vector<16xf32>
      %mul3A_717 = arith.constant 0.0838195086 : f32
      %mul3A_718 = vector.broadcast %mul3A_717 : f32 to vector<16xf32>
      %mul3A_719 = arith.mulf %mul3A_718, %get3A_680 : vector<16xf32>
      %add3A_720 = arith.addf %add3A_716, %mul3A_719 : vector<16xf32>
      %mul3A_721 = arith.constant 0.0113437362 : f32
      %mul3A_722 = vector.broadcast %mul3A_721 : f32 to vector<16xf32>
      %mul3A_723 = arith.mulf %mul3A_722, %get3A_688 : vector<16xf32>
      %add3A_724 = arith.addf %add3A_720, %mul3A_723 : vector<16xf32>
      %mul3A_725 = arith.constant 256 : i32
      %mul3A_726 = arith.muli %add3A_64, %mul3A_725 : i32
      %add3A_727 = arith.constant 64 : i32
      %add3A_728 = arith.addi %mul3A_726, %add3A_727 : i32
      %get3A_729 = arith.index_cast %add3A_728 : i32 to index
      %get3A_730 = tpu.vector_load %arg14[%get3A_729] {strides = array<i32>} : memref<4096xf32, #tpu.memory_space<vmem>>, vector<16xf32>,
      %mul3A_731 = arith.constant 5.000000e-01 : f32
      %mul3A_732 = vector.broadcast %mul3A_731 : f32 to vector<16xf32>
      %mul3A_733 = arith.mulf %mul3A_732, %get3A_730 : vector<16xf32>
      %exp3A_734 = math.exp %mul3A_733 : vector<16xf32>
      %get3A_735 = arith.index_cast %add3A_728 : i32 to index
      %get3A_736 = tpu.vector_load %arg16[%get3A_735] {strides = array<i32>} : memref<4096xf32, #tpu.memory_space<vmem>>, vector<16xf32>,
      %mul3A_737 = arith.mulf %get3A_736, %exp3A_734 : vector<16xf32>
      %add3A_738 = arith.addf %add3A_724, %mul3A_737 : vector<16xf32>
      %neg3A_739 = arith.constant 0.000000e+00 : f32
      %neg3A_740 = vector.broadcast %neg3A_739 : f32 to vector<16xf32>
      %neg3A_741 = arith.subf %neg3A_740, %add3A_738 : vector<16xf32>
      %exp3A_742 = math.exp %neg3A_741 : vector<16xf32>
      %add3A_743 = arith.constant 1.000000e+00 : f32
      %add3A_744 = vector.broadcast %add3A_743 : f32 to vector<16xf32>
      %add3A_745 = arith.addf %add3A_744, %exp3A_742 : vector<16xf32>
      %div3A_746 = arith.constant 1.000000e+00 : f32
      %div3A_747 = vector.broadcast %div3A_746 : f32 to vector<16xf32>
      %div3A_748 = arith.divf %div3A_747, %add3A_745 : vector<16xf32>
      %swap3A_749 = arith.index_cast %add3A_728 : i32 to index
      %swap3A_750 = tpu.vector_load %arg18[%swap3A_749] {strides = array<i32>} : memref<4096xf32, #tpu.memory_space<vmem>>, vector<16xf32>,
      tpu.vector_store %arg18[%swap3A_749], %div3A_748 {strides = array<i32>} : memref<4096xf32, #tpu.memory_space<vmem>>, vector<16xf32>,
      %add3A_751 = arith.constant -256 : i32
      %add3A_752 = arith.addi %add3A_70, %add3A_751 : i32
      %add3A_753 = arith.constant 80 : i32
      %add3A_754 = arith.addi %add3A_752, %add3A_753 : i32
      %add3A_755 = arith.constant -1 : i32
      %add3A_756 = arith.addi %add3A_754, %add3A_755 : i32
      %get3A_757 = arith.index_cast %add3A_756 : i32 to index
      %get3A_758 = tpu.vector_load %arg15[%get3A_757] {strides = array<i32>} : memref<4624xf32, #tpu.memory_space<vmem>>, vector<16xf32>,
      %add3A_759 = arith.constant -256 : i32
      %add3A_760 = arith.addi %add3A_70, %add3A_759 : i32
      %add3A_761 = arith.constant 80 : i32
      %add3A_762 = arith.addi %add3A_760, %add3A_761 : i32
      %add3A_763 = arith.constant 0 : i32
      %add3A_764 = arith.addi %add3A_762, %add3A_763 : i32
      %get3A_765 = arith.index_cast %add3A_764 : i32 to index
      %get3A_766 = tpu.vector_load %arg15[%get3A_765] {strides = array<i32>} : memref<4624xf32, #tpu.memory_space<vmem>>, vector<16xf32>,
      %add3A_767 = arith.constant -256 : i32
      %add3A_768 = arith.addi %add3A_70, %add3A_767 : i32
      %add3A_769 = arith.constant 80 : i32
      %add3A_770 = arith.addi %add3A_768, %add3A_769 : i32
      %add3A_771 = arith.constant 1 : i32
      %add3A_772 = arith.addi %add3A_770, %add3A_771 : i32
      %get3A_773 = arith.index_cast %add3A_772 : i32 to index
      %get3A_774 = tpu.vector_load %arg15[%get3A_773] {strides = array<i32>} : memref<4624xf32, #tpu.memory_space<vmem>>, vector<16xf32>,
      %add3A_775 = arith.constant 0 : i32
      %add3A_776 = arith.addi %add3A_70, %add3A_775 : i32
      %add3A_777 = arith.constant 80 : i32
      %add3A_778 = arith.addi %add3A_776, %add3A_777 : i32
      %add3A_779 = arith.constant -1 : i32
      %add3A_780 = arith.addi %add3A_778, %add3A_779 : i32
      %get3A_781 = arith.index_cast %add3A_780 : i32 to index
      %get3A_782 = tpu.vector_load %arg15[%get3A_781] {strides = array<i32>} : memref<4624xf32, #tpu.memory_space<vmem>>, vector<16xf32>,
      %add3A_783 = arith.constant 0 : i32
      %add3A_784 = arith.addi %add3A_70, %add3A_783 : i32
      %add3A_785 = arith.constant 80 : i32
      %add3A_786 = arith.addi %add3A_784, %add3A_785 : i32
      %add3A_787 = arith.constant 0 : i32
      %add3A_788 = arith.addi %add3A_786, %add3A_787 : i32
      %get3A_789 = arith.index_cast %add3A_788 : i32 to index
      %get3A_790 = tpu.vector_load %arg15[%get3A_789] {strides = array<i32>} : memref<4624xf32, #tpu.memory_space<vmem>>, vector<16xf32>,
      %add3A_791 = arith.constant 0 : i32
      %add3A_792 = arith.addi %add3A_70, %add3A_791 : i32
      %add3A_793 = arith.constant 80 : i32
      %add3A_794 = arith.addi %add3A_792, %add3A_793 : i32
      %add3A_795 = arith.constant 1 : i32
      %add3A_796 = arith.addi %add3A_794, %add3A_795 : i32
      %get3A_797 = arith.index_cast %add3A_796 : i32 to index
      %get3A_798 = tpu.vector_load %arg15[%get3A_797] {strides = array<i32>} : memref<4624xf32, #tpu.memory_space<vmem>>, vector<16xf32>,
      %add3A_799 = arith.constant 256 : i32
      %add3A_800 = arith.addi %add3A_70, %add3A_799 : i32
      %add3A_801 = arith.constant 80 : i32
      %add3A_802 = arith.addi %add3A_800, %add3A_801 : i32
      %add3A_803 = arith.constant -1 : i32
      %add3A_804 = arith.addi %add3A_802, %add3A_803 : i32
      %get3A_805 = arith.index_cast %add3A_804 : i32 to index
      %get3A_806 = tpu.vector_load %arg15[%get3A_805] {strides = array<i32>} : memref<4624xf32, #tpu.memory_space<vmem>>, vector<16xf32>,
      %add3A_807 = arith.constant 256 : i32
      %add3A_808 = arith.addi %add3A_70, %add3A_807 : i32
      %add3A_809 = arith.constant 80 : i32
      %add3A_810 = arith.addi %add3A_808, %add3A_809 : i32
      %add3A_811 = arith.constant 0 : i32
      %add3A_812 = arith.addi %add3A_810, %add3A_811 : i32
      %get3A_813 = arith.index_cast %add3A_812 : i32 to index
      %get3A_814 = tpu.vector_load %arg15[%get3A_813] {strides = array<i32>} : memref<4624xf32, #tpu.memory_space<vmem>>, vector<16xf32>,
      %add3A_815 = arith.constant 256 : i32
      %add3A_816 = arith.addi %add3A_70, %add3A_815 : i32
      %add3A_817 = arith.constant 80 : i32
      %add3A_818 = arith.addi %add3A_816, %add3A_817 : i32
      %add3A_819 = arith.constant 1 : i32
      %add3A_820 = arith.addi %add3A_818, %add3A_819 : i32
      %get3A_821 = arith.index_cast %add3A_820 : i32 to index
      %get3A_822 = tpu.vector_load %arg15[%get3A_821] {strides = array<i32>} : memref<4624xf32, #tpu.memory_space<vmem>>, vector<16xf32>,
      %mul3A_823 = arith.constant 0.0113437362 : f32
      %mul3A_824 = vector.broadcast %mul3A_823 : f32 to vector<16xf32>
      %mul3A_825 = arith.mulf %mul3A_824, %get3A_758 : vector<16xf32>
      %add3A_826 = arith.addf %broadcast_in_dim3A_3, %mul3A_825 : vector<16xf32>
      %mul3A_827 = arith.constant 0.0838195086 : f32
      %mul3A_828 = vector.broadcast %mul3A_827 : f32 to vector<16xf32>
      %mul3A_829 = arith.mulf %mul3A_828, %get3A_766 : vector<16xf32>
      %add3A_830 = arith.addf %add3A_826, %mul3A_829 : vector<16xf32>
      %mul3A_831 = arith.constant 0.0113437362 : f32
      %mul3A_832 = vector.broadcast %mul3A_831 : f32 to vector<16xf32>
      %mul3A_833 = arith.mulf %mul3A_832, %get3A_774 : vector<16xf32>
      %add3A_834 = arith.addf %add3A_830, %mul3A_833 : vector<16xf32>
      %mul3A_835 = arith.constant 0.0838195086 : f32
      %mul3A_836 = vector.broadcast %mul3A_835 : f32 to vector<16xf32>
      %mul3A_837 = arith.mulf %mul3A_836, %get3A_782 : vector<16xf32>
      %add3A_838 = arith.addf %add3A_834, %mul3A_837 : vector<16xf32>
      %mul3A_839 = arith.constant 0.619347035 : f32
      %mul3A_840 = vector.broadcast %mul3A_839 : f32 to vector<16xf32>
      %mul3A_841 = arith.mulf %mul3A_840, %get3A_790 : vector<16xf32>
      %add3A_842 = arith.addf %add3A_838, %mul3A_841 : vector<16xf32>
      %mul3A_843 = arith.constant 0.0838195086 : f32
      %mul3A_844 = vector.broadcast %mul3A_843 : f32 to vector<16xf32>
      %mul3A_845 = arith.mulf %mul3A_844, %get3A_798 : vector<16xf32>
      %add3A_846 = arith.addf %add3A_842, %mul3A_845 : vector<16xf32>
      %mul3A_847 = arith.constant 0.0113437362 : f32
      %mul3A_848 = vector.broadcast %mul3A_847 : f32 to vector<16xf32>
      %mul3A_849 = arith.mulf %mul3A_848, %get3A_806 : vector<16xf32>
      %add3A_850 = arith.addf %add3A_846, %mul3A_849 : vector<16xf32>
      %mul3A_851 = arith.constant 0.0838195086 : f32
      %mul3A_852 = vector.broadcast %mul3A_851 : f32 to vector<16xf32>
      %mul3A_853 = arith.mulf %mul3A_852, %get3A_814 : vector<16xf32>
      %add3A_854 = arith.addf %add3A_850, %mul3A_853 : vector<16xf32>
      %mul3A_855 = arith.constant 0.0113437362 : f32
      %mul3A_856 = vector.broadcast %mul3A_855 : f32 to vector<16xf32>
      %mul3A_857 = arith.mulf %mul3A_856, %get3A_822 : vector<16xf32>
      %add3A_858 = arith.addf %add3A_854, %mul3A_857 : vector<16xf32>
      %mul3A_859 = arith.constant 256 : i32
      %mul3A_860 = arith.muli %add3A_64, %mul3A_859 : i32
      %add3A_861 = arith.constant 80 : i32
      %add3A_862 = arith.addi %mul3A_860, %add3A_861 : i32
      %get3A_863 = arith.index_cast %add3A_862 : i32 to index
      %get3A_864 = tpu.vector_load %arg14[%get3A_863] {strides = array<i32>} : memref<4096xf32, #tpu.memory_space<vmem>>, vector<16xf32>,
      %mul3A_865 = arith.constant 5.000000e-01 : f32
      %mul3A_866 = vector.broadcast %mul3A_865 : f32 to vector<16xf32>
      %mul3A_867 = arith.mulf %mul3A_866, %get3A_864 : vector<16xf32>
      %exp3A_868 = math.exp %mul3A_867 : vector<16xf32>
      %get3A_869 = arith.index_cast %add3A_862 : i32 to index
      %get3A_870 = tpu.vector_load %arg16[%get3A_869] {strides = array<i32>} : memref<4096xf32, #tpu.memory_space<vmem>>, vector<16xf32>,
      %mul3A_871 = arith.mulf %get3A_870, %exp3A_868 : vector<16xf32>
      %add3A_872 = arith.addf %add3A_858, %mul3A_871 : vector<16xf32>
      %neg3A_873 = arith.constant 0.000000e+00 : f32
      %neg3A_874 = vector.broadcast %neg3A_873 : f32 to vector<16xf32>
      %neg3A_875 = arith.subf %neg3A_874, %add3A_872 : vector<16xf32>
      %exp3A_876 = math.exp %neg3A_875 : vector<16xf32>
      %add3A_877 = arith.constant 1.000000e+00 : f32
      %add3A_878 = vector.broadcast %add3A_877 : f32 to vector<16xf32>
      %add3A_879 = arith.addf %add3A_878, %exp3A_876 : vector<16xf32>
      %div3A_880 = arith.constant 1.000000e+00 : f32
      %div3A_881 = vector.broadcast %div3A_880 : f32 to vector<16xf32>
      %div3A_882 = arith.divf %div3A_881, %add3A_879 : vector<16xf32>
      %swap3A_883 = arith.index_cast %add3A_862 : i32 to index
      %swap3A_884 = tpu.vector_load %arg18[%swap3A_883] {strides = array<i32>} : memref<4096xf32, #tpu.memory_space<vmem>>, vector<16xf32>,
      tpu.vector_store %arg18[%swap3A_883], %div3A_882 {strides = array<i32>} : memref<4096xf32, #tpu.memory_space<vmem>>, vector<16xf32>,
      %add3A_885 = arith.constant -256 : i32
      %add3A_886 = arith.addi %add3A_70, %add3A_885 : i32
      %add3A_887 = arith.constant 96 : i32
      %add3A_888 = arith.addi %add3A_886, %add3A_887 : i32
      %add3A_889 = arith.constant -1 : i32
      %add3A_890 = arith.addi %add3A_888, %add3A_889 : i32
      %get3A_891 = arith.index_cast %add3A_890 : i32 to index
      %get3A_892 = tpu.vector_load %arg15[%get3A_891] {strides = array<i32>} : memref<4624xf32, #tpu.memory_space<vmem>>, vector<16xf32>,
      %add3A_893 = arith.constant -256 : i32
      %add3A_894 = arith.addi %add3A_70, %add3A_893 : i32
      %add3A_895 = arith.constant 96 : i32
      %add3A_896 = arith.addi %add3A_894, %add3A_895 : i32
      %add3A_897 = arith.constant 0 : i32
      %add3A_898 = arith.addi %add3A_896, %add3A_897 : i32
      %get3A_899 = arith.index_cast %add3A_898 : i32 to index
      %get3A_900 = tpu.vector_load %arg15[%get3A_899] {strides = array<i32>} : memref<4624xf32, #tpu.memory_space<vmem>>, vector<16xf32>,
      %add3A_901 = arith.constant -256 : i32
      %add3A_902 = arith.addi %add3A_70, %add3A_901 : i32
      %add3A_903 = arith.constant 96 : i32
      %add3A_904 = arith.addi %add3A_902, %add3A_903 : i32
      %add3A_905 = arith.constant 1 : i32
      %add3A_906 = arith.addi %add3A_904, %add3A_905 : i32
      %get3A_907 = arith.index_cast %add3A_906 : i32 to index
      %get3A_908 = tpu.vector_load %arg15[%get3A_907] {strides = array<i32>} : memref<4624xf32, #tpu.memory_space<vmem>>, vector<16xf32>,
      %add3A_909 = arith.constant 0 : i32
      %add3A_910 = arith.addi %add3A_70, %add3A_909 : i32
      %add3A_911 = arith.constant 96 : i32
      %add3A_912 = arith.addi %add3A_910, %add3A_911 : i32
      %add3A_913 = arith.constant -1 : i32
      %add3A_914 = arith.addi %add3A_912, %add3A_913 : i32
      %get3A_915 = arith.index_cast %add3A_914 : i32 to index
      %get3A_916 = tpu.vector_load %arg15[%get3A_915] {strides = array<i32>} : memref<4624xf32, #tpu.memory_space<vmem>>, vector<16xf32>,
      %add3A_917 = arith.constant 0 : i32
      %add3A_918 = arith.addi %add3A_70, %add3A_917 : i32
      %add3A_919 = arith.constant 96 : i32
      %add3A_920 = arith.addi %add3A_918, %add3A_919 : i32
      %add3A_921 = arith.constant 0 : i32
      %add3A_922 = arith.addi %add3A_920, %add3A_921 : i32
      %get3A_923 = arith.index_cast %add3A_922 : i32 to index
      %get3A_924 = tpu.vector_load %arg15[%get3A_923] {strides = array<i32>} : memref<4624xf32, #tpu.memory_space<vmem>>, vector<16xf32>,
      %add3A_925 = arith.constant 0 : i32
      %add3A_926 = arith.addi %add3A_70, %add3A_925 : i32
      %add3A_927 = arith.constant 96 : i32
      %add3A_928 = arith.addi %add3A_926, %add3A_927 : i32
      %add3A_929 = arith.constant 1 : i32
      %add3A_930 = arith.addi %add3A_928, %add3A_929 : i32
      %get3A_931 = arith.index_cast %add3A_930 : i32 to index
      %get3A_932 = tpu.vector_load %arg15[%get3A_931] {strides = array<i32>} : memref<4624xf32, #tpu.memory_space<vmem>>, vector<16xf32>,
      %add3A_933 = arith.constant 256 : i32
      %add3A_934 = arith.addi %add3A_70, %add3A_933 : i32
      %add3A_935 = arith.constant 96 : i32
      %add3A_936 = arith.addi %add3A_934, %add3A_935 : i32
      %add3A_937 = arith.constant -1 : i32
      %add3A_938 = arith.addi %add3A_936, %add3A_937 : i32
      %get3A_939 = arith.index_cast %add3A_938 : i32 to index
      %get3A_940 = tpu.vector_load %arg15[%get3A_939] {strides = array<i32>} : memref<4624xf32, #tpu.memory_space<vmem>>, vector<16xf32>,
      %add3A_941 = arith.constant 256 : i32
      %add3A_942 = arith.addi %add3A_70, %add3A_941 : i32
      %add3A_943 = arith.constant 96 : i32
      %add3A_944 = arith.addi %add3A_942, %add3A_943 : i32
      %add3A_945 = arith.constant 0 : i32
      %add3A_946 = arith.addi %add3A_944, %add3A_945 : i32
      %get3A_947 = arith.index_cast %add3A_946 : i32 to index
      %get3A_948 = tpu.vector_load %arg15[%get3A_947] {strides = array<i32>} : memref<4624xf32, #tpu.memory_space<vmem>>, vector<16xf32>,
      %add3A_949 = arith.constant 256 : i32
      %add3A_950 = arith.addi %add3A_70, %add3A_949 : i32
      %add3A_951 = arith.constant 96 : i32
      %add3A_952 = arith.addi %add3A_950, %add3A_951 : i32
      %add3A_953 = arith.constant 1 : i32
      %add3A_954 = arith.addi %add3A_952, %add3A_953 : i32
      %get3A_955 = arith.index_cast %add3A_954 : i32 to index
      %get3A_956 = tpu.vector_load %arg15[%get3A_955] {strides = array<i32>} : memref<4624xf32, #tpu.memory_space<vmem>>, vector<16xf32>,
      %mul3A_957 = arith.constant 0.0113437362 : f32
      %mul3A_958 = vector.broadcast %mul3A_957 : f32 to vector<16xf32>
      %mul3A_959 = arith.mulf %mul3A_958, %get3A_892 : vector<16xf32>
      %add3A_960 = arith.addf %broadcast_in_dim3A_3, %mul3A_959 : vector<16xf32>
      %mul3A_961 = arith.constant 0.0838195086 : f32
      %mul3A_962 = vector.broadcast %mul3A_961 : f32 to vector<16xf32>
      %mul3A_963 = arith.mulf %mul3A_962, %get3A_900 : vector<16xf32>
      %add3A_964 = arith.addf %add3A_960, %mul3A_963 : vector<16xf32>
      %mul3A_965 = arith.constant 0.0113437362 : f32
      %mul3A_966 = vector.broadcast %mul3A_965 : f32 to vector<16xf32>
      %mul3A_967 = arith.mulf %mul3A_966, %get3A_908 : vector<16xf32>
      %add3A_968 = arith.addf %add3A_964, %mul3A_967 : vector<16xf32>
      %mul3A_969 = arith.constant 0.0838195086 : f32
      %mul3A_970 = vector.broadcast %mul3A_969 : f32 to vector<16xf32>
      %mul3A_971 = arith.mulf %mul3A_970, %get3A_916 : vector<16xf32>
      %add3A_972 = arith.addf %add3A_968, %mul3A_971 : vector<16xf32>
      %mul3A_973 = arith.constant 0.619347035 : f32
      %mul3A_974 = vector.broadcast %mul3A_973 : f32 to vector<16xf32>
      %mul3A_975 = arith.mulf %mul3A_974, %get3A_924 : vector<16xf32>
      %add3A_976 = arith.addf %add3A_972, %mul3A_975 : vector<16xf32>
      %mul3A_977 = arith.constant 0.0838195086 : f32
      %mul3A_978 = vector.broadcast %mul3A_977 : f32 to vector<16xf32>
      %mul3A_979 = arith.mulf %mul3A_978, %get3A_932 : vector<16xf32>
      %add3A_980 = arith.addf %add3A_976, %mul3A_979 : vector<16xf32>
      %mul3A_981 = arith.constant 0.0113437362 : f32
      %mul3A_982 = vector.broadcast %mul3A_981 : f32 to vector<16xf32>
      %mul3A_983 = arith.mulf %mul3A_982, %get3A_940 : vector<16xf32>
      %add3A_984 = arith.addf %add3A_980, %mul3A_983 : vector<16xf32>
      %mul3A_985 = arith.constant 0.0838195086 : f32
      %mul3A_986 = vector.broadcast %mul3A_985 : f32 to vector<16xf32>
      %mul3A_987 = arith.mulf %mul3A_986, %get3A_948 : vector<16xf32>
      %add3A_988 = arith.addf %add3A_984, %mul3A_987 : vector<16xf32>
      %mul3A_989 = arith.constant 0.0113437362 : f32
      %mul3A_990 = vector.broadcast %mul3A_989 : f32 to vector<16xf32>
      %mul3A_991 = arith.mulf %mul3A_990, %get3A_956 : vector<16xf32>
      %add3A_992 = arith.addf %add3A_988, %mul3A_991 : vector<16xf32>
      %mul3A_993 = arith.constant 256 : i32
      %mul3A_994 = arith.muli %add3A_64, %mul3A_993 : i32
      %add3A_995 = arith.constant 96 : i32
      %add3A_996 = arith.addi %mul3A_994, %add3A_995 : i32
      %get3A_997 = arith.index_cast %add3A_996 : i32 to index
      %get3A_998 = tpu.vector_load %arg14[%get3A_997] {strides = array<i32>} : memref<4096xf32, #tpu.memory_space<vmem>>, vector<16xf32>,
      %mul3A_999 = arith.constant 5.000000e-01 : f32
      %mul3A_1000 = vector.broadcast %mul3A_999 : f32 to vector<16xf32>
      %mul3A_1001 = arith.mulf %mul3A_1000, %get3A_998 : vector<16xf32>
      %exp3A_1002 = math.exp %mul3A_1001 : vector<16xf32>
      %get3A_1003 = arith.index_cast %add3A_996 : i32 to index
      %get3A_1004 = tpu.vector_load %arg16[%get3A_1003] {strides = array<i32>} : memref<4096xf32, #tpu.memory_space<vmem>>, vector<16xf32>,
      %mul3A_1005 = arith.mulf %get3A_1004, %exp3A_1002 : vector<16xf32>
      %add3A_1006 = arith.addf %add3A_992, %mul3A_1005 : vector<16xf32>
      %neg3A_1007 = arith.constant 0.000000e+00 : f32
      %neg3A_1008 = vector.broadcast %neg3A_1007 : f32 to vector<16xf32>
      %neg3A_1009 = arith.subf %neg3A_1008, %add3A_1006 : vector<16xf32>
      %exp3A_1010 = math.exp %neg3A_1009 : vector<16xf32>
      %add3A_1011 = arith.constant 1.000000e+00 : f32
      %add3A_1012 = vector.broadcast %add3A_1011 : f32 to vector<16xf32>
      %add3A_1013 = arith.addf %add3A_1012, %exp3A_1010 : vector<16xf32>
      %div3A_1014 = arith.constant 1.000000e+00 : f32
      %div3A_1015 = vector.broadcast %div3A_1014 : f32 to vector<16xf32>
      %div3A_1016 = arith.divf %div3A_1015, %add3A_1013 : vector<16xf32>
      %swap3A_1017 = arith.index_cast %add3A_996 : i32 to index
      %swap3A_1018 = tpu.vector_load %arg18[%swap3A_1017] {strides = array<i32>} : memref<4096xf32, #tpu.memory_space<vmem>>, vector<16xf32>,
      tpu.vector_store %arg18[%swap3A_1017], %div3A_1016 {strides = array<i32>} : memref<4096xf32, #tpu.memory_space<vmem>>, vector<16xf32>,
      %add3A_1019 = arith.constant -256 : i32
      %add3A_1020 = arith.addi %add3A_70, %add3A_1019 : i32
      %add3A_1021 = arith.constant 112 : i32
      %add3A_1022 = arith.addi %add3A_1020, %add3A_1021 : i32
      %add3A_1023 = arith.constant -1 : i32
      %add3A_1024 = arith.addi %add3A_1022, %add3A_1023 : i32
      %get3A_1025 = arith.index_cast %add3A_1024 : i32 to index
      %get3A_1026 = tpu.vector_load %arg15[%get3A_1025] {strides = array<i32>} : memref<4624xf32, #tpu.memory_space<vmem>>, vector<16xf32>,
      %add3A_1027 = arith.constant -256 : i32
      %add3A_1028 = arith.addi %add3A_70, %add3A_1027 : i32
      %add3A_1029 = arith.constant 112 : i32
      %add3A_1030 = arith.addi %add3A_1028, %add3A_1029 : i32
      %add3A_1031 = arith.constant 0 : i32
      %add3A_1032 = arith.addi %add3A_1030, %add3A_1031 : i32
      %get3A_1033 = arith.index_cast %add3A_1032 : i32 to index
      %get3A_1034 = tpu.vector_load %arg15[%get3A_1033] {strides = array<i32>} : memref<4624xf32, #tpu.memory_space<vmem>>, vector<16xf32>,
      %add3A_1035 = arith.constant -256 : i32
      %add3A_1036 = arith.addi %add3A_70, %add3A_1035 : i32
      %add3A_1037 = arith.constant 112 : i32
      %add3A_1038 = arith.addi %add3A_1036, %add3A_1037 : i32
      %add3A_1039 = arith.constant 1 : i32
      %add3A_1040 = arith.addi %add3A_1038, %add3A_1039 : i32
      %get3A_1041 = arith.index_cast %add3A_1040 : i32 to index
      %get3A_1042 = tpu.vector_load %arg15[%get3A_1041] {strides = array<i32>} : memref<4624xf32, #tpu.memory_space<vmem>>, vector<16xf32>,
      %add3A_1043 = arith.constant 0 : i32
      %add3A_1044 = arith.addi %add3A_70, %add3A_1043 : i32
      %add3A_1045 = arith.constant 112 : i32
      %add3A_1046 = arith.addi %add3A_1044, %add3A_1045 : i32
      %add3A_1047 = arith.constant -1 : i32
      %add3A_1048 = arith.addi %add3A_1046, %add3A_1047 : i32
      %get3A_1049 = arith.index_cast %add3A_1048 : i32 to index
      %get3A_1050 = tpu.vector_load %arg15[%get3A_1049] {strides = array<i32>} : memref<4624xf32, #tpu.memory_space<vmem>>, vector<16xf32>,
      %add3A_1051 = arith.constant 0 : i32
      %add3A_1052 = arith.addi %add3A_70, %add3A_1051 : i32
      %add3A_1053 = arith.constant 112 : i32
      %add3A_1054 = arith.addi %add3A_1052, %add3A_1053 : i32
      %add3A_1055 = arith.constant 0 : i32
      %add3A_1056 = arith.addi %add3A_1054, %add3A_1055 : i32
      %get3A_1057 = arith.index_cast %add3A_1056 : i32 to index
      %get3A_1058 = tpu.vector_load %arg15[%get3A_1057] {strides = array<i32>} : memref<4624xf32, #tpu.memory_space<vmem>>, vector<16xf32>,
      %add3A_1059 = arith.constant 0 : i32
      %add3A_1060 = arith.addi %add3A_70, %add3A_1059 : i32
      %add3A_1061 = arith.constant 112 : i32
      %add3A_1062 = arith.addi %add3A_1060, %add3A_1061 : i32
      %add3A_1063 = arith.constant 1 : i32
      %add3A_1064 = arith.addi %add3A_1062, %add3A_1063 : i32
      %get3A_1065 = arith.index_cast %add3A_1064 : i32 to index
      %get3A_1066 = tpu.vector_load %arg15[%get3A_1065] {strides = array<i32>} : memref<4624xf32, #tpu.memory_space<vmem>>, vector<16xf32>,
      %add3A_1067 = arith.constant 256 : i32
      %add3A_1068 = arith.addi %add3A_70, %add3A_1067 : i32
      %add3A_1069 = arith.constant 112 : i32
      %add3A_1070 = arith.addi %add3A_1068, %add3A_1069 : i32
      %add3A_1071 = arith.constant -1 : i32
      %add3A_1072 = arith.addi %add3A_1070, %add3A_1071 : i32
      %get3A_1073 = arith.index_cast %add3A_1072 : i32 to index
      %get3A_1074 = tpu.vector_load %arg15[%get3A_1073] {strides = array<i32>} : memref<4624xf32, #tpu.memory_space<vmem>>, vector<16xf32>,
      %add3A_1075 = arith.constant 256 : i32
      %add3A_1076 = arith.addi %add3A_70, %add3A_1075 : i32
      %add3A_1077 = arith.constant 112 : i32
      %add3A_1078 = arith.addi %add3A_1076, %add3A_1077 : i32
      %add3A_1079 = arith.constant 0 : i32
      %add3A_1080 = arith.addi %add3A_1078, %add3A_1079 : i32
      %get3A_1081 = arith.index_cast %add3A_1080 : i32 to index
      %get3A_1082 = tpu.vector_load %arg15[%get3A_1081] {strides = array<i32>} : memref<4624xf32, #tpu.memory_space<vmem>>, vector<16xf32>,
      %add3A_1083 = arith.constant 256 : i32
      %add3A_1084 = arith.addi %add3A_70, %add3A_1083 : i32
      %add3A_1085 = arith.constant 112 : i32
      %add3A_1086 = arith.addi %add3A_1084, %add3A_1085 : i32
      %add3A_1087 = arith.constant 1 : i32
      %add3A_1088 = arith.addi %add3A_1086, %add3A_1087 : i32
      %get3A_1089 = arith.index_cast %add3A_1088 : i32 to index
      %get3A_1090 = tpu.vector_load %arg15[%get3A_1089] {strides = array<i32>} : memref<4624xf32, #tpu.memory_space<vmem>>, vector<16xf32>,
      %mul3A_1091 = arith.constant 0.0113437362 : f32
      %mul3A_1092 = vector.broadcast %mul3A_1091 : f32 to vector<16xf32>
      %mul3A_1093 = arith.mulf %mul3A_1092, %get3A_1026 : vector<16xf32>
      %add3A_1094 = arith.addf %broadcast_in_dim3A_3, %mul3A_1093 : vector<16xf32>
      %mul3A_1095 = arith.constant 0.0838195086 : f32
      %mul3A_1096 = vector.broadcast %mul3A_1095 : f32 to vector<16xf32>
      %mul3A_1097 = arith.mulf %mul3A_1096, %get3A_1034 : vector<16xf32>
      %add3A_1098 = arith.addf %add3A_1094, %mul3A_1097 : vector<16xf32>
      %mul3A_1099 = arith.constant 0.0113437362 : f32
      %mul3A_1100 = vector.broadcast %mul3A_1099 : f32 to vector<16xf32>
      %mul3A_1101 = arith.mulf %mul3A_1100, %get3A_1042 : vector<16xf32>
      %add3A_1102 = arith.addf %add3A_1098, %mul3A_1101 : vector<16xf32>
      %mul3A_1103 = arith.constant 0.0838195086 : f32
      %mul3A_1104 = vector.broadcast %mul3A_1103 : f32 to vector<16xf32>
      %mul3A_1105 = arith.mulf %mul3A_1104, %get3A_1050 : vector<16xf32>
      %add3A_1106 = arith.addf %add3A_1102, %mul3A_1105 : vector<16xf32>
      %mul3A_1107 = arith.constant 0.619347035 : f32
      %mul3A_1108 = vector.broadcast %mul3A_1107 : f32 to vector<16xf32>
      %mul3A_1109 = arith.mulf %mul3A_1108, %get3A_1058 : vector<16xf32>
      %add3A_1110 = arith.addf %add3A_1106, %mul3A_1109 : vector<16xf32>
      %mul3A_1111 = arith.constant 0.0838195086 : f32
      %mul3A_1112 = vector.broadcast %mul3A_1111 : f32 to vector<16xf32>
      %mul3A_1113 = arith.mulf %mul3A_1112, %get3A_1066 : vector<16xf32>
      %add3A_1114 = arith.addf %add3A_1110, %mul3A_1113 : vector<16xf32>
      %mul3A_1115 = arith.constant 0.0113437362 : f32
      %mul3A_1116 = vector.broadcast %mul3A_1115 : f32 to vector<16xf32>
      %mul3A_1117 = arith.mulf %mul3A_1116, %get3A_1074 : vector<16xf32>
      %add3A_1118 = arith.addf %add3A_1114, %mul3A_1117 : vector<16xf32>
      %mul3A_1119 = arith.constant 0.0838195086 : f32
      %mul3A_1120 = vector.broadcast %mul3A_1119 : f32 to vector<16xf32>
      %mul3A_1121 = arith.mulf %mul3A_1120, %get3A_1082 : vector<16xf32>
      %add3A_1122 = arith.addf %add3A_1118, %mul3A_1121 : vector<16xf32>
      %mul3A_1123 = arith.constant 0.0113437362 : f32
      %mul3A_1124 = vector.broadcast %mul3A_1123 : f32 to vector<16xf32>
      %mul3A_1125 = arith.mulf %mul3A_1124, %get3A_1090 : vector<16xf32>
      %add3A_1126 = arith.addf %add3A_1122, %mul3A_1125 : vector<16xf32>
      %mul3A_1127 = arith.constant 256 : i32
      %mul3A_1128 = arith.muli %add3A_64, %mul3A_1127 : i32
      %add3A_1129 = arith.constant 112 : i32
      %add3A_1130 = arith.addi %mul3A_1128, %add3A_1129 : i32
      %get3A_1131 = arith.index_cast %add3A_1130 : i32 to index
      %get3A_1132 = tpu.vector_load %arg14[%get3A_1131] {strides = array<i32>} : memref<4096xf32, #tpu.memory_space<vmem>>, vector<16xf32>,
      %mul3A_1133 = arith.constant 5.000000e-01 : f32
      %mul3A_1134 = vector.broadcast %mul3A_1133 : f32 to vector<16xf32>
      %mul3A_1135 = arith.mulf %mul3A_1134, %get3A_1132 : vector<16xf32>
      %exp3A_1136 = math.exp %mul3A_1135 : vector<16xf32>
      %get3A_1137 = arith.index_cast %add3A_1130 : i32 to index
      %get3A_1138 = tpu.vector_load %arg16[%get3A_1137] {strides = array<i32>} : memref<4096xf32, #tpu.memory_space<vmem>>, vector<16xf32>,
      %mul3A_1139 = arith.mulf %get3A_1138, %exp3A_1136 : vector<16xf32>
      %add3A_1140 = arith.addf %add3A_1126, %mul3A_1139 : vector<16xf32>
      %neg3A_1141 = arith.constant 0.000000e+00 : f32
      %neg3A_1142 = vector.broadcast %neg3A_1141 : f32 to vector<16xf32>
      %neg3A_1143 = arith.subf %neg3A_1142, %add3A_1140 : vector<16xf32>
      %exp3A_1144 = math.exp %neg3A_1143 : vector<16xf32>
      %add3A_1145 = arith.constant 1.000000e+00 : f32
      %add3A_1146 = vector.broadcast %add3A_1145 : f32 to vector<16xf32>
      %add3A_1147 = arith.addf %add3A_1146, %exp3A_1144 : vector<16xf32>
      %div3A_1148 = arith.constant 1.000000e+00 : f32
      %div3A_1149 = vector.broadcast %div3A_1148 : f32 to vector<16xf32>
      %div3A_1150 = arith.divf %div3A_1149, %add3A_1147 : vector<16xf32>
      %swap3A_1151 = arith.index_cast %add3A_1130 : i32 to index
      %swap3A_1152 = tpu.vector_load %arg18[%swap3A_1151] {strides = array<i32>} : memref<4096xf32, #tpu.memory_space<vmem>>, vector<16xf32>,
      tpu.vector_store %arg18[%swap3A_1151], %div3A_1150 {strides = array<i32>} : memref<4096xf32, #tpu.memory_space<vmem>>, vector<16xf32>,
      %add3A_1153 = arith.constant -256 : i32
      %add3A_1154 = arith.addi %add3A_70, %add3A_1153 : i32
      %add3A_1155 = arith.constant 128 : i32
      %add3A_1156 = arith.addi %add3A_1154, %add3A_1155 : i32
      %add3A_1157 = arith.constant -1 : i32
      %add3A_1158 = arith.addi %add3A_1156, %add3A_1157 : i32
      %get3A_1159 = arith.index_cast %add3A_1158 : i32 to index
      %get3A_1160 = tpu.vector_load %arg15[%get3A_1159] {strides = array<i32>} : memref<4624xf32, #tpu.memory_space<vmem>>, vector<16xf32>,
      %add3A_1161 = arith.constant -256 : i32
      %add3A_1162 = arith.addi %add3A_70, %add3A_1161 : i32
      %add3A_1163 = arith.constant 128 : i32
      %add3A_1164 = arith.addi %add3A_1162, %add3A_1163 : i32
      %add3A_1165 = arith.constant 0 : i32
      %add3A_1166 = arith.addi %add3A_1164, %add3A_1165 : i32
      %get3A_1167 = arith.index_cast %add3A_1166 : i32 to index
      %get3A_1168 = tpu.vector_load %arg15[%get3A_1167] {strides = array<i32>} : memref<4624xf32, #tpu.memory_space<vmem>>, vector<16xf32>,
      %add3A_1169 = arith.constant -256 : i32
      %add3A_1170 = arith.addi %add3A_70, %add3A_1169 : i32
      %add3A_1171 = arith.constant 128 : i32
      %add3A_1172 = arith.addi %add3A_1170, %add3A_1171 : i32
      %add3A_1173 = arith.constant 1 : i32
      %add3A_1174 = arith.addi %add3A_1172, %add3A_1173 : i32
      %get3A_1175 = arith.index_cast %add3A_1174 : i32 to index
      %get3A_1176 = tpu.vector_load %arg15[%get3A_1175] {strides = array<i32>} : memref<4624xf32, #tpu.memory_space<vmem>>, vector<16xf32>,
      %add3A_1177 = arith.constant 0 : i32
      %add3A_1178 = arith.addi %add3A_70, %add3A_1177 : i32
      %add3A_1179 = arith.constant 128 : i32
      %add3A_1180 = arith.addi %add3A_1178, %add3A_1179 : i32
      %add3A_1181 = arith.constant -1 : i32
      %add3A_1182 = arith.addi %add3A_1180, %add3A_1181 : i32
      %get3A_1183 = arith.index_cast %add3A_1182 : i32 to index
      %get3A_1184 = tpu.vector_load %arg15[%get3A_1183] {strides = array<i32>} : memref<4624xf32, #tpu.memory_space<vmem>>, vector<16xf32>,
      %add3A_1185 = arith.constant 0 : i32
      %add3A_1186 = arith.addi %add3A_70, %add3A_1185 : i32
      %add3A_1187 = arith.constant 128 : i32
      %add3A_1188 = arith.addi %add3A_1186, %add3A_1187 : i32
      %add3A_1189 = arith.constant 0 : i32
      %add3A_1190 = arith.addi %add3A_1188, %add3A_1189 : i32
      %get3A_1191 = arith.index_cast %add3A_1190 : i32 to index
      %get3A_1192 = tpu.vector_load %arg15[%get3A_1191] {strides = array<i32>} : memref<4624xf32, #tpu.memory_space<vmem>>, vector<16xf32>,
      %add3A_1193 = arith.constant 0 : i32
      %add3A_1194 = arith.addi %add3A_70, %add3A_1193 : i32
      %add3A_1195 = arith.constant 128 : i32
      %add3A_1196 = arith.addi %add3A_1194, %add3A_1195 : i32
      %add3A_1197 = arith.constant 1 : i32
      %add3A_1198 = arith.addi %add3A_1196, %add3A_1197 : i32
      %get3A_1199 = arith.index_cast %add3A_1198 : i32 to index
      %get3A_1200 = tpu.vector_load %arg15[%get3A_1199] {strides = array<i32>} : memref<4624xf32, #tpu.memory_space<vmem>>, vector<16xf32>,
      %add3A_1201 = arith.constant 256 : i32
      %add3A_1202 = arith.addi %add3A_70, %add3A_1201 : i32
      %add3A_1203 = arith.constant 128 : i32
      %add3A_1204 = arith.addi %add3A_1202, %add3A_1203 : i32
      %add3A_1205 = arith.constant -1 : i32
      %add3A_1206 = arith.addi %add3A_1204, %add3A_1205 : i32
      %get3A_1207 = arith.index_cast %add3A_1206 : i32 to index
      %get3A_1208 = tpu.vector_load %arg15[%get3A_1207] {strides = array<i32>} : memref<4624xf32, #tpu.memory_space<vmem>>, vector<16xf32>,
      %add3A_1209 = arith.constant 256 : i32
      %add3A_1210 = arith.addi %add3A_70, %add3A_1209 : i32
      %add3A_1211 = arith.constant 128 : i32
      %add3A_1212 = arith.addi %add3A_1210, %add3A_1211 : i32
      %add3A_1213 = arith.constant 0 : i32
      %add3A_1214 = arith.addi %add3A_1212, %add3A_1213 : i32
      %get3A_1215 = arith.index_cast %add3A_1214 : i32 to index
      %get3A_1216 = tpu.vector_load %arg15[%get3A_1215] {strides = array<i32>} : memref<4624xf32, #tpu.memory_space<vmem>>, vector<16xf32>,
      %add3A_1217 = arith.constant 256 : i32
      %add3A_1218 = arith.addi %add3A_70, %add3A_1217 : i32
      %add3A_1219 = arith.constant 128 : i32
      %add3A_1220 = arith.addi %add3A_1218, %add3A_1219 : i32
      %add3A_1221 = arith.constant 1 : i32
      %add3A_1222 = arith.addi %add3A_1220, %add3A_1221 : i32
      %get3A_1223 = arith.index_cast %add3A_1222 : i32 to index
      %get3A_1224 = tpu.vector_load %arg15[%get3A_1223] {strides = array<i32>} : memref<4624xf32, #tpu.memory_space<vmem>>, vector<16xf32>,
      %mul3A_1225 = arith.constant 0.0113437362 : f32
      %mul3A_1226 = vector.broadcast %mul3A_1225 : f32 to vector<16xf32>
      %mul3A_1227 = arith.mulf %mul3A_1226, %get3A_1160 : vector<16xf32>
      %add3A_1228 = arith.addf %broadcast_in_dim3A_3, %mul3A_1227 : vector<16xf32>
      %mul3A_1229 = arith.constant 0.0838195086 : f32
      %mul3A_1230 = vector.broadcast %mul3A_1229 : f32 to vector<16xf32>
      %mul3A_1231 = arith.mulf %mul3A_1230, %get3A_1168 : vector<16xf32>
      %add3A_1232 = arith.addf %add3A_1228, %mul3A_1231 : vector<16xf32>
      %mul3A_1233 = arith.constant 0.0113437362 : f32
      %mul3A_1234 = vector.broadcast %mul3A_1233 : f32 to vector<16xf32>
      %mul3A_1235 = arith.mulf %mul3A_1234, %get3A_1176 : vector<16xf32>
      %add3A_1236 = arith.addf %add3A_1232, %mul3A_1235 : vector<16xf32>
      %mul3A_1237 = arith.constant 0.0838195086 : f32
      %mul3A_1238 = vector.broadcast %mul3A_1237 : f32 to vector<16xf32>
      %mul3A_1239 = arith.mulf %mul3A_1238, %get3A_1184 : vector<16xf32>
      %add3A_1240 = arith.addf %add3A_1236, %mul3A_1239 : vector<16xf32>
      %mul3A_1241 = arith.constant 0.619347035 : f32
      %mul3A_1242 = vector.broadcast %mul3A_1241 : f32 to vector<16xf32>
      %mul3A_1243 = arith.mulf %mul3A_1242, %get3A_1192 : vector<16xf32>
      %add3A_1244 = arith.addf %add3A_1240, %mul3A_1243 : vector<16xf32>
      %mul3A_1245 = arith.constant 0.0838195086 : f32
      %mul3A_1246 = vector.broadcast %mul3A_1245 : f32 to vector<16xf32>
      %mul3A_1247 = arith.mulf %mul3A_1246, %get3A_1200 : vector<16xf32>
      %add3A_1248 = arith.addf %add3A_1244, %mul3A_1247 : vector<16xf32>
      %mul3A_1249 = arith.constant 0.0113437362 : f32
      %mul3A_1250 = vector.broadcast %mul3A_1249 : f32 to vector<16xf32>
      %mul3A_1251 = arith.mulf %mul3A_1250, %get3A_1208 : vector<16xf32>
      %add3A_1252 = arith.addf %add3A_1248, %mul3A_1251 : vector<16xf32>
      %mul3A_1253 = arith.constant 0.0838195086 : f32
      %mul3A_1254 = vector.broadcast %mul3A_1253 : f32 to vector<16xf32>
      %mul3A_1255 = arith.mulf %mul3A_1254, %get3A_1216 : vector<16xf32>
      %add3A_1256 = arith.addf %add3A_1252, %mul3A_1255 : vector<16xf32>
      %mul3A_1257 = arith.constant 0.0113437362 : f32
      %mul3A_1258 = vector.broadcast %mul3A_1257 : f32 to vector<16xf32>
      %mul3A_1259 = arith.mulf %mul3A_1258, %get3A_1224 : vector<16xf32>
      %add3A_1260 = arith.addf %add3A_1256, %mul3A_1259 : vector<16xf32>
      %mul3A_1261 = arith.constant 256 : i32
      %mul3A_1262 = arith.muli %add3A_64, %mul3A_1261 : i32
      %add3A_1263 = arith.constant 128 : i32
      %add3A_1264 = arith.addi %mul3A_1262, %add3A_1263 : i32
      %get3A_1265 = arith.index_cast %add3A_1264 : i32 to index
      %get3A_1266 = tpu.vector_load %arg14[%get3A_1265] {strides = array<i32>} : memref<4096xf32, #tpu.memory_space<vmem>>, vector<16xf32>,
      %mul3A_1267 = arith.constant 5.000000e-01 : f32
      %mul3A_1268 = vector.broadcast %mul3A_1267 : f32 to vector<16xf32>
      %mul3A_1269 = arith.mulf %mul3A_1268, %get3A_1266 : vector<16xf32>
      %exp3A_1270 = math.exp %mul3A_1269 : vector<16xf32>
      %get3A_1271 = arith.index_cast %add3A_1264 : i32 to index
      %get3A_1272 = tpu.vector_load %arg16[%get3A_1271] {strides = array<i32>} : memref<4096xf32, #tpu.memory_space<vmem>>, vector<16xf32>,
      %mul3A_1273 = arith.mulf %get3A_1272, %exp3A_1270 : vector<16xf32>
      %add3A_1274 = arith.addf %add3A_1260, %mul3A_1273 : vector<16xf32>
      %neg3A_1275 = arith.constant 0.000000e+00 : f32
      %neg3A_1276 = vector.broadcast %neg3A_1275 : f32 to vector<16xf32>
      %neg3A_1277 = arith.subf %neg3A_1276, %add3A_1274 : vector<16xf32>
      %exp3A_1278 = math.exp %neg3A_1277 : vector<16xf32>
      %add3A_1279 = arith.constant 1.000000e+00 : f32
      %add3A_1280 = vector.broadcast %add3A_1279 : f32 to vector<16xf32>
      %add3A_1281 = arith.addf %add3A_1280, %exp3A_1278 : vector<16xf32>
      %div3A_1282 = arith.constant 1.000000e+00 : f32
      %div3A_1283 = vector.broadcast %div3A_1282 : f32 to vector<16xf32>
      %div3A_1284 = arith.divf %div3A_1283, %add3A_1281 : vector<16xf32>
      %swap3A_1285 = arith.index_cast %add3A_1264 : i32 to index
      %swap3A_1286 = tpu.vector_load %arg18[%swap3A_1285] {strides = array<i32>} : memref<4096xf32, #tpu.memory_space<vmem>>, vector<16xf32>,
      tpu.vector_store %arg18[%swap3A_1285], %div3A_1284 {strides = array<i32>} : memref<4096xf32, #tpu.memory_space<vmem>>, vector<16xf32>,
      %add3A_1287 = arith.constant -256 : i32
      %add3A_1288 = arith.addi %add3A_70, %add3A_1287 : i32
      %add3A_1289 = arith.constant 144 : i32
      %add3A_1290 = arith.addi %add3A_1288, %add3A_1289 : i32
      %add3A_1291 = arith.constant -1 : i32
      %add3A_1292 = arith.addi %add3A_1290, %add3A_1291 : i32
      %get3A_1293 = arith.index_cast %add3A_1292 : i32 to index
      %get3A_1294 = tpu.vector_load %arg15[%get3A_1293] {strides = array<i32>} : memref<4624xf32, #tpu.memory_space<vmem>>, vector<16xf32>,
      %add3A_1295 = arith.constant -256 : i32
      %add3A_1296 = arith.addi %add3A_70, %add3A_1295 : i32
      %add3A_1297 = arith.constant 144 : i32
      %add3A_1298 = arith.addi %add3A_1296, %add3A_1297 : i32
      %add3A_1299 = arith.constant 0 : i32
      %add3A_1300 = arith.addi %add3A_1298, %add3A_1299 : i32
      %get3A_1301 = arith.index_cast %add3A_1300 : i32 to index
      %get3A_1302 = tpu.vector_load %arg15[%get3A_1301] {strides = array<i32>} : memref<4624xf32, #tpu.memory_space<vmem>>, vector<16xf32>,
      %add3A_1303 = arith.constant -256 : i32
      %add3A_1304 = arith.addi %add3A_70, %add3A_1303 : i32
      %add3A_1305 = arith.constant 144 : i32
      %add3A_1306 = arith.addi %add3A_1304, %add3A_1305 : i32
      %add3A_1307 = arith.constant 1 : i32
      %add3A_1308 = arith.addi %add3A_1306, %add3A_1307 : i32
      %get3A_1309 = arith.index_cast %add3A_1308 : i32 to index
      %get3A_1310 = tpu.vector_load %arg15[%get3A_1309] {strides = array<i32>} : memref<4624xf32, #tpu.memory_space<vmem>>, vector<16xf32>,
      %add3A_1311 = arith.constant 0 : i32
      %add3A_1312 = arith.addi %add3A_70, %add3A_1311 : i32
      %add3A_1313 = arith.constant 144 : i32
      %add3A_1314 = arith.addi %add3A_1312, %add3A_1313 : i32
      %add3A_1315 = arith.constant -1 : i32
      %add3A_1316 = arith.addi %add3A_1314, %add3A_1315 : i32
      %get3A_1317 = arith.index_cast %add3A_1316 : i32 to index
      %get3A_1318 = tpu.vector_load %arg15[%get3A_1317] {strides = array<i32>} : memref<4624xf32, #tpu.memory_space<vmem>>, vector<16xf32>,
      %add3A_1319 = arith.constant 0 : i32
      %add3A_1320 = arith.addi %add3A_70, %add3A_1319 : i32
      %add3A_1321 = arith.constant 144 : i32
      %add3A_1322 = arith.addi %add3A_1320, %add3A_1321 : i32
      %add3A_1323 = arith.constant 0 : i32
      %add3A_1324 = arith.addi %add3A_1322, %add3A_1323 : i32
      %get3A_1325 = arith.index_cast %add3A_1324 : i32 to index
      %get3A_1326 = tpu.vector_load %arg15[%get3A_1325] {strides = array<i32>} : memref<4624xf32, #tpu.memory_space<vmem>>, vector<16xf32>,
      %add3A_1327 = arith.constant 0 : i32
      %add3A_1328 = arith.addi %add3A_70, %add3A_1327 : i32
      %add3A_1329 = arith.constant 144 : i32
      %add3A_1330 = arith.addi %add3A_1328, %add3A_1329 : i32
      %add3A_1331 = arith.constant 1 : i32
      %add3A_1332 = arith.addi %add3A_1330, %add3A_1331 : i32
      %get3A_1333 = arith.index_cast %add3A_1332 : i32 to index
      %get3A_1334 = tpu.vector_load %arg15[%get3A_1333] {strides = array<i32>} : memref<4624xf32, #tpu.memory_space<vmem>>, vector<16xf32>,
      %add3A_1335 = arith.constant 256 : i32
      %add3A_1336 = arith.addi %add3A_70, %add3A_1335 : i32
      %add3A_1337 = arith.constant 144 : i32
      %add3A_1338 = arith.addi %add3A_1336, %add3A_1337 : i32
      %add3A_1339 = arith.constant -1 : i32
      %add3A_1340 = arith.addi %add3A_1338, %add3A_1339 : i32
      %get3A_1341 = arith.index_cast %add3A_1340 : i32 to index
      %get3A_1342 = tpu.vector_load %arg15[%get3A_1341] {strides = array<i32>} : memref<4624xf32, #tpu.memory_space<vmem>>, vector<16xf32>,
      %add3A_1343 = arith.constant 256 : i32
      %add3A_1344 = arith.addi %add3A_70, %add3A_1343 : i32
      %add3A_1345 = arith.constant 144 : i32
      %add3A_1346 = arith.addi %add3A_1344, %add3A_1345 : i32
      %add3A_1347 = arith.constant 0 : i32
      %add3A_1348 = arith.addi %add3A_1346, %add3A_1347 : i32
      %get3A_1349 = arith.index_cast %add3A_1348 : i32 to index
      %get3A_1350 = tpu.vector_load %arg15[%get3A_1349] {strides = array<i32>} : memref<4624xf32, #tpu.memory_space<vmem>>, vector<16xf32>,
      %add3A_1351 = arith.constant 256 : i32
      %add3A_1352 = arith.addi %add3A_70, %add3A_1351 : i32
      %add3A_1353 = arith.constant 144 : i32
      %add3A_1354 = arith.addi %add3A_1352, %add3A_1353 : i32
      %add3A_1355 = arith.constant 1 : i32
      %add3A_1356 = arith.addi %add3A_1354, %add3A_1355 : i32
      %get3A_1357 = arith.index_cast %add3A_1356 : i32 to index
      %get3A_1358 = tpu.vector_load %arg15[%get3A_1357] {strides = array<i32>} : memref<4624xf32, #tpu.memory_space<vmem>>, vector<16xf32>,
      %mul3A_1359 = arith.constant 0.0113437362 : f32
      %mul3A_1360 = vector.broadcast %mul3A_1359 : f32 to vector<16xf32>
      %mul3A_1361 = arith.mulf %mul3A_1360, %get3A_1294 : vector<16xf32>
      %add3A_1362 = arith.addf %broadcast_in_dim3A_3, %mul3A_1361 : vector<16xf32>
      %mul3A_1363 = arith.constant 0.0838195086 : f32
      %mul3A_1364 = vector.broadcast %mul3A_1363 : f32 to vector<16xf32>
      %mul3A_1365 = arith.mulf %mul3A_1364, %get3A_1302 : vector<16xf32>
      %add3A_1366 = arith.addf %add3A_1362, %mul3A_1365 : vector<16xf32>
      %mul3A_1367 = arith.constant 0.0113437362 : f32
      %mul3A_1368 = vector.broadcast %mul3A_1367 : f32 to vector<16xf32>
      %mul3A_1369 = arith.mulf %mul3A_1368, %get3A_1310 : vector<16xf32>
      %add3A_1370 = arith.addf %add3A_1366, %mul3A_1369 : vector<16xf32>
      %mul3A_1371 = arith.constant 0.0838195086 : f32
      %mul3A_1372 = vector.broadcast %mul3A_1371 : f32 to vector<16xf32>
      %mul3A_1373 = arith.mulf %mul3A_1372, %get3A_1318 : vector<16xf32>
      %add3A_1374 = arith.addf %add3A_1370, %mul3A_1373 : vector<16xf32>
      %mul3A_1375 = arith.constant 0.619347035 : f32
      %mul3A_1376 = vector.broadcast %mul3A_1375 : f32 to vector<16xf32>
      %mul3A_1377 = arith.mulf %mul3A_1376, %get3A_1326 : vector<16xf32>
      %add3A_1378 = arith.addf %add3A_1374, %mul3A_1377 : vector<16xf32>
      %mul3A_1379 = arith.constant 0.0838195086 : f32
      %mul3A_1380 = vector.broadcast %mul3A_1379 : f32 to vector<16xf32>
      %mul3A_1381 = arith.mulf %mul3A_1380, %get3A_1334 : vector<16xf32>
      %add3A_1382 = arith.addf %add3A_1378, %mul3A_1381 : vector<16xf32>
      %mul3A_1383 = arith.constant 0.0113437362 : f32
      %mul3A_1384 = vector.broadcast %mul3A_1383 : f32 to vector<16xf32>
      %mul3A_1385 = arith.mulf %mul3A_1384, %get3A_1342 : vector<16xf32>
      %add3A_1386 = arith.addf %add3A_1382, %mul3A_1385 : vector<16xf32>
      %mul3A_1387 = arith.constant 0.0838195086 : f32
      %mul3A_1388 = vector.broadcast %mul3A_1387 : f32 to vector<16xf32>
      %mul3A_1389 = arith.mulf %mul3A_1388, %get3A_1350 : vector<16xf32>
      %add3A_1390 = arith.addf %add3A_1386, %mul3A_1389 : vector<16xf32>
      %mul3A_1391 = arith.constant 0.0113437362 : f32
      %mul3A_1392 = vector.broadcast %mul3A_1391 : f32 to vector<16xf32>
      %mul3A_1393 = arith.mulf %mul3A_1392, %get3A_1358 : vector<16xf32>
      %add3A_1394 = arith.addf %add3A_1390, %mul3A_1393 : vector<16xf32>
      %mul3A_1395 = arith.constant 256 : i32
      %mul3A_1396 = arith.muli %add3A_64, %mul3A_1395 : i32
      %add3A_1397 = arith.constant 144 : i32
      %add3A_1398 = arith.addi %mul3A_1396, %add3A_1397 : i32
      %get3A_1399 = arith.index_cast %add3A_1398 : i32 to index
      %get3A_1400 = tpu.vector_load %arg14[%get3A_1399] {strides = array<i32>} : memref<4096xf32, #tpu.memory_space<vmem>>, vector<16xf32>,
      %mul3A_1401 = arith.constant 5.000000e-01 : f32
      %mul3A_1402 = vector.broadcast %mul3A_1401 : f32 to vector<16xf32>
      %mul3A_1403 = arith.mulf %mul3A_1402, %get3A_1400 : vector<16xf32>
      %exp3A_1404 = math.exp %mul3A_1403 : vector<16xf32>
      %get3A_1405 = arith.index_cast %add3A_1398 : i32 to index
      %get3A_1406 = tpu.vector_load %arg16[%get3A_1405] {strides = array<i32>} : memref<4096xf32, #tpu.memory_space<vmem>>, vector<16xf32>,
      %mul3A_1407 = arith.mulf %get3A_1406, %exp3A_1404 : vector<16xf32>
      %add3A_1408 = arith.addf %add3A_1394, %mul3A_1407 : vector<16xf32>
      %neg3A_1409 = arith.constant 0.000000e+00 : f32
      %neg3A_1410 = vector.broadcast %neg3A_1409 : f32 to vector<16xf32>
      %neg3A_1411 = arith.subf %neg3A_1410, %add3A_1408 : vector<16xf32>
      %exp3A_1412 = math.exp %neg3A_1411 : vector<16xf32>
      %add3A_1413 = arith.constant 1.000000e+00 : f32
      %add3A_1414 = vector.broadcast %add3A_1413 : f32 to vector<16xf32>
      %add3A_1415 = arith.addf %add3A_1414, %exp3A_1412 : vector<16xf32>
      %div3A_1416 = arith.constant 1.000000e+00 : f32
      %div3A_1417 = vector.broadcast %div3A_1416 : f32 to vector<16xf32>
      %div3A_1418 = arith.divf %div3A_1417, %add3A_1415 : vector<16xf32>
      %swap3A_1419 = arith.index_cast %add3A_1398 : i32 to index
      %swap3A_1420 = tpu.vector_load %arg18[%swap3A_1419] {strides = array<i32>} : memref<4096xf32, #tpu.memory_space<vmem>>, vector<16xf32>,
      tpu.vector_store %arg18[%swap3A_1419], %div3A_1418 {strides = array<i32>} : memref<4096xf32, #tpu.memory_space<vmem>>, vector<16xf32>,
      %add3A_1421 = arith.constant -256 : i32
      %add3A_1422 = arith.addi %add3A_70, %add3A_1421 : i32
      %add3A_1423 = arith.constant 160 : i32
      %add3A_1424 = arith.addi %add3A_1422, %add3A_1423 : i32
      %add3A_1425 = arith.constant -1 : i32
      %add3A_1426 = arith.addi %add3A_1424, %add3A_1425 : i32
      %get3A_1427 = arith.index_cast %add3A_1426 : i32 to index
      %get3A_1428 = tpu.vector_load %arg15[%get3A_1427] {strides = array<i32>} : memref<4624xf32, #tpu.memory_space<vmem>>, vector<16xf32>,
      %add3A_1429 = arith.constant -256 : i32
      %add3A_1430 = arith.addi %add3A_70, %add3A_1429 : i32
      %add3A_1431 = arith.constant 160 : i32
      %add3A_1432 = arith.addi %add3A_1430, %add3A_1431 : i32
      %add3A_1433 = arith.constant 0 : i32
      %add3A_1434 = arith.addi %add3A_1432, %add3A_1433 : i32
      %get3A_1435 = arith.index_cast %add3A_1434 : i32 to index
      %get3A_1436 = tpu.vector_load %arg15[%get3A_1435] {strides = array<i32>} : memref<4624xf32, #tpu.memory_space<vmem>>, vector<16xf32>,
      %add3A_1437 = arith.constant -256 : i32
      %add3A_1438 = arith.addi %add3A_70, %add3A_1437 : i32
      %add3A_1439 = arith.constant 160 : i32
      %add3A_1440 = arith.addi %add3A_1438, %add3A_1439 : i32
      %add3A_1441 = arith.constant 1 : i32
      %add3A_1442 = arith.addi %add3A_1440, %add3A_1441 : i32
      %get3A_1443 = arith.index_cast %add3A_1442 : i32 to index
      %get3A_1444 = tpu.vector_load %arg15[%get3A_1443] {strides = array<i32>} : memref<4624xf32, #tpu.memory_space<vmem>>, vector<16xf32>,
      %add3A_1445 = arith.constant 0 : i32
      %add3A_1446 = arith.addi %add3A_70, %add3A_1445 : i32
      %add3A_1447 = arith.constant 160 : i32
      %add3A_1448 = arith.addi %add3A_1446, %add3A_1447 : i32
      %add3A_1449 = arith.constant -1 : i32
      %add3A_1450 = arith.addi %add3A_1448, %add3A_1449 : i32
      %get3A_1451 = arith.index_cast %add3A_1450 : i32 to index
      %get3A_1452 = tpu.vector_load %arg15[%get3A_1451] {strides = array<i32>} : memref<4624xf32, #tpu.memory_space<vmem>>, vector<16xf32>,
      %add3A_1453 = arith.constant 0 : i32
      %add3A_1454 = arith.addi %add3A_70, %add3A_1453 : i32
      %add3A_1455 = arith.constant 160 : i32
      %add3A_1456 = arith.addi %add3A_1454, %add3A_1455 : i32
      %add3A_1457 = arith.constant 0 : i32
      %add3A_1458 = arith.addi %add3A_1456, %add3A_1457 : i32
      %get3A_1459 = arith.index_cast %add3A_1458 : i32 to index
      %get3A_1460 = tpu.vector_load %arg15[%get3A_1459] {strides = array<i32>} : memref<4624xf32, #tpu.memory_space<vmem>>, vector<16xf32>,
      %add3A_1461 = arith.constant 0 : i32
      %add3A_1462 = arith.addi %add3A_70, %add3A_1461 : i32
      %add3A_1463 = arith.constant 160 : i32
      %add3A_1464 = arith.addi %add3A_1462, %add3A_1463 : i32
      %add3A_1465 = arith.constant 1 : i32
      %add3A_1466 = arith.addi %add3A_1464, %add3A_1465 : i32
      %get3A_1467 = arith.index_cast %add3A_1466 : i32 to index
      %get3A_1468 = tpu.vector_load %arg15[%get3A_1467] {strides = array<i32>} : memref<4624xf32, #tpu.memory_space<vmem>>, vector<16xf32>,
      %add3A_1469 = arith.constant 256 : i32
      %add3A_1470 = arith.addi %add3A_70, %add3A_1469 : i32
      %add3A_1471 = arith.constant 160 : i32
      %add3A_1472 = arith.addi %add3A_1470, %add3A_1471 : i32
      %add3A_1473 = arith.constant -1 : i32
      %add3A_1474 = arith.addi %add3A_1472, %add3A_1473 : i32
      %get3A_1475 = arith.index_cast %add3A_1474 : i32 to index
      %get3A_1476 = tpu.vector_load %arg15[%get3A_1475] {strides = array<i32>} : memref<4624xf32, #tpu.memory_space<vmem>>, vector<16xf32>,
      %add3A_1477 = arith.constant 256 : i32
      %add3A_1478 = arith.addi %add3A_70, %add3A_1477 : i32
      %add3A_1479 = arith.constant 160 : i32
      %add3A_1480 = arith.addi %add3A_1478, %add3A_1479 : i32
      %add3A_1481 = arith.constant 0 : i32
      %add3A_1482 = arith.addi %add3A_1480, %add3A_1481 : i32
      %get3A_1483 = arith.index_cast %add3A_1482 : i32 to index
      %get3A_1484 = tpu.vector_load %arg15[%get3A_1483] {strides = array<i32>} : memref<4624xf32, #tpu.memory_space<vmem>>, vector<16xf32>,
      %add3A_1485 = arith.constant 256 : i32
      %add3A_1486 = arith.addi %add3A_70, %add3A_1485 : i32
      %add3A_1487 = arith.constant 160 : i32
      %add3A_1488 = arith.addi %add3A_1486, %add3A_1487 : i32
      %add3A_1489 = arith.constant 1 : i32
      %add3A_1490 = arith.addi %add3A_1488, %add3A_1489 : i32
      %get3A_1491 = arith.index_cast %add3A_1490 : i32 to index
      %get3A_1492 = tpu.vector_load %arg15[%get3A_1491] {strides = array<i32>} : memref<4624xf32, #tpu.memory_space<vmem>>, vector<16xf32>,
      %mul3A_1493 = arith.constant 0.0113437362 : f32
      %mul3A_1494 = vector.broadcast %mul3A_1493 : f32 to vector<16xf32>
      %mul3A_1495 = arith.mulf %mul3A_1494, %get3A_1428 : vector<16xf32>
      %add3A_1496 = arith.addf %broadcast_in_dim3A_3, %mul3A_1495 : vector<16xf32>
      %mul3A_1497 = arith.constant 0.0838195086 : f32
      %mul3A_1498 = vector.broadcast %mul3A_1497 : f32 to vector<16xf32>
      %mul3A_1499 = arith.mulf %mul3A_1498, %get3A_1436 : vector<16xf32>
      %add3A_1500 = arith.addf %add3A_1496, %mul3A_1499 : vector<16xf32>
      %mul3A_1501 = arith.constant 0.0113437362 : f32
      %mul3A_1502 = vector.broadcast %mul3A_1501 : f32 to vector<16xf32>
      %mul3A_1503 = arith.mulf %mul3A_1502, %get3A_1444 : vector<16xf32>
      %add3A_1504 = arith.addf %add3A_1500, %mul3A_1503 : vector<16xf32>
      %mul3A_1505 = arith.constant 0.0838195086 : f32
      %mul3A_1506 = vector.broadcast %mul3A_1505 : f32 to vector<16xf32>
      %mul3A_1507 = arith.mulf %mul3A_1506, %get3A_1452 : vector<16xf32>
      %add3A_1508 = arith.addf %add3A_1504, %mul3A_1507 : vector<16xf32>
      %mul3A_1509 = arith.constant 0.619347035 : f32
      %mul3A_1510 = vector.broadcast %mul3A_1509 : f32 to vector<16xf32>
      %mul3A_1511 = arith.mulf %mul3A_1510, %get3A_1460 : vector<16xf32>
      %add3A_1512 = arith.addf %add3A_1508, %mul3A_1511 : vector<16xf32>
      %mul3A_1513 = arith.constant 0.0838195086 : f32
      %mul3A_1514 = vector.broadcast %mul3A_1513 : f32 to vector<16xf32>
      %mul3A_1515 = arith.mulf %mul3A_1514, %get3A_1468 : vector<16xf32>
      %add3A_1516 = arith.addf %add3A_1512, %mul3A_1515 : vector<16xf32>
      %mul3A_1517 = arith.constant 0.0113437362 : f32
      %mul3A_1518 = vector.broadcast %mul3A_1517 : f32 to vector<16xf32>
      %mul3A_1519 = arith.mulf %mul3A_1518, %get3A_1476 : vector<16xf32>
      %add3A_1520 = arith.addf %add3A_1516, %mul3A_1519 : vector<16xf32>
      %mul3A_1521 = arith.constant 0.0838195086 : f32
      %mul3A_1522 = vector.broadcast %mul3A_1521 : f32 to vector<16xf32>
      %mul3A_1523 = arith.mulf %mul3A_1522, %get3A_1484 : vector<16xf32>
      %add3A_1524 = arith.addf %add3A_1520, %mul3A_1523 : vector<16xf32>
      %mul3A_1525 = arith.constant 0.0113437362 : f32
      %mul3A_1526 = vector.broadcast %mul3A_1525 : f32 to vector<16xf32>
      %mul3A_1527 = arith.mulf %mul3A_1526, %get3A_1492 : vector<16xf32>
      %add3A_1528 = arith.addf %add3A_1524, %mul3A_1527 : vector<16xf32>
      %mul3A_1529 = arith.constant 256 : i32
      %mul3A_1530 = arith.muli %add3A_64, %mul3A_1529 : i32
      %add3A_1531 = arith.constant 160 : i32
      %add3A_1532 = arith.addi %mul3A_1530, %add3A_1531 : i32
      %get3A_1533 = arith.index_cast %add3A_1532 : i32 to index
      %get3A_1534 = tpu.vector_load %arg14[%get3A_1533] {strides = array<i32>} : memref<4096xf32, #tpu.memory_space<vmem>>, vector<16xf32>,
      %mul3A_1535 = arith.constant 5.000000e-01 : f32
      %mul3A_1536 = vector.broadcast %mul3A_1535 : f32 to vector<16xf32>
      %mul3A_1537 = arith.mulf %mul3A_1536, %get3A_1534 : vector<16xf32>
      %exp3A_1538 = math.exp %mul3A_1537 : vector<16xf32>
      %get3A_1539 = arith.index_cast %add3A_1532 : i32 to index
      %get3A_1540 = tpu.vector_load %arg16[%get3A_1539] {strides = array<i32>} : memref<4096xf32, #tpu.memory_space<vmem>>, vector<16xf32>,
      %mul3A_1541 = arith.mulf %get3A_1540, %exp3A_1538 : vector<16xf32>
      %add3A_1542 = arith.addf %add3A_1528, %mul3A_1541 : vector<16xf32>
      %neg3A_1543 = arith.constant 0.000000e+00 : f32
      %neg3A_1544 = vector.broadcast %neg3A_1543 : f32 to vector<16xf32>
      %neg3A_1545 = arith.subf %neg3A_1544, %add3A_1542 : vector<16xf32>
      %exp3A_1546 = math.exp %neg3A_1545 : vector<16xf32>
      %add3A_1547 = arith.constant 1.000000e+00 : f32
      %add3A_1548 = vector.broadcast %add3A_1547 : f32 to vector<16xf32>
      %add3A_1549 = arith.addf %add3A_1548, %exp3A_1546 : vector<16xf32>
      %div3A_1550 = arith.constant 1.000000e+00 : f32
      %div3A_1551 = vector.broadcast %div3A_1550 : f32 to vector<16xf32>
      %div3A_1552 = arith.divf %div3A_1551, %add3A_1549 : vector<16xf32>
      %swap3A_1553 = arith.index_cast %add3A_1532 : i32 to index
      %swap3A_1554 = tpu.vector_load %arg18[%swap3A_1553] {strides = array<i32>} : memref<4096xf32, #tpu.memory_space<vmem>>, vector<16xf32>,
      tpu.vector_store %arg18[%swap3A_1553], %div3A_1552 {strides = array<i32>} : memref<4096xf32, #tpu.memory_space<vmem>>, vector<16xf32>,
      %add3A_1555 = arith.constant -256 : i32
      %add3A_1556 = arith.addi %add3A_70, %add3A_1555 : i32
      %add3A_1557 = arith.constant 176 : i32
      %add3A_1558 = arith.addi %add3A_1556, %add3A_1557 : i32
      %add3A_1559 = arith.constant -1 : i32
      %add3A_1560 = arith.addi %add3A_1558, %add3A_1559 : i32
      %get3A_1561 = arith.index_cast %add3A_1560 : i32 to index
      %get3A_1562 = tpu.vector_load %arg15[%get3A_1561] {strides = array<i32>} : memref<4624xf32, #tpu.memory_space<vmem>>, vector<16xf32>,
      %add3A_1563 = arith.constant -256 : i32
      %add3A_1564 = arith.addi %add3A_70, %add3A_1563 : i32
      %add3A_1565 = arith.constant 176 : i32
      %add3A_1566 = arith.addi %add3A_1564, %add3A_1565 : i32
      %add3A_1567 = arith.constant 0 : i32
      %add3A_1568 = arith.addi %add3A_1566, %add3A_1567 : i32
      %get3A_1569 = arith.index_cast %add3A_1568 : i32 to index
      %get3A_1570 = tpu.vector_load %arg15[%get3A_1569] {strides = array<i32>} : memref<4624xf32, #tpu.memory_space<vmem>>, vector<16xf32>,
      %add3A_1571 = arith.constant -256 : i32
      %add3A_1572 = arith.addi %add3A_70, %add3A_1571 : i32
      %add3A_1573 = arith.constant 176 : i32
      %add3A_1574 = arith.addi %add3A_1572, %add3A_1573 : i32
      %add3A_1575 = arith.constant 1 : i32
      %add3A_1576 = arith.addi %add3A_1574, %add3A_1575 : i32
      %get3A_1577 = arith.index_cast %add3A_1576 : i32 to index
      %get3A_1578 = tpu.vector_load %arg15[%get3A_1577] {strides = array<i32>} : memref<4624xf32, #tpu.memory_space<vmem>>, vector<16xf32>,
      %add3A_1579 = arith.constant 0 : i32
      %add3A_1580 = arith.addi %add3A_70, %add3A_1579 : i32
      %add3A_1581 = arith.constant 176 : i32
      %add3A_1582 = arith.addi %add3A_1580, %add3A_1581 : i32
      %add3A_1583 = arith.constant -1 : i32
      %add3A_1584 = arith.addi %add3A_1582, %add3A_1583 : i32
      %get3A_1585 = arith.index_cast %add3A_1584 : i32 to index
      %get3A_1586 = tpu.vector_load %arg15[%get3A_1585] {strides = array<i32>} : memref<4624xf32, #tpu.memory_space<vmem>>, vector<16xf32>,
      %add3A_1587 = arith.constant 0 : i32
      %add3A_1588 = arith.addi %add3A_70, %add3A_1587 : i32
      %add3A_1589 = arith.constant 176 : i32
      %add3A_1590 = arith.addi %add3A_1588, %add3A_1589 : i32
      %add3A_1591 = arith.constant 0 : i32
      %add3A_1592 = arith.addi %add3A_1590, %add3A_1591 : i32
      %get3A_1593 = arith.index_cast %add3A_1592 : i32 to index
      %get3A_1594 = tpu.vector_load %arg15[%get3A_1593] {strides = array<i32>} : memref<4624xf32, #tpu.memory_space<vmem>>, vector<16xf32>,
      %add3A_1595 = arith.constant 0 : i32
      %add3A_1596 = arith.addi %add3A_70, %add3A_1595 : i32
      %add3A_1597 = arith.constant 176 : i32
      %add3A_1598 = arith.addi %add3A_1596, %add3A_1597 : i32
      %add3A_1599 = arith.constant 1 : i32
      %add3A_1600 = arith.addi %add3A_1598, %add3A_1599 : i32
      %get3A_1601 = arith.index_cast %add3A_1600 : i32 to index
      %get3A_1602 = tpu.vector_load %arg15[%get3A_1601] {strides = array<i32>} : memref<4624xf32, #tpu.memory_space<vmem>>, vector<16xf32>,
      %add3A_1603 = arith.constant 256 : i32
      %add3A_1604 = arith.addi %add3A_70, %add3A_1603 : i32
      %add3A_1605 = arith.constant 176 : i32
      %add3A_1606 = arith.addi %add3A_1604, %add3A_1605 : i32
      %add3A_1607 = arith.constant -1 : i32
      %add3A_1608 = arith.addi %add3A_1606, %add3A_1607 : i32
      %get3A_1609 = arith.index_cast %add3A_1608 : i32 to index
      %get3A_1610 = tpu.vector_load %arg15[%get3A_1609] {strides = array<i32>} : memref<4624xf32, #tpu.memory_space<vmem>>, vector<16xf32>,
      %add3A_1611 = arith.constant 256 : i32
      %add3A_1612 = arith.addi %add3A_70, %add3A_1611 : i32
      %add3A_1613 = arith.constant 176 : i32
      %add3A_1614 = arith.addi %add3A_1612, %add3A_1613 : i32
      %add3A_1615 = arith.constant 0 : i32
      %add3A_1616 = arith.addi %add3A_1614, %add3A_1615 : i32
      %get3A_1617 = arith.index_cast %add3A_1616 : i32 to index
      %get3A_1618 = tpu.vector_load %arg15[%get3A_1617] {strides = array<i32>} : memref<4624xf32, #tpu.memory_space<vmem>>, vector<16xf32>,
      %add3A_1619 = arith.constant 256 : i32
      %add3A_1620 = arith.addi %add3A_70, %add3A_1619 : i32
      %add3A_1621 = arith.constant 176 : i32
      %add3A_1622 = arith.addi %add3A_1620, %add3A_1621 : i32
      %add3A_1623 = arith.constant 1 : i32
      %add3A_1624 = arith.addi %add3A_1622, %add3A_1623 : i32
      %get3A_1625 = arith.index_cast %add3A_1624 : i32 to index
      %get3A_1626 = tpu.vector_load %arg15[%get3A_1625] {strides = array<i32>} : memref<4624xf32, #tpu.memory_space<vmem>>, vector<16xf32>,
      %mul3A_1627 = arith.constant 0.0113437362 : f32
      %mul3A_1628 = vector.broadcast %mul3A_1627 : f32 to vector<16xf32>
      %mul3A_1629 = arith.mulf %mul3A_1628, %get3A_1562 : vector<16xf32>
      %add3A_1630 = arith.addf %broadcast_in_dim3A_3, %mul3A_1629 : vector<16xf32>
      %mul3A_1631 = arith.constant 0.0838195086 : f32
      %mul3A_1632 = vector.broadcast %mul3A_1631 : f32 to vector<16xf32>
      %mul3A_1633 = arith.mulf %mul3A_1632, %get3A_1570 : vector<16xf32>
      %add3A_1634 = arith.addf %add3A_1630, %mul3A_1633 : vector<16xf32>
      %mul3A_1635 = arith.constant 0.0113437362 : f32
      %mul3A_1636 = vector.broadcast %mul3A_1635 : f32 to vector<16xf32>
      %mul3A_1637 = arith.mulf %mul3A_1636, %get3A_1578 : vector<16xf32>
      %add3A_1638 = arith.addf %add3A_1634, %mul3A_1637 : vector<16xf32>
      %mul3A_1639 = arith.constant 0.0838195086 : f32
      %mul3A_1640 = vector.broadcast %mul3A_1639 : f32 to vector<16xf32>
      %mul3A_1641 = arith.mulf %mul3A_1640, %get3A_1586 : vector<16xf32>
      %add3A_1642 = arith.addf %add3A_1638, %mul3A_1641 : vector<16xf32>
      %mul3A_1643 = arith.constant 0.619347035 : f32
      %mul3A_1644 = vector.broadcast %mul3A_1643 : f32 to vector<16xf32>
      %mul3A_1645 = arith.mulf %mul3A_1644, %get3A_1594 : vector<16xf32>
      %add3A_1646 = arith.addf %add3A_1642, %mul3A_1645 : vector<16xf32>
      %mul3A_1647 = arith.constant 0.0838195086 : f32
      %mul3A_1648 = vector.broadcast %mul3A_1647 : f32 to vector<16xf32>
      %mul3A_1649 = arith.mulf %mul3A_1648, %get3A_1602 : vector<16xf32>
      %add3A_1650 = arith.addf %add3A_1646, %mul3A_1649 : vector<16xf32>
      %mul3A_1651 = arith.constant 0.0113437362 : f32
      %mul3A_1652 = vector.broadcast %mul3A_1651 : f32 to vector<16xf32>
      %mul3A_1653 = arith.mulf %mul3A_1652, %get3A_1610 : vector<16xf32>
      %add3A_1654 = arith.addf %add3A_1650, %mul3A_1653 : vector<16xf32>
      %mul3A_1655 = arith.constant 0.0838195086 : f32
      %mul3A_1656 = vector.broadcast %mul3A_1655 : f32 to vector<16xf32>
      %mul3A_1657 = arith.mulf %mul3A_1656, %get3A_1618 : vector<16xf32>
      %add3A_1658 = arith.addf %add3A_1654, %mul3A_1657 : vector<16xf32>
      %mul3A_1659 = arith.constant 0.0113437362 : f32
      %mul3A_1660 = vector.broadcast %mul3A_1659 : f32 to vector<16xf32>
      %mul3A_1661 = arith.mulf %mul3A_1660, %get3A_1626 : vector<16xf32>
      %add3A_1662 = arith.addf %add3A_1658, %mul3A_1661 : vector<16xf32>
      %mul3A_1663 = arith.constant 256 : i32
      %mul3A_1664 = arith.muli %add3A_64, %mul3A_1663 : i32
      %add3A_1665 = arith.constant 176 : i32
      %add3A_1666 = arith.addi %mul3A_1664, %add3A_1665 : i32
      %get3A_1667 = arith.index_cast %add3A_1666 : i32 to index
      %get3A_1668 = tpu.vector_load %arg14[%get3A_1667] {strides = array<i32>} : memref<4096xf32, #tpu.memory_space<vmem>>, vector<16xf32>,
      %mul3A_1669 = arith.constant 5.000000e-01 : f32
      %mul3A_1670 = vector.broadcast %mul3A_1669 : f32 to vector<16xf32>
      %mul3A_1671 = arith.mulf %mul3A_1670, %get3A_1668 : vector<16xf32>
      %exp3A_1672 = math.exp %mul3A_1671 : vector<16xf32>
      %get3A_1673 = arith.index_cast %add3A_1666 : i32 to index
      %get3A_1674 = tpu.vector_load %arg16[%get3A_1673] {strides = array<i32>} : memref<4096xf32, #tpu.memory_space<vmem>>, vector<16xf32>,
      %mul3A_1675 = arith.mulf %get3A_1674, %exp3A_1672 : vector<16xf32>
      %add3A_1676 = arith.addf %add3A_1662, %mul3A_1675 : vector<16xf32>
      %neg3A_1677 = arith.constant 0.000000e+00 : f32
      %neg3A_1678 = vector.broadcast %neg3A_1677 : f32 to vector<16xf32>
      %neg3A_1679 = arith.subf %neg3A_1678, %add3A_1676 : vector<16xf32>
      %exp3A_1680 = math.exp %neg3A_1679 : vector<16xf32>
      %add3A_1681 = arith.constant 1.000000e+00 : f32
      %add3A_1682 = vector.broadcast %add3A_1681 : f32 to vector<16xf32>
      %add3A_1683 = arith.addf %add3A_1682, %exp3A_1680 : vector<16xf32>
      %div3A_1684 = arith.constant 1.000000e+00 : f32
      %div3A_1685 = vector.broadcast %div3A_1684 : f32 to vector<16xf32>
      %div3A_1686 = arith.divf %div3A_1685, %add3A_1683 : vector<16xf32>
      %swap3A_1687 = arith.index_cast %add3A_1666 : i32 to index
      %swap3A_1688 = tpu.vector_load %arg18[%swap3A_1687] {strides = array<i32>} : memref<4096xf32, #tpu.memory_space<vmem>>, vector<16xf32>,
      tpu.vector_store %arg18[%swap3A_1687], %div3A_1686 {strides = array<i32>} : memref<4096xf32, #tpu.memory_space<vmem>>, vector<16xf32>,
      %add3A_1689 = arith.constant -256 : i32
      %add3A_1690 = arith.addi %add3A_70, %add3A_1689 : i32
      %add3A_1691 = arith.constant 192 : i32
      %add3A_1692 = arith.addi %add3A_1690, %add3A_1691 : i32
      %add3A_1693 = arith.constant -1 : i32
      %add3A_1694 = arith.addi %add3A_1692, %add3A_1693 : i32
      %get3A_1695 = arith.index_cast %add3A_1694 : i32 to index
      %get3A_1696 = tpu.vector_load %arg15[%get3A_1695] {strides = array<i32>} : memref<4624xf32, #tpu.memory_space<vmem>>, vector<16xf32>,
      %add3A_1697 = arith.constant -256 : i32
      %add3A_1698 = arith.addi %add3A_70, %add3A_1697 : i32
      %add3A_1699 = arith.constant 192 : i32
      %add3A_1700 = arith.addi %add3A_1698, %add3A_1699 : i32
      %add3A_1701 = arith.constant 0 : i32
      %add3A_1702 = arith.addi %add3A_1700, %add3A_1701 : i32
      %get3A_1703 = arith.index_cast %add3A_1702 : i32 to index
      %get3A_1704 = tpu.vector_load %arg15[%get3A_1703] {strides = array<i32>} : memref<4624xf32, #tpu.memory_space<vmem>>, vector<16xf32>,
      %add3A_1705 = arith.constant -256 : i32
      %add3A_1706 = arith.addi %add3A_70, %add3A_1705 : i32
      %add3A_1707 = arith.constant 192 : i32
      %add3A_1708 = arith.addi %add3A_1706, %add3A_1707 : i32
      %add3A_1709 = arith.constant 1 : i32
      %add3A_1710 = arith.addi %add3A_1708, %add3A_1709 : i32
      %get3A_1711 = arith.index_cast %add3A_1710 : i32 to index
      %get3A_1712 = tpu.vector_load %arg15[%get3A_1711] {strides = array<i32>} : memref<4624xf32, #tpu.memory_space<vmem>>, vector<16xf32>,
      %add3A_1713 = arith.constant 0 : i32
      %add3A_1714 = arith.addi %add3A_70, %add3A_1713 : i32
      %add3A_1715 = arith.constant 192 : i32
      %add3A_1716 = arith.addi %add3A_1714, %add3A_1715 : i32
      %add3A_1717 = arith.constant -1 : i32
      %add3A_1718 = arith.addi %add3A_1716, %add3A_1717 : i32
      %get3A_1719 = arith.index_cast %add3A_1718 : i32 to index
      %get3A_1720 = tpu.vector_load %arg15[%get3A_1719] {strides = array<i32>} : memref<4624xf32, #tpu.memory_space<vmem>>, vector<16xf32>,
      %add3A_1721 = arith.constant 0 : i32
      %add3A_1722 = arith.addi %add3A_70, %add3A_1721 : i32
      %add3A_1723 = arith.constant 192 : i32
      %add3A_1724 = arith.addi %add3A_1722, %add3A_1723 : i32
      %add3A_1725 = arith.constant 0 : i32
      %add3A_1726 = arith.addi %add3A_1724, %add3A_1725 : i32
      %get3A_1727 = arith.index_cast %add3A_1726 : i32 to index
      %get3A_1728 = tpu.vector_load %arg15[%get3A_1727] {strides = array<i32>} : memref<4624xf32, #tpu.memory_space<vmem>>, vector<16xf32>,
      %add3A_1729 = arith.constant 0 : i32
      %add3A_1730 = arith.addi %add3A_70, %add3A_1729 : i32
      %add3A_1731 = arith.constant 192 : i32
      %add3A_1732 = arith.addi %add3A_1730, %add3A_1731 : i32
      %add3A_1733 = arith.constant 1 : i32
      %add3A_1734 = arith.addi %add3A_1732, %add3A_1733 : i32
      %get3A_1735 = arith.index_cast %add3A_1734 : i32 to index
      %get3A_1736 = tpu.vector_load %arg15[%get3A_1735] {strides = array<i32>} : memref<4624xf32, #tpu.memory_space<vmem>>, vector<16xf32>,
      %add3A_1737 = arith.constant 256 : i32
      %add3A_1738 = arith.addi %add3A_70, %add3A_1737 : i32
      %add3A_1739 = arith.constant 192 : i32
      %add3A_1740 = arith.addi %add3A_1738, %add3A_1739 : i32
      %add3A_1741 = arith.constant -1 : i32
      %add3A_1742 = arith.addi %add3A_1740, %add3A_1741 : i32
      %get3A_1743 = arith.index_cast %add3A_1742 : i32 to index
      %get3A_1744 = tpu.vector_load %arg15[%get3A_1743] {strides = array<i32>} : memref<4624xf32, #tpu.memory_space<vmem>>, vector<16xf32>,
      %add3A_1745 = arith.constant 256 : i32
      %add3A_1746 = arith.addi %add3A_70, %add3A_1745 : i32
      %add3A_1747 = arith.constant 192 : i32
      %add3A_1748 = arith.addi %add3A_1746, %add3A_1747 : i32
      %add3A_1749 = arith.constant 0 : i32
      %add3A_1750 = arith.addi %add3A_1748, %add3A_1749 : i32
      %get3A_1751 = arith.index_cast %add3A_1750 : i32 to index
      %get3A_1752 = tpu.vector_load %arg15[%get3A_1751] {strides = array<i32>} : memref<4624xf32, #tpu.memory_space<vmem>>, vector<16xf32>,
      %add3A_1753 = arith.constant 256 : i32
      %add3A_1754 = arith.addi %add3A_70, %add3A_1753 : i32
      %add3A_1755 = arith.constant 192 : i32
      %add3A_1756 = arith.addi %add3A_1754, %add3A_1755 : i32
      %add3A_1757 = arith.constant 1 : i32
      %add3A_1758 = arith.addi %add3A_1756, %add3A_1757 : i32
      %get3A_1759 = arith.index_cast %add3A_1758 : i32 to index
      %get3A_1760 = tpu.vector_load %arg15[%get3A_1759] {strides = array<i32>} : memref<4624xf32, #tpu.memory_space<vmem>>, vector<16xf32>,
      %mul3A_1761 = arith.constant 0.0113437362 : f32
      %mul3A_1762 = vector.broadcast %mul3A_1761 : f32 to vector<16xf32>
      %mul3A_1763 = arith.mulf %mul3A_1762, %get3A_1696 : vector<16xf32>
      %add3A_1764 = arith.addf %broadcast_in_dim3A_3, %mul3A_1763 : vector<16xf32>
      %mul3A_1765 = arith.constant 0.0838195086 : f32
      %mul3A_1766 = vector.broadcast %mul3A_1765 : f32 to vector<16xf32>
      %mul3A_1767 = arith.mulf %mul3A_1766, %get3A_1704 : vector<16xf32>
      %add3A_1768 = arith.addf %add3A_1764, %mul3A_1767 : vector<16xf32>
      %mul3A_1769 = arith.constant 0.0113437362 : f32
      %mul3A_1770 = vector.broadcast %mul3A_1769 : f32 to vector<16xf32>
      %mul3A_1771 = arith.mulf %mul3A_1770, %get3A_1712 : vector<16xf32>
      %add3A_1772 = arith.addf %add3A_1768, %mul3A_1771 : vector<16xf32>
      %mul3A_1773 = arith.constant 0.0838195086 : f32
      %mul3A_1774 = vector.broadcast %mul3A_1773 : f32 to vector<16xf32>
      %mul3A_1775 = arith.mulf %mul3A_1774, %get3A_1720 : vector<16xf32>
      %add3A_1776 = arith.addf %add3A_1772, %mul3A_1775 : vector<16xf32>
      %mul3A_1777 = arith.constant 0.619347035 : f32
      %mul3A_1778 = vector.broadcast %mul3A_1777 : f32 to vector<16xf32>
      %mul3A_1779 = arith.mulf %mul3A_1778, %get3A_1728 : vector<16xf32>
      %add3A_1780 = arith.addf %add3A_1776, %mul3A_1779 : vector<16xf32>
      %mul3A_1781 = arith.constant 0.0838195086 : f32
      %mul3A_1782 = vector.broadcast %mul3A_1781 : f32 to vector<16xf32>
      %mul3A_1783 = arith.mulf %mul3A_1782, %get3A_1736 : vector<16xf32>
      %add3A_1784 = arith.addf %add3A_1780, %mul3A_1783 : vector<16xf32>
      %mul3A_1785 = arith.constant 0.0113437362 : f32
      %mul3A_1786 = vector.broadcast %mul3A_1785 : f32 to vector<16xf32>
      %mul3A_1787 = arith.mulf %mul3A_1786, %get3A_1744 : vector<16xf32>
      %add3A_1788 = arith.addf %add3A_1784, %mul3A_1787 : vector<16xf32>
      %mul3A_1789 = arith.constant 0.0838195086 : f32
      %mul3A_1790 = vector.broadcast %mul3A_1789 : f32 to vector<16xf32>
      %mul3A_1791 = arith.mulf %mul3A_1790, %get3A_1752 : vector<16xf32>
      %add3A_1792 = arith.addf %add3A_1788, %mul3A_1791 : vector<16xf32>
      %mul3A_1793 = arith.constant 0.0113437362 : f32
      %mul3A_1794 = vector.broadcast %mul3A_1793 : f32 to vector<16xf32>
      %mul3A_1795 = arith.mulf %mul3A_1794, %get3A_1760 : vector<16xf32>
      %add3A_1796 = arith.addf %add3A_1792, %mul3A_1795 : vector<16xf32>
      %mul3A_1797 = arith.constant 256 : i32
      %mul3A_1798 = arith.muli %add3A_64, %mul3A_1797 : i32
      %add3A_1799 = arith.constant 192 : i32
      %add3A_1800 = arith.addi %mul3A_1798, %add3A_1799 : i32
      %get3A_1801 = arith.index_cast %add3A_1800 : i32 to index
      %get3A_1802 = tpu.vector_load %arg14[%get3A_1801] {strides = array<i32>} : memref<4096xf32, #tpu.memory_space<vmem>>, vector<16xf32>,
      %mul3A_1803 = arith.constant 5.000000e-01 : f32
      %mul3A_1804 = vector.broadcast %mul3A_1803 : f32 to vector<16xf32>
      %mul3A_1805 = arith.mulf %mul3A_1804, %get3A_1802 : vector<16xf32>
      %exp3A_1806 = math.exp %mul3A_1805 : vector<16xf32>
      %get3A_1807 = arith.index_cast %add3A_1800 : i32 to index
      %get3A_1808 = tpu.vector_load %arg16[%get3A_1807] {strides = array<i32>} : memref<4096xf32, #tpu.memory_space<vmem>>, vector<16xf32>,
      %mul3A_1809 = arith.mulf %get3A_1808, %exp3A_1806 : vector<16xf32>
      %add3A_1810 = arith.addf %add3A_1796, %mul3A_1809 : vector<16xf32>
      %neg3A_1811 = arith.constant 0.000000e+00 : f32
      %neg3A_1812 = vector.broadcast %neg3A_1811 : f32 to vector<16xf32>
      %neg3A_1813 = arith.subf %neg3A_1812, %add3A_1810 : vector<16xf32>
      %exp3A_1814 = math.exp %neg3A_1813 : vector<16xf32>
      %add3A_1815 = arith.constant 1.000000e+00 : f32
      %add3A_1816 = vector.broadcast %add3A_1815 : f32 to vector<16xf32>
      %add3A_1817 = arith.addf %add3A_1816, %exp3A_1814 : vector<16xf32>
      %div3A_1818 = arith.constant 1.000000e+00 : f32
      %div3A_1819 = vector.broadcast %div3A_1818 : f32 to vector<16xf32>
      %div3A_1820 = arith.divf %div3A_1819, %add3A_1817 : vector<16xf32>
      %swap3A_1821 = arith.index_cast %add3A_1800 : i32 to index
      %swap3A_1822 = tpu.vector_load %arg18[%swap3A_1821] {strides = array<i32>} : memref<4096xf32, #tpu.memory_space<vmem>>, vector<16xf32>,
      tpu.vector_store %arg18[%swap3A_1821], %div3A_1820 {strides = array<i32>} : memref<4096xf32, #tpu.memory_space<vmem>>, vector<16xf32>,
      %add3A_1823 = arith.constant -256 : i32
      %add3A_1824 = arith.addi %add3A_70, %add3A_1823 : i32
      %add3A_1825 = arith.constant 208 : i32
      %add3A_1826 = arith.addi %add3A_1824, %add3A_1825 : i32
      %add3A_1827 = arith.constant -1 : i32
      %add3A_1828 = arith.addi %add3A_1826, %add3A_1827 : i32
      %get3A_1829 = arith.index_cast %add3A_1828 : i32 to index
      %get3A_1830 = tpu.vector_load %arg15[%get3A_1829] {strides = array<i32>} : memref<4624xf32, #tpu.memory_space<vmem>>, vector<16xf32>,
      %add3A_1831 = arith.constant -256 : i32
      %add3A_1832 = arith.addi %add3A_70, %add3A_1831 : i32
      %add3A_1833 = arith.constant 208 : i32
      %add3A_1834 = arith.addi %add3A_1832, %add3A_1833 : i32
      %add3A_1835 = arith.constant 0 : i32
      %add3A_1836 = arith.addi %add3A_1834, %add3A_1835 : i32
      %get3A_1837 = arith.index_cast %add3A_1836 : i32 to index
      %get3A_1838 = tpu.vector_load %arg15[%get3A_1837] {strides = array<i32>} : memref<4624xf32, #tpu.memory_space<vmem>>, vector<16xf32>,
      %add3A_1839 = arith.constant -256 : i32
      %add3A_1840 = arith.addi %add3A_70, %add3A_1839 : i32
      %add3A_1841 = arith.constant 208 : i32
      %add3A_1842 = arith.addi %add3A_1840, %add3A_1841 : i32
      %add3A_1843 = arith.constant 1 : i32
      %add3A_1844 = arith.addi %add3A_1842, %add3A_1843 : i32
      %get3A_1845 = arith.index_cast %add3A_1844 : i32 to index
      %get3A_1846 = tpu.vector_load %arg15[%get3A_1845] {strides = array<i32>} : memref<4624xf32, #tpu.memory_space<vmem>>, vector<16xf32>,
      %add3A_1847 = arith.constant 0 : i32
      %add3A_1848 = arith.addi %add3A_70, %add3A_1847 : i32
      %add3A_1849 = arith.constant 208 : i32
      %add3A_1850 = arith.addi %add3A_1848, %add3A_1849 : i32
      %add3A_1851 = arith.constant -1 : i32
      %add3A_1852 = arith.addi %add3A_1850, %add3A_1851 : i32
      %get3A_1853 = arith.index_cast %add3A_1852 : i32 to index
      %get3A_1854 = tpu.vector_load %arg15[%get3A_1853] {strides = array<i32>} : memref<4624xf32, #tpu.memory_space<vmem>>, vector<16xf32>,
      %add3A_1855 = arith.constant 0 : i32
      %add3A_1856 = arith.addi %add3A_70, %add3A_1855 : i32
      %add3A_1857 = arith.constant 208 : i32
      %add3A_1858 = arith.addi %add3A_1856, %add3A_1857 : i32
      %add3A_1859 = arith.constant 0 : i32
      %add3A_1860 = arith.addi %add3A_1858, %add3A_1859 : i32
      %get3A_1861 = arith.index_cast %add3A_1860 : i32 to index
      %get3A_1862 = tpu.vector_load %arg15[%get3A_1861] {strides = array<i32>} : memref<4624xf32, #tpu.memory_space<vmem>>, vector<16xf32>,
      %add3A_1863 = arith.constant 0 : i32
      %add3A_1864 = arith.addi %add3A_70, %add3A_1863 : i32
      %add3A_1865 = arith.constant 208 : i32
      %add3A_1866 = arith.addi %add3A_1864, %add3A_1865 : i32
      %add3A_1867 = arith.constant 1 : i32
      %add3A_1868 = arith.addi %add3A_1866, %add3A_1867 : i32
      %get3A_1869 = arith.index_cast %add3A_1868 : i32 to index
      %get3A_1870 = tpu.vector_load %arg15[%get3A_1869] {strides = array<i32>} : memref<4624xf32, #tpu.memory_space<vmem>>, vector<16xf32>,
      %add3A_1871 = arith.constant 256 : i32
      %add3A_1872 = arith.addi %add3A_70, %add3A_1871 : i32
      %add3A_1873 = arith.constant 208 : i32
      %add3A_1874 = arith.addi %add3A_1872, %add3A_1873 : i32
      %add3A_1875 = arith.constant -1 : i32
      %add3A_1876 = arith.addi %add3A_1874, %add3A_1875 : i32
      %get3A_1877 = arith.index_cast %add3A_1876 : i32 to index
      %get3A_1878 = tpu.vector_load %arg15[%get3A_1877] {strides = array<i32>} : memref<4624xf32, #tpu.memory_space<vmem>>, vector<16xf32>,
      %add3A_1879 = arith.constant 256 : i32
      %add3A_1880 = arith.addi %add3A_70, %add3A_1879 : i32
      %add3A_1881 = arith.constant 208 : i32
      %add3A_1882 = arith.addi %add3A_1880, %add3A_1881 : i32
      %add3A_1883 = arith.constant 0 : i32
      %add3A_1884 = arith.addi %add3A_1882, %add3A_1883 : i32
      %get3A_1885 = arith.index_cast %add3A_1884 : i32 to index
      %get3A_1886 = tpu.vector_load %arg15[%get3A_1885] {strides = array<i32>} : memref<4624xf32, #tpu.memory_space<vmem>>, vector<16xf32>,
      %add3A_1887 = arith.constant 256 : i32
      %add3A_1888 = arith.addi %add3A_70, %add3A_1887 : i32
      %add3A_1889 = arith.constant 208 : i32
      %add3A_1890 = arith.addi %add3A_1888, %add3A_1889 : i32
      %add3A_1891 = arith.constant 1 : i32
      %add3A_1892 = arith.addi %add3A_1890, %add3A_1891 : i32
      %get3A_1893 = arith.index_cast %add3A_1892 : i32 to index
      %get3A_1894 = tpu.vector_load %arg15[%get3A_1893] {strides = array<i32>} : memref<4624xf32, #tpu.memory_space<vmem>>, vector<16xf32>,
      %mul3A_1895 = arith.constant 0.0113437362 : f32
      %mul3A_1896 = vector.broadcast %mul3A_1895 : f32 to vector<16xf32>
      %mul3A_1897 = arith.mulf %mul3A_1896, %get3A_1830 : vector<16xf32>
      %add3A_1898 = arith.addf %broadcast_in_dim3A_3, %mul3A_1897 : vector<16xf32>
      %mul3A_1899 = arith.constant 0.0838195086 : f32
      %mul3A_1900 = vector.broadcast %mul3A_1899 : f32 to vector<16xf32>
      %mul3A_1901 = arith.mulf %mul3A_1900, %get3A_1838 : vector<16xf32>
      %add3A_1902 = arith.addf %add3A_1898, %mul3A_1901 : vector<16xf32>
      %mul3A_1903 = arith.constant 0.0113437362 : f32
      %mul3A_1904 = vector.broadcast %mul3A_1903 : f32 to vector<16xf32>
      %mul3A_1905 = arith.mulf %mul3A_1904, %get3A_1846 : vector<16xf32>
      %add3A_1906 = arith.addf %add3A_1902, %mul3A_1905 : vector<16xf32>
      %mul3A_1907 = arith.constant 0.0838195086 : f32
      %mul3A_1908 = vector.broadcast %mul3A_1907 : f32 to vector<16xf32>
      %mul3A_1909 = arith.mulf %mul3A_1908, %get3A_1854 : vector<16xf32>
      %add3A_1910 = arith.addf %add3A_1906, %mul3A_1909 : vector<16xf32>
      %mul3A_1911 = arith.constant 0.619347035 : f32
      %mul3A_1912 = vector.broadcast %mul3A_1911 : f32 to vector<16xf32>
      %mul3A_1913 = arith.mulf %mul3A_1912, %get3A_1862 : vector<16xf32>
      %add3A_1914 = arith.addf %add3A_1910, %mul3A_1913 : vector<16xf32>
      %mul3A_1915 = arith.constant 0.0838195086 : f32
      %mul3A_1916 = vector.broadcast %mul3A_1915 : f32 to vector<16xf32>
      %mul3A_1917 = arith.mulf %mul3A_1916, %get3A_1870 : vector<16xf32>
      %add3A_1918 = arith.addf %add3A_1914, %mul3A_1917 : vector<16xf32>
      %mul3A_1919 = arith.constant 0.0113437362 : f32
      %mul3A_1920 = vector.broadcast %mul3A_1919 : f32 to vector<16xf32>
      %mul3A_1921 = arith.mulf %mul3A_1920, %get3A_1878 : vector<16xf32>
      %add3A_1922 = arith.addf %add3A_1918, %mul3A_1921 : vector<16xf32>
      %mul3A_1923 = arith.constant 0.0838195086 : f32
      %mul3A_1924 = vector.broadcast %mul3A_1923 : f32 to vector<16xf32>
      %mul3A_1925 = arith.mulf %mul3A_1924, %get3A_1886 : vector<16xf32>
      %add3A_1926 = arith.addf %add3A_1922, %mul3A_1925 : vector<16xf32>
      %mul3A_1927 = arith.constant 0.0113437362 : f32
      %mul3A_1928 = vector.broadcast %mul3A_1927 : f32 to vector<16xf32>
      %mul3A_1929 = arith.mulf %mul3A_1928, %get3A_1894 : vector<16xf32>
      %add3A_1930 = arith.addf %add3A_1926, %mul3A_1929 : vector<16xf32>
      %mul3A_1931 = arith.constant 256 : i32
      %mul3A_1932 = arith.muli %add3A_64, %mul3A_1931 : i32
      %add3A_1933 = arith.constant 208 : i32
      %add3A_1934 = arith.addi %mul3A_1932, %add3A_1933 : i32
      %get3A_1935 = arith.index_cast %add3A_1934 : i32 to index
      %get3A_1936 = tpu.vector_load %arg14[%get3A_1935] {strides = array<i32>} : memref<4096xf32, #tpu.memory_space<vmem>>, vector<16xf32>,
      %mul3A_1937 = arith.constant 5.000000e-01 : f32
      %mul3A_1938 = vector.broadcast %mul3A_1937 : f32 to vector<16xf32>
      %mul3A_1939 = arith.mulf %mul3A_1938, %get3A_1936 : vector<16xf32>
      %exp3A_1940 = math.exp %mul3A_1939 : vector<16xf32>
      %get3A_1941 = arith.index_cast %add3A_1934 : i32 to index
      %get3A_1942 = tpu.vector_load %arg16[%get3A_1941] {strides = array<i32>} : memref<4096xf32, #tpu.memory_space<vmem>>, vector<16xf32>,
      %mul3A_1943 = arith.mulf %get3A_1942, %exp3A_1940 : vector<16xf32>
      %add3A_1944 = arith.addf %add3A_1930, %mul3A_1943 : vector<16xf32>
      %neg3A_1945 = arith.constant 0.000000e+00 : f32
      %neg3A_1946 = vector.broadcast %neg3A_1945 : f32 to vector<16xf32>
      %neg3A_1947 = arith.subf %neg3A_1946, %add3A_1944 : vector<16xf32>
      %exp3A_1948 = math.exp %neg3A_1947 : vector<16xf32>
      %add3A_1949 = arith.constant 1.000000e+00 : f32
      %add3A_1950 = vector.broadcast %add3A_1949 : f32 to vector<16xf32>
      %add3A_1951 = arith.addf %add3A_1950, %exp3A_1948 : vector<16xf32>
      %div3A_1952 = arith.constant 1.000000e+00 : f32
      %div3A_1953 = vector.broadcast %div3A_1952 : f32 to vector<16xf32>
      %div3A_1954 = arith.divf %div3A_1953, %add3A_1951 : vector<16xf32>
      %swap3A_1955 = arith.index_cast %add3A_1934 : i32 to index
      %swap3A_1956 = tpu.vector_load %arg18[%swap3A_1955] {strides = array<i32>} : memref<4096xf32, #tpu.memory_space<vmem>>, vector<16xf32>,
      tpu.vector_store %arg18[%swap3A_1955], %div3A_1954 {strides = array<i32>} : memref<4096xf32, #tpu.memory_space<vmem>>, vector<16xf32>,
      %add3A_1957 = arith.constant -256 : i32
      %add3A_1958 = arith.addi %add3A_70, %add3A_1957 : i32
      %add3A_1959 = arith.constant 224 : i32
      %add3A_1960 = arith.addi %add3A_1958, %add3A_1959 : i32
      %add3A_1961 = arith.constant -1 : i32
      %add3A_1962 = arith.addi %add3A_1960, %add3A_1961 : i32
      %get3A_1963 = arith.index_cast %add3A_1962 : i32 to index
      %get3A_1964 = tpu.vector_load %arg15[%get3A_1963] {strides = array<i32>} : memref<4624xf32, #tpu.memory_space<vmem>>, vector<16xf32>,
      %add3A_1965 = arith.constant -256 : i32
      %add3A_1966 = arith.addi %add3A_70, %add3A_1965 : i32
      %add3A_1967 = arith.constant 224 : i32
      %add3A_1968 = arith.addi %add3A_1966, %add3A_1967 : i32
      %add3A_1969 = arith.constant 0 : i32
      %add3A_1970 = arith.addi %add3A_1968, %add3A_1969 : i32
      %get3A_1971 = arith.index_cast %add3A_1970 : i32 to index
      %get3A_1972 = tpu.vector_load %arg15[%get3A_1971] {strides = array<i32>} : memref<4624xf32, #tpu.memory_space<vmem>>, vector<16xf32>,
      %add3A_1973 = arith.constant -256 : i32
      %add3A_1974 = arith.addi %add3A_70, %add3A_1973 : i32
      %add3A_1975 = arith.constant 224 : i32
      %add3A_1976 = arith.addi %add3A_1974, %add3A_1975 : i32
      %add3A_1977 = arith.constant 1 : i32
      %add3A_1978 = arith.addi %add3A_1976, %add3A_1977 : i32
      %get3A_1979 = arith.index_cast %add3A_1978 : i32 to index
      %get3A_1980 = tpu.vector_load %arg15[%get3A_1979] {strides = array<i32>} : memref<4624xf32, #tpu.memory_space<vmem>>, vector<16xf32>,
      %add3A_1981 = arith.constant 0 : i32
      %add3A_1982 = arith.addi %add3A_70, %add3A_1981 : i32
      %add3A_1983 = arith.constant 224 : i32
      %add3A_1984 = arith.addi %add3A_1982, %add3A_1983 : i32
      %add3A_1985 = arith.constant -1 : i32
      %add3A_1986 = arith.addi %add3A_1984, %add3A_1985 : i32
      %get3A_1987 = arith.index_cast %add3A_1986 : i32 to index
      %get3A_1988 = tpu.vector_load %arg15[%get3A_1987] {strides = array<i32>} : memref<4624xf32, #tpu.memory_space<vmem>>, vector<16xf32>,
      %add3A_1989 = arith.constant 0 : i32
      %add3A_1990 = arith.addi %add3A_70, %add3A_1989 : i32
      %add3A_1991 = arith.constant 224 : i32
      %add3A_1992 = arith.addi %add3A_1990, %add3A_1991 : i32
      %add3A_1993 = arith.constant 0 : i32
      %add3A_1994 = arith.addi %add3A_1992, %add3A_1993 : i32
      %get3A_1995 = arith.index_cast %add3A_1994 : i32 to index
      %get3A_1996 = tpu.vector_load %arg15[%get3A_1995] {strides = array<i32>} : memref<4624xf32, #tpu.memory_space<vmem>>, vector<16xf32>,
      %add3A_1997 = arith.constant 0 : i32
      %add3A_1998 = arith.addi %add3A_70, %add3A_1997 : i32
      %add3A_1999 = arith.constant 224 : i32
      %add3A_2000 = arith.addi %add3A_1998, %add3A_1999 : i32
      %add3A_2001 = arith.constant 1 : i32
      %add3A_2002 = arith.addi %add3A_2000, %add3A_2001 : i32
      %get3A_2003 = arith.index_cast %add3A_2002 : i32 to index
      %get3A_2004 = tpu.vector_load %arg15[%get3A_2003] {strides = array<i32>} : memref<4624xf32, #tpu.memory_space<vmem>>, vector<16xf32>,
      %add3A_2005 = arith.constant 256 : i32
      %add3A_2006 = arith.addi %add3A_70, %add3A_2005 : i32
      %add3A_2007 = arith.constant 224 : i32
      %add3A_2008 = arith.addi %add3A_2006, %add3A_2007 : i32
      %add3A_2009 = arith.constant -1 : i32
      %add3A_2010 = arith.addi %add3A_2008, %add3A_2009 : i32
      %get3A_2011 = arith.index_cast %add3A_2010 : i32 to index
      %get3A_2012 = tpu.vector_load %arg15[%get3A_2011] {strides = array<i32>} : memref<4624xf32, #tpu.memory_space<vmem>>, vector<16xf32>,
      %add3A_2013 = arith.constant 256 : i32
      %add3A_2014 = arith.addi %add3A_70, %add3A_2013 : i32
      %add3A_2015 = arith.constant 224 : i32
      %add3A_2016 = arith.addi %add3A_2014, %add3A_2015 : i32
      %add3A_2017 = arith.constant 0 : i32
      %add3A_2018 = arith.addi %add3A_2016, %add3A_2017 : i32
      %get3A_2019 = arith.index_cast %add3A_2018 : i32 to index
      %get3A_2020 = tpu.vector_load %arg15[%get3A_2019] {strides = array<i32>} : memref<4624xf32, #tpu.memory_space<vmem>>, vector<16xf32>,
      %add3A_2021 = arith.constant 256 : i32
      %add3A_2022 = arith.addi %add3A_70, %add3A_2021 : i32
      %add3A_2023 = arith.constant 224 : i32
      %add3A_2024 = arith.addi %add3A_2022, %add3A_2023 : i32
      %add3A_2025 = arith.constant 1 : i32
      %add3A_2026 = arith.addi %add3A_2024, %add3A_2025 : i32
      %get3A_2027 = arith.index_cast %add3A_2026 : i32 to index
      %get3A_2028 = tpu.vector_load %arg15[%get3A_2027] {strides = array<i32>} : memref<4624xf32, #tpu.memory_space<vmem>>, vector<16xf32>,
      %mul3A_2029 = arith.constant 0.0113437362 : f32
      %mul3A_2030 = vector.broadcast %mul3A_2029 : f32 to vector<16xf32>
      %mul3A_2031 = arith.mulf %mul3A_2030, %get3A_1964 : vector<16xf32>
      %add3A_2032 = arith.addf %broadcast_in_dim3A_3, %mul3A_2031 : vector<16xf32>
      %mul3A_2033 = arith.constant 0.0838195086 : f32
      %mul3A_2034 = vector.broadcast %mul3A_2033 : f32 to vector<16xf32>
      %mul3A_2035 = arith.mulf %mul3A_2034, %get3A_1972 : vector<16xf32>
      %add3A_2036 = arith.addf %add3A_2032, %mul3A_2035 : vector<16xf32>
      %mul3A_2037 = arith.constant 0.0113437362 : f32
      %mul3A_2038 = vector.broadcast %mul3A_2037 : f32 to vector<16xf32>
      %mul3A_2039 = arith.mulf %mul3A_2038, %get3A_1980 : vector<16xf32>
      %add3A_2040 = arith.addf %add3A_2036, %mul3A_2039 : vector<16xf32>
      %mul3A_2041 = arith.constant 0.0838195086 : f32
      %mul3A_2042 = vector.broadcast %mul3A_2041 : f32 to vector<16xf32>
      %mul3A_2043 = arith.mulf %mul3A_2042, %get3A_1988 : vector<16xf32>
      %add3A_2044 = arith.addf %add3A_2040, %mul3A_2043 : vector<16xf32>
      %mul3A_2045 = arith.constant 0.619347035 : f32
      %mul3A_2046 = vector.broadcast %mul3A_2045 : f32 to vector<16xf32>
      %mul3A_2047 = arith.mulf %mul3A_2046, %get3A_1996 : vector<16xf32>
      %add3A_2048 = arith.addf %add3A_2044, %mul3A_2047 : vector<16xf32>
      %mul3A_2049 = arith.constant 0.0838195086 : f32
      %mul3A_2050 = vector.broadcast %mul3A_2049 : f32 to vector<16xf32>
      %mul3A_2051 = arith.mulf %mul3A_2050, %get3A_2004 : vector<16xf32>
      %add3A_2052 = arith.addf %add3A_2048, %mul3A_2051 : vector<16xf32>
      %mul3A_2053 = arith.constant 0.0113437362 : f32
      %mul3A_2054 = vector.broadcast %mul3A_2053 : f32 to vector<16xf32>
      %mul3A_2055 = arith.mulf %mul3A_2054, %get3A_2012 : vector<16xf32>
      %add3A_2056 = arith.addf %add3A_2052, %mul3A_2055 : vector<16xf32>
      %mul3A_2057 = arith.constant 0.0838195086 : f32
      %mul3A_2058 = vector.broadcast %mul3A_2057 : f32 to vector<16xf32>
      %mul3A_2059 = arith.mulf %mul3A_2058, %get3A_2020 : vector<16xf32>
      %add3A_2060 = arith.addf %add3A_2056, %mul3A_2059 : vector<16xf32>
      %mul3A_2061 = arith.constant 0.0113437362 : f32
      %mul3A_2062 = vector.broadcast %mul3A_2061 : f32 to vector<16xf32>
      %mul3A_2063 = arith.mulf %mul3A_2062, %get3A_2028 : vector<16xf32>
      %add3A_2064 = arith.addf %add3A_2060, %mul3A_2063 : vector<16xf32>
      %mul3A_2065 = arith.constant 256 : i32
      %mul3A_2066 = arith.muli %add3A_64, %mul3A_2065 : i32
      %add3A_2067 = arith.constant 224 : i32
      %add3A_2068 = arith.addi %mul3A_2066, %add3A_2067 : i32
      %get3A_2069 = arith.index_cast %add3A_2068 : i32 to index
      %get3A_2070 = tpu.vector_load %arg14[%get3A_2069] {strides = array<i32>} : memref<4096xf32, #tpu.memory_space<vmem>>, vector<16xf32>,
      %mul3A_2071 = arith.constant 5.000000e-01 : f32
      %mul3A_2072 = vector.broadcast %mul3A_2071 : f32 to vector<16xf32>
      %mul3A_2073 = arith.mulf %mul3A_2072, %get3A_2070 : vector<16xf32>
      %exp3A_2074 = math.exp %mul3A_2073 : vector<16xf32>
      %get3A_2075 = arith.index_cast %add3A_2068 : i32 to index
      %get3A_2076 = tpu.vector_load %arg16[%get3A_2075] {strides = array<i32>} : memref<4096xf32, #tpu.memory_space<vmem>>, vector<16xf32>,
      %mul3A_2077 = arith.mulf %get3A_2076, %exp3A_2074 : vector<16xf32>
      %add3A_2078 = arith.addf %add3A_2064, %mul3A_2077 : vector<16xf32>
      %neg3A_2079 = arith.constant 0.000000e+00 : f32
      %neg3A_2080 = vector.broadcast %neg3A_2079 : f32 to vector<16xf32>
      %neg3A_2081 = arith.subf %neg3A_2080, %add3A_2078 : vector<16xf32>
      %exp3A_2082 = math.exp %neg3A_2081 : vector<16xf32>
      %add3A_2083 = arith.constant 1.000000e+00 : f32
      %add3A_2084 = vector.broadcast %add3A_2083 : f32 to vector<16xf32>
      %add3A_2085 = arith.addf %add3A_2084, %exp3A_2082 : vector<16xf32>
      %div3A_2086 = arith.constant 1.000000e+00 : f32
      %div3A_2087 = vector.broadcast %div3A_2086 : f32 to vector<16xf32>
      %div3A_2088 = arith.divf %div3A_2087, %add3A_2085 : vector<16xf32>
      %swap3A_2089 = arith.index_cast %add3A_2068 : i32 to index
      %swap3A_2090 = tpu.vector_load %arg18[%swap3A_2089] {strides = array<i32>} : memref<4096xf32, #tpu.memory_space<vmem>>, vector<16xf32>,
      tpu.vector_store %arg18[%swap3A_2089], %div3A_2088 {strides = array<i32>} : memref<4096xf32, #tpu.memory_space<vmem>>, vector<16xf32>,
      %add3A_2091 = arith.constant -256 : i32
      %add3A_2092 = arith.addi %add3A_70, %add3A_2091 : i32
      %add3A_2093 = arith.constant 240 : i32
      %add3A_2094 = arith.addi %add3A_2092, %add3A_2093 : i32
      %add3A_2095 = arith.constant -1 : i32
      %add3A_2096 = arith.addi %add3A_2094, %add3A_2095 : i32
      %get3A_2097 = arith.index_cast %add3A_2096 : i32 to index
      %get3A_2098 = tpu.vector_load %arg15[%get3A_2097] {strides = array<i32>} : memref<4624xf32, #tpu.memory_space<vmem>>, vector<16xf32>,
      %add3A_2099 = arith.constant -256 : i32
      %add3A_2100 = arith.addi %add3A_70, %add3A_2099 : i32
      %add3A_2101 = arith.constant 240 : i32
      %add3A_2102 = arith.addi %add3A_2100, %add3A_2101 : i32
      %add3A_2103 = arith.constant 0 : i32
      %add3A_2104 = arith.addi %add3A_2102, %add3A_2103 : i32
      %get3A_2105 = arith.index_cast %add3A_2104 : i32 to index
      %get3A_2106 = tpu.vector_load %arg15[%get3A_2105] {strides = array<i32>} : memref<4624xf32, #tpu.memory_space<vmem>>, vector<16xf32>,
      %add3A_2107 = arith.constant -256 : i32
      %add3A_2108 = arith.addi %add3A_70, %add3A_2107 : i32
      %add3A_2109 = arith.constant 240 : i32
      %add3A_2110 = arith.addi %add3A_2108, %add3A_2109 : i32
      %add3A_2111 = arith.constant 1 : i32
      %add3A_2112 = arith.addi %add3A_2110, %add3A_2111 : i32
      %get3A_2113 = arith.index_cast %add3A_2112 : i32 to index
      %get3A_2114 = tpu.vector_load %arg15[%get3A_2113] {strides = array<i32>} : memref<4624xf32, #tpu.memory_space<vmem>>, vector<16xf32>,
      %add3A_2115 = arith.constant 0 : i32
      %add3A_2116 = arith.addi %add3A_70, %add3A_2115 : i32
      %add3A_2117 = arith.constant 240 : i32
      %add3A_2118 = arith.addi %add3A_2116, %add3A_2117 : i32
      %add3A_2119 = arith.constant -1 : i32
      %add3A_2120 = arith.addi %add3A_2118, %add3A_2119 : i32
      %get3A_2121 = arith.index_cast %add3A_2120 : i32 to index
      %get3A_2122 = tpu.vector_load %arg15[%get3A_2121] {strides = array<i32>} : memref<4624xf32, #tpu.memory_space<vmem>>, vector<16xf32>,
      %add3A_2123 = arith.constant 0 : i32
      %add3A_2124 = arith.addi %add3A_70, %add3A_2123 : i32
      %add3A_2125 = arith.constant 240 : i32
      %add3A_2126 = arith.addi %add3A_2124, %add3A_2125 : i32
      %add3A_2127 = arith.constant 0 : i32
      %add3A_2128 = arith.addi %add3A_2126, %add3A_2127 : i32
      %get3A_2129 = arith.index_cast %add3A_2128 : i32 to index
      %get3A_2130 = tpu.vector_load %arg15[%get3A_2129] {strides = array<i32>} : memref<4624xf32, #tpu.memory_space<vmem>>, vector<16xf32>,
      %add3A_2131 = arith.constant 0 : i32
      %add3A_2132 = arith.addi %add3A_70, %add3A_2131 : i32
      %add3A_2133 = arith.constant 240 : i32
      %add3A_2134 = arith.addi %add3A_2132, %add3A_2133 : i32
      %add3A_2135 = arith.constant 1 : i32
      %add3A_2136 = arith.addi %add3A_2134, %add3A_2135 : i32
      %get3A_2137 = arith.index_cast %add3A_2136 : i32 to index
      %get3A_2138 = tpu.vector_load %arg15[%get3A_2137] {strides = array<i32>} : memref<4624xf32, #tpu.memory_space<vmem>>, vector<16xf32>,
      %add3A_2139 = arith.constant 256 : i32
      %add3A_2140 = arith.addi %add3A_70, %add3A_2139 : i32
      %add3A_2141 = arith.constant 240 : i32
      %add3A_2142 = arith.addi %add3A_2140, %add3A_2141 : i32
      %add3A_2143 = arith.constant -1 : i32
      %add3A_2144 = arith.addi %add3A_2142, %add3A_2143 : i32
      %get3A_2145 = arith.index_cast %add3A_2144 : i32 to index
      %get3A_2146 = tpu.vector_load %arg15[%get3A_2145] {strides = array<i32>} : memref<4624xf32, #tpu.memory_space<vmem>>, vector<16xf32>,
      %add3A_2147 = arith.constant 256 : i32
      %add3A_2148 = arith.addi %add3A_70, %add3A_2147 : i32
      %add3A_2149 = arith.constant 240 : i32
      %add3A_2150 = arith.addi %add3A_2148, %add3A_2149 : i32
      %add3A_2151 = arith.constant 0 : i32
      %add3A_2152 = arith.addi %add3A_2150, %add3A_2151 : i32
      %get3A_2153 = arith.index_cast %add3A_2152 : i32 to index
      %get3A_2154 = tpu.vector_load %arg15[%get3A_2153] {strides = array<i32>} : memref<4624xf32, #tpu.memory_space<vmem>>, vector<16xf32>,
      %add3A_2155 = arith.constant 256 : i32
      %add3A_2156 = arith.addi %add3A_70, %add3A_2155 : i32
      %add3A_2157 = arith.constant 240 : i32
      %add3A_2158 = arith.addi %add3A_2156, %add3A_2157 : i32
      %add3A_2159 = arith.constant 1 : i32
      %add3A_2160 = arith.addi %add3A_2158, %add3A_2159 : i32
      %get3A_2161 = arith.index_cast %add3A_2160 : i32 to index
      %get3A_2162 = tpu.vector_load %arg15[%get3A_2161] {strides = array<i32>} : memref<4624xf32, #tpu.memory_space<vmem>>, vector<16xf32>,
      %mul3A_2163 = arith.constant 0.0113437362 : f32
      %mul3A_2164 = vector.broadcast %mul3A_2163 : f32 to vector<16xf32>
      %mul3A_2165 = arith.mulf %mul3A_2164, %get3A_2098 : vector<16xf32>
      %add3A_2166 = arith.addf %broadcast_in_dim3A_3, %mul3A_2165 : vector<16xf32>
      %mul3A_2167 = arith.constant 0.0838195086 : f32
      %mul3A_2168 = vector.broadcast %mul3A_2167 : f32 to vector<16xf32>
      %mul3A_2169 = arith.mulf %mul3A_2168, %get3A_2106 : vector<16xf32>
      %add3A_2170 = arith.addf %add3A_2166, %mul3A_2169 : vector<16xf32>
      %mul3A_2171 = arith.constant 0.0113437362 : f32
      %mul3A_2172 = vector.broadcast %mul3A_2171 : f32 to vector<16xf32>
      %mul3A_2173 = arith.mulf %mul3A_2172, %get3A_2114 : vector<16xf32>
      %add3A_2174 = arith.addf %add3A_2170, %mul3A_2173 : vector<16xf32>
      %mul3A_2175 = arith.constant 0.0838195086 : f32
      %mul3A_2176 = vector.broadcast %mul3A_2175 : f32 to vector<16xf32>
      %mul3A_2177 = arith.mulf %mul3A_2176, %get3A_2122 : vector<16xf32>
      %add3A_2178 = arith.addf %add3A_2174, %mul3A_2177 : vector<16xf32>
      %mul3A_2179 = arith.constant 0.619347035 : f32
      %mul3A_2180 = vector.broadcast %mul3A_2179 : f32 to vector<16xf32>
      %mul3A_2181 = arith.mulf %mul3A_2180, %get3A_2130 : vector<16xf32>
      %add3A_2182 = arith.addf %add3A_2178, %mul3A_2181 : vector<16xf32>
      %mul3A_2183 = arith.constant 0.0838195086 : f32
      %mul3A_2184 = vector.broadcast %mul3A_2183 : f32 to vector<16xf32>
      %mul3A_2185 = arith.mulf %mul3A_2184, %get3A_2138 : vector<16xf32>
      %add3A_2186 = arith.addf %add3A_2182, %mul3A_2185 : vector<16xf32>
      %mul3A_2187 = arith.constant 0.0113437362 : f32
      %mul3A_2188 = vector.broadcast %mul3A_2187 : f32 to vector<16xf32>
      %mul3A_2189 = arith.mulf %mul3A_2188, %get3A_2146 : vector<16xf32>
      %add3A_2190 = arith.addf %add3A_2186, %mul3A_2189 : vector<16xf32>
      %mul3A_2191 = arith.constant 0.0838195086 : f32
      %mul3A_2192 = vector.broadcast %mul3A_2191 : f32 to vector<16xf32>
      %mul3A_2193 = arith.mulf %mul3A_2192, %get3A_2154 : vector<16xf32>
      %add3A_2194 = arith.addf %add3A_2190, %mul3A_2193 : vector<16xf32>
      %mul3A_2195 = arith.constant 0.0113437362 : f32
      %mul3A_2196 = vector.broadcast %mul3A_2195 : f32 to vector<16xf32>
      %mul3A_2197 = arith.mulf %mul3A_2196, %get3A_2162 : vector<16xf32>
      %add3A_2198 = arith.addf %add3A_2194, %mul3A_2197 : vector<16xf32>
      %mul3A_2199 = arith.constant 0.0113437362 : f32
      %mul3A_2200 = vector.broadcast %mul3A_2199 : f32 to vector<16xf32>
      %mul3A_2201 = arith.mulf %mul3A_2200, %get3A_2114 : vector<16xf32>
      %mul3A_2202 = arith.constant 0.0838195086 : f32
      %mul3A_2203 = vector.broadcast %mul3A_2202 : f32 to vector<16xf32>
      %mul3A_2204 = arith.mulf %mul3A_2203, %get3A_2138 : vector<16xf32>
      %add3A_2205 = arith.addf %mul3A_2201, %mul3A_2204 : vector<16xf32>
      %mul3A_2206 = arith.constant 0.0113437362 : f32
      %mul3A_2207 = vector.broadcast %mul3A_2206 : f32 to vector<16xf32>
      %mul3A_2208 = arith.mulf %mul3A_2207, %get3A_2162 : vector<16xf32>
      %add3A_2209 = arith.addf %add3A_2205, %mul3A_2208 : vector<16xf32>
      %eq3A_2210 = arith.constant 15 : i32
      %eq3A_2211 = vector.broadcast %eq3A_2210 : i32 to vector<16xi32>
      %eq3A_2212 = arith.cmpi eq, %iota3A, %eq3A_2211 : vector<16xi32>
      %sub3A_2213 = arith.subf %add3A_2198, %add3A_2209 : vector<16xf32>
      %select_n3A_2214 = arith.select %eq3A_2212, %sub3A_2213, %add3A_2198 : vector<16xi1>, vector<16xf32>
      %mul3A_2215 = arith.constant 256 : i32
      %mul3A_2216 = arith.muli %add3A_64, %mul3A_2215 : i32
      %add3A_2217 = arith.constant 240 : i32
      %add3A_2218 = arith.addi %mul3A_2216, %add3A_2217 : i32
      %get3A_2219 = arith.index_cast %add3A_2218 : i32 to index
      %get3A_2220 = tpu.vector_load %arg14[%get3A_2219] {strides = array<i32>} : memref<4096xf32, #tpu.memory_space<vmem>>, vector<16xf32>,
      %mul3A_2221 = arith.constant 5.000000e-01 : f32
      %mul3A_2222 = vector.broadcast %mul3A_2221 : f32 to vector<16xf32>
      %mul3A_2223 = arith.mulf %mul3A_2222, %get3A_2220 : vector<16xf32>
      %exp3A_2224 = math.exp %mul3A_2223 : vector<16xf32>
      %get3A_2225 = arith.index_cast %add3A_2218 : i32 to index
      %get3A_2226 = tpu.vector_load %arg16[%get3A_2225] {strides = array<i32>} : memref<4096xf32, #tpu.memory_space<vmem>>, vector<16xf32>,
      %mul3A_2227 = arith.mulf %get3A_2226, %exp3A_2224 : vector<16xf32>
      %add3A_2228 = arith.addf %select_n3A_2214, %mul3A_2227 : vector<16xf32>
      %neg3A_2229 = arith.constant 0.000000e+00 : f32
      %neg3A_2230 = vector.broadcast %neg3A_2229 : f32 to vector<16xf32>
      %neg3A_2231 = arith.subf %neg3A_2230, %add3A_2228 : vector<16xf32>
      %exp3A_2232 = math.exp %neg3A_2231 : vector<16xf32>
      %add3A_2233 = arith.constant 1.000000e+00 : f32
      %add3A_2234 = vector.broadcast %add3A_2233 : f32 to vector<16xf32>
      %add3A_2235 = arith.addf %add3A_2234, %exp3A_2232 : vector<16xf32>
      %div3A_2236 = arith.constant 1.000000e+00 : f32
      %div3A_2237 = vector.broadcast %div3A_2236 : f32 to vector<16xf32>
      %div3A_2238 = arith.divf %div3A_2237, %add3A_2235 : vector<16xf32>
      %swap3A_2239 = arith.index_cast %add3A_2218 : i32 to index
      %swap3A_2240 = tpu.vector_load %arg18[%swap3A_2239] {strides = array<i32>} : memref<4096xf32, #tpu.memory_space<vmem>>, vector<16xf32>,
      tpu.vector_store %arg18[%swap3A_2239], %div3A_2238 {strides = array<i32>} : memref<4096xf32, #tpu.memory_space<vmem>>, vector<16xf32>,
    }
    %scan3A_51 = arith.constant 16 : i32
    "tpu.region"() ({
      %run_scoped3A = tpu.sem_alloc : memref<!tpu.dma_semaphore, #tpu.memory_space<semaphore_mem>>
      %dma_start3A = tpu.memref_slice %arg9[%arg0, %mul3A_2] : memref<2x65536xf32, #tpu.memory_space<hbm>> -> memref<1x4096xf32, #tpu.memory_space<hbm>>
      %dma_start3A_60 = tpu.memref_squeeze %dma_start3A : memref<1x4096xf32, #tpu.memory_space<hbm>> -> memref<4096xf32, #tpu.memory_space<hbm>>
      %dma_start3A_61 = tpu.memref_slice %arg9[%arg0, %mul3A_2] : memref<2x65536xf32, #tpu.memory_space<hbm>> -> memref<1x4096xf32, #tpu.memory_space<hbm>>
      %dma_start3A_62 = tpu.memref_squeeze %dma_start3A_61 : memref<1x4096xf32, #tpu.memory_space<hbm>> -> memref<4096xf32, #tpu.memory_space<hbm>>
      tpu.enqueue_dma source(%arg18 : memref<4096xf32, #tpu.memory_space<vmem>>) target(%dma_start3A_62 : memref<4096xf32, #tpu.memory_space<hbm>>) target_semaphore(%run_scoped3A : memref<!tpu.dma_semaphore, #tpu.memory_space<semaphore_mem>>)
      %dma_wait3A = tpu.memref_slice %arg9[%arg0, %mul3A_2] : memref<2x65536xf32, #tpu.memory_space<hbm>> -> memref<1x4096xf32, #tpu.memory_space<hbm>>
      %dma_wait3A_63 = tpu.memref_squeeze %dma_wait3A : memref<1x4096xf32, #tpu.memory_space<hbm>> -> memref<4096xf32, #tpu.memory_space<hbm>>
      %dma_wait3A_64 = tpu.memref_slice %arg9[%arg0, %mul3A_2] : memref<2x65536xf32, #tpu.memory_space<hbm>> -> memref<1x4096xf32, #tpu.memory_space<hbm>>
      %dma_wait3A_65 = tpu.memref_squeeze %dma_wait3A_64 : memref<1x4096xf32, #tpu.memory_space<hbm>> -> memref<4096xf32, #tpu.memory_space<hbm>>
      tpu.wait_dma2 semaphore(%run_scoped3A : memref<!tpu.dma_semaphore, #tpu.memory_space<semaphore_mem>>) src(%arg18 : memref<4096xf32, #tpu.memory_space<vmem>>) dst(%dma_wait3A_65 : memref<4096xf32, #tpu.memory_space<hbm>>)
      tpu.yield
    }) : () -> ()
    %barrier3A_52 = arith.constant 0 : index
    tpu.barrier barrier_id(%barrier3A_52)
    "tpu.region"() ({
      %run_scoped3A = tpu.sem_alloc : memref<!tpu.dma_semaphore, #tpu.memory_space<semaphore_mem>>
      %dma_start3A = arith.constant 0 : i32
      %dma_start3A_60 = tpu.memref_slice %arg9[%arg0, %dma_start3A] : memref<2x65536xf32, #tpu.memory_space<hbm>> -> memref<1x65536xf32, #tpu.memory_space<hbm>>
      %dma_start3A_61 = tpu.memref_squeeze %dma_start3A_60 : memref<1x65536xf32, #tpu.memory_space<hbm>> -> memref<65536xf32, #tpu.memory_space<hbm>>
      %dma_start3A_62 = arith.constant 0 : i32
      %dma_start3A_63 = tpu.memref_slice %arg9[%arg0, %dma_start3A_62] : memref<2x65536xf32, #tpu.memory_space<hbm>> -> memref<1x65536xf32, #tpu.memory_space<hbm>>
      %dma_start3A_64 = tpu.memref_squeeze %dma_start3A_63 : memref<1x65536xf32, #tpu.memory_space<hbm>> -> memref<65536xf32, #tpu.memory_space<hbm>>
      tpu.enqueue_dma source(%dma_start3A_64 : memref<65536xf32, #tpu.memory_space<hbm>>) target(%arg19 : memref<65536xf32, #tpu.memory_space<vmem>>) target_semaphore(%run_scoped3A : memref<!tpu.dma_semaphore, #tpu.memory_space<semaphore_mem>>)
      %dma_wait3A = arith.constant 0 : i32
      %dma_wait3A_65 = tpu.memref_slice %arg9[%arg0, %dma_wait3A] : memref<2x65536xf32, #tpu.memory_space<hbm>> -> memref<1x65536xf32, #tpu.memory_space<hbm>>
      %dma_wait3A_66 = tpu.memref_squeeze %dma_wait3A_65 : memref<1x65536xf32, #tpu.memory_space<hbm>> -> memref<65536xf32, #tpu.memory_space<hbm>>
      %dma_wait3A_67 = arith.constant 0 : i32
      %dma_wait3A_68 = tpu.memref_slice %arg9[%arg0, %dma_wait3A_67] : memref<2x65536xf32, #tpu.memory_space<hbm>> -> memref<1x65536xf32, #tpu.memory_space<hbm>>
      %dma_wait3A_69 = tpu.memref_squeeze %dma_wait3A_68 : memref<1x65536xf32, #tpu.memory_space<hbm>> -> memref<65536xf32, #tpu.memory_space<hbm>>
      tpu.wait_dma2 semaphore(%run_scoped3A : memref<!tpu.dma_semaphore, #tpu.memory_space<semaphore_mem>>) src(%dma_wait3A_69 : memref<65536xf32, #tpu.memory_space<hbm>>) dst(%arg19 : memref<65536xf32, #tpu.memory_space<vmem>>)
      tpu.yield
    }) : () -> ()
    %mul3A_53 = arith.constant 512 : i32
    %mul3A_54 = arith.muli %add3A, %mul3A_53 : i32
    "tpu.region"() ({
      %run_scoped3A = tpu.sem_alloc : memref<!tpu.dma_semaphore, #tpu.memory_space<semaphore_mem>>
      %dma_start3A = tpu.memref_slice %arg2[%mul3A_54] : memref<16384xi32, #tpu.memory_space<hbm>> -> memref<512xi32, #tpu.memory_space<hbm>>
      %dma_start3A_60 = tpu.memref_slice %arg2[%mul3A_54] : memref<16384xi32, #tpu.memory_space<hbm>> -> memref<512xi32, #tpu.memory_space<hbm>>
      tpu.enqueue_dma source(%dma_start3A_60 : memref<512xi32, #tpu.memory_space<hbm>>) target(%arg21 : memref<512xi32, #tpu.memory_space<vmem>>) target_semaphore(%run_scoped3A : memref<!tpu.dma_semaphore, #tpu.memory_space<semaphore_mem>>)
      %dma_wait3A = tpu.memref_slice %arg2[%mul3A_54] : memref<16384xi32, #tpu.memory_space<hbm>> -> memref<512xi32, #tpu.memory_space<hbm>>
      %dma_wait3A_61 = tpu.memref_slice %arg2[%mul3A_54] : memref<16384xi32, #tpu.memory_space<hbm>> -> memref<512xi32, #tpu.memory_space<hbm>>
      tpu.wait_dma2 semaphore(%run_scoped3A : memref<!tpu.dma_semaphore, #tpu.memory_space<semaphore_mem>>) src(%dma_wait3A_61 : memref<512xi32, #tpu.memory_space<hbm>>) dst(%arg21 : memref<512xi32, #tpu.memory_space<vmem>>)
      tpu.yield
    }) : () -> ()
    %scan3A_55 = arith.constant 0 : i32
    %scan3A_56 = arith.constant 32 : i32
    %scan3A_57 = arith.addi %scan3A_55, %scan3A_56 : i32
    %scan3A_58 = arith.constant 1 : i32
    scf.for %scan3A_60 = %scan3A_55 to %scan3A_57 step %scan3A_58  : i32 {
      %mul3A_61 = arith.constant 16 : i32
      %mul3A_62 = arith.muli %scan3A_60, %mul3A_61 : i32
      %add3A_63 = arith.constant 0 : i32
      %add3A_64 = arith.addi %add3A_63, %mul3A_62 : i32
      %get3A_65 = arith.index_cast %add3A_64 : i32 to index
      %get3A_66 = tpu.vector_load %arg21[%get3A_65] {strides = array<i32>} : memref<512xi32, #tpu.memory_space<vmem>>, vector<16xi32>,
      %gather3A = tpu.vector_load_idx %arg19[%get3A_66] : memref<65536xf32, #tpu.memory_space<vmem>>[vector<16xi32>], vector<16xf32>,
      %swap3A = arith.index_cast %add3A_64 : i32 to index
      %swap3A_67 = tpu.vector_load %arg20[%swap3A] {strides = array<i32>} : memref<512xf32, #tpu.memory_space<vmem>>, vector<16xf32>,
      tpu.vector_store %arg20[%swap3A], %gather3A {strides = array<i32>} : memref<512xf32, #tpu.memory_space<vmem>>, vector<16xf32>,
    }
    %scan3A_59 = arith.constant 32 : i32
    "tpu.region"() ({
      %run_scoped3A = tpu.sem_alloc : memref<!tpu.dma_semaphore, #tpu.memory_space<semaphore_mem>>
      %dma_start3A = tpu.memref_slice %arg8[%mul3A_54] : memref<16384xf32, #tpu.memory_space<hbm>> -> memref<512xf32, #tpu.memory_space<hbm>>
      %dma_start3A_60 = tpu.memref_slice %arg8[%mul3A_54] : memref<16384xf32, #tpu.memory_space<hbm>> -> memref<512xf32, #tpu.memory_space<hbm>>
      tpu.enqueue_dma source(%arg20 : memref<512xf32, #tpu.memory_space<vmem>>) target(%dma_start3A_60 : memref<512xf32, #tpu.memory_space<hbm>>) target_semaphore(%run_scoped3A : memref<!tpu.dma_semaphore, #tpu.memory_space<semaphore_mem>>)
      %dma_wait3A = tpu.memref_slice %arg8[%mul3A_54] : memref<16384xf32, #tpu.memory_space<hbm>> -> memref<512xf32, #tpu.memory_space<hbm>>
      %dma_wait3A_61 = tpu.memref_slice %arg8[%mul3A_54] : memref<16384xf32, #tpu.memory_space<hbm>> -> memref<512xf32, #tpu.memory_space<hbm>>
      tpu.wait_dma2 semaphore(%run_scoped3A : memref<!tpu.dma_semaphore, #tpu.memory_space<semaphore_mem>>) src(%arg20 : memref<512xf32, #tpu.memory_space<vmem>>) dst(%dma_wait3A_61 : memref<512xf32, #tpu.memory_space<hbm>>)
      tpu.yield
    }) : () -> ()
    return
  }
}

module attributes {stable_mosaic.version = 14 : i64} {
  func.func @_mlp_body(%arg0: i32, %arg1: memref<1024x1024xf32, #tpu.memory_space<vmem>>, %arg2: memref<1024x2xi32, #tpu.memory_space<vmem>>, %arg3: memref<512x1024xbf16, #tpu.memory_space<vmem>>, %arg4: memref<1x512xf32, #tpu.memory_space<vmem>>, %arg5: memref<256x512xbf16, #tpu.memory_space<vmem>>, %arg6: memref<1x256xf32, #tpu.memory_space<vmem>>, %arg7: memref<256x512xbf16, #tpu.memory_space<vmem>>, %arg8: memref<1x256xf32, #tpu.memory_space<vmem>>, %arg9: memref<8x256xbf16, #tpu.memory_space<vmem>>, %arg10: memref<8x1xf32, #tpu.memory_space<vmem>>, %arg11: memref<1024x512xbf16, #tpu.memory_space<vmem>>, %arg12: memref<8x1024xf32, #tpu.memory_space<vmem>>, %arg13: memref<1x1x1024xi32, #tpu.memory_space<vmem>>) attributes {dimension_semantics = [#tpu.dimension_semantics<arbitrary>], iteration_bounds = array<i64: 16>, scalar_prefetch = 0 : i64, scratch_operands = 0 : i64, tpu.core_type = #tpu.core_type<tc>, window_params = [{transform_indices = @transform_0, window_bounds = array<i64: 1024, 1024>}, {transform_indices = @transform_1, window_bounds = array<i64: 1024, 2>}, {pipeline_mode = #tpu.pipeline_mode<synchronous>, transform_indices = @transform_2, window_bounds = array<i64: 512, 1024>}, {pipeline_mode = #tpu.pipeline_mode<synchronous>, transform_indices = @transform_3, window_bounds = array<i64: 1, 512>}, {pipeline_mode = #tpu.pipeline_mode<synchronous>, transform_indices = @transform_4, window_bounds = array<i64: 256, 512>}, {pipeline_mode = #tpu.pipeline_mode<synchronous>, transform_indices = @transform_5, window_bounds = array<i64: 1, 256>}, {pipeline_mode = #tpu.pipeline_mode<synchronous>, transform_indices = @transform_6, window_bounds = array<i64: 256, 512>}, {pipeline_mode = #tpu.pipeline_mode<synchronous>, transform_indices = @transform_7, window_bounds = array<i64: 1, 256>}, {pipeline_mode = #tpu.pipeline_mode<synchronous>, transform_indices = @transform_8, window_bounds = array<i64: 8, 256>}, {pipeline_mode = #tpu.pipeline_mode<synchronous>, transform_indices = @transform_9, window_bounds = array<i64: 8, 1>}, {transform_indices = @transform_10, window_bounds = array<i64: 1024, 512>}, {transform_indices = @transform_11, window_bounds = array<i64: 8, 1024>}, {transform_indices = @transform_12, window_bounds = array<i64: 1, 1, 1024>}]} {
    %get3A = arith.constant 0 : index
    %get3A_0 = arith.constant 0 : index
    %get3A_1 = vector.load %arg1[%get3A, %get3A_0] : memref<1024x1024xf32, #tpu.memory_space<vmem>>, vector<1024x1024xf32>
    %convert_element_type3A = arith.truncf %get3A_1 : vector<1024x1024xf32> to vector<1024x1024xbf16>
    %get3A_2 = arith.constant 0 : index
    %get3A_3 = arith.constant 0 : index
    %get3A_4 = vector.load %arg3[%get3A_2, %get3A_3] : memref<512x1024xbf16, #tpu.memory_space<vmem>>, vector<512x1024xbf16>
    %dot_general3A = arith.constant dense<0.000000e+00> : vector<1024x512xf32>
    %dot_general3A_5 = tpu.matmul %convert_element_type3A, %get3A_4, %dot_general3A {dimension_numbers = #tpu.dot_dimension_numbers<[1], [1], [0], [0], [0, 0, 1, 0], [], []>, transpose_lhs_hint = false} : vector<1024x1024xbf16>, vector<512x1024xbf16>, vector<1024x512xf32> -> vector<1024x512xf32>
    %get3A_6 = arith.constant 0 : index
    %get3A_7 = arith.constant 0 : index
    %get3A_8 = vector.load %arg4[%get3A_6, %get3A_7] : memref<1x512xf32, #tpu.memory_space<vmem>>, vector<1x512xf32>
    %add3A = vector.broadcast %get3A_8 : vector<1x512xf32> to vector<1024x512xf32>
    %add3A_9 = arith.addf %dot_general3A_5, %add3A : vector<1024x512xf32>
    %max3A = arith.constant 0.000000e+00 : f32
    %max3A_10 = vector.broadcast %max3A : f32 to vector<1024x512xf32>
    %max3A_11 = arith.maximumf %add3A_9, %max3A_10 : vector<1024x512xf32>
    %convert_element_type3A_12 = arith.truncf %max3A_11 : vector<1024x512xf32> to vector<1024x512xbf16>
    %get3A_13 = arith.constant 0 : index
    %get3A_14 = arith.constant 0 : index
    %get3A_15 = vector.load %arg5[%get3A_13, %get3A_14] : memref<256x512xbf16, #tpu.memory_space<vmem>>, vector<256x512xbf16>
    %dot_general3A_16 = arith.constant dense<0.000000e+00> : vector<1024x256xf32>
    %dot_general3A_17 = tpu.matmul %convert_element_type3A_12, %get3A_15, %dot_general3A_16 {dimension_numbers = #tpu.dot_dimension_numbers<[1], [1], [0], [0], [0, 0, 1, 0], [], []>, transpose_lhs_hint = false} : vector<1024x512xbf16>, vector<256x512xbf16>, vector<1024x256xf32> -> vector<1024x256xf32>
    %get3A_18 = arith.constant 0 : index
    %get3A_19 = arith.constant 0 : index
    %get3A_20 = vector.load %arg6[%get3A_18, %get3A_19] : memref<1x256xf32, #tpu.memory_space<vmem>>, vector<1x256xf32>
    %add3A_21 = vector.broadcast %get3A_20 : vector<1x256xf32> to vector<1024x256xf32>
    %add3A_22 = arith.addf %dot_general3A_17, %add3A_21 : vector<1024x256xf32>
    %get3A_23 = arith.constant 0 : index
    %get3A_24 = arith.constant 0 : index
    %get3A_25 = vector.load %arg7[%get3A_23, %get3A_24] : memref<256x512xbf16, #tpu.memory_space<vmem>>, vector<256x512xbf16>
    %dot_general3A_26 = arith.constant dense<0.000000e+00> : vector<1024x256xf32>
    %dot_general3A_27 = tpu.matmul %convert_element_type3A_12, %get3A_25, %dot_general3A_26 {dimension_numbers = #tpu.dot_dimension_numbers<[1], [1], [0], [0], [0, 0, 1, 0], [], []>, transpose_lhs_hint = false} : vector<1024x512xbf16>, vector<256x512xbf16>, vector<1024x256xf32> -> vector<1024x256xf32>
    %get3A_28 = arith.constant 0 : index
    %get3A_29 = arith.constant 0 : index
    %get3A_30 = vector.load %arg8[%get3A_28, %get3A_29] : memref<1x256xf32, #tpu.memory_space<vmem>>, vector<1x256xf32>
    %add3A_31 = vector.broadcast %get3A_30 : vector<1x256xf32> to vector<1024x256xf32>
    %add3A_32 = arith.addf %dot_general3A_27, %add3A_31 : vector<1024x256xf32>
    %logistic3A = arith.negf %add3A_22 : vector<1024x256xf32>
    %logistic3A_33 = math.exp %logistic3A : vector<1024x256xf32>
    %logistic3A_34 = arith.constant 1.000000e+00 : f32
    %logistic3A_35 = vector.broadcast %logistic3A_34 : f32 to vector<1024x256xf32>
    %logistic3A_36 = arith.addf %logistic3A_35, %logistic3A_33 : vector<1024x256xf32>
    %logistic3A_37 = arith.divf %logistic3A_35, %logistic3A_36 : vector<1024x256xf32>
    %tanh3A = math.tanh %add3A_32 : vector<1024x256xf32>
    %mul3A = arith.mulf %logistic3A_37, %tanh3A : vector<1024x256xf32>
    %convert_element_type3A_38 = arith.truncf %mul3A : vector<1024x256xf32> to vector<1024x256xbf16>
    %get3A_39 = arith.constant 0 : index
    %get3A_40 = arith.constant 0 : index
    %get3A_41 = vector.load %arg9[%get3A_39, %get3A_40] : memref<8x256xbf16, #tpu.memory_space<vmem>>, vector<8x256xbf16>
    %dot_general3A_42 = arith.constant dense<0.000000e+00> : vector<8x1024xf32>
    %dot_general3A_43 = tpu.matmul %get3A_41, %convert_element_type3A_38, %dot_general3A_42 {dimension_numbers = #tpu.dot_dimension_numbers<[1], [1], [0], [0], [0, 0, 1, 0], [], []>, transpose_lhs_hint = false} : vector<8x256xbf16>, vector<1024x256xbf16>, vector<8x1024xf32> -> vector<8x1024xf32>
    %get3A_44 = arith.constant 0 : index
    %get3A_45 = arith.constant 0 : index
    %get3A_46 = vector.load %arg10[%get3A_44, %get3A_45] : memref<8x1xf32, #tpu.memory_space<vmem>>, vector<8x1xf32>
    %add3A_47 = vector.broadcast %get3A_46 : vector<8x1xf32> to vector<8x1024xf32>
    %add3A_48 = arith.addf %dot_general3A_43, %add3A_47 : vector<8x1024xf32>
    %get3A_49 = arith.constant 0 : index
    %get3A_50 = arith.constant 0 : index
    %get3A_51 = vector.load %arg2[%get3A_49, %get3A_50] : memref<1024x2xi32, #tpu.memory_space<vmem>>, vector<1024x2xi32>
    %slice3A = vector.extract_strided_slice %get3A_51 {offsets = [0, 1], sizes = [1024, 1], strides = [1, 1]} : vector<1024x2xi32> to vector<1024x1xi32>
    %squeeze3A = vector.shape_cast %slice3A : vector<1024x1xi32> to vector<1024xi32>
    %shift_right_logical3A = arith.constant 8 : i32
    %shift_right_logical3A_52 = vector.broadcast %shift_right_logical3A : i32 to vector<1024xi32>
    %shift_right_logical3A_53 = arith.shrui %squeeze3A, %shift_right_logical3A_52 : vector<1024xi32>
    %mul3A_54 = arith.constant 256 : i32
    %mul3A_55 = vector.broadcast %mul3A_54 : i32 to vector<1024xi32>
    %mul3A_56 = arith.muli %shift_right_logical3A_53, %mul3A_55 : vector<1024xi32>
    %slice3A_57 = vector.extract_strided_slice %get3A_51 {offsets = [0, 0], sizes = [1024, 1], strides = [1, 1]} : vector<1024x2xi32> to vector<1024x1xi32>
    %squeeze3A_58 = vector.shape_cast %slice3A_57 : vector<1024x1xi32> to vector<1024xi32>
    %shift_right_logical3A_59 = arith.constant 8 : i32
    %shift_right_logical3A_60 = vector.broadcast %shift_right_logical3A_59 : i32 to vector<1024xi32>
    %shift_right_logical3A_61 = arith.shrui %squeeze3A_58, %shift_right_logical3A_60 : vector<1024xi32>
    %add3A_62 = arith.addi %mul3A_56, %shift_right_logical3A_61 : vector<1024xi32>
    %swap3A = arith.constant 0 : index
    %swap3A_63 = arith.constant 0 : index
    %swap3A_64 = vector.load %arg11[%swap3A, %swap3A_63] : memref<1024x512xbf16, #tpu.memory_space<vmem>>, vector<1024x512xbf16>
    tpu.vector_store %arg11[%swap3A, %swap3A_63], %convert_element_type3A_12 {strides = array<i32>} : memref<1024x512xbf16, #tpu.memory_space<vmem>>, vector<1024x512xbf16>,
    %swap3A_65 = arith.constant 0 : index
    %swap3A_66 = arith.constant 0 : index
    %swap3A_67 = vector.load %arg12[%swap3A_65, %swap3A_66] : memref<8x1024xf32, #tpu.memory_space<vmem>>, vector<8x1024xf32>
    tpu.vector_store %arg12[%swap3A_65, %swap3A_66], %add3A_48 {strides = array<i32>} : memref<8x1024xf32, #tpu.memory_space<vmem>>, vector<8x1024xf32>,
    %reshape3A = vector.shape_cast %add3A_62 : vector<1024xi32> to vector<1x1x1024xi32>
    %swap3A_68 = arith.constant 0 : index
    %swap3A_69 = arith.constant 0 : index
    %swap3A_70 = arith.constant 0 : index
    %swap3A_71 = vector.load %arg13[%swap3A_68, %swap3A_69, %swap3A_70] : memref<1x1x1024xi32, #tpu.memory_space<vmem>>, vector<1x1x1024xi32>
    tpu.vector_store %arg13[%swap3A_68, %swap3A_69, %swap3A_70], %reshape3A {strides = array<i32>} : memref<1x1x1024xi32, #tpu.memory_space<vmem>>, vector<1x1x1024xi32>,
    return
  }
  func.func @transform_0(%arg0: i32) -> (i32, i32) {
    %c0_i32 = arith.constant 0 : i32
    %c0_i32_0 = arith.constant 0 : i32
    return %arg0, %c0_i32 : i32, i32
  }
  func.func @transform_1(%arg0: i32) -> (i32, i32) {
    %c0_i32 = arith.constant 0 : i32
    %c0_i32_0 = arith.constant 0 : i32
    return %arg0, %c0_i32 : i32, i32
  }
  func.func @transform_2(%arg0: i32) -> (i32, i32) {
    %c0_i32 = arith.constant 0 : i32
    %c0_i32_0 = arith.constant 0 : i32
    %c0_i32_1 = arith.constant 0 : i32
    return %c0_i32, %c0_i32_0 : i32, i32
  }
  func.func @transform_3(%arg0: i32) -> (i32, i32) {
    %c0_i32 = arith.constant 0 : i32
    %c0_i32_0 = arith.constant 0 : i32
    %c0_i32_1 = arith.constant 0 : i32
    return %c0_i32, %c0_i32_0 : i32, i32
  }
  func.func @transform_4(%arg0: i32) -> (i32, i32) {
    %c0_i32 = arith.constant 0 : i32
    %c0_i32_0 = arith.constant 0 : i32
    %c0_i32_1 = arith.constant 0 : i32
    return %c0_i32, %c0_i32_0 : i32, i32
  }
  func.func @transform_5(%arg0: i32) -> (i32, i32) {
    %c0_i32 = arith.constant 0 : i32
    %c0_i32_0 = arith.constant 0 : i32
    %c0_i32_1 = arith.constant 0 : i32
    return %c0_i32, %c0_i32_0 : i32, i32
  }
  func.func @transform_6(%arg0: i32) -> (i32, i32) {
    %c0_i32 = arith.constant 0 : i32
    %c0_i32_0 = arith.constant 0 : i32
    %c0_i32_1 = arith.constant 0 : i32
    return %c0_i32, %c0_i32_0 : i32, i32
  }
  func.func @transform_7(%arg0: i32) -> (i32, i32) {
    %c0_i32 = arith.constant 0 : i32
    %c0_i32_0 = arith.constant 0 : i32
    %c0_i32_1 = arith.constant 0 : i32
    return %c0_i32, %c0_i32_0 : i32, i32
  }
  func.func @transform_8(%arg0: i32) -> (i32, i32) {
    %c0_i32 = arith.constant 0 : i32
    %c0_i32_0 = arith.constant 0 : i32
    %c0_i32_1 = arith.constant 0 : i32
    return %c0_i32, %c0_i32_0 : i32, i32
  }
  func.func @transform_9(%arg0: i32) -> (i32, i32) {
    %c0_i32 = arith.constant 0 : i32
    %c0_i32_0 = arith.constant 0 : i32
    %c0_i32_1 = arith.constant 0 : i32
    return %c0_i32, %c0_i32_0 : i32, i32
  }
  func.func @transform_10(%arg0: i32) -> (i32, i32) {
    %c0_i32 = arith.constant 0 : i32
    %c0_i32_0 = arith.constant 0 : i32
    return %arg0, %c0_i32 : i32, i32
  }
  func.func @transform_11(%arg0: i32) -> (i32, i32) {
    %c0_i32 = arith.constant 0 : i32
    %c0_i32_0 = arith.constant 0 : i32
    return %c0_i32, %arg0 : i32, i32
  }
  func.func @transform_12(%arg0: i32) -> (i32, i32, i32) {
    %c0_i32 = arith.constant 0 : i32
    %c0_i32_0 = arith.constant 0 : i32
    %c0_i32_1 = arith.constant 0 : i32
    return %arg0, %c0_i32, %c0_i32_0 : i32, i32, i32
  }
}

module attributes {stable_mosaic.version = 14 : i64} {
  func.func @_head_body(%arg0: i32, %arg1: memref<1024x1xf32, #tpu.memory_space<vmem>>, %arg2: memref<1024x512xbf16, #tpu.memory_space<vmem>>, %arg3: memref<2x512xf32, #tpu.memory_space<vmem>>, %arg4: memref<1x2xf32, #tpu.memory_space<vmem>>, %arg5: memref<1x2xf32, #tpu.memory_space<vmem>>, %arg6: memref<1x2xf32, #tpu.memory_space<vmem>>, %arg7: memref<1x1xi32, #tpu.memory_space<vmem>>, %arg8: memref<1x512xf32, #tpu.memory_space<vmem>>, %arg9: memref<1x1xf32, #tpu.memory_space<smem>>) attributes {dimension_semantics = [#tpu.dimension_semantics<arbitrary>], iteration_bounds = array<i64: 16>, scalar_prefetch = 0 : i64, scratch_operands = 2 : i64, tpu.core_type = #tpu.core_type<tc>, window_params = [{transform_indices = @transform_0, window_bounds = array<i64: 1024, 1>}, {transform_indices = @transform_1, window_bounds = array<i64: 1024, 512>}, {pipeline_mode = #tpu.pipeline_mode<synchronous>, transform_indices = @transform_2, window_bounds = array<i64: 2, 512>}, {pipeline_mode = #tpu.pipeline_mode<synchronous>, transform_indices = @transform_3, window_bounds = array<i64: 1, 2>}, {pipeline_mode = #tpu.pipeline_mode<synchronous>, transform_indices = @transform_4, window_bounds = array<i64: 1, 2>}, {pipeline_mode = #tpu.pipeline_mode<synchronous>, transform_indices = @transform_5, window_bounds = array<i64: 1, 2>}, {pipeline_mode = #tpu.pipeline_mode<synchronous>, transform_indices = @transform_6, window_bounds = array<i64: 1, 1>}]} {
    %eq3A = arith.constant 0 : i32
    %eq3A_0 = arith.cmpi eq, %arg0, %eq3A : i32
    %convert_element_type3A = arith.extui %eq3A_0 : i1 to i32
    %cond3A = arith.constant 0 : i32
    %cond3A_1 = arith.cmpi ne, %convert_element_type3A, %cond3A : i32
    scf.if %cond3A_1 {
      %broadcast_in_dim3A = arith.constant 0.000000e+00 : f32
      %broadcast_in_dim3A_30 = vector.broadcast %broadcast_in_dim3A : f32 to vector<1x512xf32>
      %swap3A_31 = arith.constant 0 : index
      %swap3A_32 = arith.constant 0 : index
      %swap3A_33 = vector.load %arg8[%swap3A_31, %swap3A_32] : memref<1x512xf32, #tpu.memory_space<vmem>>, vector<1x512xf32>
      tpu.vector_store %arg8[%swap3A_31, %swap3A_32], %broadcast_in_dim3A_30 {strides = array<i32>} : memref<1x512xf32, #tpu.memory_space<vmem>>, vector<1x512xf32>,
      %swap3A_34 = arith.constant 0.000000e+00 : f32
      %swap3A_35 = arith.constant 0 : index
      %swap3A_36 = arith.constant 0 : index
      %swap3A_37 = memref.load %arg9[%swap3A_35, %swap3A_36] : memref<1x1xf32, #tpu.memory_space<smem>>
      memref.store %swap3A_34, %arg9[%swap3A_35, %swap3A_36] : memref<1x1xf32, #tpu.memory_space<smem>>
    } else {
    }
    %get3A = arith.constant 0 : index
    %get3A_2 = arith.constant 0 : index
    %get3A_3 = vector.load %arg1[%get3A, %get3A_2] : memref<1024x1xf32, #tpu.memory_space<vmem>>, vector<1024x1xf32>
    %get3A_4 = arith.constant 0 : index
    %get3A_5 = arith.constant 0 : index
    %get3A_6 = vector.load %arg2[%get3A_4, %get3A_5] : memref<1024x512xbf16, #tpu.memory_space<vmem>>, vector<1024x512xbf16>
    %get3A_7 = arith.constant 0 : index
    %get3A_8 = arith.constant 0 : index
    %get3A_9 = vector.load %arg8[%get3A_7, %get3A_8] : memref<1x512xf32, #tpu.memory_space<vmem>>, vector<1x512xf32>
    %convert_element_type3A_10 = arith.truncf %get3A_3 : vector<1024x1xf32> to vector<1024x1xbf16>
    %dot_general3A = arith.constant dense<0.000000e+00> : vector<1x512xf32>
    %dot_general3A_11 = tpu.matmul %convert_element_type3A_10, %get3A_6, %dot_general3A {dimension_numbers = #tpu.dot_dimension_numbers<[0], [0], [1], [1], [0, 1, 1, 1], [], []>, transpose_lhs_hint = false} : vector<1024x1xbf16>, vector<1024x512xbf16>, vector<1x512xf32> -> vector<1x512xf32>
    %add3A = arith.addf %get3A_9, %dot_general3A_11 : vector<1x512xf32>
    %swap3A = arith.constant 0 : index
    %swap3A_12 = arith.constant 0 : index
    %swap3A_13 = vector.load %arg8[%swap3A, %swap3A_12] : memref<1x512xf32, #tpu.memory_space<vmem>>, vector<1x512xf32>
    tpu.vector_store %arg8[%swap3A, %swap3A_12], %add3A {strides = array<i32>} : memref<1x512xf32, #tpu.memory_space<vmem>>, vector<1x512xf32>,
    %get3A_14 = arith.constant 0 : index
    %get3A_15 = arith.constant 0 : index
    %get3A_16 = memref.load %arg9[%get3A_14, %get3A_15] : memref<1x1xf32, #tpu.memory_space<smem>>
    %reduce_sum3A = vector.shape_cast %get3A_3 : vector<1024x1xf32> to vector<1x1024x1xf32>
    %reduce_sum3A_17 = arith.constant dense<0.000000e+00> : vector<1xf32>
    %reduce_sum3A_18 = vector.multi_reduction <add>, %reduce_sum3A, %reduce_sum3A_17 [1, 2] : vector<1x1024x1xf32> to vector<1xf32>
    %reduce_sum3A_19 = vector.shape_cast %reduce_sum3A_18 : vector<1xf32> to vector<1x1x1xf32>
    %reduce_sum3A_20 = vector.extract %reduce_sum3A_19[0, 0, 0] : f32 from vector<1x1x1xf32>
    %add3A_21 = arith.addf %get3A_16, %reduce_sum3A_20 : f32
    %swap3A_22 = arith.constant 0 : index
    %swap3A_23 = arith.constant 0 : index
    %swap3A_24 = memref.load %arg9[%swap3A_22, %swap3A_23] : memref<1x1xf32, #tpu.memory_space<smem>>
    memref.store %add3A_21, %arg9[%swap3A_22, %swap3A_23] : memref<1x1xf32, #tpu.memory_space<smem>>
    %eq3A_25 = arith.constant 15 : i32
    %eq3A_26 = arith.cmpi eq, %arg0, %eq3A_25 : i32
    %convert_element_type3A_27 = arith.extui %eq3A_26 : i1 to i32
    %cond3A_28 = arith.constant 0 : i32
    %cond3A_29 = arith.cmpi ne, %convert_element_type3A_27, %cond3A_28 : i32
    scf.if %cond3A_29 {
      %get3A_30 = arith.constant 0 : index
      %get3A_31 = arith.constant 0 : index
      %get3A_32 = vector.load %arg8[%get3A_30, %get3A_31] : memref<1x512xf32, #tpu.memory_space<vmem>>, vector<1x512xf32>
      %get3A_33 = arith.constant 0 : index
      %get3A_34 = arith.constant 0 : index
      %get3A_35 = memref.load %arg9[%get3A_33, %get3A_34] : memref<1x1xf32, #tpu.memory_space<smem>>
      %div3A = vector.broadcast %get3A_35 : f32 to vector<1x512xf32>
      %div3A_36 = arith.divf %get3A_32, %div3A : vector<1x512xf32>
      %get3A_37 = arith.constant 0 : index
      %get3A_38 = arith.constant 0 : index
      %get3A_39 = vector.load %arg3[%get3A_37, %get3A_38] : memref<2x512xf32, #tpu.memory_space<vmem>>, vector<2x512xf32>
      %dot_general3A_40 = arith.constant dense<0.000000e+00> : vector<1x2xf32>
      %dot_general3A_41 = tpu.matmul %div3A_36, %get3A_39, %dot_general3A_40 {dimension_numbers = #tpu.dot_dimension_numbers<[1], [1], [0], [0], [0, 0, 1, 0], [], []>, transpose_lhs_hint = false} : vector<1x512xf32>, vector<2x512xf32>, vector<1x2xf32> -> vector<1x2xf32>
      %get3A_42 = arith.constant 0 : index
      %get3A_43 = arith.constant 0 : index
      %get3A_44 = vector.load %arg4[%get3A_42, %get3A_43] : memref<1x2xf32, #tpu.memory_space<vmem>>, vector<1x2xf32>
      %add3A_45 = arith.addf %dot_general3A_41, %get3A_44 : vector<1x2xf32>
      %reduce_max3A = arith.constant dense<0xFF800000> : vector<1xf32>
      %reduce_max3A_46 = vector.multi_reduction <maximumf>, %add3A_45, %reduce_max3A [1] : vector<1x2xf32> to vector<1xf32>
      %broadcast_in_dim3A = vector.shape_cast %reduce_max3A_46 : vector<1xf32> to vector<1x1xf32>
      %sub3A = vector.broadcast %broadcast_in_dim3A : vector<1x1xf32> to vector<1x2xf32>
      %sub3A_47 = arith.subf %add3A_45, %sub3A : vector<1x2xf32>
      %exp3A = math.exp %sub3A_47 : vector<1x2xf32>
      %reduce_sum3A_48 = arith.constant dense<0.000000e+00> : vector<1xf32>
      %reduce_sum3A_49 = vector.multi_reduction <add>, %exp3A, %reduce_sum3A_48 [1] : vector<1x2xf32> to vector<1xf32>
      %broadcast_in_dim3A_50 = vector.shape_cast %reduce_sum3A_49 : vector<1xf32> to vector<1x1xf32>
      %div3A_51 = vector.broadcast %broadcast_in_dim3A_50 : vector<1x1xf32> to vector<1x2xf32>
      %div3A_52 = arith.divf %exp3A, %div3A_51 : vector<1x2xf32>
      %swap3A_53 = arith.constant 0 : index
      %swap3A_54 = arith.constant 0 : index
      %swap3A_55 = vector.load %arg5[%swap3A_53, %swap3A_54] : memref<1x2xf32, #tpu.memory_space<vmem>>, vector<1x2xf32>
      tpu.vector_store %arg5[%swap3A_53, %swap3A_54], %add3A_45 {strides = array<i32>} : memref<1x2xf32, #tpu.memory_space<vmem>>, vector<1x2xf32>,
      %swap3A_56 = arith.constant 0 : index
      %swap3A_57 = arith.constant 0 : index
      %swap3A_58 = vector.load %arg6[%swap3A_56, %swap3A_57] : memref<1x2xf32, #tpu.memory_space<vmem>>, vector<1x2xf32>
      tpu.vector_store %arg6[%swap3A_56, %swap3A_57], %div3A_52 {strides = array<i32>} : memref<1x2xf32, #tpu.memory_space<vmem>>, vector<1x2xf32>,
      %slice3A = vector.extract_strided_slice %add3A_45 {offsets = [0, 1], sizes = [1, 1], strides = [1, 1]} : vector<1x2xf32> to vector<1x1xf32>
      %slice3A_59 = vector.extract_strided_slice %add3A_45 {offsets = [0, 0], sizes = [1, 1], strides = [1, 1]} : vector<1x2xf32> to vector<1x1xf32>
      %gt3A = arith.cmpf ogt, %slice3A, %slice3A_59 : vector<1x1xf32>
      %jit3A = arith.constant 1 : i32
      %jit3A_60 = arith.constant 0 : i32
      %broadcast_in_dim3A_61 = vector.broadcast %jit3A : i32 to vector<1x1xi32>
      %broadcast_in_dim3A_62 = vector.broadcast %jit3A_60 : i32 to vector<1x1xi32>
      %select_n3A = arith.select %gt3A, %broadcast_in_dim3A_61, %broadcast_in_dim3A_62 : vector<1x1xi1>, vector<1x1xi32>
      %swap3A_63 = arith.constant 0 : index
      %swap3A_64 = arith.constant 0 : index
      %swap3A_65 = vector.load %arg7[%swap3A_63, %swap3A_64] : memref<1x1xi32, #tpu.memory_space<vmem>>, vector<1x1xi32>
      tpu.vector_store %arg7[%swap3A_63, %swap3A_64], %select_n3A {strides = array<i32>} : memref<1x1xi32, #tpu.memory_space<vmem>>, vector<1x1xi32>,
    } else {
    }
    return
  }
  func.func @transform_0(%arg0: i32) -> (i32, i32) {
    %c0_i32 = arith.constant 0 : i32
    %c0_i32_0 = arith.constant 0 : i32
    return %arg0, %c0_i32 : i32, i32
  }
  func.func @transform_1(%arg0: i32) -> (i32, i32) {
    %c0_i32 = arith.constant 0 : i32
    %c0_i32_0 = arith.constant 0 : i32
    return %arg0, %c0_i32 : i32, i32
  }
  func.func @transform_2(%arg0: i32) -> (i32, i32) {
    %c0_i32 = arith.constant 0 : i32
    %c0_i32_0 = arith.constant 0 : i32
    %c0_i32_1 = arith.constant 0 : i32
    return %c0_i32, %c0_i32_0 : i32, i32
  }
  func.func @transform_3(%arg0: i32) -> (i32, i32) {
    %c0_i32 = arith.constant 0 : i32
    %c0_i32_0 = arith.constant 0 : i32
    %c0_i32_1 = arith.constant 0 : i32
    return %c0_i32, %c0_i32_0 : i32, i32
  }
  func.func @transform_4(%arg0: i32) -> (i32, i32) {
    %c0_i32 = arith.constant 0 : i32
    %c0_i32_0 = arith.constant 0 : i32
    %c0_i32_1 = arith.constant 0 : i32
    return %c0_i32, %c0_i32_0 : i32, i32
  }
  func.func @transform_5(%arg0: i32) -> (i32, i32) {
    %c0_i32 = arith.constant 0 : i32
    %c0_i32_0 = arith.constant 0 : i32
    %c0_i32_1 = arith.constant 0 : i32
    return %c0_i32, %c0_i32_0 : i32, i32
  }
  func.func @transform_6(%arg0: i32) -> (i32, i32) {
    %c0_i32 = arith.constant 0 : i32
    %c0_i32_0 = arith.constant 0 : i32
    %c0_i32_1 = arith.constant 0 : i32
    return %c0_i32, %c0_i32_0 : i32, i32
  }
}

</mosaic_0001>

<sc_bundles>
// kernel: kernel.5.cloned.1.call-start
scs
__scs_entry_jumppad:
0x0: {  	(pc) =	sbr.rel $0x88, $3  }
0x1: {  	(tag) =	ssettag $0x0;
	lr =	simm.s32 $0x1  }
0x2: {  	[smem:$0x3F93] =	sst lr;
	_ =	strace $0xD0000000  }
0x3: {  	_ = 	snop  }
0x4: {  	_ = 	snop  }
0x5: {  	_ = 	snop  }
0x6: {  	_ = 	snop  }
0x7: {  	_ = 	snop  }
__scs_overlays_trampoline_lowered:
0x8: {  	[smem:$0x3FA2] =	sst s0  }
0x9: {  	[smem:$0x3FA3] =	sst s1  }
0xa: {  	[smem:$0x3FA4] =	sst s2  }
0xb: {  	[smem:$0x3FA5] =	sst s3  }
0xc: {  	[smem:$0x3FA6] =	sst s4  }
0xd: {  	[smem:$0x3FA7] =	sst s5  }
0xe: {  	[smem:$0x3FA8] =	sst s6  }
0xf: {  	[smem:$0x3FA9] =	sst s7  }
0x10: {  	[smem:$0x3FAA] =	sst s8  }
0x11: {  	[smem:$0x3FAB] =	sst s9;
	s0 =	simm.s32 @!p0 $0x0  }
0x12: {  	s1 =	sld [smem:$0x3F91];
	s0 =	simm.s32 @p0 $0x1  }
0x13: {  	[smem:$0x3FAC] =	sst s0;
	s0 =	simm.s32 @!p1 $0x0  }
0x14: {  	s2 =	sld [smem:$0x3F90];
	s0 =	simm.s32 @p1 $0x1  }
0x15: {  	[smem:$0x3FAD] =	sst s0;
	s0 =	simm.s32 @!p2 $0x0  }
0x16: {  	s3 =	sld [smem:$0x3FDB];
	s0 =	simm.s32 @p2 $0x1  }
0x17: {  	s4 =	simm.s32 $0x1BF5;
	[smem:$0x3FAF] =	sst s0  }
0x18: {  	s0 =	sld [smem:$0x3F92];
	_ =	swait.ge [sflag:s4], $0x0  }
0x19: {  	s7 =	sld [smem:$0x3F93]  }
0x1a: {  	s8 =	sadd.s32 $0xFFFFE003, lr  }
0x1b: {  	s9 =	sadd.s32 $0xFFFFFEF7, lr;
	s5 =	simm.s32 $0xFFFFFFFF;
	p2 =	slt.u32 s8, $0xFFFFF086  }
0x1c: {  	p1 =	slt.u32 s9, $0xF7A;
	s5 =	simm.s32 @!p2 $0x0  }
0x1d: {  	s5 =	simm.s32 @p1 $0x1;
	p0 =	seq.s32 s7, s2  }
0x1e: {  	s7 =	smul.u32 @!p0 $0xF7A, s2;
	p2 =	seq.s32 @!p0 s5, $0x0  }
0x1f: {  	s9 =	smul.u32 $0xF7A, s1;
	s8 =	simm.s32 @!p0 $0x1BF5;
	p2 =	por !p2, p0  }
0x20: {  	[sflag:s8] =	ssyncset.s32 @!p0 $0xFFFFF086;
	s6 =	sadd.s32 @!p0 s3, s7;
	s7 =	simm.s32 @!p0 $0x108  }
0x21: {  	s3 =	sadd.s32 s3, s9;
	s6 =	sadd.s32 @!p0 $0x88, s6;
	s7 =	simm.s32 @p2 $0x1082  }
0x22: {  	[simem:s7], [sflag:s8] =	dma.local @!p0 [hbm:s6], $0xF7A  }
0x23: {  	s9 =	sor.u32 $0xD0000000, s2;
	s6 =	simm.s32 $0x108;
	_ =	swait.ge @!p0 [sflag:s8], $0x0  }
0x24: {  	s3 =	sadd.s32 $0x88, s3;
	s6 =	simm.s32 @!p1 $0x1082;
	[sflag:s4] =	ssyncset.s32 $0xFFFFF086  }
0x25: {  	[simem:s6], [sflag:s4] =	dma.local [hbm:s3], $0xF7A  }
0x26: {  	[smem:$0x3F93] =	sst s1;
	(tag) =	ssettag s2;
	_ =	strace s9  }
0x27: {  	s1 =	sld [smem:$0x3FA3]  }
0x28: {  	s2 =	sld [smem:$0x3FA4]  }
0x29: {  	s4 =	sld [smem:$0x3FA6]  }
0x2a: {  	p0 =	seq.s32 s5, $0x0;
	s5 =	sld [smem:$0x3FA7]  }
0x2b: {  	s6 =	sld [smem:$0x3FA8]  }
0x2c: {  	s7 =	sld [smem:$0x3FA9]  }
0x2d: {  	s3 =	simm.s32 $0x108;
	s8 =	sld [smem:$0x3FAA]  }
0x2e: {  	s3 =	simm.s32 @!p0 $0x1082;
	s9 =	sld [smem:$0x3FAB]  }
0x2f: {  	lr =	sadd.s32 s0, s3;
	s0 =	sld [smem:$0x3FA2]  }
0x30: {  	s3 =	sld [smem:$0x3FA5]  }
0x31: {  	[smem:$0x3FAE] =	sst s10  }
0x32: {  	s10 =	sld [smem:$0x3FAC];
	_ =	sdelay $0x3  }
0x33: {  	p0 =	seq.s32 s10, $0x1;
	s10 =	sld [smem:$0x3FAE];
	_ =	sdelay $0x3  }
0x34: {  	[smem:$0x3FAE] =	sst s10  }
0x35: {  	s10 =	sld [smem:$0x3FAD];
	_ =	sdelay $0x3  }
0x36: {  	p1 =	seq.s32 s10, $0x1;
	s10 =	sld [smem:$0x3FAE];
	_ =	sdelay $0x3  }
0x37: {  	[smem:$0x3FAE] =	sst s10  }
0x38: {  	s10 =	sld [smem:$0x3FAF]  }
0x39: {  	_ = 	snop;
	(pc) =	sbr.ind lr, $3  }
0x3a: {  	_ = 	snop  }
0x3b: {  	_ = 	snop  }
0x3c: {  	p2 =	seq.s32 s10, $0x1;
	s10 =	sld [smem:$0x3FAE]  }
0x3d: {  	_ =	shalt  }
0x3e: {  	_ =	shalt  }
0x3f: {  	_ =	shalt  }
0x40: {  	_ =	shalt  }
0x41: {  	_ =	shalt  }
0x42: {  	_ =	shalt  }
0x43: {  	_ =	shalt  }
0x44: {  	_ =	shalt  }
0x45: {  	_ =	shalt  }
0x46: {  	_ =	shalt  }
0x47: {  	_ =	shalt  }
0x48: {  	_ =	shalt  }
0x49: {  	_ =	shalt  }
0x4a: {  	_ =	shalt  }
0x4b: {  	_ =	shalt  }
0x4c: {  	_ =	shalt  }
0x4d: {  	_ =	shalt  }
0x4e: {  	_ =	shalt  }
0x4f: {  	_ =	shalt  }
0x50: {  	_ =	shalt  }
0x51: {  	_ =	shalt  }
0x52: {  	_ =	shalt  }
0x53: {  	_ =	shalt  }
0x54: {  	_ =	shalt  }
0x55: {  	_ =	shalt  }
0x56: {  	_ =	shalt  }
0x57: {  	_ =	shalt  }
0x58: {  	_ =	shalt  }
0x59: {  	_ =	shalt  }
0x5a: {  	_ =	shalt  }
0x5b: {  	_ =	shalt  }
0x5c: {  	_ =	shalt  }
0x5d: {  	_ =	shalt  }
0x5e: {  	_ =	shalt  }
0x5f: {  	_ =	shalt  }
0x60: {  	_ =	shalt  }
0x61: {  	_ =	shalt  }
0x62: {  	_ =	shalt  }
0x63: {  	_ =	shalt  }
0x64: {  	_ =	shalt  }
0x65: {  	_ =	shalt  }
0x66: {  	_ =	shalt  }
0x67: {  	_ =	shalt  }
0x68: {  	_ =	shalt  }
0x69: {  	_ =	shalt  }
0x6a: {  	_ =	shalt  }
0x6b: {  	_ =	shalt  }
0x6c: {  	_ =	shalt  }
0x6d: {  	_ =	shalt  }
0x6e: {  	_ =	shalt  }
0x6f: {  	_ =	shalt  }
0x70: {  	_ =	shalt  }
0x71: {  	_ =	shalt  }
0x72: {  	_ =	shalt  }
0x73: {  	_ =	shalt  }
0x74: {  	_ =	shalt  }
0x75: {  	_ =	shalt  }
0x76: {  	_ =	shalt  }
0x77: {  	_ =	shalt  }
0x78: {  	_ =	shalt  }
0x79: {  	_ =	shalt  }
0x7a: {  	_ =	shalt  }
0x7b: {  	_ =	shalt  }
0x7c: {  	_ =	shalt  }
0x7d: {  	_ =	shalt  }
0x7e: {  	_ =	shalt  }
0x7f: {  	_ =	shalt  }
0x80: {  	_ =	shalt  }
0x81: {  	_ =	shalt  }
0x82: {  	_ =	shalt  }
0x83: {  	_ =	shalt  }
0x84: {  	_ =	shalt  }
0x85: {  	_ =	shalt  }
0x86: {  	_ =	shalt  }
0x87: {  	_ =	shalt  }
.Lfunc_end0:
.L_simem_size_0:
called_computation_lowered:
.L_overlay_start_0:
0x88: {  	s2 =	sld [smem:$0x3FD9]  }
0x89: {  	s3 =	sld [smem:$0x3FFE];
	_ =	sdelay $0x1  }
0x8a: {  	s1 =	srdreg.scid  }
0x8b: {  	s0 =	sand.u32 $0x1, s1  }
0x8c: {  	s14 =	sshll.u32 s0, $0xA;
	s2 =	sadd.s32 s3, s2  }
0x8d: {  	s2 =	sadd.s32 s2, s14  }
0x8e: {  	[smem:$0x3FBA] =	sst s2  }
0x8f: {  	_ = 	snop  }
0x90: {  	s2 =	sld [smem:$0x3FD0];
	_ =	sdelay $0x2  }
0x91: {  	s15 =	simm.s32 $0xA;
	s4 =	simm.s32 $0x10  }
0x92: {  	[smem:s4], [sflag:s15] =	dma.local [hbm:s2], $0x1  }
0x93: {  	_ =	swait.eq [sflag:s15], $0x1  }
0x94: {  	s16 =	sld [smem:$0x12]  }
0x95: {  	s17 =	sld [smem:$0x13];
	[sflag:s15] =	ssyncset.done $0x0  }
0x96: {  	s5 =	sld [smem:$0x14];
	[sflag:s15] =	ssyncadd.s32 $0xFFFFFFFF  }
0x97: {  	s18 =	sld [smem:$0x15];
	(tm) =	ssettm $0x1  }
0x98: {  	s6 =	sld [smem:$0x3FFB];
	_ =	sdelay $0x3  }
0x99: {  	_ =	strace s6  }
0x9a: {  	s6 =	sld [smem:$0x3FFC];
	_ =	sdelay $0x3  }
0x9b: {  	_ =	strace s6  }
0x9c: {  	s6 =	sld [smem:$0x3FFD];
	_ =	sdelay $0x3  }
0x9d: {  	_ =	strace s6  }
0x9e: {  	_ =	strace $0x8FFFFFFF  }
0x9f: {  	s19 =	sld [smem:$0x3FDB];
	_ =	sdelay $0x1  }
0xa0: {  	s7 =	simm.s32 $_scs_section_size  }
0xa1: {  	s8 =	simm.s32 $_size__tile_overlayer_lowered;
	s9 =	simm.s32 $_tile_overlayer_lowered  }
0xa2: {  	s22 =	simm.s32 $0x1BFF;
	s21 =	sshll.u32 s9, $0x1;
	s6 =	sadd.s32 s7, s19  }
0xa3: {  	s10 =	simm.s32 $0x0;
	s20 =	sshll.u32 s8, $0x1;
	s8 =	sadd.s32 s21, s6  }
0xa4: {  	[timem:s10], [sflag:s22] =	dma.local [hbm:s8], s20  }
0xa5: {  	_ =	swait.ge [sflag:s22], s20  }
0xa6: {  	s7 =	ssub.s32 $0x0, s20;
	[sflag:s22] =	ssyncset.done $0x0  }
0xa7: {  	[sflag:s22] =	ssyncadd.s32 s7;
	_ =	sdelay $0x1  }
0xa8: {  	s23 =	simm.s32 $0x1B8B  }
0xa9: {  	_ =	swait.ge [sflag:s23], $0x1  }
0xaa: {  	[sflag:s23] =	ssyncset.done $0x0  }
0xab: {  	s25 =	simm.s32 $0x1B8E;
	s24 =	sld [smem:$0x3FFE];
	[sflag:s23] =	ssyncadd.s32 $0xFFFFFFFF  }
0xac: {  	s26 =	simm.s32 $execute0_lowered;
	[smem:$0x3FD2] =	sst s25  }
0xad: {  	s8 =	sshll.u32 s26, $0x1;
	_ =	strace $0x80000046;
	[dreg:$0x1] =	wrdreg $0xFFFFFFFF  }
0xae: {  	s28 =	simm.s32 $_size_execute0_lowered;
	s6 =	sadd.s32 s6, s8;
	[dreg:$0x0] =	wrdreg $0x0  }
0xaf: {  	s8 =	sshll.u32 s28, $0x1;
	[dreg:$0x2] =	wrdreg s6  }
0xb0: {  	[dreg:$0x3] =	wrdreg s8  }
0xb1: {  	[dreg:$0x4] =	wrdreg $0xC0  }
0xb2: {  	_ =	task [dreg:s10], $0x5FFFF  }
0xb3: {  	[dreg:$0x1] =	wrdreg $0xFFFFFFFF  }
0xb4: {  	[dreg:$0x0] =	wrdreg $0x60  }
0xb5: {  	[dreg:$0x2] =	wrdreg s24  }
0xb6: {  	[dreg:$0x3] =	wrdreg s17  }
0xb7: {  	[dreg:$0x4] =	wrdreg s16  }
0xb8: {  	[dreg:$0x5] =	wrdreg s5  }
0xb9: {  	[dreg:$0x6] =	wrdreg s18  }
0xba: {  	[dreg:$0x7] =	wrdreg $0x18F800  }
0xbb: {  	[dreg:$0x8] =	wrdreg $0x9  }
0xbc: {  	_ =	task.clear_ibuf [dreg:s10], $0x9FFFF;
	_ =	strace $0x90000046  }
0xbd: {  	s29 =	simm.s32 $0x9;
	_ =	strace $0x80000048  }
0xbe: {  	_ =	swait.ge [sflag:s29], $0x1  }
0xbf: {  	[sflag:s29] =	ssyncadd.s32 $0xFFFFFFFF  }
0xc0: {  	_ =	strace $0x90000048  }
0xc1: {  	_ =	sfence  }
0xc2: {  	s30 =	sld [smem:$0x0];
	_ =	sdelay $0x2  }
0xc3: {  	s31 =	sshll.u32 s1, $0xD;
	s1 =	sshrl.u32 s1, $0x2  }
0xc4: {  	s3 =	sand.u32 $0x4000, s31;
	s1 =	sadd.s32 s1, s30  }
0xc5: {  	s0 =	sor.u32 s3, s0;
	s1 =	sshll.u32 s1, $0x11  }
0xc6: {  	s0 =	sor.u32 s1, s0  }
0xc7: {  	s0 =	sadd.s32 $0x8F2B, s0  }
0xc8: {  	[sflag:s0] =	ssyncadd.remote.s32 $0x1  }
0xc9: {  	_ =	sfence.sel $0xFFFF  }
0xca: {  	[dreg:$0x0] =	wrdreg $0xFFFFFFFF;
	(pc) =	sbr.abs _section_cstart, $3  }
0xcb: {  	[dreg:$0x1] =	wrdreg $0xFFFFFFFF  }
0xcc: {  	_ =	task.clear_ibuf [dreg:s10], $0x2FFFF;
	_ =	strace $0x9FFFFFFF  }
0xcd: {  	(tm) =	ssettm $0x7FFFFFFF  }
tec
execute0_lowered:
.L_overlay_start_1:
0x0: {  	(tag) =	ssettag $0x1  }
0x1: {  	s0 =	rddreg [dreg:$0x0]  }
0x2: {  	s1 =	rddreg [dreg:$0x1]  }
0x3: {  	s2 =	rddreg [dreg:$0x4]  }
0x4: {  	s3 =	rddreg [dreg:$0x5];
	s5 =	simm.s32 $0x0  }
0x5: {  	s4 =	srdreg.scid;
	s19 =	stileid.u32;
	s20 =	simm.s32 $0x80  }
0x6: {  	s21 =	simm.s32 $0x400;
	s22 =	simm.s32 $0x1000;
	s23 =	simm.s32 $0x2000  }
0x7: {  	s24 =	simm.s32 $0x3000;
	s31 =	simm.s32 $0x100;
	[smem:$0x7FF] =	sst s5  }
0x8: {  	s4 =	sand.u32 $0x1, s4;
	s7 =	sshll.u32 s19, $0x1;
	s6 =	sadd.s32 $0x86800, s0  }
0x9: {  	s15 =	sadd.s32 $0x87000, s0;
	s26 =	sshll.u32 s19, $0xC;
	s11 =	sadd.s32 $0xEF00, s3  }
0xa: {  	s13 =	sshll.u32 s19, $0x9;
	s14 =	sshll.u32 s19, $0xA;
	p0 =	seq.s32 s19, $0xF  }
0xb: {  	_ =	strace $0x80000047;
	s16 =	sor.u32 s4, s7;
	s8 =	ssub.s32 $0x2, s4  }
0xc: {  	s7 =	sadd.s32 $0x82800, s0;
	s17 =	sshll.u32 s4, $0x4;
	s13 =	sadd.s32 s1, s13  }
0xd: {  	s29 =	sshll.u32 s4, $0xB;
	p2 =	sne.s32 @!p0 s19, $0x0;
	s4 =	simm.s32 $0x8A80  }
0xe: {  	s9 =	sshll.u32 s16, $0x8;
	s10 =	sshrl.u32 s8, $0x1;
	s25 =	sor.u32 s17, s14  }
0xf: {  	s28 =	sshll.u32 s16, $0x6;
	s30 =	sor.u32 $0x3000, s29;
	s1 =	sor.u32 $0x4000, s29  }
0x10: {  	p1 =	por !p2, p0;
	s9 =	sadd.s32 s9, s0;
	s18 =	ssub.s32 s8, s10  }
0x11: {  	s8 =	sadd.s32 $0x82810, s0;
	s10 =	sadd.s32 s26, s3;
	s0 =	sadd.s32 $0xFFFFFFFF, s19  }
0x12: {  	s14 =	sadd.s32 s15, s25;
	s15 =	sadd.s32 s15, s17;
	s16 =	sadd.s32 s6, s28;
	v1 =	vmov s30  }
0x13: {  	s17 =	sadd.s32 s2, s28;
	s19 =	simm.s32 $0x1;
	s25 =	simm.s32 $0x4000  }
0x14: {  	v0 =	vmov s26;
	v2 =	vmov s1;
	s2 =	simm.s32 $0x18A80;
	s26 =	simm.s32 $0x0;
	p1 =	sgt.u32 @!p1 s0, $0xD  }
0x15: {  	s9 =	sadd.s32 $0x8B000, s9;
	s12 =	sadd.s32 $0xFFFFFF00, s10;
	p1 =	por @!p0 p1, !p2  }
0x16: {  	v3 =	vimm.f32 $0.0e+00;
	vm0 =	vmmov $0x1;
	vm1 =	vmmov $0x7fff;
	s18 =	smax.u32 s18, $0x1;
	p2 =	por p2, p0;
	p1 =	por p1, p0  }
.LBB2_1:
0x17: {  	s0 =	simm.s32 $0x0  }
.LBB2_2:
0x18: {  	p3 =	sne.s32 s0, $0x3FC0  }
.Ltmp0:
0x19: {  	_ = 	snop;
	(pc) =	sbr.rel @p3 .LBB2_2-.Ltmp0, $4  }
0x1a: {  	_ = 	snop  }
0x1b: {  	s1 =	sshra.s32 s0, $0x2  }
0x1c: {  	[tilespmem:s1+$0x3000] =	vst v3  }
0x1d: {  	s0 =	sadd.s32 $0x40, s0;
	[tilespmem:s1+$0x4000] =	vst v3  }
0x1e: {  	s28 =	simm.s32 $0x0  }
.LBB2_4:
0x1f: {  	s0 =	sshll.u32 s28, $0x9  }
0x20: {  	s0 =	sadd.s32 s6, s0  }
0x21: {  	[tilespmem:s5], [sflag:$0x1] =	stream.linear.gather [hbm4b:s0+s5], $0x1000, $0x38;
	[tilespmem:$0x19F80] =	vst v63  }
0x22: {  	_ =	swait.ge [sflag:s19], $0x1000  }
0x23: {  	s0 =	sshll.u32 s28, $0xC;
	[sflag:s19] =	ssyncset.done $0x0  }
0x24: {  	s1 =	sadd.s32 s7, s0;
	[sflag:s19] =	ssyncadd.s32 $0xFFFFF000  }
0x25: {  	[tilespmem:s22], [sflag:$0x1] =	stream.strided.gather [hbm4b:s1+s20], $0x1000, s21, s20, $0x38;
	[tilespmem:$0x19F80] =	vst v63  }
0x26: {  	_ =	swait.ge [sflag:s19], $0x1000  }
0x27: {  	[sflag:s19] =	ssyncset.done $0x0  }
0x28: {  	s0 =	sadd.s32 s0, s8;
	[sflag:s19] =	ssyncadd.s32 $0xFFFFF000  }
0x29: {  	[tilespmem:s23], [sflag:$0x1] =	stream.strided.gather [hbm4b:s0+s20], $0x1000, s21, s20, $0x38;
	[tilespmem:$0x19F80] =	vst v63  }
0x2a: {  	_ =	swait.ge [sflag:s19], $0x1000  }
0x2b: {  	s29 =	simm.s32 $0xFFFFFFFC;
	s30 =	simm.s32 $0x2020;
	[sflag:s19] =	ssyncset.done $0x0  }
0x2c: {  	s1 =	simm.s32 $0x20;
	s0 =	simm.s32 $0x1020;
	[sflag:s19] =	ssyncadd.s32 $0xFFFFF000  }
.LBB2_5:
0x2d: {  	v4 =	vld [tilespmem:s1+$0xFFFFFFE0];
	_ =	sdelay $0x4  }
0x2e: {  	v4 =	vsub.s32 v4, v0  }
0x2f: {  	vm2 =	vlt.u32 v4, $0x1000  }
0x30: {  	v5 =	vld [tilespmem:s0+$0xFFFFFFE0];
	v4 =	vnsel vm2, $0x0, v4;
	_ =	sdelay $0x4  }
0x31: {  	[tilespmem:v4+s24+$0x0] =	vst.idx.msk vm2, v5  }
0x32: {  	v5 =	vld [tilespmem:s30+$0xFFFFFFE0];
	_ =	sdelay $0x4  }
0x33: {  	[tilespmem:v4+s25+$0x0] =	vst.idx.msk vm2, v5  }
0x34: {  	v4 =	vld [tilespmem:s1+$0xFFFFFFF0];
	_ =	sdelay $0x4  }
0x35: {  	v4 =	vsub.s32 v4, v0  }
0x36: {  	vm2 =	vlt.u32 v4, $0x1000  }
0x37: {  	v5 =	vld [tilespmem:s0+$0xFFFFFFF0];
	v4 =	vnsel vm2, $0x0, v4;
	_ =	sdelay $0x4  }
0x38: {  	[tilespmem:v4+s24+$0x0] =	vst.idx.msk vm2, v5  }
0x39: {  	v5 =	vld [tilespmem:s30+$0xFFFFFFF0];
	_ =	sdelay $0x4  }
0x3a: {  	[tilespmem:v4+s25+$0x0] =	vst.idx.msk vm2, v5  }
0x3b: {  	v4 =	vld [tilespmem:s1+$0x0];
	_ =	sdelay $0x4  }
0x3c: {  	v4 =	vsub.s32 v4, v0  }
0x3d: {  	vm2 =	vlt.u32 v4, $0x1000  }
0x3e: {  	v5 =	vld [tilespmem:s0+$0x0];
	v4 =	vnsel vm2, $0x0, v4;
	_ =	sdelay $0x4  }
0x3f: {  	[tilespmem:v4+s24+$0x0] =	vst.idx.msk vm2, v5  }
0x40: {  	v5 =	vld [tilespmem:s30+$0x0];
	_ =	sdelay $0x4  }
0x41: {  	[tilespmem:v4+s25+$0x0] =	vst.idx.msk vm2, v5  }
0x42: {  	v4 =	vld [tilespmem:s1+$0x10];
	_ =	sdelay $0x4  }
0x43: {  	v4 =	vsub.s32 v4, v0  }
0x44: {  	vm2 =	vlt.u32 v4, $0x1000  }
0x45: {  	v5 =	vld [tilespmem:s0+$0x10];
	v4 =	vnsel vm2, $0x0, v4;
	_ =	sdelay $0x4  }
0x46: {  	s29 =	sadd.s32 $0x4, s29;
	[tilespmem:v4+s24+$0x0] =	vst.idx.msk vm2, v5  }
0x47: {  	p3 =	slt.u32 s29, $0xFC;
	v5 =	vld [tilespmem:s30+$0x10]  }
.Ltmp1:
0x48: {  	_ = 	snop;
	(pc) =	sbr.rel @p3 .LBB2_5-.Ltmp1, $2  }
0x49: {  	_ =	sdelay $0x2  }
0x4a: {  	s0 =	sadd.s32 $0x40, s0;
	s1 =	sadd.s32 $0x40, s1;
	s30 =	sadd.s32 $0x40, s30;
	[tilespmem:v4+s25+$0x0] =	vst.idx.msk vm2, v5  }
0x4b: {  	s28 =	sadd.s32 $0x1, s28  }
0x4c: {  	p3 =	sne.s32 s28, $0x4  }
.Ltmp2:
0x4d: {  	_ = 	snop;
	(pc) =	sbr.rel @p3 .LBB2_4-.Ltmp2, $1  }
0x4e: {  	_ =	sdelay $0x3  }
0x4f: {  	s0 =	simm.s32 $0x0;
	s1 =	rddreg [dreg:$0x2];
	s28 =	simm.s32 $0x18E80  }
0x50: {  	[tilespmem:s28], [sflag:$0x1] =	stream.linear.gather [hbm4b:s1+s0], $0x80, $0x38;
	[tilespmem:$0x19F80] =	vst v63  }
0x51: {  	_ =	swait.ge [sflag:s19], $0x80  }
0x52: {  	[sflag:s19] =	ssyncset.done $0x0  }
0x53: {  	[sflag:s19] =	ssyncadd.s32 $0xFFFFFF80  }
0x54: {  	s28 =	simm.s32 $0x18F00;
	s30 =	rddreg [dreg:$0x3]  }
0x55: {  	[tilespmem:s28], [sflag:$0x1] =	stream.linear.gather [hbm4b:s30+s0], $0x80, $0x38;
	[tilespmem:$0x19F80] =	vst v63  }
0x56: {  	_ =	swait.ge [sflag:s19], $0x80  }
0x57: {  	[sflag:s19] =	ssyncset.done $0x0  }
0x58: {  	[sflag:s19] =	ssyncadd.s32 $0xFFFFFF80  }
0x59: {  	v4 =	vld [tilespmem:$0x18F00];
	_ =	sdelay $0x4  }
0x5a: {  	v5 =	vadd.f32 v4, v4;
	_ =	sdelay $0x1  }
0x5b: {  	v5 =	vmul.f32 v5, v4;
	_ =	sdelay $0x1  }
0x5c: {  	(erf) = vrcp.f32 v5;
	_ =	sdelay $0x8  }
0x5d: {  	s28 =	simm.s32 $0x0;
	s0 =	simm.s32 $0x40;
	v6 =	vld [tilespmem:$0x18E80];
	v5 =	vpop (erf)  }
.LBB2_8:
0x5e: {  	p3 =	sne.s32 s0, $0x1FC0;
	v7 =	vld.idx.msk [tilespmem:v1+s28+$0x0 ss:$0x1], $0xffff;
	_ =	sdelay $0x1  }
0x5f: {  	v8 =	vld.idx.msk [tilespmem:v2+s28+$0x0 ss:$0x1], $0xffff;
	_ =	sdelay $0x3  }
0x60: {  	v7 =	vsub.f32 v6, v7;
	_ =	sdelay $0x1  }
0x61: {  	v9 =	vmul.f32 v8, v8;
	v7 =	vmul.f32 v7, v7;
	_ =	sdelay $0x1  }
0x62: {  	v8 =	vsub.f32 v4, v8;
	v7 =	vadd.f32 v7, v9;
	_ =	sdelay $0x1  }
0x63: {  	v8 =	vmul.f32 $5.000000000e-01, v8;
	v7 =	vmul.f32 v7, v5;
	_ =	sdelay $0x1  }
.Ltmp3:
0x64: {  	v7 =	vadd.f32 v7, v8;
	(pc) =	sbr.rel @p3 .LBB2_8-.Ltmp3, $3  }
0x65: {  	_ = 	snop  }
0x66: {  	v7 =	vadd.f32 $-5.000000000e-01, v7;
	_ =	sdelay $0x1  }
0x67: {  	[tilespmem:s28+$0x7280] =	vst v7;
	s28 =	sshra.s32 s0, $0x2;
	s0 =	sadd.s32 $0x40, s0  }
0x68: {  	_ =	sdelay $0x3  }
0x69: {  	v7 =	vld.idx.msk [tilespmem:v1+s28+$0x0 ss:$0x1], $0xffff;
	_ =	sdelay $0x1  }
0x6a: {  	v8 =	vld.idx.msk [tilespmem:v2+s28+$0x0 ss:$0x1], $0xffff;
	_ =	sdelay $0x2  }
0x6b: {  	v6 =	vsub.f32 v6, v7;
	_ =	sdelay $0x1  }
0x6c: {  	v7 =	vmul.f32 v8, v8;
	v6 =	vmul.f32 v6, v6;
	_ =	sdelay $0x1  }
0x6d: {  	v4 =	vsub.f32 v4, v8;
	v6 =	vadd.f32 v6, v7;
	_ =	sdelay $0x1  }
0x6e: {  	v4 =	vmul.f32 $5.000000000e-01, v4;
	v5 =	vmul.f32 v6, v5;
	_ =	sdelay $0x1  }
0x6f: {  	v4 =	vadd.f32 v5, v4;
	_ =	sdelay $0x1  }
0x70: {  	v4 =	vadd.f32 $-5.000000000e-01, v4;
	_ =	sdelay $0x1  }
0x71: {  	s0 =	simm.s32 $0x7280;
	[tilespmem:s28+$0x7280] =	vst v4  }
0x72: {  	[hbm4b:s9+s5] =	stream.linear.scatter [tilespmem:s0], [sflag:$0x1], $0x800, $0x38;
	[tilespmem:$0x19F80] =	vst v63  }
0x73: {  	_ =	swait.ge [sflag:s19], $0x800  }
0x74: {  	[sflag:s19] =	ssyncset.done $0x0  }
0x75: {  	[sflag:s19] =	ssyncadd.s32 $0xFFFFF800  }
0x76: {  	[spmem:s10] =	stream.linear.scatter [tilespmem:s24], [sflag:$0x1], $0x1000, $0x38;
	[tilespmem:$0x19F80] =	vst v63  }
0x77: {  	_ =	swait.ge [sflag:s19], $0x1000  }
0x78: {  	[sflag:s19] =	ssyncset.done $0x0  }
0x79: {  	[sflag:s19] =	ssyncadd.s32 $0xFFFFF000  }
0x7a: {  	[bflag:$0x0] =	sbarrier.arrive $0xFFFF  }
0x7b: {  	[tilespmem:$0x5000] =	vst v3  }
0x7c: {  	[tilespmem:$0x5010] =	vst v3  }
0x7d: {  	[tilespmem:$0x5020] =	vst v3  }
0x7e: {  	[tilespmem:$0x5030] =	vst v3  }
0x7f: {  	[tilespmem:$0x5040] =	vst v3  }
0x80: {  	[tilespmem:$0x5050] =	vst v3  }
0x81: {  	[tilespmem:$0x5060] =	vst v3  }
0x82: {  	[tilespmem:$0x5070] =	vst v3  }
0x83: {  	[tilespmem:$0x5080] =	vst v3  }
0x84: {  	[tilespmem:$0x5090] =	vst v3  }
0x85: {  	[tilespmem:$0x50A0] =	vst v3  }
0x86: {  	[tilespmem:$0x50B0] =	vst v3  }
0x87: {  	[tilespmem:$0x50C0] =	vst v3  }
0x88: {  	[tilespmem:$0x50D0] =	vst v3  }
0x89: {  	[tilespmem:$0x50E0] =	vst v3  }
0x8a: {  	[tilespmem:$0x50F0] =	vst v3  }
0x8b: {  	[tilespmem:$0x5100] =	vst v3  }
0x8c: {  	[tilespmem:$0x6108] =	vst v3  }
0x8d: {  	[tilespmem:$0x6118] =	vst v3  }
0x8e: {  	[tilespmem:$0x6128] =	vst v3  }
0x8f: {  	[tilespmem:$0x6138] =	vst v3  }
0x90: {  	[tilespmem:$0x6148] =	vst v3  }
0x91: {  	[tilespmem:$0x6158] =	vst v3  }
0x92: {  	[tilespmem:$0x6168] =	vst v3  }
0x93: {  	[tilespmem:$0x6178] =	vst v3  }
0x94: {  	[tilespmem:$0x6188] =	vst v3  }
0x95: {  	[tilespmem:$0x6198] =	vst v3  }
0x96: {  	[tilespmem:$0x61A8] =	vst v3  }
0x97: {  	[tilespmem:$0x61B8] =	vst v3  }
0x98: {  	[tilespmem:$0x61C8] =	vst v3  }
0x99: {  	[tilespmem:$0x61D8] =	vst v3  }
0x9a: {  	[tilespmem:$0x61E8] =	vst v3  }
0x9b: {  	[tilespmem:$0x61F8] =	vst v3  }
0x9c: {  	s0 =	simm.s32 @p0 $0x5008;
	[tilespmem:$0x6208] =	vst v3  }
0x9d: {  	[tilespmem:s0], [sflag:$0x1] =	stream.linear.gather @p0 [spmem:s11], $0x1100, $0x38;
	[tilespmem:$0x19F80] =	vst v63  }
0x9e: {  	s0 =	simm.s32 @p0 $0x1  }
0x9f: {  	_ =	swait.ge @p0 [sflag:s0], $0x1100  }
0xa0: {  	[sflag:s0] =	ssyncset.done @p0 $0x0  }
0xa1: {  	[sflag:s0] =	ssyncadd.s32 @p0 $0xFFFFEF00;
	s0 =	simm.s32 @!p1 $0x5008  }
0xa2: {  	[tilespmem:s0], [sflag:$0x1] =	stream.linear.gather @!p1 [spmem:s12], $0x1200, $0x38;
	[tilespmem:$0x19F80] =	vst v63  }
0xa3: {  	s0 =	simm.s32 @!p1 $0x1  }
0xa4: {  	_ =	swait.ge @!p1 [sflag:s0], $0x1200  }
0xa5: {  	[sflag:s0] =	ssyncset.done @!p1 $0x0  }
0xa6: {  	[sflag:s0] =	ssyncadd.s32 @!p1 $0xFFFFEE00;
	s0 =	simm.s32 @!p2 $0x5108  }
0xa7: {  	[tilespmem:s0], [sflag:$0x1] =	stream.linear.gather @!p2 [spmem:s3], $0x1100, $0x38;
	[tilespmem:$0x19F80] =	vst v63  }
0xa8: {  	s0 =	simm.s32 @!p2 $0x1  }
0xa9: {  	_ =	swait.ge @!p2 [sflag:s0], $0x1100  }
0xaa: {  	[sflag:s0] =	ssyncset.done @!p2 $0x0  }
0xab: {  	s1 =	simm.s32 $0x6280;
	[sflag:s0] =	ssyncadd.s32 @!p2 $0xFFFFEF00;
	s0 =	simm.s32 $0x0  }
0xac: {  	[tilespmem:s1], [sflag:$0x1] =	stream.linear.gather [hbm4b:s13+s0], $0x1000, $0x38;
	[tilespmem:$0x19F80] =	vst v63  }
0xad: {  	_ =	swait.ge [sflag:s19], $0x1000  }
0xae: {  	[sflag:s19] =	ssyncset.done $0x0  }
0xaf: {  	s28 =	simm.s32 $0x0;
	[sflag:s19] =	ssyncadd.s32 $0xFFFFF000  }
0xb0: {  	v4 =	vld [tilespmem:s28+$0x50F7]  }
0xb1: {  	v5 =	vld [tilespmem:s28+$0x5007]  }
0xb2: {  	v6 =	vld [tilespmem:s28+$0x50F8]  }
0xb3: {  	v7 =	vld [tilespmem:s28+$0x5008]  }
0xb4: {  	v8 =	vld [tilespmem:s28+$0x50F9]  }
0xb5: {  	v9 =	vld [tilespmem:s28+$0x5017]  }
0xb6: {  	v10 =	vld [tilespmem:s28+$0x51F7]  }
0xb7: {  	v11 =	vld [tilespmem:s28+$0x40F0]  }
0xb8: {  	v12 =	vld [tilespmem:s28+$0x51F8]  }
0xb9: {  	v13 =	vld [tilespmem:s28+$0x5027]  }
0xba: {  	v14 =	vld [tilespmem:s28+$0x5037]  }
0xbb: {  	v15 =	vld [tilespmem:s28+$0x52F7]  }
0xbc: {  	v16 =	vld [tilespmem:s28+$0x5047]  }
0xbd: {  	v17 =	vld [tilespmem:s28+$0x5057]  }
0xbe: {  	v18 =	vld [tilespmem:s28+$0x5077]  }
0xbf: {  	v19 =	vld [tilespmem:s28+$0x5087]  }
0xc0: {  	v20 =	vld [tilespmem:s28+$0x6370]  }
0xc1: {  	v21 =	vld [tilespmem:s28+$0x50D7]  }
0xc2: {  	v23 =	vld [tilespmem:s28+$0x50E7]  }
0xc3: {  	v24 =	vld [tilespmem:s28+$0x5038]  }
0xc4: {  	v25 =	vld [tilespmem:s28+$0x5048]  }
0xc5: {  	v26 =	vld [tilespmem:s28+$0x5058]  }
0xc6: {  	v27 =	vld [tilespmem:s28+$0x5068]  }
0xc7: {  	v28 =	vld [tilespmem:s28+$0x5078]  }
0xc8: {  	v29 =	vld [tilespmem:s28+$0x5098]  }
0xc9: {  	v30 =	vld [tilespmem:s28+$0x50A8]  }
0xca: {  	v31 =	vld [tilespmem:s28+$0x50B8]  }
0xcb: {  	v32 =	vld [tilespmem:s28+$0x50C8]  }
0xcc: {  	v33 =	vld [tilespmem:s28+$0x50D8]  }
0xcd: {  	v34 =	vld [tilespmem:s28+$0x50E8]  }
0xce: {  	v35 =	vld [tilespmem:s28+$0x5107]  }
0xcf: {  	v36 =	vld [tilespmem:s28+$0x5019]  }
0xd0: {  	v38 =	vld [tilespmem:s28+$0x5029]  }
0xd1: {  	v39 =	vld [tilespmem:s28+$0x5039]  }
0xd2: {  	v40 =	vld [tilespmem:s28+$0x5049]  }
0xd3: {  	v41 =	vld [tilespmem:s28+$0x5069]  }
0xd4: {  	v42 =	vld [tilespmem:s28+$0x5079]  }
0xd5: {  	v43 =	vld [tilespmem:s28+$0x5089]  }
0xd6: {  	v44 =	vld [tilespmem:s28+$0x5099]  }
0xd7: {  	v45 =	vld [tilespmem:s28+$0x50A9]  }
0xd8: {  	v46 =	vld [tilespmem:s28+$0x50B9]  }
0xd9: {  	v47 =	vld [tilespmem:s28+$0x50C9]  }
0xda: {  	v48 =	vld [tilespmem:s28+$0x50D9]  }
0xdb: {  	v50 =	vld [tilespmem:s28+$0x50E9]  }
0xdc: {  	v51 =	vld [tilespmem:s28+$0x4010]  }
0xdd: {  	v52 =	vld [tilespmem:s28+$0x4020];
	v4 =	vmul.f32 $1.134373620e-02, v4;
	v11 =	vmul.f32 $5.000000000e-01, v11  }
0xde: {  	v53 =	vld [tilespmem:s28+$0x4030]  }
0xdf: {  	v55 =	vld [tilespmem:s28+$0x4040];
	v6 =	vmul.f32 $8.381950860e-02, v6;
	v4 =	vadd.f32 $0.0e+00, v4;
	v11 =	vmul.f32 $1.442695020e+00, v11  }
0xe0: {  	v56 =	vld [tilespmem:s28+$0x4050]  }
0xe1: {  	v3 =	vld [tilespmem:s28+$0x4060];
	v4 =	vadd.f32 v6, v4;
	v6 =	vmul.f32 $1.134373620e-02, v8;
	(erf) = vpow2.f32 v11  }
0xe2: {  	v8 =	vld [tilespmem:s28+$0x51F9]  }
0xe3: {  	v57 =	vld [tilespmem:s28+$0x4080];
	v10 =	vmul.f32 $8.381950860e-02, v10;
	v4 =	vadd.f32 v6, v4  }
0xe4: {  	v58 =	vld [tilespmem:s28+$0x4090]  }
0xe5: {  	v59 =	vld [tilespmem:s28+$0x40A0];
	v4 =	vadd.f32 v10, v4;
	v10 =	vmul.f32 $6.193470350e-01, v12  }
0xe6: {  	v12 =	vld [tilespmem:s28+$0x52F8]  }
0xe7: {  	v60 =	vld [tilespmem:s28+$0x40B0];
	v8 =	vmul.f32 $8.381950860e-02, v8;
	v4 =	vadd.f32 v10, v4  }
0xe8: {  	v15 =	vmul.f32 $1.134373620e-02, v15;
	v5 =	vmul.f32 $1.134373620e-02, v5;
	v10 =	vld [tilespmem:s28+$0x52F9]  }
0xe9: {  	v61 =	vld [tilespmem:s28+$0x40C0];
	v7 =	vmul.f32 $8.381950860e-02, v7;
	v9 =	vmul.f32 $1.134373620e-02, v9;
	v4 =	vadd.f32 v8, v4  }
0xea: {  	v62 =	vld [tilespmem:s28+$0x40D0];
	v13 =	vmul.f32 $1.134373620e-02, v13;
	v14 =	vmul.f32 $1.134373620e-02, v14;
	v22 =	vpop (erf)  }
0xeb: {  	v12 =	vmul.f32 $8.381950860e-02, v12;
	v4 =	vadd.f32 v15, v4;
	v20 =	vmul.f32 v22, v20;
	v22 =	vld [tilespmem:s28+$0x5009]  }
0xec: {  	v63 =	vld [tilespmem:s28+$0x40E0];
	v16 =	vmul.f32 $1.134373620e-02, v16;
	v17 =	vmul.f32 $1.134373620e-02, v17  }
0xed: {  	[tilespmem:$0x1FFB0] =	vst v3;
	v3 =	vld [tilespmem:s28+$0x4070];
	v6 =	vadd.f32 v8, v6;
	v10 =	vmul.f32 $1.134373620e-02, v10;
	v4 =	vadd.f32 v12, v4  }
0xee: {  	v18 =	vmul.f32 $1.134373620e-02, v18;
	v19 =	vmul.f32 $1.134373620e-02, v19;
	v54 =	vadd.f32 $0.0e+00, v5;
	v11 =	vld [tilespmem:s28+$0x5067]  }
0xef: {  	v21 =	vmul.f32 $1.134373620e-02, v21;
	v8 =	vld [tilespmem:s28+$0x50A7];
	v6 =	vadd.f32 v10, v6;
	v4 =	vadd.f32 v10, v4  }
0xf0: {  	v23 =	vmul.f32 $1.134373620e-02, v23;
	v7 =	vadd.f32 v7, v54;
	v12 =	vld [tilespmem:s28+$0x50B7];
	v22 =	vmul.f32 $1.134373620e-02, v22  }
0xf1: {  	[tilespmem:$0x1FFC0] =	vst v63;
	v63 =	vmul.f32 $8.381950860e-02, v33;
	v9 =	vadd.f32 $0.0e+00, v9;
	v10 =	vld [tilespmem:s28+$0x50C7];
	v6 =	vsub.f32 v4, v6  }
0xf2: {  	v13 =	vadd.f32 $0.0e+00, v13;
	v7 =	vadd.f32 v22, v7;
	v22 =	vmul.f32 $8.381950860e-02, v24;
	v24 =	vld [tilespmem:s28+$0x5117]  }
0xf3: {  	v14 =	vadd.f32 $0.0e+00, v14;
	v16 =	vadd.f32 $0.0e+00, v16;
	v4 =	vsel vm1, v4, v6;
	v6 =	vld [tilespmem:s28+$0x5018]  }
0xf4: {  	v17 =	vadd.f32 $0.0e+00, v17;
	v11 =	vmul.f32 $1.134373620e-02, v11;
	v4 =	vadd.f32 v20, v4;
	v20 =	vld [tilespmem:s28+$0x5028]  }
0xf5: {  	v33 =	vld [tilespmem:s28+$0x5167];
	v52 =	vmul.f32 $5.000000000e-01, v52;
	v18 =	vadd.f32 $0.0e+00, v18;
	v23 =	vadd.f32 $0.0e+00, v23  }
0xf6: {  	v54 =	vld [tilespmem:s28+$0x5108];
	v11 =	vadd.f32 $0.0e+00, v11;
	v8 =	vmul.f32 $1.134373620e-02, v8;
	v4 =	vsub.f32 $0.0e+00, v4  }
0xf7: {  	v15 =	vld [tilespmem:s28+$0x5097];
	v12 =	vmul.f32 $1.134373620e-02, v12;
	v14 =	vadd.f32 v22, v14;
	v22 =	vmul.f32 $8.381950860e-02, v29  }
0xf8: {  	v8 =	vadd.f32 $0.0e+00, v8;
	v29 =	vld [tilespmem:s28+$0x5147];
	v4 =	vmul.f32 $1.442695020e+00, v4;
	v6 =	vmul.f32 $8.381950860e-02, v6  }
0xf9: {  	v10 =	vmul.f32 $1.134373620e-02, v10;
	v12 =	vadd.f32 $0.0e+00, v12;
	[tilespmem:$0x1FFD0] =	vst v24;
	v24 =	vld [tilespmem:s28+$0x5127];
	v20 =	vmul.f32 $8.381950860e-02, v20  }
0xfa: {  	(erf) = vpow2.f32 v4;
	v4 =	vld [tilespmem:s28+$0x5088];
	v6 =	vadd.f32 v6, v9;
	v9 =	vmul.f32 $8.381950860e-02, v25  }
0xfb: {  	v10 =	vadd.f32 $0.0e+00, v10;
	v25 =	vmul.f32 $8.381950860e-02, v26;
	v26 =	vld [tilespmem:s28+$0x51D8];
	v13 =	vadd.f32 v20, v13  }
0xfc: {  	v20 =	vmul.f32 $8.381950860e-02, v27;
	v27 =	vmul.f32 $8.381950860e-02, v28;
	v28 =	vld [tilespmem:s28+$0x5137];
	v9 =	vadd.f32 v9, v16  }
0xfd: {  	v16 =	vmul.f32 $8.381950860e-02, v30;
	v30 =	vmul.f32 $8.381950860e-02, v31;
	v31 =	vld [tilespmem:s28+$0x5157];
	v17 =	vadd.f32 v25, v17  }
0xfe: {  	[tilespmem:$0x1FFE0] =	vst v24;
	v25 =	vmul.f32 $8.381950860e-02, v32;
	v24 =	vld [tilespmem:s28+$0x5118];
	v11 =	vadd.f32 v20, v11;
	v20 =	vmul.f32 $8.381950860e-02, v34  }
0xff: {  	v34 =	vmul.f32 $8.381950860e-02, v35;
	v35 =	vld [tilespmem:s28+$0x5177];
	v18 =	vadd.f32 v27, v18;
	v27 =	vmul.f32 $1.134373620e-02, v36  }
0x100: {  	v36 =	vmul.f32 $1.134373620e-02, v38;
	v38 =	vld [tilespmem:s28+$0x5187];
	v8 =	vadd.f32 v16, v8;
	v16 =	vmul.f32 $1.134373620e-02, v42  }
0x101: {  	v42 =	vmul.f32 $1.134373620e-02, v43;
	v43 =	vld [tilespmem:s28+$0x51B7];
	v12 =	vadd.f32 v30, v12;
	v30 =	vmul.f32 $1.134373620e-02, v44  }
0x102: {  	v44 =	vmul.f32 $1.134373620e-02, v45;
	v45 =	vld [tilespmem:s28+$0x51C7];
	v10 =	vadd.f32 v25, v10;
	v25 =	vmul.f32 $1.134373620e-02, v46  }
0x103: {  	v46 =	vmul.f32 $1.134373620e-02, v47;
	v47 =	vld [tilespmem:s28+$0x51D7];
	v20 =	vadd.f32 v20, v23;
	v23 =	vmul.f32 $1.134373620e-02, v50;
	v37 =	vpop (erf)  }
0x104: {  	v19 =	vadd.f32 $0.0e+00, v19;
	v15 =	vmul.f32 $1.134373620e-02, v15;
	[tilespmem:$0x1FFF0] =	vst v24;
	v24 =	vld [tilespmem:$0x1FFB0];
	v37 =	vadd.f32 $1.000000000e+00, v37  }
0x105: {  	v21 =	vadd.f32 $0.0e+00, v21;
	v4 =	vmul.f32 $8.381950860e-02, v4;
	v20 =	vadd.f32 v23, v20;
	v23 =	vld [tilespmem:$0x1FFE0]  }
0x106: {  	v15 =	vadd.f32 $0.0e+00, v15;
	v50 =	vmul.f32 $5.000000000e-01, v51;
	(erf) = vrcp.f32 v37;
	v37 =	vld [tilespmem:s28+$0x5059]  }
0x107: {  	v51 =	vld [tilespmem:s28+$0x5109];
	v7 =	vadd.f32 v34, v7;
	v6 =	vadd.f32 v27, v6;
	v27 =	vmul.f32 $1.442695020e+00, v52  }
0x108: {  	v13 =	vadd.f32 v36, v13;
	v10 =	vadd.f32 v46, v10;
	v46 =	vmul.f32 $6.193470350e-01, v54;
	v54 =	vld [tilespmem:s28+$0x51E8]  }
0x109: {  	v4 =	vadd.f32 v4, v19;
	v19 =	vmul.f32 $1.134373620e-02, v39;
	v39 =	vmul.f32 $1.134373620e-02, v40;
	v40 =	vld [tilespmem:s28+$0x5197]  }
0x10a: {  	v28 =	vmul.f32 $8.381950860e-02, v28;
	v7 =	vadd.f32 v46, v7;
	v46 =	vld [tilespmem:s28+$0x5129];
	v23 =	vmul.f32 $8.381950860e-02, v23  }
0x10b: {  	v15 =	vadd.f32 v22, v15;
	v52 =	vmul.f32 $5.000000000e-01, v24;
	v24 =	vld [tilespmem:$0x1FFC0];
	v22 =	vmul.f32 $1.134373620e-02, v37  }
0x10c: {  	v14 =	vadd.f32 v19, v14;
	v13 =	vadd.f32 v23, v13;
	v23 =	vld [tilespmem:s28+$0x5149];
	v37 =	vmul.f32 $1.134373620e-02, v41  }
0x10d: {  	v41 =	vld [tilespmem:s28+$0x51A7];
	v17 =	vadd.f32 v22, v17;
	v22 =	vmul.f32 $1.442695020e+00, v52;
	v52 =	vmul.f32 $5.000000000e-01, v57  }
0x10e: {  	v16 =	vadd.f32 v16, v18;
	v14 =	vadd.f32 v28, v14;
	v28 =	vmul.f32 $8.381950860e-02, v33;
	v57 =	vld [tilespmem:s28+$0x5178]  }
0x10f: {  	v11 =	vadd.f32 v37, v11;
	v49 =	vpop (erf);
	v18 =	vmul.f32 $1.442695020e+00, v52;
	v52 =	vmul.f32 $5.000000000e-01, v59;
	v59 =	vld [tilespmem:s28+$0x5198]  }
0x110: {  	v21 =	vadd.f32 v63, v21;
	v32 =	vmul.f32 $1.134373620e-02, v48;
	v15 =	vadd.f32 v30, v15;
	[tilespmem:s28+$0x7B70] =	vst v49;
	v49 =	vld [tilespmem:s28+$0x4000]  }
0x111: {  	v47 =	vmul.f32 $8.381950860e-02, v47;
	v11 =	vadd.f32 v28, v11;
	v28 =	vmul.f32 $8.381950860e-02, v40;
	v40 =	vld [tilespmem:s28+$0x5208]  }
0x112: {  	v21 =	vadd.f32 v32, v21;
	v30 =	vmul.f32 $1.442695020e+00, v52;
	v52 =	vmul.f32 $5.000000000e-01, v61;
	v61 =	vld [tilespmem:s28+$0x51B8]  }
0x113: {  	v15 =	vadd.f32 v28, v15;
	v28 =	vmul.f32 $8.381950860e-02, v45;
	v45 =	vld [tilespmem:s28+$0x5257]  }
0x114: {  	v12 =	vadd.f32 v25, v12;
	v21 =	vadd.f32 v47, v21;
	v47 =	vld [tilespmem:s28+$0x5287];
	v25 =	vmul.f32 $1.442695020e+00, v52  }
0x115: {  	v52 =	vmul.f32 $5.000000000e-01, v24;
	v24 =	vld [tilespmem:$0x1FFD0];
	v63 =	vmul.f32 $5.000000000e-01, v49  }
0x116: {  	v10 =	vadd.f32 v28, v10;
	v28 =	vmul.f32 $8.381950860e-02, v51;
	v51 =	vld [tilespmem:$0x1FFF0]  }
0x117: {  	v49 =	vld [tilespmem:s28+$0x51E7];
	v48 =	vmul.f32 $1.442695020e+00, v63  }
0x118: {  	v63 =	vadd.f32 v34, v5;
	v5 =	vmul.f32 $1.442695020e+00, v50;
	v50 =	vmul.f32 $5.000000000e-01, v53;
	v53 =	vld [tilespmem:s28+$0x5128]  }
0x119: {  	v34 =	vmul.f32 $5.000000000e-01, v55;
	v55 =	vld [tilespmem:s28+$0x5138]  }
0x11a: {  	v26 =	vmul.f32 $6.193470350e-01, v26;
	v32 =	vmul.f32 $8.381950860e-02, v24;
	v24 =	vld [tilespmem:s28+$0x5207]  }
0x11b: {  	v36 =	vmul.f32 $1.442695020e+00, v50;
	v50 =	vmul.f32 $5.000000000e-01, v56;
	v56 =	vld [tilespmem:s28+$0x5148]  }
0x11c: {  	v23 =	vmul.f32 $8.381950860e-02, v23;
	v19 =	vmul.f32 $1.442695020e+00, v34;
	v34 =	vld [tilespmem:s28+$0x5158]  }
0x11d: {  	v57 =	vmul.f32 $6.193470350e-01, v57;
	(erf) = vpow2.f32 v48;
	v48 =	vld [tilespmem:s28+$0x5119]  }
0x11e: {  	(erf) = vpow2.f32 v5;
	v5 =	vmul.f32 $8.381950860e-02, v29;
	v29 =	vld [tilespmem:s28+$0x5169]  }
0x11f: {  	v59 =	vmul.f32 $6.193470350e-01, v59;
	v32 =	vadd.f32 v32, v6;
	v6 =	vmul.f32 $8.381950860e-02, v31;
	v31 =	vld [tilespmem:s28+$0x5189]  }
0x120: {  	v9 =	vadd.f32 v39, v9;
	v39 =	vmul.f32 $1.442695020e+00, v50;
	v50 =	vmul.f32 $5.000000000e-01, v3;
	v3 =	vld [tilespmem:s28+$0x5168]  }
0x121: {  	v8 =	vadd.f32 v44, v8;
	v52 =	vmul.f32 $1.442695020e+00, v52;
	(erf) = vpow2.f32 v27;
	v27 =	vld [tilespmem:s28+$0x5139]  }
0x122: {  	v49 =	vmul.f32 $8.381950860e-02, v49;
	v9 =	vadd.f32 v5, v9;
	v5 =	vmul.f32 $8.381950860e-02, v35;
	v35 =	vld [tilespmem:s28+$0x51A9]  }
0x123: {  	v61 =	vmul.f32 $6.193470350e-01, v61;
	v17 =	vadd.f32 v6, v17;
	v6 =	vmul.f32 $8.381950860e-02, v38;
	v38 =	vld [tilespmem:s28+$0x5237]  }
0x124: {  	v47 =	vmul.f32 $1.134373620e-02, v47;
	(erf) = vpow2.f32 v36;
	v20 =	vadd.f32 v49, v20;
	v49 =	vld [tilespmem:s28+$0x52B8]  }
0x125: {  	v4 =	vadd.f32 v42, v4;
	v36 =	vmul.f32 $6.193470350e-01, v51;
	v51 =	vld [tilespmem:s28+$0x52E8];
	v37 =	vmul.f32 $1.442695020e+00, v50  }
0x126: {  	v21 =	vadd.f32 v26, v21;
	v50 =	vmul.f32 $5.000000000e-01, v58;
	v58 =	vld [tilespmem:s28+$0x5188];
	(erf) = vpow2.f32 v19  }
0x127: {  	v7 =	vadd.f32 v28, v7;
	v19 =	vld [tilespmem:s28+$0x5159];
	v24 =	vmul.f32 $1.134373620e-02, v24;
	(erf) = vpow2.f32 v39  }
0x128: {  	v16 =	vadd.f32 v5, v16;
	v5 =	vmul.f32 $8.381950860e-02, v41;
	v33 =	vadd.f32 v6, v4;
	v39 =	vld [tilespmem:s28+$0x51E9]  }
0x129: {  	v6 =	vmul.f32 $8.381950860e-02, v43;
	v28 =	vadd.f32 v36, v32;
	v36 =	vld [tilespmem:s28+$0x5227];
	v34 =	vmul.f32 $6.193470350e-01, v34  }
0x12a: {  	v15 =	vadd.f32 v59, v15;
	v43 =	vld [tilespmem:s28+$0x5247];
	v26 =	vmul.f32 $8.381950860e-02, v48;
	v42 =	vmul.f32 $1.442695020e+00, v50  }
0x12b: {  	v41 =	vld [tilespmem:s28+$0x5267];
	v50 =	vmul.f32 $5.000000000e-01, v60;
	(erf) = vpow2.f32 v22;
	v7 =	vadd.f32 v24, v7  }
0x12c: {  	v60 =	vld [tilespmem:s28+$0x51A8];
	v24 =	vadd.f32 v24, v63;
	(erf) = vpow2.f32 v37;
	v27 =	vmul.f32 $8.381950860e-02, v27  }
0x12d: {  	v22 =	vld [tilespmem:s28+$0x5179];
	v8 =	vadd.f32 v5, v8;
	v44 =	vmul.f32 $1.442695020e+00, v50;
	(erf) = vpow2.f32 v18  }
0x12e: {  	v48 =	vld [tilespmem:s28+$0x52A8];
	v12 =	vadd.f32 v6, v12;
	v50 =	vmul.f32 $5.000000000e-01, v62;
	(erf) = vpow2.f32 v42  }
0x12f: {  	v17 =	vadd.f32 v34, v17;
	v62 =	vld [tilespmem:s28+$0x51C8];
	v58 =	vmul.f32 $6.193470350e-01, v58;
	v19 =	vmul.f32 $8.381950860e-02, v19  }
0x130: {  	v16 =	vadd.f32 v57, v16;
	v18 =	vld [tilespmem:s28+$0x5199];
	v50 =	vmul.f32 $1.442695020e+00, v50;
	(erf) = vpow2.f32 v30  }
0x131: {  	v63 =	vld [tilespmem:s28+$0x5288];
	v4 =	vpop (erf);
	v12 =	vadd.f32 v61, v12;
	v61 =	vmul.f32 $1.134373620e-02, v43;
	(erf) = vpow2.f32 v44  }
0x132: {  	v37 =	vld [tilespmem:s28+$0x51C9];
	v26 =	vadd.f32 v26, v28;
	v60 =	vmul.f32 $6.193470350e-01, v60;
	v22 =	vmul.f32 $8.381950860e-02, v22  }
0x133: {  	v42 =	vld [tilespmem:s28+$0x5217];
	v5 =	vpop (erf);
	v17 =	vadd.f32 v19, v17;
	v19 =	vmul.f32 $8.381950860e-02, v31;
	(erf) = vpow2.f32 v25  }
0x134: {  	v30 =	vld [tilespmem:s28+$0x51B9];
	v6 =	vpop (erf);
	v33 =	vadd.f32 v58, v33;
	(erf) = vpow2.f32 v50;
	v62 =	vmul.f32 $6.193470350e-01, v62  }
0x135: {  	v28 =	vld [tilespmem:s28+$0x52C7];
	v8 =	vadd.f32 v60, v8;
	v18 =	vmul.f32 $8.381950860e-02, v18;
	(erf) = vpow2.f32 v52  }
0x136: {  	v57 =	vld [tilespmem:s28+$0x52D7];
	v16 =	vadd.f32 v22, v16;
	v52 =	vmul.f32 $6.193470350e-01, v53;
	v53 =	vmul.f32 $6.193470350e-01, v55  }
0x137: {  	v25 =	vld [tilespmem:s28+$0x51D9];
	v19 =	vadd.f32 v19, v33;
	v55 =	vmul.f32 $6.193470350e-01, v56;
	v56 =	vmul.f32 $6.193470350e-01, v3  }
0x138: {  	v44 =	vld [tilespmem:s28+$0x5277];
	v59 =	vmul.f32 $1.134373620e-02, v42;
	v10 =	vadd.f32 v62, v10;
	v15 =	vadd.f32 v18, v15  }
0x139: {  	v31 =	vld [tilespmem:s28+$0x5228];
	v30 =	vmul.f32 $8.381950860e-02, v30;
	v19 =	vadd.f32 v47, v19;
	v13 =	vadd.f32 v52, v13  }
0x13a: {  	v58 =	vld [tilespmem:s28+$0x5238];
	v18 =	vmul.f32 $8.381950860e-02, v37;
	v14 =	vadd.f32 v53, v14;
	v9 =	vadd.f32 v55, v9  }
0x13b: {  	v22 =	vld [tilespmem:s28+$0x5218];
	v11 =	vadd.f32 v56, v11;
	v52 =	vmul.f32 $6.193470350e-01, v54;
	v55 =	vmul.f32 $8.381950860e-02, v46  }
0x13c: {  	v60 =	vld [tilespmem:s28+$0x5268];
	v26 =	vadd.f32 v59, v26;
	v25 =	vmul.f32 $8.381950860e-02, v25;
	v12 =	vadd.f32 v30, v12  }
0x13d: {  	v50 =	vld [tilespmem:s28+$0x52C8];
	v10 =	vadd.f32 v18, v10;
	v18 =	vmul.f32 $8.381950860e-02, v40;
	v20 =	vadd.f32 v52, v20  }
0x13e: {  	v53 =	vld [tilespmem:s28+$0x5297];
	v13 =	vadd.f32 v55, v13;
	v14 =	vadd.f32 v27, v14;
	v27 =	vmul.f32 $8.381950860e-02, v29  }
0x13f: {  	v9 =	vadd.f32 v23, v9;
	v23 =	vld [tilespmem:s28+$0x5209];
	v7 =	vadd.f32 v18, v7;
	v18 =	vmul.f32 $1.134373620e-02, v38  }
0x140: {  	v54 =	vld [tilespmem:s28+$0x52A7];
	v22 =	vmul.f32 $8.381950860e-02, v22;
	v11 =	vadd.f32 v27, v11;
	v27 =	vmul.f32 $8.381950860e-02, v35  }
0x141: {  	v62 =	vld [tilespmem:s28+$0x5278];
	v52 =	vmul.f32 $8.381950860e-02, v48;
	v14 =	vadd.f32 v18, v14;
	v18 =	vmul.f32 $1.134373620e-02, v41  }
0x142: {  	v29 =	vld [tilespmem:s28+$0x52E7];
	v21 =	vadd.f32 v25, v21;
	v8 =	vadd.f32 v27, v8;
	v27 =	vmul.f32 $8.381950860e-02, v39  }
0x143: {  	v56 =	vld [tilespmem:s28+$0x52B7];
	v9 =	vadd.f32 v61, v9;
	v11 =	vadd.f32 v18, v11;
	v18 =	vmul.f32 $1.134373620e-02, v53  }
0x144: {  	v30 =	vld [tilespmem:s28+$0x5248];
	v23 =	vmul.f32 $1.134373620e-02, v23;
	v20 =	vadd.f32 v27, v20;
	v27 =	vmul.f32 $1.134373620e-02, v36  }
0x145: {  	v55 =	vld [tilespmem:s28+$0x5299];
	v32 =	vmul.f32 $1.134373620e-02, v54;
	v15 =	vadd.f32 v18, v15;
	v18 =	vmul.f32 $1.134373620e-02, v28  }
0x146: {  	v25 =	vld [tilespmem:s28+$0x5258];
	v7 =	vadd.f32 v23, v7;
	v13 =	vadd.f32 v27, v13;
	v27 =	vmul.f32 $1.134373620e-02, v45  }
0x147: {  	v53 =	vld [tilespmem:s28+$0x5289];
	v23 =	vmul.f32 $8.381950860e-02, v31;
	v10 =	vadd.f32 v18, v10;
	v18 =	vmul.f32 $1.134373620e-02, v29  }
0x148: {  	v28 =	vld [tilespmem:s28+$0x52D8];
	v24 =	vsub.f32 v7, v24;
	v17 =	vadd.f32 v27, v17;
	v27 =	vmul.f32 $1.134373620e-02, v44  }
0x149: {  	v45 =	vld [tilespmem:s28+$0x5298];
	v13 =	vadd.f32 v23, v13;
	v23 =	vmul.f32 $8.381950860e-02, v30;
	v18 =	vadd.f32 v18, v20  }
0x14a: {  	v31 =	vld [tilespmem:s28+$0x5259];
	v20 =	vadd.f32 v22, v26;
	v22 =	vmul.f32 $8.381950860e-02, v58;
	v16 =	vadd.f32 v27, v16  }
0x14b: {  	v29 =	vld [tilespmem:s28+$0x5219];
	v27 =	vmul.f32 $1.134373620e-02, v56;
	v9 =	vadd.f32 v23, v9;
	v23 =	vmul.f32 $8.381950860e-02, v62  }
0x14c: {  	v30 =	vld [tilespmem:s28+$0x5249];
	v14 =	vadd.f32 v22, v14;
	v22 =	vmul.f32 $8.381950860e-02, v25;
	v25 =	vmul.f32 $8.381950860e-02, v60  }
0x14d: {  	v26 =	vld [tilespmem:s28+$0x5239];
	v7 =	vsel vm0, v24, v7;
	v12 =	vadd.f32 v27, v12;
	v27 =	vmul.f32 $1.134373620e-02, v57  }
0x14e: {  	v16 =	vadd.f32 v23, v16;
	v23 =	vmul.f32 $8.381950860e-02, v45;
	v11 =	vadd.f32 v25, v11;
	v25 =	vld [tilespmem:s28+$0x5279]  }
0x14f: {  	v17 =	vadd.f32 v22, v17;
	v22 =	vmul.f32 $8.381950860e-02, v63;
	v21 =	vadd.f32 v27, v21;
	v27 =	vld [tilespmem:s28+$0x5229]  }
0x150: {  	v24 =	vld [tilespmem:s28+$0x5269];
	v29 =	vmul.f32 $1.134373620e-02, v29;
	v15 =	vadd.f32 v23, v15;
	v23 =	vmul.f32 $8.381950860e-02, v28  }
0x151: {  	v54 =	vmul.f32 $8.381950860e-02, v50;
	v56 =	vld [tilespmem:s28+$0x52B9];
	v19 =	vadd.f32 v22, v19;
	v22 =	vmul.f32 $8.381950860e-02, v49  }
0x152: {  	v28 =	vld [tilespmem:s28+$0x52A9];
	v29 =	vadd.f32 v29, v20;
	v20 =	vmul.f32 $1.134373620e-02, v31;
	v57 =	vadd.f32 v23, v21  }
0x153: {  	v23 =	vmul.f32 $1.134373620e-02, v30;
	v30 =	vld [tilespmem:s28+$0x52E9];
	v12 =	vadd.f32 v22, v12;
	v22 =	vmul.f32 $8.381950860e-02, v51  }
0x154: {  	v17 =	vadd.f32 v20, v17;
	v20 =	vmul.f32 $1.134373620e-02, v25;
	v25 =	vld [tilespmem:s28+$0x6290];
	v21 =	vmul.f32 $1.134373620e-02, v27  }
0x155: {  	v8 =	vadd.f32 v32, v8;
	v27 =	vld [tilespmem:s28+$0x52C9];
	v18 =	vadd.f32 v22, v18;
	v22 =	vmul.f32 $1.134373620e-02, v26  }
0x156: {  	v58 =	vadd.f32 v23, v9;
	v9 =	vmul.f32 $1.134373620e-02, v24;
	v13 =	vadd.f32 v21, v13;
	v21 =	vld [tilespmem:s28+$0x6280]  }
0x157: {  	v8 =	vadd.f32 v52, v8;
	v26 =	vld [tilespmem:s28+$0x52D9];
	v14 =	vadd.f32 v22, v14;
	v22 =	vmul.f32 $1.134373620e-02, v53  }
0x158: {  	v59 =	vadd.f32 v9, v11;
	v9 =	vmul.f32 $1.134373620e-02, v55;
	v11 =	vmul.f32 $1.134373620e-02, v28;
	v28 =	vld [tilespmem:s28+$0x62A0]  }
0x159: {  	v10 =	vadd.f32 v54, v10;
	v60 =	vld [tilespmem:s28+$0x62B0];
	v24 =	vadd.f32 v22, v19;
	v19 =	vmul.f32 $1.134373620e-02, v56  }
0x15a: {  	v31 =	vpop (erf);
	v23 =	vadd.f32 v9, v15;
	v15 =	vld [tilespmem:s28+$0x62C0];
	v22 =	vadd.f32 v11, v8;
	v8 =	vmul.f32 $1.134373620e-02, v27  }
0x15b: {  	v61 =	vpop (erf);
	v16 =	vadd.f32 v20, v16;
	v5 =	vmul.f32 v5, v25;
	v25 =	vld [tilespmem:s28+$0x62E0];
	v4 =	vmul.f32 v4, v21  }
0x15c: {  	v27 =	vpop (erf);
	v20 =	vadd.f32 v19, v12;
	v12 =	vld [tilespmem:s28+$0x62D0];
	v21 =	vadd.f32 v8, v10;
	v8 =	vmul.f32 $1.134373620e-02, v30  }
0x15d: {  	v9 =	vmul.f32 $1.134373620e-02, v26;
	v6 =	vmul.f32 v6, v28;
	v19 =	vpop (erf);
	v4 =	vadd.f32 v4, v7  }
0x15e: {  	v28 =	vld [tilespmem:s28+$0x62F0];
	v5 =	vadd.f32 v5, v29;
	v26 =	vpop (erf);
	v10 =	vadd.f32 v8, v18;
	v7 =	vmul.f32 v31, v60  }
0x15f: {  	v18 =	vld [tilespmem:s28+$0x6300];
	v30 =	vpop (erf);
	v11 =	vsub.f32 $0.0e+00, v4;
	v4 =	vadd.f32 v6, v13;
	v6 =	vmul.f32 v61, v15  }
0x160: {  	v63 =	vld [tilespmem:s28+$0x6310];
	v29 =	vsub.f32 $0.0e+00, v5;
	v19 =	vmul.f32 v19, v25;
	v62 =	vpop (erf);
	v5 =	vadd.f32 v7, v14  }
0x161: {  	v31 =	vld [tilespmem:s28+$0x6320];
	v14 =	vmul.f32 v27, v12;
	v8 =	vpop (erf);
	v6 =	vadd.f32 v6, v58  }
0x162: {  	v9 =	vadd.f32 v9, v57;
	v12 =	vld [tilespmem:s28+$0x6330];
	v33 =	vadd.f32 v19, v59;
	v7 =	vpop (erf)  }
0x163: {  	v34 =	vld [tilespmem:s28+$0x6340];
	v13 =	vsub.f32 $0.0e+00, v4;
	v14 =	vadd.f32 v14, v17;
	v17 =	vmul.f32 v26, v28;
	v4 =	vpop (erf)  }
0x164: {  	v42 =	vld [tilespmem:s28+$0x6350];
	v15 =	vsub.f32 $0.0e+00, v5;
	v18 =	vmul.f32 v30, v18;
	v26 =	vsub.f32 $0.0e+00, v6;
	v5 =	vpop (erf)  }
0x165: {  	s29 =	simm.s32 $0x100;
	s30 =	simm.s32 $0x800;
	v44 =	vld [tilespmem:s28+$0x6360];
	v32 =	vmul.f32 v62, v63;
	v27 =	vsub.f32 $0.0e+00, v14;
	v35 =	vadd.f32 v17, v16;
	v6 =	vpop (erf)  }
.LBB2_10:
0x166: {  	p3 =	sne.s32 s30, $0x3C00;
	v14 =	vld [tilespmem:s29+$0x50F7];
	v16 =	vsub.f32 $0.0e+00, v33;
	v17 =	vadd.f32 v18, v24;
	v8 =	vmul.f32 v8, v31  }
0x167: {  	v18 =	vld [tilespmem:s29+$0x5007];
	v19 =	vsub.f32 $0.0e+00, v35;
	v23 =	vadd.f32 v32, v23;
	v7 =	vmul.f32 v7, v12  }
0x168: {  	v12 =	vld [tilespmem:s29+$0x50F8];
	v17 =	vsub.f32 $0.0e+00, v17;
	v8 =	vadd.f32 v8, v22;
	v4 =	vmul.f32 v4, v34  }
0x169: {  	v22 =	vld [tilespmem:s29+$0x5008];
	v23 =	vsub.f32 $0.0e+00, v23;
	v7 =	vadd.f32 v7, v20;
	v5 =	vmul.f32 v5, v42  }
0x16a: {  	v20 =	vld [tilespmem:s29+$0x50F9];
	v8 =	vsub.f32 $0.0e+00, v8;
	v21 =	vadd.f32 v4, v21;
	v6 =	vmul.f32 v6, v44  }
0x16b: {  	v24 =	vld [tilespmem:s29+$0x5017];
	v14 =	vmul.f32 $1.134373620e-02, v14;
	v7 =	vsub.f32 $0.0e+00, v7;
	v5 =	vadd.f32 v5, v9  }
0x16c: {  	v4 =	vmul.f32 $1.134373620e-02, v18;
	v9 =	vld [tilespmem:s29+$0x51F7];
	v18 =	vsub.f32 $0.0e+00, v21;
	v6 =	vadd.f32 v6, v10  }
0x16d: {  	v10 =	vadd.f32 $0.0e+00, v14;
	v12 =	vmul.f32 $8.381950860e-02, v12;
	v14 =	vld [tilespmem:s29+$0x40F0];
	v5 =	vsub.f32 $0.0e+00, v5  }
0x16e: {  	v21 =	vadd.f32 $0.0e+00, v4;
	v22 =	vmul.f32 $8.381950860e-02, v22;
	v25 =	vld [tilespmem:s29+$0x51F8];
	v6 =	vsub.f32 $0.0e+00, v6  }
0x16f: {  	v11 =	vmul.f32 $1.442695020e+00, v11;
	v28 =	vld [tilespmem:s29+$0x5027];
	v10 =	vadd.f32 v12, v10;
	v12 =	vmul.f32 $1.134373620e-02, v20  }
0x170: {  	v20 =	vadd.f32 v22, v21;
	v21 =	vmul.f32 $1.134373620e-02, v24;
	v22 =	vld [tilespmem:s29+$0x51F9];
	v24 =	vmul.f32 $1.442695020e+00, v29  }
0x171: {  	v13 =	vmul.f32 $1.442695020e+00, v13;
	v29 =	vld [tilespmem:s29+$0x5037];
	v10 =	vadd.f32 v12, v10;
	v9 =	vmul.f32 $8.381950860e-02, v9  }
0x172: {  	v15 =	vmul.f32 $1.442695020e+00, v15;
	v21 =	vadd.f32 $0.0e+00, v21;
	v30 =	vld [tilespmem:s29+$0x52F7];
	v14 =	vmul.f32 $5.000000000e-01, v14  }
0x173: {  	v31 =	vld [tilespmem:s29+$0x5047];
	v9 =	vadd.f32 v9, v10;
	v10 =	vmul.f32 $6.193470350e-01, v25;
	v25 =	vmul.f32 $1.442695020e+00, v26  }
0x174: {  	v26 =	vmul.f32 $1.134373620e-02, v28;
	v28 =	vld [tilespmem:s29+$0x52F8];
	v14 =	vmul.f32 $1.442695020e+00, v14  }
0x175: {  	v32 =	vld [tilespmem:s29+$0x5057];
	v9 =	vadd.f32 v10, v9;
	v10 =	vmul.f32 $8.381950860e-02, v22;
	v22 =	vmul.f32 $1.442695020e+00, v27  }
0x176: {  	v26 =	vadd.f32 $0.0e+00, v26;
	v27 =	vmul.f32 $1.134373620e-02, v29;
	v29 =	vld [tilespmem:s29+$0x52F9];
	(erf) = vpow2.f32 v14  }
0x177: {  	v16 =	vmul.f32 $1.442695020e+00, v16;
	v14 =	vld [tilespmem:s29+$0x5067];
	v9 =	vadd.f32 v10, v9;
	v30 =	vmul.f32 $1.134373620e-02, v30  }
0x178: {  	v19 =	vmul.f32 $1.442695020e+00, v19;
	v27 =	vadd.f32 $0.0e+00, v27;
	v31 =	vmul.f32 $1.134373620e-02, v31;
	v33 =	vld [tilespmem:s29+$0x5077]  }
0x179: {  	v17 =	vmul.f32 $1.442695020e+00, v17;
	v34 =	vld [tilespmem:s29+$0x5087];
	v9 =	vadd.f32 v30, v9;
	v28 =	vmul.f32 $8.381950860e-02, v28  }
0x17a: {  	v23 =	vmul.f32 $1.442695020e+00, v23;
	v30 =	vadd.f32 $0.0e+00, v31;
	v31 =	vmul.f32 $1.134373620e-02, v32;
	v32 =	vld [tilespmem:s29+$0x5097]  }
0x17b: {  	v10 =	vadd.f32 v10, v12;
	v9 =	vadd.f32 v28, v9;
	v28 =	vmul.f32 $1.134373620e-02, v29;
	v12 =	vld [tilespmem:s29+$0x6370]  }
0x17c: {  	v8 =	vmul.f32 $1.442695020e+00, v8;
	v29 =	vadd.f32 $0.0e+00, v31;
	v14 =	vmul.f32 $1.134373620e-02, v14;
	v31 =	vld [tilespmem:s29+$0x50A7]  }
0x17d: {  	v33 =	vmul.f32 $1.134373620e-02, v33;
	v35 =	vld [tilespmem:s29+$0x50B7];
	v9 =	vadd.f32 v28, v9;
	v10 =	vadd.f32 v28, v10  }
0x17e: {  	v7 =	vmul.f32 $1.442695020e+00, v7;
	v14 =	vadd.f32 $0.0e+00, v14;
	v28 =	vmul.f32 $1.134373620e-02, v34;
	v34 =	vld [tilespmem:s29+$0x50C7]  }
0x17f: {  	v33 =	vadd.f32 $0.0e+00, v33;
	v32 =	vmul.f32 $1.134373620e-02, v32;
	v36 =	vld [tilespmem:s29+$0x50D7];
	v10 =	vsub.f32 v9, v10;
	v37 =	vpop (erf)  }
0x180: {  	v18 =	vmul.f32 $1.442695020e+00, v18;
	v28 =	vadd.f32 $0.0e+00, v28;
	v38 =	vld [tilespmem:s29+$0x50E7];
	v12 =	vmul.f32 v37, v12  }
0x181: {  	v37 =	vld [tilespmem:s29+$0x5009];
	v32 =	vadd.f32 $0.0e+00, v32;
	v31 =	vmul.f32 $1.134373620e-02, v31;
	v9 =	vsel vm1, v9, v10  }
0x182: {  	v5 =	vmul.f32 $1.442695020e+00, v5;
	v10 =	vld [tilespmem:s29+$0x5018];
	v35 =	vmul.f32 $1.134373620e-02, v35;
	v9 =	vadd.f32 v12, v9  }
0x183: {  	v6 =	vmul.f32 $1.442695020e+00, v6;
	v12 =	vld [tilespmem:s29+$0x5028];
	v31 =	vadd.f32 $0.0e+00, v31;
	v34 =	vmul.f32 $1.134373620e-02, v34  }
0x184: {  	v39 =	vld [tilespmem:s29+$0x5038];
	v35 =	vadd.f32 $0.0e+00, v35;
	v36 =	vmul.f32 $1.134373620e-02, v36;
	v9 =	vsub.f32 $0.0e+00, v9  }
0x185: {  	v40 =	vld [tilespmem:s29+$0x5048];
	v34 =	vadd.f32 $0.0e+00, v34;
	v38 =	vmul.f32 $1.134373620e-02, v38;
	(erf) = vpow2.f32 v11  }
0x186: {  	v11 =	vmul.f32 $1.134373620e-02, v37;
	v37 =	vld [tilespmem:s29+$0x5058];
	v36 =	vadd.f32 $0.0e+00, v36;
	v9 =	vmul.f32 $1.442695020e+00, v9  }
0x187: {  	v10 =	vmul.f32 $8.381950860e-02, v10;
	v41 =	vld [tilespmem:s29+$0x5068];
	v38 =	vadd.f32 $0.0e+00, v38;
	(erf) = vpow2.f32 v24  }
0x188: {  	v11 =	vadd.f32 v11, v20;
	v12 =	vmul.f32 $8.381950860e-02, v12;
	v20 =	vld [tilespmem:s29+$0x5078];
	(erf) = vpow2.f32 v9  }
0x189: {  	v9 =	vadd.f32 v10, v21;
	v10 =	vmul.f32 $8.381950860e-02, v39;
	v21 =	vld [tilespmem:s29+$0x5088];
	(erf) = vpow2.f32 v13  }
0x18a: {  	v12 =	vadd.f32 v12, v26;
	v13 =	vmul.f32 $8.381950860e-02, v40;
	v24 =	vld [tilespmem:s29+$0x5098];
	(erf) = vpow2.f32 v15  }
0x18b: {  	v15 =	vadd.f32 v10, v27;
	v10 =	vmul.f32 $8.381950860e-02, v37;
	v26 =	vld [tilespmem:s29+$0x50A8];
	(erf) = vpow2.f32 v25  }
0x18c: {  	v13 =	vadd.f32 v13, v30;
	v3 =	vmul.f32 $8.381950860e-02, v41;
	v27 =	vld [tilespmem:s29+$0x50B8];
	(erf) = vpow2.f32 v22  }
0x18d: {  	v22 =	vadd.f32 v10, v29;
	v10 =	vmul.f32 $8.381950860e-02, v20;
	v20 =	vld [tilespmem:s29+$0x50C8];
	(erf) = vpow2.f32 v16  }
0x18e: {  	v14 =	vadd.f32 v3, v14;
	v16 =	vmul.f32 $8.381950860e-02, v21;
	v21 =	vld [tilespmem:s29+$0x50D8];
	v25 =	vpop (erf);
	(erf) = vpow2.f32 v19  }
0x18f: {  	v29 =	vadd.f32 v10, v33;
	v10 =	vmul.f32 $8.381950860e-02, v24;
	v19 =	vld [tilespmem:s29+$0x50E8];
	(erf) = vpow2.f32 v17  }
0x190: {  	v17 =	vld [tilespmem:s29+$0x5107];
	v24 =	vadd.f32 v16, v28;
	v16 =	vmul.f32 $8.381950860e-02, v26;
	v26 =	vpop (erf);
	(erf) = vpow2.f32 v23  }
0x191: {  	v23 =	vld [tilespmem:s29+$0x5019];
	v30 =	vadd.f32 v10, v32;
	v10 =	vmul.f32 $8.381950860e-02, v27;
	v27 =	vpop (erf);
	(erf) = vpow2.f32 v8  }
0x192: {  	v28 =	vld [tilespmem:s29+$0x5029];
	v32 =	vadd.f32 v16, v31;
	v8 =	vmul.f32 $8.381950860e-02, v20;
	v3 =	vadd.f32 $1.000000000e+00, v27;
	v20 =	vpop (erf)  }
0x193: {  	v27 =	vld [tilespmem:s29+$0x5039];
	v33 =	vadd.f32 v10, v35;
	v10 =	vmul.f32 $8.381950860e-02, v21;
	v21 =	vpop (erf);
	(erf) = vpow2.f32 v7  }
0x194: {  	v7 =	vld [tilespmem:s29+$0x5049];
	v35 =	vadd.f32 v8, v34;
	v8 =	vmul.f32 $8.381950860e-02, v19;
	(erf) = vrcp.f32 v3;
	v16 =	vpop (erf)  }
0x195: {  	v17 =	vmul.f32 $8.381950860e-02, v17;
	v31 =	vld [tilespmem:s29+$0x5059];
	v36 =	vadd.f32 v10, v36;
	v34 =	vpop (erf);
	(erf) = vpow2.f32 v18  }
0x196: {  	v10 =	vmul.f32 $1.134373620e-02, v23;
	v18 =	vld [tilespmem:s29+$0x5069];
	v37 =	vadd.f32 v8, v38;
	v23 =	vpop (erf);
	(erf) = vpow2.f32 v5  }
0x197: {  	v8 =	vadd.f32 v17, v11;
	v19 =	vadd.f32 v17, v4;
	v4 =	vmul.f32 $1.134373620e-02, v28;
	v17 =	vld [tilespmem:s29+$0x5079];
	v38 =	vpop (erf)  }
0x198: {  	v9 =	vadd.f32 v10, v9;
	v11 =	vmul.f32 $1.134373620e-02, v27;
	v27 =	vld [tilespmem:s29+$0x5089];
	v39 =	vpop (erf);
	(erf) = vpow2.f32 v6  }
0x199: {  	v5 =	vadd.f32 $1.000000000e+00, v25;
	v10 =	vadd.f32 v4, v12;
	v4 =	vmul.f32 $1.134373620e-02, v7;
	v28 =	vld [tilespmem:s29+$0x5099];
	v40 =	vpop (erf)  }
0x19a: {  	v6 =	vadd.f32 $1.000000000e+00, v26;
	v11 =	vadd.f32 v11, v15;
	v15 =	vmul.f32 $1.134373620e-02, v31;
	v25 =	vld [tilespmem:s29+$0x50A9];
	v41 =	vpop (erf)  }
0x19b: {  	v7 =	vadd.f32 $1.000000000e+00, v20;
	v12 =	vadd.f32 v4, v13;
	v18 =	vmul.f32 $1.134373620e-02, v18;
	v26 =	vld [tilespmem:s29+$0x50B9]  }
0x19c: {  	v4 =	vadd.f32 $1.000000000e+00, v21;
	v13 =	vadd.f32 v15, v22;
	v15 =	vmul.f32 $1.134373620e-02, v17;
	v17 =	vld [tilespmem:s29+$0x50C9];
	v20 =	vpop (erf)  }
0x19d: {  	v14 =	vadd.f32 v18, v14;
	v18 =	vmul.f32 $1.134373620e-02, v27;
	v21 =	vld [tilespmem:s29+$0x50D9];
	v22 =	vpop (erf);
	v27 =	vadd.f32 $1.000000000e+00, v16  }
0x19e: {  	v16 =	vadd.f32 v15, v29;
	v15 =	vmul.f32 $1.134373620e-02, v28;
	v42 =	vld [tilespmem:s29+$0x50E9];
	[tilespmem:s29+$0x7B70] =	vst v22;
	v28 =	vadd.f32 $1.000000000e+00, v34;
	v22 =	vpop (erf)  }
0x19f: {  	v29 =	vadd.f32 $1.000000000e+00, v23;
	v43 =	vld [tilespmem:s29+$0x4000];
	v31 =	vadd.f32 v18, v24;
	v18 =	vmul.f32 $1.134373620e-02, v25;
	v44 =	vpop (erf)  }
0x1a0: {  	v45 =	vld [tilespmem:s29+$0x4010];
	v34 =	vadd.f32 v15, v30;
	v15 =	vmul.f32 $1.134373620e-02, v26;
	v30 =	vadd.f32 $1.000000000e+00, v38  }
0x1a1: {  	v25 =	vadd.f32 $1.000000000e+00, v39;
	v38 =	vld [tilespmem:s29+$0x4020];
	v32 =	vadd.f32 v18, v32;
	v17 =	vmul.f32 $1.134373620e-02, v17;
	v39 =	vpop (erf)  }
0x1a2: {  	v26 =	vadd.f32 $1.000000000e+00, v40;
	v46 =	vld [tilespmem:s29+$0x4030];
	v33 =	vadd.f32 v15, v33;
	v15 =	vmul.f32 $1.134373620e-02, v21  }
0x1a3: {  	v24 =	vadd.f32 $1.000000000e+00, v41;
	v40 =	vld [tilespmem:s29+$0x4040];
	v18 =	vadd.f32 v17, v35;
	v21 =	vmul.f32 $1.134373620e-02, v42  }
0x1a4: {  	v23 =	vadd.f32 $1.000000000e+00, v20;
	v35 =	vmul.f32 $5.000000000e-01, v43;
	v41 =	vld [tilespmem:s29+$0x4050];
	v17 =	vadd.f32 v15, v36  }
0x1a5: {  	v22 =	vadd.f32 $1.000000000e+00, v22;
	v20 =	vmul.f32 $5.000000000e-01, v45;
	v36 =	vld [tilespmem:s29+$0x4060];
	v15 =	vadd.f32 v21, v37  }
0x1a6: {  	v21 =	vadd.f32 $1.000000000e+00, v44;
	v35 =	vmul.f32 $1.442695020e+00, v35;
	v37 =	vmul.f32 $5.000000000e-01, v38;
	v38 =	vld [tilespmem:s29+$0x4070]  }
0x1a7: {  	v42 =	vmul.f32 $1.442695020e+00, v20;
	v43 =	vmul.f32 $5.000000000e-01, v46;
	v44 =	vld [tilespmem:s29+$0x4080];
	v20 =	vadd.f32 $1.000000000e+00, v39  }
0x1a8: {  	v37 =	vmul.f32 $1.442695020e+00, v37;
	v39 =	vmul.f32 $5.000000000e-01, v40;
	v40 =	vld [tilespmem:s29+$0x4090]  }
0x1a9: {  	v43 =	vmul.f32 $1.442695020e+00, v43;
	v41 =	vmul.f32 $5.000000000e-01, v41;
	v45 =	vld [tilespmem:s29+$0x40A0]  }
0x1aa: {  	v39 =	vmul.f32 $1.442695020e+00, v39;
	v36 =	vmul.f32 $5.000000000e-01, v36;
	v46 =	vld [tilespmem:s29+$0x40B0]  }
0x1ab: {  	v41 =	vmul.f32 $1.442695020e+00, v41;
	v38 =	vmul.f32 $5.000000000e-01, v38;
	v47 =	vld [tilespmem:s29+$0x40C0]  }
0x1ac: {  	v36 =	vmul.f32 $1.442695020e+00, v36;
	v44 =	vmul.f32 $5.000000000e-01, v44;
	v48 =	vld [tilespmem:s29+$0x40D0]  }
0x1ad: {  	v38 =	vmul.f32 $1.442695020e+00, v38;
	v40 =	vmul.f32 $5.000000000e-01, v40;
	v49 =	vld [tilespmem:s29+$0x40E0]  }
0x1ae: {  	v50 =	vld [tilespmem:s29+$0x5108];
	v44 =	vmul.f32 $1.442695020e+00, v44;
	v45 =	vmul.f32 $5.000000000e-01, v45  }
0x1af: {  	v51 =	vld [tilespmem:s29+$0x5117];
	v40 =	vmul.f32 $1.442695020e+00, v40;
	v46 =	vmul.f32 $5.000000000e-01, v46  }
0x1b0: {  	v52 =	vld [tilespmem:s29+$0x5127];
	v45 =	vmul.f32 $1.442695020e+00, v45;
	v47 =	vmul.f32 $5.000000000e-01, v47  }
0x1b1: {  	v53 =	vld [tilespmem:s29+$0x5137];
	v46 =	vmul.f32 $1.442695020e+00, v46;
	v48 =	vmul.f32 $5.000000000e-01, v48  }
0x1b2: {  	v54 =	vld [tilespmem:s29+$0x5147];
	v47 =	vmul.f32 $1.442695020e+00, v47;
	v49 =	vmul.f32 $5.000000000e-01, v49  }
0x1b3: {  	v50 =	vmul.f32 $6.193470350e-01, v50;
	v55 =	vld [tilespmem:s29+$0x5157];
	v48 =	vmul.f32 $1.442695020e+00, v48  }
0x1b4: {  	v51 =	vmul.f32 $8.381950860e-02, v51;
	v56 =	vld [tilespmem:s29+$0x5167];
	v49 =	vmul.f32 $1.442695020e+00, v49  }
0x1b5: {  	v8 =	vadd.f32 v50, v8;
	v50 =	vmul.f32 $8.381950860e-02, v52;
	v52 =	vld [tilespmem:s29+$0x5177];
	(erf) = vpow2.f32 v35  }
0x1b6: {  	v35 =	vadd.f32 v51, v9;
	v9 =	vmul.f32 $8.381950860e-02, v53;
	v51 =	vld [tilespmem:s29+$0x5187];
	(erf) = vpow2.f32 v42  }
0x1b7: {  	v42 =	vadd.f32 v50, v10;
	v10 =	vmul.f32 $8.381950860e-02, v54;
	v50 =	vld [tilespmem:s29+$0x5197];
	(erf) = vpow2.f32 v37  }
0x1b8: {  	v37 =	vadd.f32 v9, v11;
	v9 =	vmul.f32 $8.381950860e-02, v55;
	v11 =	vld [tilespmem:s29+$0x51A7];
	(erf) = vpow2.f32 v43  }
0x1b9: {  	v43 =	vadd.f32 v10, v12;
	v10 =	vmul.f32 $8.381950860e-02, v56;
	v12 =	vld [tilespmem:s29+$0x51B7];
	(erf) = vpow2.f32 v39  }
0x1ba: {  	v39 =	vadd.f32 v9, v13;
	v9 =	vmul.f32 $8.381950860e-02, v52;
	v13 =	vld [tilespmem:s29+$0x51C7];
	(erf) = vpow2.f32 v41  }
0x1bb: {  	v41 =	vadd.f32 v10, v14;
	v10 =	vmul.f32 $8.381950860e-02, v51;
	v14 =	vld [tilespmem:s29+$0x51D7];
	(erf) = vpow2.f32 v36  }
0x1bc: {  	v36 =	vadd.f32 v9, v16;
	v3 =	vmul.f32 $8.381950860e-02, v50;
	v16 =	vld [tilespmem:s29+$0x51E7];
	(erf) = vpow2.f32 v38  }
0x1bd: {  	v38 =	vld [tilespmem:s29+$0x5109];
	v31 =	vadd.f32 v10, v31;
	v50 =	vmul.f32 $8.381950860e-02, v11;
	(erf) = vpow2.f32 v44  }
0x1be: {  	v44 =	vld [tilespmem:s29+$0x5118];
	v34 =	vadd.f32 v3, v34;
	v3 =	vmul.f32 $8.381950860e-02, v12;
	v9 =	vpop (erf);
	(erf) = vpow2.f32 v40  }
0x1bf: {  	v40 =	vld [tilespmem:s29+$0x5128];
	v32 =	vadd.f32 v50, v32;
	v51 =	vmul.f32 $8.381950860e-02, v13;
	v10 =	vpop (erf);
	(erf) = vpow2.f32 v45  }
0x1c0: {  	v45 =	vld [tilespmem:s29+$0x5138];
	v33 =	vadd.f32 v3, v33;
	v3 =	vmul.f32 $8.381950860e-02, v14;
	v11 =	vpop (erf);
	(erf) = vpow2.f32 v46  }
0x1c1: {  	v46 =	vld [tilespmem:s29+$0x5148];
	v50 =	vadd.f32 v51, v18;
	v18 =	vmul.f32 $8.381950860e-02, v16;
	v12 =	vpop (erf);
	(erf) = vpow2.f32 v47  }
0x1c2: {  	v51 =	vmul.f32 $8.381950860e-02, v38;
	v38 =	vld [tilespmem:s29+$0x5158];
	v47 =	vadd.f32 v3, v17;
	v13 =	vpop (erf);
	(erf) = vpow2.f32 v48  }
0x1c3: {  	v17 =	vmul.f32 $6.193470350e-01, v44;
	v44 =	vld [tilespmem:s29+$0x5168];
	v48 =	vadd.f32 v18, v15;
	v14 =	vpop (erf);
	(erf) = vpow2.f32 v49  }
0x1c4: {  	v49 =	vadd.f32 v51, v8;
	v8 =	vmul.f32 $6.193470350e-01, v40;
	v40 =	vld [tilespmem:s29+$0x5178];
	v15 =	vpop (erf);
	(erf) = vrcp.f32 v5  }
0x1c5: {  	v35 =	vadd.f32 v17, v35;
	v5 =	vmul.f32 $6.193470350e-01, v45;
	v45 =	vld [tilespmem:s29+$0x5188];
	v16 =	vpop (erf);
	(erf) = vrcp.f32 v6  }
0x1c6: {  	v42 =	vadd.f32 v8, v42;
	v6 =	vmul.f32 $6.193470350e-01, v46;
	v46 =	vld [tilespmem:s29+$0x5198];
	v18 =	vpop (erf);
	(erf) = vrcp.f32 v7  }
0x1c7: {  	v37 =	vadd.f32 v5, v37;
	v5 =	vmul.f32 $6.193470350e-01, v38;
	v38 =	vld [tilespmem:s29+$0x51A8];
	v17 =	vpop (erf);
	(erf) = vrcp.f32 v4  }
0x1c8: {  	v43 =	vadd.f32 v6, v43;
	v3 =	vmul.f32 $6.193470350e-01, v44;
	v44 =	vld [tilespmem:s29+$0x51B8];
	v8 =	vpop (erf);
	(erf) = vrcp.f32 v27  }
0x1c9: {  	v27 =	vadd.f32 v5, v39;
	v51 =	vmul.f32 $6.193470350e-01, v40;
	v39 =	vld [tilespmem:s29+$0x51C8];
	v7 =	vpop (erf);
	(erf) = vrcp.f32 v28  }
0x1ca: {  	v28 =	vadd.f32 v3, v41;
	v3 =	vmul.f32 $6.193470350e-01, v45;
	v40 =	vld [tilespmem:s29+$0x51D8];
	v4 =	vpop (erf);
	(erf) = vrcp.f32 v29  }
0x1cb: {  	v29 =	vadd.f32 v51, v36;
	v36 =	vmul.f32 $6.193470350e-01, v46;
	v41 =	vld [tilespmem:s29+$0x51E8];
	v5 =	vpop (erf);
	(erf) = vrcp.f32 v30  }
0x1cc: {  	v30 =	vld [tilespmem:s29+$0x5207];
	v31 =	vadd.f32 v3, v31;
	v38 =	vmul.f32 $6.193470350e-01, v38;
	v6 =	vpop (erf);
	(erf) = vrcp.f32 v25  }
0x1cd: {  	v25 =	vld [tilespmem:s29+$0x5119];
	v34 =	vadd.f32 v36, v34;
	v36 =	vmul.f32 $6.193470350e-01, v44;
	v44 =	vpop (erf);
	(erf) = vrcp.f32 v26  }
0x1ce: {  	v26 =	vld [tilespmem:s29+$0x5129];
	v32 =	vadd.f32 v38, v32;
	v38 =	vmul.f32 $6.193470350e-01, v39;
	[tilespmem:s28+$0x7A80] =	vst v44;
	v39 =	vpop (erf);
	(erf) = vrcp.f32 v24  }
0x1cf: {  	v24 =	vld [tilespmem:s29+$0x5139];
	v33 =	vadd.f32 v36, v33;
	v36 =	vmul.f32 $6.193470350e-01, v40;
	[tilespmem:s28+$0x7A90] =	vst v39;
	v39 =	vpop (erf);
	(erf) = vrcp.f32 v23  }
0x1d0: {  	v23 =	vld [tilespmem:s29+$0x5149];
	v38 =	vadd.f32 v38, v50;
	v40 =	vmul.f32 $6.193470350e-01, v41;
	[tilespmem:s28+$0x7AA0] =	vst v39;
	v39 =	vpop (erf);
	(erf) = vrcp.f32 v22  }
0x1d1: {  	v22 =	vmul.f32 $1.134373620e-02, v30;
	v30 =	vld [tilespmem:s29+$0x5159];
	v36 =	vadd.f32 v36, v47;
	[tilespmem:s28+$0x7AB0] =	vst v39;
	v39 =	vpop (erf);
	(erf) = vrcp.f32 v21  }
0x1d2: {  	v21 =	vmul.f32 $8.381950860e-02, v25;
	v25 =	vld [tilespmem:s29+$0x5169];
	v40 =	vadd.f32 v40, v48;
	[tilespmem:s28+$0x7AC0] =	vst v39;
	v39 =	vpop (erf);
	(erf) = vrcp.f32 v20  }
0x1d3: {  	v20 =	vadd.f32 v22, v49;
	v19 =	vadd.f32 v22, v19;
	v22 =	vmul.f32 $8.381950860e-02, v26;
	v26 =	vld [tilespmem:s29+$0x5179];
	[tilespmem:s28+$0x7AD0] =	vst v39;
	v39 =	vpop (erf)  }
0x1d4: {  	v21 =	vadd.f32 v21, v35;
	v24 =	vmul.f32 $8.381950860e-02, v24;
	v35 =	vld [tilespmem:s29+$0x5189];
	[tilespmem:s28+$0x7AE0] =	vst v39;
	v39 =	vpop (erf)  }
0x1d5: {  	v22 =	vadd.f32 v22, v42;
	v23 =	vmul.f32 $8.381950860e-02, v23;
	v41 =	vld [tilespmem:s29+$0x5199];
	[tilespmem:s28+$0x7AF0] =	vst v39;
	v39 =	vpop (erf)  }
0x1d6: {  	v24 =	vadd.f32 v24, v37;
	v30 =	vmul.f32 $8.381950860e-02, v30;
	v37 =	vld [tilespmem:s29+$0x51A9];
	[tilespmem:s28+$0x7B00] =	vst v39;
	v39 =	vpop (erf)  }
0x1d7: {  	v23 =	vadd.f32 v23, v43;
	v25 =	vmul.f32 $8.381950860e-02, v25;
	v42 =	vld [tilespmem:s29+$0x51B9];
	[tilespmem:s28+$0x7B10] =	vst v39;
	v39 =	vpop (erf)  }
0x1d8: {  	v27 =	vadd.f32 v30, v27;
	v26 =	vmul.f32 $8.381950860e-02, v26;
	v30 =	vld [tilespmem:s29+$0x51C9];
	[tilespmem:s28+$0x7B20] =	vst v39;
	v39 =	vpop (erf)  }
0x1d9: {  	v25 =	vadd.f32 v25, v28;
	v28 =	vmul.f32 $8.381950860e-02, v35;
	v35 =	vld [tilespmem:s29+$0x51D9];
	[tilespmem:s28+$0x7B30] =	vst v39;
	v39 =	vpop (erf)  }
0x1da: {  	v26 =	vadd.f32 v26, v29;
	v29 =	vmul.f32 $8.381950860e-02, v41;
	v41 =	vld [tilespmem:s29+$0x51E9];
	[tilespmem:s28+$0x7B40] =	vst v39;
	v39 =	vpop (erf)  }
0x1db: {  	v43 =	vld [tilespmem:s29+$0x5208];
	v28 =	vadd.f32 v28, v31;
	v31 =	vmul.f32 $8.381950860e-02, v37;
	[tilespmem:s28+$0x7B50] =	vst v39;
	v37 =	vpop (erf)  }
0x1dc: {  	v39 =	vld [tilespmem:s29+$0x5217];
	v29 =	vadd.f32 v29, v34;
	v34 =	vmul.f32 $8.381950860e-02, v42;
	[tilespmem:s28+$0x7B60] =	vst v37;
	s28 =	smov.u32 s29  }
0x1dd: {  	v37 =	vld [tilespmem:s28+$0x5227];
	v31 =	vadd.f32 v31, v32;
	v30 =	vmul.f32 $8.381950860e-02, v30  }
0x1de: {  	v32 =	vld [tilespmem:s28+$0x5237];
	v33 =	vadd.f32 v34, v33;
	v34 =	vmul.f32 $8.381950860e-02, v35  }
0x1df: {  	v35 =	vld [tilespmem:s28+$0x5247];
	v30 =	vadd.f32 v30, v38;
	v38 =	vmul.f32 $8.381950860e-02, v41  }
0x1e0: {  	v41 =	vmul.f32 $8.381950860e-02, v43;
	v42 =	vld [tilespmem:s28+$0x5257];
	v34 =	vadd.f32 v34, v36  }
0x1e1: {  	v36 =	vmul.f32 $1.134373620e-02, v39;
	v39 =	vld [tilespmem:s28+$0x5267];
	v38 =	vadd.f32 v38, v40  }
0x1e2: {  	v20 =	vadd.f32 v41, v20;
	v37 =	vmul.f32 $1.134373620e-02, v37;
	v40 =	vld [tilespmem:s28+$0x5277]  }
0x1e3: {  	v21 =	vadd.f32 v36, v21;
	v32 =	vmul.f32 $1.134373620e-02, v32;
	v36 =	vld [tilespmem:s28+$0x5287]  }
0x1e4: {  	v22 =	vadd.f32 v37, v22;
	v35 =	vmul.f32 $1.134373620e-02, v35;
	v37 =	vld [tilespmem:s28+$0x5297]  }
0x1e5: {  	v24 =	vadd.f32 v32, v24;
	v32 =	vmul.f32 $1.134373620e-02, v42;
	v41 =	vld [tilespmem:s28+$0x52A7]  }
0x1e6: {  	v23 =	vadd.f32 v35, v23;
	v35 =	vmul.f32 $1.134373620e-02, v39;
	v39 =	vld [tilespmem:s28+$0x52B7]  }
0x1e7: {  	v27 =	vadd.f32 v32, v27;
	v32 =	vmul.f32 $1.134373620e-02, v40;
	v40 =	vld [tilespmem:s28+$0x52C7]  }
0x1e8: {  	v25 =	vadd.f32 v35, v25;
	v35 =	vmul.f32 $1.134373620e-02, v36;
	v36 =	vld [tilespmem:s28+$0x52D7]  }
0x1e9: {  	v26 =	vadd.f32 v32, v26;
	v32 =	vmul.f32 $1.134373620e-02, v37;
	v37 =	vld [tilespmem:s28+$0x52E7]  }
0x1ea: {  	v42 =	vld [tilespmem:s28+$0x5209];
	v28 =	vadd.f32 v35, v28;
	v35 =	vmul.f32 $1.134373620e-02, v41  }
0x1eb: {  	v41 =	vld [tilespmem:s28+$0x5218];
	v29 =	vadd.f32 v32, v29;
	v32 =	vmul.f32 $1.134373620e-02, v39  }
0x1ec: {  	v39 =	vld [tilespmem:s28+$0x5228];
	v31 =	vadd.f32 v35, v31;
	v35 =	vmul.f32 $1.134373620e-02, v40  }
0x1ed: {  	v40 =	vld [tilespmem:s28+$0x5238];
	v32 =	vadd.f32 v32, v33;
	v33 =	vmul.f32 $1.134373620e-02, v36  }
0x1ee: {  	v36 =	vld [tilespmem:s28+$0x5248];
	v30 =	vadd.f32 v35, v30;
	v35 =	vmul.f32 $1.134373620e-02, v37  }
0x1ef: {  	v37 =	vmul.f32 $1.134373620e-02, v42;
	v42 =	vld [tilespmem:s28+$0x5258];
	v33 =	vadd.f32 v33, v34  }
0x1f0: {  	v34 =	vmul.f32 $8.381950860e-02, v41;
	v41 =	vld [tilespmem:s28+$0x5268];
	v35 =	vadd.f32 v35, v38  }
0x1f1: {  	v20 =	vadd.f32 v37, v20;
	v37 =	vmul.f32 $8.381950860e-02, v39;
	v38 =	vld [tilespmem:s28+$0x5278]  }
0x1f2: {  	v21 =	vadd.f32 v34, v21;
	v34 =	vmul.f32 $8.381950860e-02, v40;
	v39 =	vld [tilespmem:s28+$0x5288]  }
0x1f3: {  	v19 =	vsub.f32 v20, v19;
	v22 =	vadd.f32 v37, v22;
	v36 =	vmul.f32 $8.381950860e-02, v36;
	v37 =	vld [tilespmem:s28+$0x5298]  }
0x1f4: {  	v24 =	vadd.f32 v34, v24;
	v34 =	vmul.f32 $8.381950860e-02, v42;
	v40 =	vld [tilespmem:s28+$0x52A8]  }
0x1f5: {  	v19 =	vsel vm0, v19, v20;
	v20 =	vadd.f32 v36, v23;
	v23 =	vmul.f32 $8.381950860e-02, v41;
	v36 =	vld [tilespmem:s28+$0x52B8]  }
0x1f6: {  	v27 =	vadd.f32 v34, v27;
	v34 =	vmul.f32 $8.381950860e-02, v38;
	v38 =	vld [tilespmem:s28+$0x52C8]  }
0x1f7: {  	v23 =	vadd.f32 v23, v25;
	v25 =	vmul.f32 $8.381950860e-02, v39;
	v39 =	vld [tilespmem:s28+$0x52D8]  }
0x1f8: {  	v26 =	vadd.f32 v34, v26;
	v34 =	vmul.f32 $8.381950860e-02, v37;
	v37 =	vld [tilespmem:s28+$0x52E8]  }
0x1f9: {  	v41 =	vld [tilespmem:s28+$0x5219];
	v25 =	vadd.f32 v25, v28;
	v28 =	vmul.f32 $8.381950860e-02, v40  }
0x1fa: {  	v40 =	vld [tilespmem:s28+$0x5229];
	v29 =	vadd.f32 v34, v29;
	v34 =	vmul.f32 $8.381950860e-02, v36  }
0x1fb: {  	v36 =	vld [tilespmem:s28+$0x5239];
	v28 =	vadd.f32 v28, v31;
	v31 =	vmul.f32 $8.381950860e-02, v38  }
0x1fc: {  	v38 =	vld [tilespmem:s28+$0x5249];
	v32 =	vadd.f32 v34, v32;
	v34 =	vmul.f32 $8.381950860e-02, v39  }
0x1fd: {  	v39 =	vld [tilespmem:s28+$0x5259];
	v30 =	vadd.f32 v31, v30;
	v31 =	vmul.f32 $8.381950860e-02, v37  }
0x1fe: {  	v37 =	vmul.f32 $1.134373620e-02, v41;
	v41 =	vld [tilespmem:s28+$0x5269];
	v33 =	vadd.f32 v34, v33  }
0x1ff: {  	v34 =	vmul.f32 $1.134373620e-02, v40;
	v40 =	vld [tilespmem:s28+$0x5279];
	v31 =	vadd.f32 v31, v35  }
0x200: {  	v35 =	vadd.f32 v37, v21;
	v21 =	vmul.f32 $1.134373620e-02, v36;
	v36 =	vld [tilespmem:s28+$0x5289]  }
0x201: {  	v34 =	vadd.f32 v34, v22;
	v22 =	vmul.f32 $1.134373620e-02, v38;
	v37 =	vld [tilespmem:s28+$0x5299]  }
0x202: {  	v38 =	vadd.f32 v21, v24;
	v21 =	vmul.f32 $1.134373620e-02, v39;
	v39 =	vld [tilespmem:s28+$0x52A9]  }
0x203: {  	v42 =	vadd.f32 v22, v20;
	v20 =	vmul.f32 $1.134373620e-02, v41;
	v22 =	vld [tilespmem:s28+$0x52B9]  }
0x204: {  	v27 =	vadd.f32 v21, v27;
	v21 =	vmul.f32 $1.134373620e-02, v40;
	v40 =	vld [tilespmem:s28+$0x52C9]  }
0x205: {  	v41 =	vadd.f32 v20, v23;
	v20 =	vmul.f32 $1.134373620e-02, v36;
	v36 =	vld [tilespmem:s28+$0x52D9]  }
0x206: {  	v43 =	vadd.f32 v21, v26;
	v21 =	vmul.f32 $1.134373620e-02, v37;
	v26 =	vld [tilespmem:s28+$0x52E9]  }
0x207: {  	v37 =	vld [tilespmem:s28+$0x6280];
	v24 =	vadd.f32 v20, v25;
	v20 =	vmul.f32 $1.134373620e-02, v39  }
0x208: {  	v25 =	vld [tilespmem:s28+$0x6290];
	v23 =	vadd.f32 v21, v29;
	v21 =	vmul.f32 $1.134373620e-02, v22  }
0x209: {  	v29 =	vld [tilespmem:s28+$0x62A0];
	v22 =	vadd.f32 v20, v28;
	v28 =	vmul.f32 $1.134373620e-02, v40  }
0x20a: {  	v39 =	vld [tilespmem:s28+$0x62B0];
	v20 =	vadd.f32 v21, v32;
	v32 =	vmul.f32 $1.134373620e-02, v36  }
0x20b: {  	v36 =	vld [tilespmem:s28+$0x62C0];
	v21 =	vadd.f32 v28, v30;
	v26 =	vmul.f32 $1.134373620e-02, v26  }
0x20c: {  	v28 =	vmul.f32 v9, v37;
	v30 =	vld [tilespmem:s28+$0x62D0];
	v9 =	vadd.f32 v32, v33  }
0x20d: {  	v25 =	vmul.f32 v10, v25;
	v32 =	vld [tilespmem:s28+$0x62E0];
	v10 =	vadd.f32 v26, v31  }
0x20e: {  	v19 =	vadd.f32 v28, v19;
	v26 =	vmul.f32 v11, v29;
	v28 =	vld [tilespmem:s28+$0x62F0]  }
0x20f: {  	v25 =	vadd.f32 v25, v35;
	v12 =	vmul.f32 v12, v39;
	v35 =	vld [tilespmem:s28+$0x6300]  }
0x210: {  	v11 =	vsub.f32 $0.0e+00, v19;
	v19 =	vadd.f32 v26, v34;
	v26 =	vmul.f32 v13, v36;
	v36 =	vld [tilespmem:s28+$0x6310]  }
.Ltmp4:
0x211: {  	v29 =	vsub.f32 $0.0e+00, v25;
	v25 =	vadd.f32 v12, v38;
	v14 =	vmul.f32 v14, v30;
	v31 =	vld [tilespmem:s28+$0x6320];
	(pc) =	sbr.rel @p3 .LBB2_10-.Ltmp4, $4  }
0x212: {  	v13 =	vsub.f32 $0.0e+00, v19;
	v19 =	vadd.f32 v26, v42;
	v30 =	vmul.f32 v15, v32;
	v12 =	vld [tilespmem:s28+$0x6330]  }
0x213: {  	v15 =	vsub.f32 $0.0e+00, v25;
	v14 =	vadd.f32 v14, v27;
	v16 =	vmul.f32 v16, v28;
	v34 =	vld [tilespmem:s28+$0x6340]  }
0x214: {  	v26 =	vsub.f32 $0.0e+00, v19;
	v33 =	vadd.f32 v30, v41;
	v18 =	vmul.f32 v18, v35;
	v42 =	vld [tilespmem:s28+$0x6350]  }
0x215: {  	s29 =	sshra.s32 s30, $0x2;
	s30 =	sadd.s32 $0x400, s30;
	v27 =	vsub.f32 $0.0e+00, v14;
	v35 =	vadd.f32 v16, v43;
	v32 =	vmul.f32 v17, v36;
	v44 =	vld [tilespmem:s28+$0x6360]  }
0x216: {  	v3 =	vld [tilespmem:s29+$0x5087];
	_ =	sdelay $0x4  }
0x217: {  	[tilespmem:$0x1FD40] =	vst v3;
	v3 =	vld [tilespmem:s29+$0x5097];
	_ =	sdelay $0x4  }
0x218: {  	[tilespmem:$0x1FD50] =	vst v3;
	v3 =	vld [tilespmem:s29+$0x50A7];
	_ =	sdelay $0x4  }
0x219: {  	[tilespmem:$0x1FD60] =	vst v3;
	v3 =	vld [tilespmem:s29+$0x50C8];
	_ =	sdelay $0x4  }
0x21a: {  	[tilespmem:$0x1FD70] =	vst v3;
	v3 =	vld [tilespmem:s29+$0x50D8];
	_ =	sdelay $0x3  }
0x21b: {  	v14 =	vld [tilespmem:s29+$0x50F7]  }
0x21c: {  	[tilespmem:$0x1FD80] =	vst v3;
	v3 =	vld [tilespmem:s29+$0x5019]  }
0x21d: {  	v16 =	vld [tilespmem:s29+$0x50F8];
	_ =	sdelay $0x1  }
0x21e: {  	v17 =	vld [tilespmem:s29+$0x50F9]  }
0x21f: {  	v19 =	vld [tilespmem:s29+$0x51F7];
	v14 =	vmul.f32 $1.134373620e-02, v14  }
0x220: {  	[tilespmem:$0x1FD90] =	vst v3;
	v3 =	vld [tilespmem:s29+$0x5029]  }
0x221: {  	v25 =	vld [tilespmem:s29+$0x40F0];
	v16 =	vmul.f32 $8.381950860e-02, v16;
	v14 =	vadd.f32 $0.0e+00, v14  }
0x222: {  	v28 =	vld [tilespmem:s29+$0x51F8]  }
0x223: {  	v63 =	vmul.f32 $1.134373620e-02, v17;
	v14 =	vadd.f32 v16, v14  }
0x224: {  	v39 =	vld [tilespmem:s29+$0x51F9]  }
0x225: {  	v19 =	vmul.f32 $8.381950860e-02, v19;
	v14 =	vadd.f32 v63, v14;
	[tilespmem:$0x1FDA0] =	vst v3;
	v3 =	vld [tilespmem:s29+$0x5039]  }
0x226: {  	v30 =	vld [tilespmem:s29+$0x52F7];
	v25 =	vmul.f32 $5.000000000e-01, v25  }
0x227: {  	v45 =	vmul.f32 $6.193470350e-01, v28;
	v14 =	vadd.f32 v19, v14  }
0x228: {  	v47 =	vld [tilespmem:s29+$0x52F8];
	v25 =	vmul.f32 $1.442695020e+00, v25  }
0x229: {  	v36 =	vld [tilespmem:s29+$0x52F9];
	v17 =	vmul.f32 $8.381950860e-02, v39;
	v14 =	vadd.f32 v45, v14  }
0x22a: {  	(erf) = vpow2.f32 v25;
	[tilespmem:$0x1FDB0] =	vst v3;
	v3 =	vld [tilespmem:s29+$0x5049]  }
0x22b: {  	v53 =	vmul.f32 $1.134373620e-02, v30;
	v14 =	vadd.f32 v17, v14;
	_ =	sdelay $0x1  }
0x22c: {  	v28 =	vmul.f32 $8.381950860e-02, v47;
	v14 =	vadd.f32 v53, v14  }
0x22d: {  	v37 =	vld [tilespmem:s29+$0x6370]  }
0x22e: {  	v36 =	vmul.f32 $1.134373620e-02, v36;
	v16 =	vadd.f32 v17, v63;
	v14 =	vadd.f32 v28, v14;
	[tilespmem:$0x1FDD0] =	vst v3;
	v3 =	vld [tilespmem:s29+$0x5059];
	_ =	sdelay $0x1  }
0x22f: {  	v16 =	vadd.f32 v36, v16;
	v14 =	vadd.f32 v36, v14;
	_ =	sdelay $0x1  }
0x230: {  	v54 =	vpop (erf);
	v16 =	vsub.f32 v14, v16  }
0x231: {  	v17 =	vmul.f32 v54, v37;
	[tilespmem:$0x1FDE0] =	vst v3;
	v3 =	vld [tilespmem:s29+$0x5069]  }
0x232: {  	v14 =	vsel vm1, v14, v16  }
0x233: {  	v14 =	vadd.f32 v17, v14;
	_ =	sdelay $0x1  }
0x234: {  	v11 =	vmul.f32 $1.442695020e+00, v11;
	v29 =	vmul.f32 $1.442695020e+00, v29;
	v17 =	vsub.f32 $0.0e+00, v14  }
0x235: {  	v8 =	vmul.f32 v8, v31;
	v13 =	vmul.f32 $1.442695020e+00, v13;
	[tilespmem:$0x1FE00] =	vst v3;
	v3 =	vld [tilespmem:s29+$0x5079]  }
0x236: {  	(erf) = vpow2.f32 v11;
	v56 =	vmul.f32 $1.442695020e+00, v17  }
0x237: {  	v24 =	vadd.f32 v18, v24;
	v7 =	vmul.f32 v7, v12;
	(erf) = vpow2.f32 v29  }
0x238: {  	v18 =	vadd.f32 v32, v23;
	v23 =	vmul.f32 $1.442695020e+00, v15;
	(erf) = vpow2.f32 v56  }
0x239: {  	v33 =	vsub.f32 $0.0e+00, v33;
	v32 =	vmul.f32 $1.442695020e+00, v26;
	(erf) = vpow2.f32 v13  }
0x23a: {  	v60 =	vsub.f32 $0.0e+00, v35;
	v35 =	vmul.f32 $1.442695020e+00, v27;
	(erf) = vpow2.f32 v23;
	[tilespmem:$0x1FE10] =	vst v3;
	v3 =	vld [tilespmem:s29+$0x5089]  }
0x23b: {  	v31 =	vsub.f32 $0.0e+00, v24;
	v37 =	vmul.f32 $1.442695020e+00, v33;
	(erf) = vpow2.f32 v32  }
0x23c: {  	v40 =	vmul.f32 $1.442695020e+00, v60;
	v11 =	vsub.f32 $0.0e+00, v18;
	(erf) = vpow2.f32 v35  }
0x23d: {  	v41 =	vmul.f32 $1.442695020e+00, v31;
	(erf) = vpow2.f32 v37  }
0x23e: {  	v8 =	vadd.f32 v8, v22;
	v11 =	vmul.f32 $1.442695020e+00, v11;
	(erf) = vpow2.f32 v40  }
0x23f: {  	v7 =	vadd.f32 v7, v20;
	v17 =	vpop (erf);
	(erf) = vpow2.f32 v41;
	[tilespmem:$0x1FE30] =	vst v3;
	v3 =	vld [tilespmem:s29+$0x5099]  }
0x240: {  	v8 =	vsub.f32 $0.0e+00, v8;
	v13 =	vpop (erf);
	(erf) = vpow2.f32 v11  }
0x241: {  	v45 =	vsub.f32 $0.0e+00, v7;
	v51 =	vpop (erf)  }
0x242: {  	v46 =	vld [tilespmem:s29+$0x5007];
	v49 =	vmul.f32 $1.442695020e+00, v8;
	v60 =	vadd.f32 $1.000000000e+00, v51;
	v11 =	vpop (erf)  }
0x243: {  	v38 =	vld [tilespmem:s29+$0x5008];
	v12 =	vmul.f32 $1.442695020e+00, v45;
	v20 =	vpop (erf)  }
0x244: {  	(erf) = vpow2.f32 v49;
	v23 =	vpop (erf);
	[tilespmem:$0x1FE40] =	vst v3;
	v3 =	vld [tilespmem:s29+$0x50A9]  }
0x245: {  	v52 =	vld [tilespmem:s29+$0x5017];
	(erf) = vpow2.f32 v12;
	v37 =	vpop (erf)  }
0x246: {  	v57 =	vld [tilespmem:s29+$0x5027];
	(erf) = vrcp.f32 v60;
	v60 =	vpop (erf)  }
0x247: {  	v58 =	vld [tilespmem:s29+$0x5037];
	v24 =	vpop (erf)  }
0x248: {  	v43 =	vld [tilespmem:s29+$0x5047];
	v41 =	vpop (erf)  }
0x249: {  	v50 =	vld [tilespmem:s29+$0x5057];
	[tilespmem:$0x1FE50] =	vst v3;
	v3 =	vpop (erf)  }
0x24a: {  	v4 =	vmul.f32 v4, v34;
	[tilespmem:$0x1FDC0] =	vst v3;
	v3 =	vld [tilespmem:s29+$0x50B9]  }
0x24b: {  	v55 =	vld [tilespmem:s29+$0x5067];
	v5 =	vmul.f32 v5, v42  }
0x24c: {  	v27 =	vld [tilespmem:s29+$0x4020];
	v4 =	vadd.f32 v4, v21  }
0x24d: {  	v6 =	vmul.f32 v6, v44;
	v5 =	vadd.f32 v5, v9;
	v25 =	vld [tilespmem:s29+$0x4010]  }
0x24e: {  	v4 =	vsub.f32 $0.0e+00, v4;
	v18 =	vld [tilespmem:s29+$0x4000]  }
0x24f: {  	v6 =	vadd.f32 v6, v10;
	v5 =	vsub.f32 $0.0e+00, v5;
	v29 =	vld [tilespmem:s29+$0x4030];
	[tilespmem:$0x1FE60] =	vst v3;
	v3 =	vpop (erf)  }
0x250: {  	v4 =	vmul.f32 $1.442695020e+00, v4;
	[tilespmem:$0x1FDF0] =	vst v3;
	v3 =	vld [tilespmem:s29+$0x50C9]  }
0x251: {  	v6 =	vsub.f32 $0.0e+00, v6;
	v5 =	vmul.f32 $1.442695020e+00, v5;
	v35 =	vld [tilespmem:s29+$0x4060]  }
0x252: {  	v34 =	vmul.f32 $5.000000000e-01, v27;
	v40 =	vld [tilespmem:s29+$0x4070];
	(erf) = vpow2.f32 v4  }
0x253: {  	v4 =	vmul.f32 $1.442695020e+00, v6;
	(erf) = vpow2.f32 v5;
	v5 =	vld [tilespmem:s29+$0x4040]  }
0x254: {  	v61 =	vld [tilespmem:s29+$0x50C7];
	v21 =	vmul.f32 $5.000000000e-01, v29;
	v33 =	vmul.f32 $5.000000000e-01, v25  }
0x255: {  	v6 =	vmul.f32 $5.000000000e-01, v18;
	[tilespmem:$0x1FE70] =	vst v3;
	v3 =	vpop (erf);
	(erf) = vpow2.f32 v4;
	v4 =	vld [tilespmem:s29+$0x4050]  }
0x256: {  	v62 =	vld [tilespmem:s29+$0x50D7];
	v44 =	vmul.f32 $1.442695020e+00, v21;
	v9 =	vmul.f32 $1.442695020e+00, v33  }
0x257: {  	v59 =	vld [tilespmem:s29+$0x50E7];
	v12 =	vmul.f32 $5.000000000e-01, v35;
	v6 =	vmul.f32 $1.442695020e+00, v6  }
0x258: {  	v48 =	vld [tilespmem:s29+$0x5098];
	v22 =	vmul.f32 $5.000000000e-01, v40;
	v5 =	vmul.f32 $5.000000000e-01, v5  }
0x259: {  	v26 =	vld [tilespmem:s29+$0x50B8];
	v8 =	vpop (erf);
	(erf) = vpow2.f32 v6;
	v6 =	vmul.f32 $1.442695020e+00, v34  }
0x25a: {  	v42 =	vld [tilespmem:s29+$0x4080];
	(erf) = vpow2.f32 v9;
	v4 =	vmul.f32 $5.000000000e-01, v4  }
0x25b: {  	v31 =	vld [tilespmem:s29+$0x50E8];
	v5 =	vmul.f32 $1.442695020e+00, v5;
	(erf) = vpow2.f32 v6  }
0x25c: {  	v30 =	vld [tilespmem:s29+$0x5077];
	(erf) = vpow2.f32 v44;
	v4 =	vmul.f32 $1.442695020e+00, v4  }
0x25d: {  	v39 =	vld [tilespmem:s29+$0x5028];
	(erf) = vpow2.f32 v5;
	v5 =	vmul.f32 $1.442695020e+00, v12  }
0x25e: {  	v47 =	vld [tilespmem:s29+$0x5088];
	(erf) = vpow2.f32 v4;
	v4 =	vmul.f32 $1.442695020e+00, v22  }
0x25f: {  	v63 =	vld [tilespmem:s29+$0x50B7];
	(erf) = vpow2.f32 v5  }
0x260: {  	(erf) = vpow2.f32 v4;
	v4 =	vld [tilespmem:s29+$0x5127]  }
0x261: {  	v7 =	vld [tilespmem:s29+$0x5117]  }
0x262: {  	v29 =	vld [tilespmem:s29+$0x40D0]  }
0x263: {  	[tilespmem:$0x1FE20] =	vst v3;
	v3 =	vld [tilespmem:s29+$0x50D9]  }
0x264: {  	v18 =	vld [tilespmem:s29+$0x40C0]  }
0x265: {  	[tilespmem:$0x1FEB0] =	vst v4;
	v4 =	vld [tilespmem:s29+$0x5137]  }
0x266: {  	v45 =	vld [tilespmem:s29+$0x4090]  }
0x267: {  	v6 =	vld [tilespmem:s29+$0x40A0]  }
0x268: {  	[tilespmem:$0x1FE80] =	vst v3;
	v3 =	vld [tilespmem:s29+$0x50E9]  }
0x269: {  	[tilespmem:$0x1FEA0] =	vst v7;
	v9 =	vld [tilespmem:s29+$0x40B0]  }
0x26a: {  	v7 =	vmul.f32 $1.134373620e-02, v46;
	v27 =	vmul.f32 $5.000000000e-01, v18;
	[tilespmem:$0x1FEC0] =	vst v4;
	v4 =	vld [tilespmem:s29+$0x5147]  }
0x26b: {  	v19 =	vld [tilespmem:s29+$0x5068];
	v29 =	vmul.f32 $5.000000000e-01, v29;
	v5 =	vmul.f32 $5.000000000e-01, v42  }
0x26c: {  	v54 =	vld [tilespmem:s29+$0x5009];
	v27 =	vmul.f32 $1.442695020e+00, v27;
	v34 =	vmul.f32 $5.000000000e-01, v45  }
0x26d: {  	v6 =	vmul.f32 $5.000000000e-01, v6;
	[tilespmem:$0x1FE90] =	vst v3;
	v3 =	vld [tilespmem:s29+$0x40E0];
	v5 =	vmul.f32 $1.442695020e+00, v5  }
0x26e: {  	v53 =	vld [tilespmem:s29+$0x5018];
	v35 =	vmul.f32 $1.442695020e+00, v34;
	v9 =	vmul.f32 $5.000000000e-01, v9  }
0x26f: {  	(erf) = vpow2.f32 v5;
	v5 =	vmul.f32 $1.442695020e+00, v6;
	[tilespmem:$0x1FED0] =	vst v4;
	v4 =	vld [tilespmem:s29+$0x5157]  }
0x270: {  	v46 =	vld [tilespmem:s29+$0x5167];
	v40 =	vadd.f32 $0.0e+00, v7;
	v25 =	vpop (erf);
	v6 =	vmul.f32 $8.381950860e-02, v38;
	(erf) = vpow2.f32 v35  }
0x271: {  	v28 =	vld [tilespmem:s29+$0x5078];
	v33 =	vpop (erf);
	v9 =	vmul.f32 $1.442695020e+00, v9;
	(erf) = vpow2.f32 v5  }
0x272: {  	v36 =	vld [tilespmem:s29+$0x5038];
	v5 =	vmul.f32 $1.134373620e-02, v52;
	v6 =	vadd.f32 v6, v40;
	v3 =	vmul.f32 $5.000000000e-01, v3  }
0x273: {  	v16 =	vld [tilespmem:s29+$0x5058];
	v38 =	vpop (erf);
	(erf) = vpow2.f32 v9;
	v9 =	vmul.f32 $1.134373620e-02, v55  }
0x274: {  	v14 =	vld [tilespmem:s29+$0x5048];
	v42 =	vmul.f32 $1.134373620e-02, v54;
	v3 =	vmul.f32 $1.442695020e+00, v3;
	[tilespmem:$0x1FEE0] =	vst v4;
	v4 =	vpop (erf)  }
0x275: {  	v56 =	vld [tilespmem:s29+$0x50A8];
	v44 =	vadd.f32 $0.0e+00, v5;
	v5 =	vadd.f32 $0.0e+00, v9;
	[tilespmem:$0x1FEF0] =	vst v4;
	v4 =	vmul.f32 $1.442695020e+00, v29  }
0x276: {  	v32 =	vld [tilespmem:s29+$0x5107];
	v15 =	vadd.f32 v42, v6;
	(erf) = vpow2.f32 v27;
	v6 =	vpop (erf)  }
0x277: {  	v19 =	vmul.f32 $8.381950860e-02, v19;
	v49 =	vld [tilespmem:s29+$0x51A7];
	[tilespmem:$0x1FF00] =	vst v6;
	v6 =	vpop (erf);
	(erf) = vpow2.f32 v4  }
0x278: {  	v51 =	vld [tilespmem:s29+$0x5108];
	(erf) = vpow2.f32 v3;
	v3 =	vpop (erf)  }
0x279: {  	v45 =	vmul.f32 $8.381950860e-02, v53;
	v53 =	vld [tilespmem:s29+$0x5197];
	v9 =	vadd.f32 v19, v5;
	v5 =	vpop (erf)  }
0x27a: {  	v57 =	vmul.f32 $1.134373620e-02, v57;
	[tilespmem:$0x1FF30] =	vst v5;
	v5 =	vld [tilespmem:$0x1FD40]  }
0x27b: {  	[tilespmem:s29+$0x7B70] =	vst v8;
	v8 =	vmul.f32 $1.134373620e-02, v50;
	v50 =	vld [tilespmem:s29+$0x51E7]  }
0x27c: {  	v16 =	vmul.f32 $8.381950860e-02, v16;
	v34 =	vadd.f32 $0.0e+00, v57;
	v54 =	vld [tilespmem:s29+$0x5187];
	v4 =	vmul.f32 $1.134373620e-02, v30  }
0x27d: {  	v57 =	vadd.f32 $0.0e+00, v8;
	v35 =	vmul.f32 $8.381950860e-02, v39;
	v39 =	vmul.f32 $1.134373620e-02, v43;
	v43 =	vld [tilespmem:s29+$0x5109]  }
0x27e: {  	v52 =	vld [tilespmem:s29+$0x5177];
	[tilespmem:$0x1FF20] =	vst v3;
	v3 =	vadd.f32 $0.0e+00, v4;
	v4 =	vmul.f32 $8.381950860e-02, v28  }
0x27f: {  	v30 =	vadd.f32 v16, v57;
	v57 =	vmul.f32 $1.134373620e-02, v5;
	v5 =	vld [tilespmem:$0x1FD50]  }
0x280: {  	v12 =	vmul.f32 $1.134373620e-02, v58;
	[tilespmem:$0x1FF10] =	vst v6;
	v6 =	vadd.f32 v4, v3;
	v3 =	vld [tilespmem:$0x1FD60]  }
0x281: {  	v40 =	vld [tilespmem:s29+$0x5128]  }
0x282: {  	v36 =	vmul.f32 $8.381950860e-02, v36;
	v22 =	vadd.f32 $0.0e+00, v12;
	v55 =	vld [tilespmem:s29+$0x5118]  }
0x283: {  	v10 =	vadd.f32 v35, v34;
	v21 =	vadd.f32 $0.0e+00, v39;
	v39 =	vld [tilespmem:s29+$0x5138]  }
0x284: {  	v35 =	vld [tilespmem:s29+$0x5158];
	v27 =	vadd.f32 v36, v22;
	v22 =	vadd.f32 $1.000000000e+00, v17;
	v58 =	vmul.f32 $1.134373620e-02, v5;
	v5 =	vpop (erf)  }
0x285: {  	v14 =	vmul.f32 $8.381950860e-02, v14;
	v13 =	vadd.f32 $1.000000000e+00, v13;
	v34 =	vld [tilespmem:s29+$0x5168];
	v4 =	vmul.f32 $1.134373620e-02, v3;
	v3 =	vpop (erf)  }
0x286: {  	v11 =	vadd.f32 $1.000000000e+00, v11;
	v42 =	vld [tilespmem:s29+$0x51C7];
	(erf) = vrcp.f32 v22;
	[tilespmem:$0x1FF50] =	vst v3;
	v3 =	vpop (erf)  }
0x287: {  	v8 =	vadd.f32 v14, v21;
	v21 =	vld [tilespmem:s29+$0x5198];
	(erf) = vrcp.f32 v13;
	[tilespmem:$0x1FF60] =	vst v3;
	v3 =	vpop (erf)  }
0x288: {  	[tilespmem:$0x1FF70] =	vst v3;
	v3 =	vpop (erf);
	(erf) = vrcp.f32 v11;
	v11 =	vmul.f32 $1.134373620e-02, v62;
	v62 =	vld [tilespmem:$0x1FD70]  }
0x289: {  	v18 =	vadd.f32 v45, v44;
	v45 =	vld [tilespmem:s29+$0x51B7];
	[tilespmem:$0x1FF80] =	vst v3;
	v3 =	vpop (erf)  }
0x28a: {  	v44 =	vld [tilespmem:s29+$0x51D7];
	v28 =	vmul.f32 $8.381950860e-02, v47;
	v47 =	vmul.f32 $8.381950860e-02, v48;
	v13 =	vadd.f32 $0.0e+00, v58;
	[tilespmem:$0x1FF90] =	vst v3;
	v3 =	vpop (erf)  }
0x28b: {  	v19 =	vld [tilespmem:s29+$0x51A8];
	v58 =	vmul.f32 $1.134373620e-02, v63;
	[tilespmem:$0x1FFA0] =	vst v3;
	v3 =	vmul.f32 $1.134373620e-02, v61  }
0x28c: {  	v36 =	vld [tilespmem:s29+$0x5148];
	[tilespmem:$0x1FF40] =	vst v5;
	v5 =	vadd.f32 v47, v13  }
0x28d: {  	v17 =	vld [tilespmem:s29+$0x51B8];
	v47 =	vadd.f32 $0.0e+00, v58;
	v3 =	vadd.f32 $0.0e+00, v3;
	v58 =	vmul.f32 $8.381950860e-02, v62  }
0x28e: {  	v29 =	vld [tilespmem:s29+$0x5178]  }
0x28f: {  	v16 =	vld [tilespmem:s29+$0x51C8];
	v58 =	vadd.f32 v58, v3;
	v3 =	vmul.f32 $8.381950860e-02, v32  }
0x290: {  	v22 =	vld [tilespmem:s29+$0x5188];
	v4 =	vadd.f32 $0.0e+00, v4  }
0x291: {  	v14 =	vmul.f32 $8.381950860e-02, v56;
	v15 =	vadd.f32 v3, v15;
	v32 =	vadd.f32 v3, v7;
	v3 =	vld [tilespmem:$0x1FDA0]  }
0x292: {  	v12 =	vadd.f32 $0.0e+00, v57;
	v57 =	vld [tilespmem:s29+$0x51E8]  }
0x293: {  	v4 =	vadd.f32 v14, v4;
	v14 =	vld [tilespmem:s29+$0x51D8]  }
0x294: {  	v20 =	vadd.f32 $1.000000000e+00, v20;
	v63 =	vadd.f32 $1.000000000e+00, v23;
	v23 =	vld [tilespmem:s29+$0x5129]  }
0x295: {  	v26 =	vmul.f32 $8.381950860e-02, v26;
	v37 =	vadd.f32 $1.000000000e+00, v37;
	v13 =	vld [tilespmem:s29+$0x5207];
	v56 =	vpop (erf)  }
0x296: {  	v28 =	vadd.f32 v28, v12;
	(erf) = vrcp.f32 v20;
	v48 =	vpop (erf);
	v7 =	vld [tilespmem:$0x1FDB0];
	v3 =	vmul.f32 $1.134373620e-02, v3  }
0x297: {  	v12 =	vmul.f32 $1.134373620e-02, v59;
	v26 =	vadd.f32 v26, v47;
	(erf) = vrcp.f32 v63;
	v63 =	vld [tilespmem:$0x1FD80];
	v47 =	vpop (erf)  }
0x298: {  	v31 =	vmul.f32 $8.381950860e-02, v31;
	v61 =	vpop (erf);
	v10 =	vadd.f32 v3, v10;
	v3 =	vld [tilespmem:$0x1FDD0]  }
0x299: {  	v59 =	vadd.f32 $0.0e+00, v12;
	v20 =	vld [tilespmem:s29+$0x5119];
	(erf) = vrcp.f32 v37;
	v37 =	vadd.f32 $0.0e+00, v11;
	[tilespmem:s28+$0x7A80] =	vst v61;
	v11 =	vpop (erf)  }
0x29a: {  	v60 =	vadd.f32 $1.000000000e+00, v60;
	v12 =	vld [tilespmem:s29+$0x5139];
	[tilespmem:s28+$0x7A90] =	vst v11  }
0x29b: {  	v59 =	vadd.f32 v31, v59;
	v31 =	vld [tilespmem:s29+$0x5149];
	v7 =	vmul.f32 $1.134373620e-02, v7  }
0x29c: {  	(erf) = vrcp.f32 v60;
	v61 =	vmul.f32 $8.381950860e-02, v63;
	v62 =	vpop (erf);
	v63 =	vld [tilespmem:$0x1FD90]  }
0x29d: {  	v60 =	vadd.f32 $1.000000000e+00, v41;
	[tilespmem:s28+$0x7AA0] =	vst v62;
	v27 =	vadd.f32 v7, v27;
	v7 =	vld [tilespmem:$0x1FDE0];
	v3 =	vmul.f32 $1.134373620e-02, v3  }
0x29e: {  	v24 =	vadd.f32 $1.000000000e+00, v24;
	v41 =	vld [tilespmem:s29+$0x5159]  }
0x29f: {  	v11 =	vpop (erf);
	v8 =	vadd.f32 v3, v8;
	v3 =	vld [tilespmem:$0x1FE00]  }
0x2a0: {  	(erf) = vrcp.f32 v24;
	v37 =	vadd.f32 v61, v37;
	[tilespmem:s28+$0x7AB0] =	vst v11;
	v61 =	vld [tilespmem:$0x1FDC0]  }
0x2a1: {  	(erf) = vrcp.f32 v60;
	v11 =	vld [tilespmem:s29+$0x5169];
	v60 =	vpop (erf)  }
0x2a2: {  	[tilespmem:s28+$0x7AC0] =	vst v60;
	v60 =	vmul.f32 $1.134373620e-02, v7;
	v7 =	vld [tilespmem:$0x1FDF0];
	_ =	sdelay $0x1  }
0x2a3: {  	v24 =	vmul.f32 $1.134373620e-02, v63;
	v3 =	vmul.f32 $1.134373620e-02, v3;
	_ =	sdelay $0x1  }
0x2a4: {  	v18 =	vadd.f32 v24, v18;
	v9 =	vadd.f32 v3, v9;
	v3 =	vld [tilespmem:$0x1FE30]  }
0x2a5: {  	v24 =	vadd.f32 $1.000000000e+00, v61;
	v61 =	vadd.f32 $1.000000000e+00, v7;
	v7 =	vld [tilespmem:$0x1FE10];
	_ =	sdelay $0x3  }
0x2a6: {  	v3 =	vmul.f32 $1.134373620e-02, v3  }
0x2a7: {  	v62 =	vmul.f32 $1.134373620e-02, v7;
	v7 =	vld [tilespmem:$0x1FE20]  }
0x2a8: {  	v28 =	vadd.f32 v3, v28;
	v3 =	vld [tilespmem:$0x1FE50];
	_ =	sdelay $0x1  }
0x2a9: {  	v63 =	vpop (erf);
	(erf) = vrcp.f32 v24;
	v24 =	vld [tilespmem:s29+$0x5179]  }
0x2aa: {  	[tilespmem:s28+$0x7AD0] =	vst v63;
	(erf) = vrcp.f32 v61;
	v61 =	vadd.f32 v62, v6;
	v6 =	vld [tilespmem:$0x1FE40]  }
0x2ab: {  	v30 =	vadd.f32 v60, v30;
	v62 =	vpop (erf);
	v60 =	vadd.f32 $1.000000000e+00, v7;
	v7 =	vld [tilespmem:s29+$0x5189]  }
0x2ac: {  	[tilespmem:s28+$0x7AE0] =	vst v62;
	v62 =	vmul.f32 $1.134373620e-02, v3;
	v3 =	vld [tilespmem:$0x1FE60];
	_ =	sdelay $0x3  }
0x2ad: {  	(erf) = vrcp.f32 v60  }
0x2ae: {  	v25 =	vadd.f32 $1.000000000e+00, v25;
	v60 =	vmul.f32 $1.134373620e-02, v6;
	v6 =	vld [tilespmem:s29+$0x5199];
	v63 =	vmul.f32 $1.134373620e-02, v3;
	v3 =	vpop (erf)  }
0x2af: {  	v4 =	vadd.f32 v62, v4;
	v62 =	vld [tilespmem:$0x1FE70];
	[tilespmem:s28+$0x7AF0] =	vst v3;
	v3 =	vadd.f32 $1.000000000e+00, v33  }
0x2b0: {  	(erf) = vrcp.f32 v25;
	v25 =	vadd.f32 v63, v26;
	v63 =	vld [tilespmem:$0x1FE90]  }
0x2b1: {  	v33 =	vpop (erf);
	(erf) = vrcp.f32 v3;
	v3 =	vld [tilespmem:$0x1FE80];
	_ =	sdelay $0x2  }
0x2b2: {  	v26 =	vmul.f32 $1.134373620e-02, v62  }
0x2b3: {  	v5 =	vadd.f32 v60, v5;
	v60 =	vld [tilespmem:s29+$0x51A9];
	[tilespmem:s28+$0x7B00] =	vst v33;
	v33 =	vadd.f32 $1.000000000e+00, v38  }
0x2b4: {  	v62 =	vld [tilespmem:s29+$0x51B9];
	v26 =	vadd.f32 v26, v58;
	v58 =	vpop (erf);
	v38 =	vmul.f32 $1.134373620e-02, v63;
	v3 =	vmul.f32 $1.134373620e-02, v3  }
0x2b5: {  	[tilespmem:s28+$0x7B10] =	vst v58;
	v58 =	vld [tilespmem:$0x1FEA0]  }
0x2b6: {  	v3 =	vadd.f32 v3, v37;
	v37 =	vadd.f32 v38, v59;
	v59 =	vld [tilespmem:$0x1FEB0]  }
0x2b7: {  	v51 =	vmul.f32 $6.193470350e-01, v51;
	_ =	sdelay $0x1  }
0x2b8: {  	v15 =	vadd.f32 v51, v15;
	v51 =	vld [tilespmem:$0x1FEC0]  }
0x2b9: {  	(erf) = vrcp.f32 v33;
	v33 =	vmul.f32 $8.381950860e-02, v58;
	v58 =	vld [tilespmem:s29+$0x51C9]  }
0x2ba: {  	v63 =	vpop (erf);
	v38 =	vmul.f32 $8.381950860e-02, v59;
	v59 =	vld [tilespmem:$0x1FED0]  }
0x2bb: {  	[tilespmem:s28+$0x7B20] =	vst v63;
	v63 =	vld [tilespmem:$0x1FEE0];
	_ =	sdelay $0x1  }
0x2bc: {  	v18 =	vadd.f32 v33, v18;
	v33 =	vmul.f32 $8.381950860e-02, v51;
	_ =	sdelay $0x1  }
0x2bd: {  	v27 =	vadd.f32 v33, v27;
	v33 =	vmul.f32 $8.381950860e-02, v52;
	v51 =	vmul.f32 $8.381950860e-02, v59;
	v59 =	vpop (erf)  }
0x2be: {  	v10 =	vadd.f32 v38, v10;
	v38 =	vmul.f32 $8.381950860e-02, v63;
	v63 =	vld [tilespmem:s29+$0x51D9];
	[tilespmem:s28+$0x7B30] =	vst v59;
	v59 =	vmul.f32 $8.381950860e-02, v54;
	v54 =	vpop (erf)  }
0x2bf: {  	v46 =	vmul.f32 $8.381950860e-02, v46;
	v33 =	vadd.f32 v33, v61;
	v8 =	vadd.f32 v51, v8;
	v51 =	vld [tilespmem:s29+$0x51E9];
	[tilespmem:s28+$0x7B40] =	vst v54;
	v61 =	vpop (erf)  }
0x2c0: {  	v49 =	vmul.f32 $8.381950860e-02, v49;
	v39 =	vmul.f32 $6.193470350e-01, v39;
	v52 =	vld [tilespmem:s29+$0x5208];
	[tilespmem:s28+$0x7B50] =	vst v61;
	v61 =	vpop (erf)  }
0x2c1: {  	v42 =	vmul.f32 $8.381950860e-02, v42;
	v28 =	vadd.f32 v59, v28;
	v59 =	vmul.f32 $8.381950860e-02, v45;
	v45 =	vld [tilespmem:s29+$0x5217];
	[tilespmem:s28+$0x7B60] =	vst v61  }
0x2c2: {  	v9 =	vadd.f32 v46, v9;
	v46 =	vmul.f32 $8.381950860e-02, v53;
	v53 =	vmul.f32 $6.193470350e-01, v40;
	v40 =	vld [tilespmem:s29+$0x5227]  }
0x2c3: {  	v35 =	vmul.f32 $6.193470350e-01, v35;
	v36 =	vmul.f32 $6.193470350e-01, v36;
	v26 =	vadd.f32 v42, v26;
	v42 =	vld [tilespmem:s29+$0x5237]  }
0x2c4: {  	v34 =	vmul.f32 $6.193470350e-01, v34;
	v21 =	vmul.f32 $6.193470350e-01, v21;
	v30 =	vadd.f32 v38, v30;
	v38 =	vld [tilespmem:s29+$0x5247]  }
0x2c5: {  	v19 =	vmul.f32 $6.193470350e-01, v19;
	v29 =	vmul.f32 $6.193470350e-01, v29;
	v8 =	vadd.f32 v36, v8;
	v36 =	vld [tilespmem:s29+$0x5257]  }
0x2c6: {  	v16 =	vmul.f32 $6.193470350e-01, v16;
	v5 =	vadd.f32 v46, v5;
	v30 =	vadd.f32 v35, v30;
	v35 =	vld [tilespmem:s29+$0x5267]  }
0x2c7: {  	v22 =	vmul.f32 $6.193470350e-01, v22;
	v4 =	vadd.f32 v49, v4;
	v29 =	vadd.f32 v29, v33;
	v33 =	vld [tilespmem:s29+$0x5277]  }
0x2c8: {  	v13 =	vmul.f32 $1.134373620e-02, v13;
	v12 =	vmul.f32 $8.381950860e-02, v12;
	v5 =	vadd.f32 v21, v5;
	v21 =	vld [tilespmem:s29+$0x5287]  }
0x2c9: {  	v9 =	vadd.f32 v34, v9;
	v49 =	vmul.f32 $8.381950860e-02, v43;
	v4 =	vadd.f32 v19, v4;
	v19 =	vld [tilespmem:s29+$0x5297]  }
0x2ca: {  	v25 =	vadd.f32 v59, v25;
	v59 =	vmul.f32 $8.381950860e-02, v50;
	v22 =	vadd.f32 v22, v28;
	v28 =	vld [tilespmem:s29+$0x52A7]  }
0x2cb: {  	v15 =	vadd.f32 v49, v15;
	v50 =	vmul.f32 $6.193470350e-01, v55;
	v55 =	vmul.f32 $8.381950860e-02, v20;
	v20 =	vld [tilespmem:s29+$0x52B7]  }
0x2cc: {  	v11 =	vmul.f32 $8.381950860e-02, v11;
	v16 =	vadd.f32 v16, v26;
	v27 =	vadd.f32 v39, v27;
	v26 =	vld [tilespmem:s29+$0x52C7]  }
0x2cd: {  	v24 =	vmul.f32 $8.381950860e-02, v24;
	v15 =	vadd.f32 v13, v15;
	v13 =	vadd.f32 v13, v32;
	v32 =	vld [tilespmem:s29+$0x52E7]  }
0x2ce: {  	v44 =	vmul.f32 $8.381950860e-02, v44;
	v12 =	vadd.f32 v12, v27;
	v27 =	vld [tilespmem:s29+$0x5209]  }
0x2cf: {  	v9 =	vadd.f32 v11, v9;
	v11 =	vadd.f32 v24, v29;
	v24 =	vld [tilespmem:s29+$0x5228]  }
0x2d0: {  	v14 =	vmul.f32 $6.193470350e-01, v14;
	v3 =	vadd.f32 v44, v3;
	v46 =	vld [tilespmem:s29+$0x5238]  }
0x2d1: {  	v43 =	vmul.f32 $8.381950860e-02, v60;
	v29 =	vld [tilespmem:s29+$0x5258]  }
0x2d2: {  	v3 =	vadd.f32 v14, v3;
	v49 =	vmul.f32 $8.381950860e-02, v63;
	v34 =	vld [tilespmem:s29+$0x5268]  }
0x2d3: {  	v4 =	vadd.f32 v43, v4;
	v43 =	vld [tilespmem:s29+$0x5229]  }
0x2d4: {  	v3 =	vadd.f32 v49, v3;
	v49 =	vld [tilespmem:s29+$0x5249]  }
0x2d5: {  	v54 =	vmul.f32 $6.193470350e-01, v57;
	v57 =	vmul.f32 $8.381950860e-02, v31;
	v31 =	vld [tilespmem:s29+$0x62F0]  }
0x2d6: {  	v18 =	vadd.f32 v50, v18;
	v50 =	vld [tilespmem:s29+$0x5248]  }
0x2d7: {  	v37 =	vadd.f32 v59, v37;
	v59 =	vmul.f32 $8.381950860e-02, v41;
	v41 =	vld [tilespmem:s29+$0x5288]  }
0x2d8: {  	v6 =	vmul.f32 $8.381950860e-02, v6;
	v14 =	vadd.f32 v55, v18;
	v18 =	vld [tilespmem:s29+$0x52D7]  }
0x2d9: {  	v17 =	vmul.f32 $6.193470350e-01, v17;
	v61 =	vadd.f32 v59, v30;
	v30 =	vld [tilespmem:s29+$0x5218]  }
0x2da: {  	v23 =	vmul.f32 $8.381950860e-02, v23;
	v7 =	vmul.f32 $8.381950860e-02, v7;
	v5 =	vadd.f32 v6, v5;
	v55 =	vld [tilespmem:s29+$0x5278]  }
0x2db: {  	v6 =	vmul.f32 $8.381950860e-02, v58;
	v10 =	vadd.f32 v53, v10;
	v53 =	vmul.f32 $1.134373620e-02, v45;
	v45 =	vld [tilespmem:s29+$0x5239]  }
0x2dc: {  	v44 =	vmul.f32 $8.381950860e-02, v62;
	v58 =	vmul.f32 $1.134373620e-02, v36;
	v36 =	vld [tilespmem:s29+$0x5298]  }
0x2dd: {  	v6 =	vadd.f32 v6, v16;
	v10 =	vadd.f32 v23, v10;
	v59 =	vmul.f32 $1.134373620e-02, v35;
	v35 =	vld [tilespmem:s29+$0x52A8]  }
0x2de: {  	v8 =	vadd.f32 v57, v8;
	v17 =	vadd.f32 v17, v25;
	v60 =	vmul.f32 $1.134373620e-02, v33;
	v33 =	vld [tilespmem:s29+$0x52B8]  }
0x2df: {  	v51 =	vmul.f32 $8.381950860e-02, v51;
	v25 =	vadd.f32 v54, v37;
	v62 =	vmul.f32 $1.134373620e-02, v28;
	v28 =	vld [tilespmem:s29+$0x52C8]  }
0x2e0: {  	v7 =	vadd.f32 v7, v22;
	v52 =	vmul.f32 $8.381950860e-02, v52;
	v39 =	vmul.f32 $1.134373620e-02, v32;
	v32 =	vld [tilespmem:$0x1FF10]  }
0x2e1: {  	v17 =	vadd.f32 v44, v17;
	v22 =	vadd.f32 v51, v25;
	v25 =	vld [tilespmem:s29+$0x5219]  }
0x2e2: {  	v54 =	vmul.f32 $1.134373620e-02, v40;
	v15 =	vadd.f32 v52, v15;
	v21 =	vmul.f32 $1.134373620e-02, v21;
	v51 =	vld [tilespmem:s29+$0x5259]  }
0x2e3: {  	v57 =	vmul.f32 $1.134373620e-02, v42;
	v14 =	vadd.f32 v53, v14;
	v53 =	vmul.f32 $8.381950860e-02, v34;
	v34 =	vld [tilespmem:$0x1FF20]  }
0x2e4: {  	v38 =	vmul.f32 $1.134373620e-02, v38;
	v20 =	vmul.f32 $1.134373620e-02, v20;
	v7 =	vadd.f32 v21, v7;
	v21 =	vld [tilespmem:s29+$0x52D8]  }
0x2e5: {  	v63 =	vmul.f32 $1.134373620e-02, v26;
	v23 =	vadd.f32 v58, v61;
	v61 =	vmul.f32 $1.134373620e-02, v19;
	v19 =	vld [tilespmem:s29+$0x52E8]  }
0x2e6: {  	v44 =	vmul.f32 $8.381950860e-02, v24;
	v46 =	vmul.f32 $8.381950860e-02, v46;
	v10 =	vadd.f32 v54, v10;
	v54 =	vld [tilespmem:s29+$0x5269]  }
0x2e7: {  	v52 =	vmul.f32 $8.381950860e-02, v29;
	v12 =	vadd.f32 v57, v12;
	v8 =	vadd.f32 v38, v8;
	v57 =	vld [tilespmem:s29+$0x5279]  }
0x2e8: {  	v40 =	vmul.f32 $1.134373620e-02, v43;
	v9 =	vadd.f32 v59, v9;
	v11 =	vadd.f32 v60, v11;
	v59 =	vld [tilespmem:s29+$0x5289]  }
0x2e9: {  	v43 =	vmul.f32 $1.134373620e-02, v49;
	v4 =	vadd.f32 v62, v4;
	v17 =	vadd.f32 v20, v17;
	v62 =	vld [tilespmem:s29+$0x5299]  }
0x2ea: {  	v38 =	vmul.f32 $1.134373620e-02, v27;
	v6 =	vadd.f32 v63, v6;
	v58 =	vmul.f32 $8.381950860e-02, v41;
	v41 =	vld [tilespmem:s29+$0x52D9]  }
0x2eb: {  	v50 =	vmul.f32 $8.381950860e-02, v50;
	v16 =	vadd.f32 v39, v22;
	v39 =	vld [tilespmem:s29+$0x52C9];
	v5 =	vadd.f32 v61, v5  }
0x2ec: {  	v18 =	vmul.f32 $1.134373620e-02, v18;
	v15 =	vadd.f32 v38, v15;
	v10 =	vadd.f32 v44, v10;
	v38 =	vld [tilespmem:s29+$0x52B9]  }
0x2ed: {  	v42 =	vmul.f32 $8.381950860e-02, v30;
	v12 =	vadd.f32 v46, v12;
	v8 =	vadd.f32 v50, v8;
	v44 =	vld [tilespmem:s29+$0x52E9]  }
0x2ee: {  	v55 =	vmul.f32 $8.381950860e-02, v55;
	v22 =	vadd.f32 v52, v23;
	v9 =	vadd.f32 v53, v9;
	v46 =	vld [tilespmem:s29+$0x6280]  }
0x2ef: {  	v7 =	vadd.f32 v58, v7;
	v50 =	vld [tilespmem:s29+$0x6290];
	v60 =	vmul.f32 $8.381950860e-02, v36;
	v61 =	vmul.f32 $8.381950860e-02, v35  }
0x2f0: {  	v52 =	vld [tilespmem:s29+$0x62A0];
	v63 =	vmul.f32 $8.381950860e-02, v33;
	v3 =	vadd.f32 v18, v3;
	v14 =	vadd.f32 v42, v14  }
0x2f1: {  	v58 =	vld [tilespmem:s29+$0x62C0];
	v28 =	vmul.f32 $8.381950860e-02, v28;
	v13 =	vsub.f32 v15, v13;
	v11 =	vadd.f32 v55, v11  }
0x2f2: {  	v30 =	vld [tilespmem:$0x1FF00];
	v25 =	vmul.f32 $1.134373620e-02, v25;
	v42 =	vmul.f32 $1.134373620e-02, v45;
	v10 =	vadd.f32 v40, v10  }
0x2f3: {  	v36 =	vld [tilespmem:s29+$0x52A9];
	v45 =	vmul.f32 $1.134373620e-02, v51;
	v8 =	vadd.f32 v43, v8;
	v5 =	vadd.f32 v60, v5  }
0x2f4: {  	v35 =	vld [tilespmem:s29+$0x6310];
	v4 =	vadd.f32 v61, v4;
	v37 =	vmul.f32 $8.381950860e-02, v21;
	v19 =	vmul.f32 $8.381950860e-02, v19  }
0x2f5: {  	v55 =	vld [tilespmem:s29+$0x62B0];
	v17 =	vadd.f32 v63, v17;
	v49 =	vmul.f32 $1.134373620e-02, v54;
	v18 =	vmul.f32 $1.134373620e-02, v57  }
0x2f6: {  	v43 =	vld [tilespmem:s29+$0x6350];
	v6 =	vadd.f32 v28, v6;
	v51 =	vmul.f32 $1.134373620e-02, v59;
	v53 =	vmul.f32 $1.134373620e-02, v62  }
0x2f7: {  	v60 =	vld [tilespmem:s29+$0x62D0];
	v61 =	vmul.f32 $1.134373620e-02, v41;
	v14 =	vadd.f32 v25, v14;
	v12 =	vadd.f32 v42, v12  }
0x2f8: {  	v62 =	vld [tilespmem:$0x1FEF0];
	v13 =	vsel vm0, v13, v15;
	v15 =	vadd.f32 v45, v22;
	v3 =	vadd.f32 v37, v3  }
0x2f9: {  	v41 =	vld [tilespmem:s29+$0x6340];
	v59 =	vmul.f32 $1.134373620e-02, v39;
	v16 =	vadd.f32 v19, v16;
	v9 =	vadd.f32 v49, v9  }
0x2fa: {  	v39 =	vld [tilespmem:s29+$0x6330];
	v11 =	vadd.f32 v18, v11;
	v7 =	vadd.f32 v51, v7;
	v57 =	vmul.f32 $1.134373620e-02, v38  }
0x2fb: {  	v45 =	vld [tilespmem:s29+$0x6360];
	v5 =	vadd.f32 v53, v5;
	v28 =	vmul.f32 $1.134373620e-02, v44;
	v20 =	vmul.f32 v30, v50  }
0x2fc: {  	v18 =	vmul.f32 v32, v52;
	v38 =	vld [tilespmem:$0x1FF40];
	v6 =	vadd.f32 v59, v6;
	v17 =	vadd.f32 v57, v17  }
0x2fd: {  	v50 =	vld [tilespmem:$0x1FFA0];
	v54 =	vmul.f32 $1.134373620e-02, v36;
	v3 =	vadd.f32 v61, v3;
	v16 =	vadd.f32 v28, v16  }
0x2fe: {  	v36 =	vld [tilespmem:$0x1FF30];
	v14 =	vadd.f32 v20, v14;
	v19 =	vmul.f32 v34, v55;
	v10 =	vadd.f32 v18, v10  }
0x2ff: {  	v40 =	vld [tilespmem:$0x1FF50];
	v52 =	vmul.f32 v48, v43;
	v4 =	vadd.f32 v54, v4;
	v23 =	vmul.f32 v62, v46  }
0x300: {  	v42 =	vld [tilespmem:$0x1FF60];
	v51 =	vmul.f32 v56, v41;
	v14 =	vsub.f32 $0.0e+00, v14;
	v12 =	vadd.f32 v19, v12  }
0x301: {  	v63 =	vld [tilespmem:s29+$0x62E0];
	v10 =	vsub.f32 $0.0e+00, v10;
	v53 =	vmul.f32 v47, v45;
	v3 =	vadd.f32 v52, v3  }
0x302: {  	v46 =	vld [tilespmem:$0x1FF80];
	v13 =	vadd.f32 v23, v13;
	v19 =	vmul.f32 v38, v60;
	v20 =	vmul.f32 v50, v39  }
0x303: {  	v33 =	vld [tilespmem:s29+$0x6300];
	v6 =	vadd.f32 v51, v6;
	v18 =	vmul.f32 v36, v58;
	v12 =	vsub.f32 $0.0e+00, v12  }
0x304: {  	v44 =	vld [tilespmem:$0x1FF70];
	v14 =	vmul.f32 $1.442695020e+00, v14;
	v10 =	vmul.f32 $1.442695020e+00, v10;
	v13 =	vsub.f32 $0.0e+00, v13  }
0x305: {  	v37 =	vld [tilespmem:s29+$0x6320];
	v15 =	vadd.f32 v19, v15;
	v19 =	vmul.f32 v42, v31;
	v54 =	vadd.f32 v20, v17  }
0x306: {  	v49 =	vld [tilespmem:$0x1FF90];
	v8 =	vadd.f32 v18, v8;
	v18 =	vmul.f32 v40, v63;
	v12 =	vmul.f32 $1.442695020e+00, v12  }
0x307: {  	v15 =	vsub.f32 $0.0e+00, v15;
	v11 =	vadd.f32 v19, v11;
	v19 =	vmul.f32 v46, v35  }
0x308: {  	v13 =	vmul.f32 $1.442695020e+00, v13;
	v8 =	vsub.f32 $0.0e+00, v8;
	v9 =	vadd.f32 v18, v9  }
0x309: {  	v18 =	vmul.f32 v44, v33;
	v11 =	vsub.f32 $0.0e+00, v11;
	v5 =	vadd.f32 v19, v5  }
0x30a: {  	(erf) = vpow2.f32 v13;
	v55 =	vmul.f32 $1.442695020e+00, v15;
	v9 =	vsub.f32 $0.0e+00, v9  }
0x30b: {  	v7 =	vadd.f32 v18, v7;
	v18 =	vmul.f32 v49, v37;
	(erf) = vpow2.f32 v14  }
0x30c: {  	v8 =	vmul.f32 $1.442695020e+00, v8;
	v5 =	vsub.f32 $0.0e+00, v5;
	(erf) = vpow2.f32 v10  }
0x30d: {  	v11 =	vmul.f32 $1.442695020e+00, v11;
	v4 =	vadd.f32 v18, v4;
	(erf) = vpow2.f32 v12  }
0x30e: {  	v7 =	vsub.f32 $0.0e+00, v7;
	v9 =	vmul.f32 $1.442695020e+00, v9;
	(erf) = vpow2.f32 v8  }
0x30f: {  	v5 =	vmul.f32 $1.442695020e+00, v5;
	v4 =	vsub.f32 $0.0e+00, v4;
	(erf) = vpow2.f32 v55  }
0x310: {  	v56 =	vsub.f32 $0.0e+00, v54;
	v7 =	vmul.f32 $1.442695020e+00, v7;
	(erf) = vpow2.f32 v9  }
0x311: {  	v6 =	vsub.f32 $0.0e+00, v6;
	(erf) = vpow2.f32 v11;
	v4 =	vmul.f32 $1.442695020e+00, v4  }
0x312: {  	v57 =	vadd.f32 v53, v16;
	(erf) = vpow2.f32 v7;
	v7 =	vmul.f32 $1.442695020e+00, v56  }
0x313: {  	v3 =	vsub.f32 $0.0e+00, v3;
	v6 =	vmul.f32 $1.442695020e+00, v6;
	v58 =	vpop (erf);
	(erf) = vpow2.f32 v5  }
0x314: {  	v5 =	vsub.f32 $0.0e+00, v57;
	v59 =	vpop (erf);
	(erf) = vpow2.f32 v4  }
0x315: {  	v3 =	vmul.f32 $1.442695020e+00, v3;
	v4 =	vpop (erf);
	(erf) = vpow2.f32 v7  }
0x316: {  	v5 =	vmul.f32 $1.442695020e+00, v5;
	v7 =	vpop (erf);
	(erf) = vpow2.f32 v6  }
0x317: {  	v6 =	vpop (erf);
	(erf) = vpow2.f32 v3;
	v3 =	vadd.f32 $1.000000000e+00, v58  }
0x318: {  	v60 =	vpop (erf);
	(erf) = vpow2.f32 v5;
	v5 =	vadd.f32 $1.000000000e+00, v59  }
0x319: {  	v4 =	vadd.f32 $1.000000000e+00, v4  }
0x31a: {  	v7 =	vadd.f32 $1.000000000e+00, v7;
	v61 =	vpop (erf);
	(erf) = vrcp.f32 v3  }
0x31b: {  	v6 =	vadd.f32 $1.000000000e+00, v6;
	v3 =	vpop (erf);
	(erf) = vrcp.f32 v5  }
0x31c: {  	v5 =	vpop (erf);
	(erf) = vrcp.f32 v4  }
0x31d: {  	v8 =	vadd.f32 $1.000000000e+00, v60;
	v4 =	vpop (erf);
	(erf) = vrcp.f32 v7  }
0x31e: {  	v9 =	vadd.f32 $1.000000000e+00, v61;
	v3 =	vadd.f32 $1.000000000e+00, v3;
	v7 =	vpop (erf);
	(erf) = vrcp.f32 v6  }
0x31f: {  	v6 =	vpop (erf);
	(erf) = vrcp.f32 v8  }
0x320: {  	v5 =	vadd.f32 $1.000000000e+00, v5;
	v62 =	vpop (erf);
	(erf) = vrcp.f32 v9  }
0x321: {  	v4 =	vadd.f32 $1.000000000e+00, v4;
	v63 =	vpop (erf);
	(erf) = vrcp.f32 v3  }
0x322: {  	v7 =	vadd.f32 $1.000000000e+00, v7;
	v3 =	vpop (erf);
	(erf) = vrcp.f32 v5;
	v5 =	vadd.f32 $1.000000000e+00, v6  }
0x323: {  	v6 =	vpop (erf);
	(erf) = vrcp.f32 v4;
	v4 =	vadd.f32 $1.000000000e+00, v62  }
0x324: {  	[tilespmem:s29+$0x7A80] =	vst v6;
	v6 =	vpop (erf);
	(erf) = vrcp.f32 v7  }
0x325: {  	v3 =	vadd.f32 $1.000000000e+00, v3;
	v7 =	vadd.f32 $1.000000000e+00, v63;
	[tilespmem:s29+$0x7A90] =	vst v6;
	v6 =	vpop (erf);
	(erf) = vrcp.f32 v5  }
0x326: {  	[tilespmem:s29+$0x7AA0] =	vst v6;
	v5 =	vpop (erf);
	(erf) = vrcp.f32 v4  }
0x327: {  	[tilespmem:s29+$0x7AB0] =	vst v5;
	v4 =	vpop (erf);
	(erf) = vrcp.f32 v7  }
0x328: {  	[tilespmem:s29+$0x7AC0] =	vst v4;
	v4 =	vpop (erf);
	(erf) = vrcp.f32 v3  }
0x329: {  	[tilespmem:s29+$0x7AD0] =	vst v4;
	v3 =	vpop (erf)  }
0x32a: {  	[tilespmem:s29+$0x7AE0] =	vst v3;
	v3 =	vpop (erf)  }
0x32b: {  	[tilespmem:s29+$0x7AF0] =	vst v3;
	v3 =	vpop (erf)  }
0x32c: {  	[tilespmem:s29+$0x7B00] =	vst v3;
	v3 =	vpop (erf)  }
0x32d: {  	[tilespmem:s29+$0x7B10] =	vst v3;
	v3 =	vpop (erf)  }
0x32e: {  	[tilespmem:s29+$0x7B20] =	vst v3;
	v3 =	vpop (erf)  }
0x32f: {  	[tilespmem:s29+$0x7B30] =	vst v3;
	v3 =	vpop (erf)  }
0x330: {  	[tilespmem:s29+$0x7B40] =	vst v3;
	v3 =	vpop (erf)  }
0x331: {  	[tilespmem:s29+$0x7B50] =	vst v3;
	v3 =	vpop (erf)  }
0x332: {  	s0 =	simm.s32 $0x7A80;
	[tilespmem:s29+$0x7B60] =	vst v3  }
0x333: {  	[hbm4b:s14+s20] =	stream.strided.scatter [tilespmem:s0], [sflag:$0x1], $0x1000, s31, s20, $0x38;
	[tilespmem:$0x19F80] =	vst v63  }
0x334: {  	_ =	swait.ge [sflag:s19], $0x1000  }
0x335: {  	[sflag:s19] =	ssyncset.done $0x0  }
0x336: {  	[sflag:s19] =	ssyncadd.s32 $0xFFFFF000  }
0x337: {  	[bflag:$0x0] =	sbarrier.arrive $0xFFFF  }
0x338: {  	[tilespmem:s4], [sflag:$0x1] =	stream.strided.gather [hbm4b:s15+s20], $0x10000, s31, s20, $0x38;
	[tilespmem:$0x19F80] =	vst v63  }
0x339: {  	_ =	swait.ge [sflag:s19], $0x10000  }
0x33a: {  	[sflag:s19] =	ssyncset.done $0x0  }
0x33b: {  	s30 =	simm.s32 $0x0;
	s1 =	simm.s32 $0x18C80;
	[sflag:s19] =	ssyncadd.s32 $0xFFFF0000  }
0x33c: {  	[tilespmem:s1], [sflag:$0x1] =	stream.linear.gather [hbm4b:s16+s30], $0x200, $0x38;
	[tilespmem:$0x19F80] =	vst v63  }
0x33d: {  	_ =	swait.ge [sflag:s19], $0x200  }
0x33e: {  	[sflag:s19] =	ssyncset.done $0x0  }
0x33f: {  	s0 =	simm.s32 $0x0;
	[sflag:s19] =	ssyncadd.s32 $0xFFFFFE00  }
0x340: {  	v3 =	vld [tilespmem:s0+$0x18C80];
	_ =	sdelay $0x7  }
0x341: {  	s28 =	simm.s32 $0x80;
	s1 =	simm.s32 $0x10;
	v4 =	vld.idx.msk [tilespmem:v3+s4+$0x0], $0xffff  }
.LBB2_12:
0x342: {  	p3 =	sne.s32 s28, $0x7C0;
	v3 =	vld [tilespmem:s1+$0x18C80];
	_ =	sdelay $0x3  }
.Ltmp5:
0x343: {  	(pc) =	sbr.rel @p3 .LBB2_12-.Ltmp5, $2  }
0x344: {  	[tilespmem:s0+$0x18A80] =	vst v4;
	s0 =	smov.u32 s1;
	_ =	sdelay $0x2  }
0x345: {  	s1 =	sshra.s32 s28, $0x2;
	s28 =	sadd.s32 $0x40, s28;
	v4 =	vld.idx.msk [tilespmem:v3+s4+$0x0], $0xffff  }
0x346: {  	v3 =	vld [tilespmem:s1+$0x18C80];
	_ =	sdelay $0x6  }
0x347: {  	[tilespmem:s0+$0x18A80] =	vst v4  }
0x348: {  	v3 =	vld.idx.msk [tilespmem:v3+s4+$0x0], $0xffff;
	_ =	sdelay $0x2  }
0x349: {  	s26 =	sadd.s32 $0x1, s26  }
0x34a: {  	p3 =	sne.s32 s26, s18  }
.Ltmp6:
0x34b: {  	[tilespmem:s1+$0x18A80] =	vst v3;
	(pc) =	sbr.rel @p3 .LBB2_1-.Ltmp6, $4  }
0x34c: {  	[hbm4b:s17+s5] =	stream.linear.scatter [tilespmem:s2], [sflag:$0x1], $0x200, $0x38;
	[tilespmem:$0x19F80] =	vst v63  }
0x34d: {  	_ =	swait.ge [sflag:s19], $0x200  }
0x34e: {  	[sflag:s19] =	ssyncset.done $0x0  }
0x34f: {  	v3 =	vimm.f32 $0.0e+00;
	[sflag:s19] =	ssyncadd.s32 $0xFFFFFE00  }
0x350: {  	_ =	sfence.sel $0x180000  }
0x351: {  	[bflag:$0x0] =	sbarrier.arrive $0xFFFF  }
0x352: {  	_ =	strace $0x90000047  }
0x353: {  	s0 =	stileid.u32;
	[bflag:$0x2] =	sbarrier.arrive $0xFFFF  }
0x354: {  	p0 =	sne.s32 s0, $0x0;
	s0 =	rddreg [dreg:$0x6]  }
0x355: {  	s0 =	sadd.s32 @!p0 $0x100000, s0  }
0x356: {  	[sflag:s0] =	ssyncadd.tile.s32 @!p0 $0x1;
	_ =	shalt  }
.Lfunc_end2:
_tile_overlayer_lowered:
.L_overlay_start_2:
0x357: {  	(tag) =	ssettag $0x2  }
0x358: {  	s0 =	rddreg [dreg:$0x0];
	s2 =	stileid.u32  }
0x359: {  	s1 =	rddreg [dreg:$0x1];
	p0 =	sne.s32 s2, $0x0  }
0x35a: {  	s3 =	rddreg [dreg:$0x2];
	[bflag:$0x3] =	sbarrier.arrive $0xFFFF;
	s2 =	simm.s32 @!p0 $0x1C01  }
0x35b: {  	[timem:s3], [sflag:s2] =	dma.local @!p0 [hbm:s0], s1  }
0x35c: {  	s0 =	simm.s32 @!p0 $0x1  }
0x35d: {  	_ =	swait.ge @!p0 [sflag:s0], s1  }
0x35e: {  	s1 =	ssub.s32 @!p0 $0x0, s1;
	[sflag:s0] =	ssyncset.done @!p0 $0x0  }
0x35f: {  	[sflag:s0] =	ssyncadd.s32 @!p0 s1  }
0x360: {  	[bflag:$0x3] =	sbarrier.arrive $0xFFFF  }
0x361: {  	_ =	shalt  }

</sc_bundles>
